<compile_context>
chip_gen: v7x
topology: tpu7x:2x2x1
jax: 0.10.2.dev20260603
libtpu: 0.0.44.dev20260713+nightly
codegen_flags: <defaults>
</compile_context>

<pallas_src>
import functools

import jax
import jax.numpy as jnp
from jax import lax
from jax.experimental import pallas as pl
from jax.experimental.pallas import tpu as pltpu
from jax.experimental.pallas import tpu_sc as plsc


_INFO = plsc.get_sparse_core_info()
_NW = _INFO.num_cores * _INFO.num_subcores
_L = _INFO.num_lanes


@functools.partial(jax.jit, static_argnames=("batch", "hist", "dim"))
def _gather_rows(flat_idx, table16, batch, hist, dim):
    bw = batch // _NW
    mesh = plsc.VectorSubcoreMesh(core_axis_name="c", subcore_axis_name="s")

    @functools.partial(
        pl.kernel,
        mesh=mesh,
        out_type=jax.ShapeDtypeStruct((hist, dim, batch), jnp.float32),
        scratch_types=[
            pltpu.VMEM((hist, bw), jnp.int32),
            pltpu.VMEM((bw,), jnp.int32),
            pltpu.VMEM((bw,), jnp.int32),
            pltpu.VMEM((bw, 2 * _L), jnp.float32),
            pltpu.VMEM((bw, 2 * _L), jnp.float32),
            pltpu.VMEM((1, dim, bw + 9), jnp.float32),
            pltpu.VMEM((1, dim, bw + 9), jnp.float32),
            pltpu.SemaphoreType.DMA,
            pltpu.SemaphoreType.DMA,
            pltpu.SemaphoreType.DMA,
            pltpu.SemaphoreType.DMA,
            pltpu.SemaphoreType.DMA,
        ],
        compiler_params=pltpu.CompilerParams(
            use_tc_tiling_on_sc=False, needs_layout_passes=False
        ),
    )
    def k(idx_hbm, table_hbm, out_hbm, iv_all, ev0, ev1, rv0, rv1, tv0, tv1,
          sa, sg0, sg1, so0, so1):
        eidx_v = (ev0, ev1)
        rows_v = (rv0, rv1)
        stage_v = (tv0, tv1)
        sg = (sg0, sg1)
        so = (so0, so1)
        wid = lax.axis_index("s") * _INFO.num_cores + lax.axis_index("c")
        b0 = pl.multiple_of(wid * bw, 8)
        lanes = lax.iota(jnp.int32, _L)

        def expand(h, s):
            hv = lanes * 0 + h

            def body(j, carry):
                v = plsc.load_gather(iv_all, [hv, lanes + j * _L])
                eidx_v[s][pl.ds(pl.multiple_of(j * _L, 8), _L)] = v
                return carry

            lax.fori_loop(0, bw // _L, body, 0)

        def gat_start(s):
            return pltpu.async_copy(table_hbm.at[eidx_v[s]], rows_v[s], sg[s])

        zv = lanes * 0
        lanes16 = lanes + _L

        def transpose(s):
            def body(jb, carry):
                for jj in range(_L):
                    j = jb * _L + jj
                    jv = zv + j
                    row0 = plsc.load_gather(rows_v[s], [jv, lanes])
                    row1 = plsc.load_gather(rows_v[s], [jv, lanes16])
                    plsc.store_scatter(stage_v[s], [zv, lanes, jv], row0)
                    plsc.store_scatter(stage_v[s], [zv, lanes16, jv], row1)
                return carry

            lax.fori_loop(0, bw // _L, body, 0)

        def out_start(h, s):
            return pltpu.async_copy(
                stage_v[s].at[:, :, pl.ds(0, bw)],
                out_hbm.at[pl.ds(h, 1), :, pl.ds(b0, bw)],
                so[s],
            )

        def out_wait(h, s):
            pltpu.make_async_copy(
                stage_v[s].at[:, :, pl.ds(0, bw)],
                out_hbm.at[pl.ds(h, 1), :, pl.ds(b0, bw)],
                so[s],
            ).wait()

        def gat_wait(s):
            pltpu.make_async_copy(table_hbm.at[eidx_v[s]], rows_v[s], sg[s]).wait()

        pltpu.async_copy(
            idx_hbm.at[:, pl.ds(b0, bw)], iv_all, sa
        ).wait()

        expand(0, 0)
        gat_start(0)
        gat_wait(0)
        expand(1, 1)
        gat_start(1)
        transpose(0)
        out_start(0, 0)
        gat_wait(1)
        expand(2, 0)
        gat_start(0)
        transpose(1)
        out_start(1, 1)

        def steady(kk, carry):
            h = 2 * kk
            for q in (0, 1):
                hh = h + q
                s = q
                gat_wait(s)
                expand(hh + 1, s ^ 1)
                gat_start(s ^ 1)
                out_wait(hh - 2, s)
                transpose(s)
                out_start(hh, s)
            return carry

        lax.fori_loop(1, (hist - 2) // 2, steady, 0)
        s = 0
        gat_wait(s)
        expand(hist - 1, s ^ 1)
        gat_start(s ^ 1)
        out_wait(hist - 4, s)
        transpose(s)
        out_start(hist - 2, s)
        s = 1
        gat_wait(s)
        out_wait(hist - 3, s)
        transpose(s)
        out_start(hist - 1, s)
        out_wait(hist - 2, 0)
        out_wait(hist - 1, 1)

    return k(flat_idx, table16)


def kernel(indices, table):
    b, h = indices.shape
    v, d = table.shape
    idxt = jnp.transpose(indices).astype(jnp.int32)
    out = _gather_rows(idxt, table, b, h, d)
    return jnp.transpose(out, (2, 0, 1))

# --- scband reference (transcript-rebuilt; emitter-appended) ---
"""Pipeline reference for scband-cbow-52707838656807 (READ-ONLY COPY).

The authoritative reference and input builder live on the scoring server;
editing this copy changes nothing except your own understanding.
"""

import jax, jax.numpy as jnp
import numpy as np

VOCAB = 1000000
DIM = 32
BATCH = 16384
HIST = 50


def setup_inputs(seed: int = 0) -> dict:
    key = jax.random.key(seed)
    k_idx, k_tab = jax.random.split(key)
    indices = jax.random.randint(k_idx, (BATCH, HIST), 0, VOCAB, dtype=jnp.int64 if jax.config.jax_enable_x64 else jnp.int32)
    table = jax.random.normal(k_tab, (VOCAB, DIM), dtype=jnp.float32)
    return {"indices": indices, "table": table}


def reference(indices, table):
    # CBOW embedding lookup: gather rows of the embedding table.
    # torch.nn.Embedding(vocab_size, embedding_dim)(indices) -> [B, L, D]
    out = jnp.take(table, indices, axis=0)
    return out

if __name__ == "__main__":
    import jax
    _d = setup_inputs()
    print(jax.jit(kernel)(*tuple(_d.values())))

</pallas_src>

<mosaic_0001>
#map = affine_map<(d0, d1) -> (0, 0)>
#map1 = affine_map<(d0, d1) -> (0, 0, 0)>
module attributes {stable_mosaic.version = 14 : i64} {
  func.func @k(%arg0: i32, %arg1: i32, %arg2: memref<50x16384xi32, #tpu.memory_space<hbm>>, %arg3: memref<1000000x32xf32, #tpu.memory_space<hbm>>, %arg4: memref<50x32x16384xf32, #tpu.memory_space<hbm>>, %arg5: memref<50x512xi32, #tpu.memory_space<vmem>>, %arg6: memref<512xi32, #tpu.memory_space<vmem>>, %arg7: memref<512xi32, #tpu.memory_space<vmem>>, %arg8: memref<512x32xf32, #tpu.memory_space<vmem>>, %arg9: memref<512x32xf32, #tpu.memory_space<vmem>>, %arg10: memref<1x32x521xf32, #tpu.memory_space<vmem>>, %arg11: memref<1x32x521xf32, #tpu.memory_space<vmem>>, %arg12: memref<!tpu.dma_semaphore, #tpu.memory_space<semaphore_mem>>, %arg13: memref<!tpu.dma_semaphore, #tpu.memory_space<semaphore_mem>>, %arg14: memref<!tpu.dma_semaphore, #tpu.memory_space<semaphore_mem>>, %arg15: memref<!tpu.dma_semaphore, #tpu.memory_space<semaphore_mem>>, %arg16: memref<!tpu.dma_semaphore, #tpu.memory_space<semaphore_mem>>) attributes {dimension_semantics = [#tpu.dimension_semantics<core_parallel>, #tpu.dimension_semantics<subcore_parallel>], iteration_bounds = array<i64: 2, 16>, scalar_prefetch = 0 : i64, scratch_operands = 12 : i64, tpu.core_type = #tpu.core_type<sc_vector_subcore>, window_params = [{transform_indices = #map}, {transform_indices = #map}, {transform_indices = #map1}]} {
    %mul3A = arith.constant 2 : i32
    %mul3A_0 = arith.muli %arg1, %mul3A : i32
    %add3A = arith.addi %mul3A_0, %arg0 : i32
    %mul3A_1 = arith.constant 512 : i32
    %mul3A_2 = arith.muli %add3A, %mul3A_1 : i32
    %multiple_of3A = tpu.assume_multiple %mul3A_2, 8 : i32
    %iota3A = tpu.iota {dimensions = array<i32: 0>} : vector<16xi32>
    %mul3A_3 = arith.constant 0 : i32
    %mul3A_4 = vector.broadcast %mul3A_3 : i32 to vector<16xi32>
    %mul3A_5 = arith.muli %iota3A, %mul3A_4 : vector<16xi32>
    %add3A_6 = arith.constant 16 : i32
    %add3A_7 = vector.broadcast %add3A_6 : i32 to vector<16xi32>
    %add3A_8 = arith.addi %iota3A, %add3A_7 : vector<16xi32>
    %dma_start3A = arith.constant 0 : i32
    %dma_start3A_9 = tpu.memref_slice %arg2[%dma_start3A, %multiple_of3A] : memref<50x16384xi32, #tpu.memory_space<hbm>> -> memref<50x512xi32, #tpu.memory_space<hbm>>
    %dma_start3A_10 = arith.constant 0 : i32
    %dma_start3A_11 = tpu.memref_slice %arg2[%dma_start3A_10, %multiple_of3A] : memref<50x16384xi32, #tpu.memory_space<hbm>> -> memref<50x512xi32, #tpu.memory_space<hbm>>
    tpu.enqueue_dma source(%dma_start3A_11 : memref<50x512xi32, #tpu.memory_space<hbm>>) target(%arg5 : memref<50x512xi32, #tpu.memory_space<vmem>>) target_semaphore(%arg12 : memref<!tpu.dma_semaphore, #tpu.memory_space<semaphore_mem>>)
    %dma_wait3A = arith.constant 0 : i32
    %dma_wait3A_12 = tpu.memref_slice %arg2[%dma_wait3A, %multiple_of3A] : memref<50x16384xi32, #tpu.memory_space<hbm>> -> memref<50x512xi32, #tpu.memory_space<hbm>>
    %dma_wait3A_13 = arith.constant 0 : i32
    %dma_wait3A_14 = tpu.memref_slice %arg2[%dma_wait3A_13, %multiple_of3A] : memref<50x16384xi32, #tpu.memory_space<hbm>> -> memref<50x512xi32, #tpu.memory_space<hbm>>
    tpu.wait_dma2 semaphore(%arg12 : memref<!tpu.dma_semaphore, #tpu.memory_space<semaphore_mem>>) src(%dma_wait3A_14 : memref<50x512xi32, #tpu.memory_space<hbm>>) dst(%arg5 : memref<50x512xi32, #tpu.memory_space<vmem>>)
    %mul3A_15 = arith.constant 0 : i32
    %mul3A_16 = vector.broadcast %mul3A_15 : i32 to vector<16xi32>
    %mul3A_17 = arith.muli %iota3A, %mul3A_16 : vector<16xi32>
    %add3A_18 = arith.constant 0 : i32
    %add3A_19 = vector.broadcast %add3A_18 : i32 to vector<16xi32>
    %add3A_20 = arith.addi %mul3A_17, %add3A_19 : vector<16xi32>
    %scan3A = arith.constant 0 : i32
    %scan3A_21 = arith.constant 0 : i32
    %scan3A_22 = arith.constant 32 : i32
    %scan3A_23 = arith.addi %scan3A_21, %scan3A_22 : i32
    %scan3A_24 = arith.constant 1 : i32
    scf.for %scan3A_228 = %scan3A_21 to %scan3A_23 step %scan3A_24  : i32 {
      %mul3A_229 = arith.constant 16 : i32
      %mul3A_230 = arith.muli %scan3A_228, %mul3A_229 : i32
      %add3A_231 = vector.broadcast %mul3A_230 : i32 to vector<16xi32>
      %add3A_232 = arith.addi %iota3A, %add3A_231 : vector<16xi32>
      %gather3A = tpu.vector_load_idx %arg5[%add3A_20, %add3A_232] : memref<50x512xi32, #tpu.memory_space<vmem>>[vector<16xi32>, vector<16xi32>], vector<16xi32>,
      %mul3A_233 = arith.constant 16 : i32
      %mul3A_234 = arith.muli %scan3A_228, %mul3A_233 : i32
      %multiple_of3A_235 = tpu.assume_multiple %mul3A_234, 8 : i32
      %swap3A = arith.index_cast %multiple_of3A_235 : i32 to index
      %swap3A_236 = tpu.vector_load %arg6[%swap3A] {strides = array<i32>} : memref<512xi32, #tpu.memory_space<vmem>>, vector<16xi32>,
      tpu.vector_store %arg6[%swap3A], %gather3A {strides = array<i32>} : memref<512xi32, #tpu.memory_space<vmem>>, vector<16xi32>,
    }
    %scan3A_25 = arith.constant 32 : i32
    %dma_start3A_26 = arith.constant 0 : i32
    %dma_start3A_27 = arith.constant 0 : i32
    %dma_start3A_28 = tpu.memref_slice %arg3[%dma_start3A_26, %dma_start3A_27] : memref<1000000x32xf32, #tpu.memory_space<hbm>> -> memref<1000000x32xf32, #tpu.memory_space<hbm>>
    tpu.enqueue_indirect_dma source(%dma_start3A_28 : memref<1000000x32xf32, #tpu.memory_space<hbm>>) target(%arg8 : memref<512x32xf32, #tpu.memory_space<vmem>>) offsets(%arg6 : memref<512xi32, #tpu.memory_space<vmem>>) semaphore(%arg13 : memref<!tpu.dma_semaphore, #tpu.memory_space<semaphore_mem>>)
    %dma_wait3A_29 = arith.constant 0 : i32
    %dma_wait3A_30 = arith.constant 0 : i32
    %dma_wait3A_31 = tpu.memref_slice %arg3[%dma_wait3A_29, %dma_wait3A_30] : memref<1000000x32xf32, #tpu.memory_space<hbm>> -> memref<1000000x32xf32, #tpu.memory_space<hbm>>
    tpu.wait_indirect_dma semaphore(%arg13 : memref<!tpu.dma_semaphore, #tpu.memory_space<semaphore_mem>>) src(%dma_wait3A_31 : memref<1000000x32xf32, #tpu.memory_space<hbm>>) dst(%arg8 : memref<512x32xf32, #tpu.memory_space<vmem>>)
    %mul3A_32 = arith.constant 0 : i32
    %mul3A_33 = vector.broadcast %mul3A_32 : i32 to vector<16xi32>
    %mul3A_34 = arith.muli %iota3A, %mul3A_33 : vector<16xi32>
    %add3A_35 = arith.constant 1 : i32
    %add3A_36 = vector.broadcast %add3A_35 : i32 to vector<16xi32>
    %add3A_37 = arith.addi %mul3A_34, %add3A_36 : vector<16xi32>
    %scan3A_38 = arith.constant 0 : i32
    %scan3A_39 = arith.constant 0 : i32
    %scan3A_40 = arith.constant 32 : i32
    %scan3A_41 = arith.addi %scan3A_39, %scan3A_40 : i32
    %scan3A_42 = arith.constant 1 : i32
    scf.for %scan3A_228 = %scan3A_39 to %scan3A_41 step %scan3A_42  : i32 {
      %mul3A_229 = arith.constant 16 : i32
      %mul3A_230 = arith.muli %scan3A_228, %mul3A_229 : i32
      %add3A_231 = vector.broadcast %mul3A_230 : i32 to vector<16xi32>
      %add3A_232 = arith.addi %iota3A, %add3A_231 : vector<16xi32>
      %gather3A = tpu.vector_load_idx %arg5[%add3A_37, %add3A_232] : memref<50x512xi32, #tpu.memory_space<vmem>>[vector<16xi32>, vector<16xi32>], vector<16xi32>,
      %mul3A_233 = arith.constant 16 : i32
      %mul3A_234 = arith.muli %scan3A_228, %mul3A_233 : i32
      %multiple_of3A_235 = tpu.assume_multiple %mul3A_234, 8 : i32
      %swap3A = arith.index_cast %multiple_of3A_235 : i32 to index
      %swap3A_236 = tpu.vector_load %arg7[%swap3A] {strides = array<i32>} : memref<512xi32, #tpu.memory_space<vmem>>, vector<16xi32>,
      tpu.vector_store %arg7[%swap3A], %gather3A {strides = array<i32>} : memref<512xi32, #tpu.memory_space<vmem>>, vector<16xi32>,
    }
    %scan3A_43 = arith.constant 32 : i32
    %dma_start3A_44 = arith.constant 0 : i32
    %dma_start3A_45 = arith.constant 0 : i32
    %dma_start3A_46 = tpu.memref_slice %arg3[%dma_start3A_44, %dma_start3A_45] : memref<1000000x32xf32, #tpu.memory_space<hbm>> -> memref<1000000x32xf32, #tpu.memory_space<hbm>>
    tpu.enqueue_indirect_dma source(%dma_start3A_46 : memref<1000000x32xf32, #tpu.memory_space<hbm>>) target(%arg9 : memref<512x32xf32, #tpu.memory_space<vmem>>) offsets(%arg7 : memref<512xi32, #tpu.memory_space<vmem>>) semaphore(%arg14 : memref<!tpu.dma_semaphore, #tpu.memory_space<semaphore_mem>>)
    %scan3A_47 = arith.constant 0 : i32
    %scan3A_48 = arith.constant 0 : i32
    %scan3A_49 = arith.constant 32 : i32
    %scan3A_50 = arith.addi %scan3A_48, %scan3A_49 : i32
    %scan3A_51 = arith.constant 1 : i32
    scf.for %scan3A_228 = %scan3A_48 to %scan3A_50 step %scan3A_51  : i32 {
      %mul3A_229 = arith.constant 16 : i32
      %mul3A_230 = arith.muli %scan3A_228, %mul3A_229 : i32
      %add3A_231 = arith.constant 0 : i32
      %add3A_232 = arith.addi %mul3A_230, %add3A_231 : i32
      %add3A_233 = vector.broadcast %add3A_232 : i32 to vector<16xi32>
      %add3A_234 = arith.addi %mul3A_5, %add3A_233 : vector<16xi32>
      %gather3A = tpu.vector_load_idx %arg8[%add3A_234, %iota3A] : memref<512x32xf32, #tpu.memory_space<vmem>>[vector<16xi32>, vector<16xi32>], vector<16xf32>,
      %gather3A_235 = tpu.vector_load_idx %arg8[%add3A_234, %add3A_8] : memref<512x32xf32, #tpu.memory_space<vmem>>[vector<16xi32>, vector<16xi32>], vector<16xf32>,
      tpu.vector_store_idx %arg10[%mul3A_5, %iota3A, %add3A_234], %gather3A : memref<1x32x521xf32, #tpu.memory_space<vmem>>[vector<16xi32>, vector<16xi32>, vector<16xi32>], vector<16xf32>,
      tpu.vector_store_idx %arg10[%mul3A_5, %add3A_8, %add3A_234], %gather3A_235 : memref<1x32x521xf32, #tpu.memory_space<vmem>>[vector<16xi32>, vector<16xi32>, vector<16xi32>], vector<16xf32>,
      %mul3A_236 = arith.constant 16 : i32
      %mul3A_237 = arith.muli %scan3A_228, %mul3A_236 : i32
      %add3A_238 = arith.constant 1 : i32
      %add3A_239 = arith.addi %mul3A_237, %add3A_238 : i32
      %add3A_240 = vector.broadcast %add3A_239 : i32 to vector<16xi32>
      %add3A_241 = arith.addi %mul3A_5, %add3A_240 : vector<16xi32>
      %gather3A_242 = tpu.vector_load_idx %arg8[%add3A_241, %iota3A] : memref<512x32xf32, #tpu.memory_space<vmem>>[vector<16xi32>, vector<16xi32>], vector<16xf32>,
      %gather3A_243 = tpu.vector_load_idx %arg8[%add3A_241, %add3A_8] : memref<512x32xf32, #tpu.memory_space<vmem>>[vector<16xi32>, vector<16xi32>], vector<16xf32>,
      tpu.vector_store_idx %arg10[%mul3A_5, %iota3A, %add3A_241], %gather3A_242 : memref<1x32x521xf32, #tpu.memory_space<vmem>>[vector<16xi32>, vector<16xi32>, vector<16xi32>], vector<16xf32>,
      tpu.vector_store_idx %arg10[%mul3A_5, %add3A_8, %add3A_241], %gather3A_243 : memref<1x32x521xf32, #tpu.memory_space<vmem>>[vector<16xi32>, vector<16xi32>, vector<16xi32>], vector<16xf32>,
      %mul3A_244 = arith.constant 16 : i32
      %mul3A_245 = arith.muli %scan3A_228, %mul3A_244 : i32
      %add3A_246 = arith.constant 2 : i32
      %add3A_247 = arith.addi %mul3A_245, %add3A_246 : i32
      %add3A_248 = vector.broadcast %add3A_247 : i32 to vector<16xi32>
      %add3A_249 = arith.addi %mul3A_5, %add3A_248 : vector<16xi32>
      %gather3A_250 = tpu.vector_load_idx %arg8[%add3A_249, %iota3A] : memref<512x32xf32, #tpu.memory_space<vmem>>[vector<16xi32>, vector<16xi32>], vector<16xf32>,
      %gather3A_251 = tpu.vector_load_idx %arg8[%add3A_249, %add3A_8] : memref<512x32xf32, #tpu.memory_space<vmem>>[vector<16xi32>, vector<16xi32>], vector<16xf32>,
      tpu.vector_store_idx %arg10[%mul3A_5, %iota3A, %add3A_249], %gather3A_250 : memref<1x32x521xf32, #tpu.memory_space<vmem>>[vector<16xi32>, vector<16xi32>, vector<16xi32>], vector<16xf32>,
      tpu.vector_store_idx %arg10[%mul3A_5, %add3A_8, %add3A_249], %gather3A_251 : memref<1x32x521xf32, #tpu.memory_space<vmem>>[vector<16xi32>, vector<16xi32>, vector<16xi32>], vector<16xf32>,
      %mul3A_252 = arith.constant 16 : i32
      %mul3A_253 = arith.muli %scan3A_228, %mul3A_252 : i32
      %add3A_254 = arith.constant 3 : i32
      %add3A_255 = arith.addi %mul3A_253, %add3A_254 : i32
      %add3A_256 = vector.broadcast %add3A_255 : i32 to vector<16xi32>
      %add3A_257 = arith.addi %mul3A_5, %add3A_256 : vector<16xi32>
      %gather3A_258 = tpu.vector_load_idx %arg8[%add3A_257, %iota3A] : memref<512x32xf32, #tpu.memory_space<vmem>>[vector<16xi32>, vector<16xi32>], vector<16xf32>,
      %gather3A_259 = tpu.vector_load_idx %arg8[%add3A_257, %add3A_8] : memref<512x32xf32, #tpu.memory_space<vmem>>[vector<16xi32>, vector<16xi32>], vector<16xf32>,
      tpu.vector_store_idx %arg10[%mul3A_5, %iota3A, %add3A_257], %gather3A_258 : memref<1x32x521xf32, #tpu.memory_space<vmem>>[vector<16xi32>, vector<16xi32>, vector<16xi32>], vector<16xf32>,
      tpu.vector_store_idx %arg10[%mul3A_5, %add3A_8, %add3A_257], %gather3A_259 : memref<1x32x521xf32, #tpu.memory_space<vmem>>[vector<16xi32>, vector<16xi32>, vector<16xi32>], vector<16xf32>,
      %mul3A_260 = arith.constant 16 : i32
      %mul3A_261 = arith.muli %scan3A_228, %mul3A_260 : i32
      %add3A_262 = arith.constant 4 : i32
      %add3A_263 = arith.addi %mul3A_261, %add3A_262 : i32
      %add3A_264 = vector.broadcast %add3A_263 : i32 to vector<16xi32>
      %add3A_265 = arith.addi %mul3A_5, %add3A_264 : vector<16xi32>
      %gather3A_266 = tpu.vector_load_idx %arg8[%add3A_265, %iota3A] : memref<512x32xf32, #tpu.memory_space<vmem>>[vector<16xi32>, vector<16xi32>], vector<16xf32>,
      %gather3A_267 = tpu.vector_load_idx %arg8[%add3A_265, %add3A_8] : memref<512x32xf32, #tpu.memory_space<vmem>>[vector<16xi32>, vector<16xi32>], vector<16xf32>,
      tpu.vector_store_idx %arg10[%mul3A_5, %iota3A, %add3A_265], %gather3A_266 : memref<1x32x521xf32, #tpu.memory_space<vmem>>[vector<16xi32>, vector<16xi32>, vector<16xi32>], vector<16xf32>,
      tpu.vector_store_idx %arg10[%mul3A_5, %add3A_8, %add3A_265], %gather3A_267 : memref<1x32x521xf32, #tpu.memory_space<vmem>>[vector<16xi32>, vector<16xi32>, vector<16xi32>], vector<16xf32>,
      %mul3A_268 = arith.constant 16 : i32
      %mul3A_269 = arith.muli %scan3A_228, %mul3A_268 : i32
      %add3A_270 = arith.constant 5 : i32
      %add3A_271 = arith.addi %mul3A_269, %add3A_270 : i32
      %add3A_272 = vector.broadcast %add3A_271 : i32 to vector<16xi32>
      %add3A_273 = arith.addi %mul3A_5, %add3A_272 : vector<16xi32>
      %gather3A_274 = tpu.vector_load_idx %arg8[%add3A_273, %iota3A] : memref<512x32xf32, #tpu.memory_space<vmem>>[vector<16xi32>, vector<16xi32>], vector<16xf32>,
      %gather3A_275 = tpu.vector_load_idx %arg8[%add3A_273, %add3A_8] : memref<512x32xf32, #tpu.memory_space<vmem>>[vector<16xi32>, vector<16xi32>], vector<16xf32>,
      tpu.vector_store_idx %arg10[%mul3A_5, %iota3A, %add3A_273], %gather3A_274 : memref<1x32x521xf32, #tpu.memory_space<vmem>>[vector<16xi32>, vector<16xi32>, vector<16xi32>], vector<16xf32>,
      tpu.vector_store_idx %arg10[%mul3A_5, %add3A_8, %add3A_273], %gather3A_275 : memref<1x32x521xf32, #tpu.memory_space<vmem>>[vector<16xi32>, vector<16xi32>, vector<16xi32>], vector<16xf32>,
      %mul3A_276 = arith.constant 16 : i32
      %mul3A_277 = arith.muli %scan3A_228, %mul3A_276 : i32
      %add3A_278 = arith.constant 6 : i32
      %add3A_279 = arith.addi %mul3A_277, %add3A_278 : i32
      %add3A_280 = vector.broadcast %add3A_279 : i32 to vector<16xi32>
      %add3A_281 = arith.addi %mul3A_5, %add3A_280 : vector<16xi32>
      %gather3A_282 = tpu.vector_load_idx %arg8[%add3A_281, %iota3A] : memref<512x32xf32, #tpu.memory_space<vmem>>[vector<16xi32>, vector<16xi32>], vector<16xf32>,
      %gather3A_283 = tpu.vector_load_idx %arg8[%add3A_281, %add3A_8] : memref<512x32xf32, #tpu.memory_space<vmem>>[vector<16xi32>, vector<16xi32>], vector<16xf32>,
      tpu.vector_store_idx %arg10[%mul3A_5, %iota3A, %add3A_281], %gather3A_282 : memref<1x32x521xf32, #tpu.memory_space<vmem>>[vector<16xi32>, vector<16xi32>, vector<16xi32>], vector<16xf32>,
      tpu.vector_store_idx %arg10[%mul3A_5, %add3A_8, %add3A_281], %gather3A_283 : memref<1x32x521xf32, #tpu.memory_space<vmem>>[vector<16xi32>, vector<16xi32>, vector<16xi32>], vector<16xf32>,
      %mul3A_284 = arith.constant 16 : i32
      %mul3A_285 = arith.muli %scan3A_228, %mul3A_284 : i32
      %add3A_286 = arith.constant 7 : i32
      %add3A_287 = arith.addi %mul3A_285, %add3A_286 : i32
      %add3A_288 = vector.broadcast %add3A_287 : i32 to vector<16xi32>
      %add3A_289 = arith.addi %mul3A_5, %add3A_288 : vector<16xi32>
      %gather3A_290 = tpu.vector_load_idx %arg8[%add3A_289, %iota3A] : memref<512x32xf32, #tpu.memory_space<vmem>>[vector<16xi32>, vector<16xi32>], vector<16xf32>,
      %gather3A_291 = tpu.vector_load_idx %arg8[%add3A_289, %add3A_8] : memref<512x32xf32, #tpu.memory_space<vmem>>[vector<16xi32>, vector<16xi32>], vector<16xf32>,
      tpu.vector_store_idx %arg10[%mul3A_5, %iota3A, %add3A_289], %gather3A_290 : memref<1x32x521xf32, #tpu.memory_space<vmem>>[vector<16xi32>, vector<16xi32>, vector<16xi32>], vector<16xf32>,
      tpu.vector_store_idx %arg10[%mul3A_5, %add3A_8, %add3A_289], %gather3A_291 : memref<1x32x521xf32, #tpu.memory_space<vmem>>[vector<16xi32>, vector<16xi32>, vector<16xi32>], vector<16xf32>,
      %mul3A_292 = arith.constant 16 : i32
      %mul3A_293 = arith.muli %scan3A_228, %mul3A_292 : i32
      %add3A_294 = arith.constant 8 : i32
      %add3A_295 = arith.addi %mul3A_293, %add3A_294 : i32
      %add3A_296 = vector.broadcast %add3A_295 : i32 to vector<16xi32>
      %add3A_297 = arith.addi %mul3A_5, %add3A_296 : vector<16xi32>
      %gather3A_298 = tpu.vector_load_idx %arg8[%add3A_297, %iota3A] : memref<512x32xf32, #tpu.memory_space<vmem>>[vector<16xi32>, vector<16xi32>], vector<16xf32>,
      %gather3A_299 = tpu.vector_load_idx %arg8[%add3A_297, %add3A_8] : memref<512x32xf32, #tpu.memory_space<vmem>>[vector<16xi32>, vector<16xi32>], vector<16xf32>,
      tpu.vector_store_idx %arg10[%mul3A_5, %iota3A, %add3A_297], %gather3A_298 : memref<1x32x521xf32, #tpu.memory_space<vmem>>[vector<16xi32>, vector<16xi32>, vector<16xi32>], vector<16xf32>,
      tpu.vector_store_idx %arg10[%mul3A_5, %add3A_8, %add3A_297], %gather3A_299 : memref<1x32x521xf32, #tpu.memory_space<vmem>>[vector<16xi32>, vector<16xi32>, vector<16xi32>], vector<16xf32>,
      %mul3A_300 = arith.constant 16 : i32
      %mul3A_301 = arith.muli %scan3A_228, %mul3A_300 : i32
      %add3A_302 = arith.constant 9 : i32
      %add3A_303 = arith.addi %mul3A_301, %add3A_302 : i32
      %add3A_304 = vector.broadcast %add3A_303 : i32 to vector<16xi32>
      %add3A_305 = arith.addi %mul3A_5, %add3A_304 : vector<16xi32>
      %gather3A_306 = tpu.vector_load_idx %arg8[%add3A_305, %iota3A] : memref<512x32xf32, #tpu.memory_space<vmem>>[vector<16xi32>, vector<16xi32>], vector<16xf32>,
      %gather3A_307 = tpu.vector_load_idx %arg8[%add3A_305, %add3A_8] : memref<512x32xf32, #tpu.memory_space<vmem>>[vector<16xi32>, vector<16xi32>], vector<16xf32>,
      tpu.vector_store_idx %arg10[%mul3A_5, %iota3A, %add3A_305], %gather3A_306 : memref<1x32x521xf32, #tpu.memory_space<vmem>>[vector<16xi32>, vector<16xi32>, vector<16xi32>], vector<16xf32>,
      tpu.vector_store_idx %arg10[%mul3A_5, %add3A_8, %add3A_305], %gather3A_307 : memref<1x32x521xf32, #tpu.memory_space<vmem>>[vector<16xi32>, vector<16xi32>, vector<16xi32>], vector<16xf32>,
      %mul3A_308 = arith.constant 16 : i32
      %mul3A_309 = arith.muli %scan3A_228, %mul3A_308 : i32
      %add3A_310 = arith.constant 10 : i32
      %add3A_311 = arith.addi %mul3A_309, %add3A_310 : i32
      %add3A_312 = vector.broadcast %add3A_311 : i32 to vector<16xi32>
      %add3A_313 = arith.addi %mul3A_5, %add3A_312 : vector<16xi32>
      %gather3A_314 = tpu.vector_load_idx %arg8[%add3A_313, %iota3A] : memref<512x32xf32, #tpu.memory_space<vmem>>[vector<16xi32>, vector<16xi32>], vector<16xf32>,
      %gather3A_315 = tpu.vector_load_idx %arg8[%add3A_313, %add3A_8] : memref<512x32xf32, #tpu.memory_space<vmem>>[vector<16xi32>, vector<16xi32>], vector<16xf32>,
      tpu.vector_store_idx %arg10[%mul3A_5, %iota3A, %add3A_313], %gather3A_314 : memref<1x32x521xf32, #tpu.memory_space<vmem>>[vector<16xi32>, vector<16xi32>, vector<16xi32>], vector<16xf32>,
      tpu.vector_store_idx %arg10[%mul3A_5, %add3A_8, %add3A_313], %gather3A_315 : memref<1x32x521xf32, #tpu.memory_space<vmem>>[vector<16xi32>, vector<16xi32>, vector<16xi32>], vector<16xf32>,
      %mul3A_316 = arith.constant 16 : i32
      %mul3A_317 = arith.muli %scan3A_228, %mul3A_316 : i32
      %add3A_318 = arith.constant 11 : i32
      %add3A_319 = arith.addi %mul3A_317, %add3A_318 : i32
      %add3A_320 = vector.broadcast %add3A_319 : i32 to vector<16xi32>
      %add3A_321 = arith.addi %mul3A_5, %add3A_320 : vector<16xi32>
      %gather3A_322 = tpu.vector_load_idx %arg8[%add3A_321, %iota3A] : memref<512x32xf32, #tpu.memory_space<vmem>>[vector<16xi32>, vector<16xi32>], vector<16xf32>,
      %gather3A_323 = tpu.vector_load_idx %arg8[%add3A_321, %add3A_8] : memref<512x32xf32, #tpu.memory_space<vmem>>[vector<16xi32>, vector<16xi32>], vector<16xf32>,
      tpu.vector_store_idx %arg10[%mul3A_5, %iota3A, %add3A_321], %gather3A_322 : memref<1x32x521xf32, #tpu.memory_space<vmem>>[vector<16xi32>, vector<16xi32>, vector<16xi32>], vector<16xf32>,
      tpu.vector_store_idx %arg10[%mul3A_5, %add3A_8, %add3A_321], %gather3A_323 : memref<1x32x521xf32, #tpu.memory_space<vmem>>[vector<16xi32>, vector<16xi32>, vector<16xi32>], vector<16xf32>,
      %mul3A_324 = arith.constant 16 : i32
      %mul3A_325 = arith.muli %scan3A_228, %mul3A_324 : i32
      %add3A_326 = arith.constant 12 : i32
      %add3A_327 = arith.addi %mul3A_325, %add3A_326 : i32
      %add3A_328 = vector.broadcast %add3A_327 : i32 to vector<16xi32>
      %add3A_329 = arith.addi %mul3A_5, %add3A_328 : vector<16xi32>
      %gather3A_330 = tpu.vector_load_idx %arg8[%add3A_329, %iota3A] : memref<512x32xf32, #tpu.memory_space<vmem>>[vector<16xi32>, vector<16xi32>], vector<16xf32>,
      %gather3A_331 = tpu.vector_load_idx %arg8[%add3A_329, %add3A_8] : memref<512x32xf32, #tpu.memory_space<vmem>>[vector<16xi32>, vector<16xi32>], vector<16xf32>,
      tpu.vector_store_idx %arg10[%mul3A_5, %iota3A, %add3A_329], %gather3A_330 : memref<1x32x521xf32, #tpu.memory_space<vmem>>[vector<16xi32>, vector<16xi32>, vector<16xi32>], vector<16xf32>,
      tpu.vector_store_idx %arg10[%mul3A_5, %add3A_8, %add3A_329], %gather3A_331 : memref<1x32x521xf32, #tpu.memory_space<vmem>>[vector<16xi32>, vector<16xi32>, vector<16xi32>], vector<16xf32>,
      %mul3A_332 = arith.constant 16 : i32
      %mul3A_333 = arith.muli %scan3A_228, %mul3A_332 : i32
      %add3A_334 = arith.constant 13 : i32
      %add3A_335 = arith.addi %mul3A_333, %add3A_334 : i32
      %add3A_336 = vector.broadcast %add3A_335 : i32 to vector<16xi32>
      %add3A_337 = arith.addi %mul3A_5, %add3A_336 : vector<16xi32>
      %gather3A_338 = tpu.vector_load_idx %arg8[%add3A_337, %iota3A] : memref<512x32xf32, #tpu.memory_space<vmem>>[vector<16xi32>, vector<16xi32>], vector<16xf32>,
      %gather3A_339 = tpu.vector_load_idx %arg8[%add3A_337, %add3A_8] : memref<512x32xf32, #tpu.memory_space<vmem>>[vector<16xi32>, vector<16xi32>], vector<16xf32>,
      tpu.vector_store_idx %arg10[%mul3A_5, %iota3A, %add3A_337], %gather3A_338 : memref<1x32x521xf32, #tpu.memory_space<vmem>>[vector<16xi32>, vector<16xi32>, vector<16xi32>], vector<16xf32>,
      tpu.vector_store_idx %arg10[%mul3A_5, %add3A_8, %add3A_337], %gather3A_339 : memref<1x32x521xf32, #tpu.memory_space<vmem>>[vector<16xi32>, vector<16xi32>, vector<16xi32>], vector<16xf32>,
      %mul3A_340 = arith.constant 16 : i32
      %mul3A_341 = arith.muli %scan3A_228, %mul3A_340 : i32
      %add3A_342 = arith.constant 14 : i32
      %add3A_343 = arith.addi %mul3A_341, %add3A_342 : i32
      %add3A_344 = vector.broadcast %add3A_343 : i32 to vector<16xi32>
      %add3A_345 = arith.addi %mul3A_5, %add3A_344 : vector<16xi32>
      %gather3A_346 = tpu.vector_load_idx %arg8[%add3A_345, %iota3A] : memref<512x32xf32, #tpu.memory_space<vmem>>[vector<16xi32>, vector<16xi32>], vector<16xf32>,
      %gather3A_347 = tpu.vector_load_idx %arg8[%add3A_345, %add3A_8] : memref<512x32xf32, #tpu.memory_space<vmem>>[vector<16xi32>, vector<16xi32>], vector<16xf32>,
      tpu.vector_store_idx %arg10[%mul3A_5, %iota3A, %add3A_345], %gather3A_346 : memref<1x32x521xf32, #tpu.memory_space<vmem>>[vector<16xi32>, vector<16xi32>, vector<16xi32>], vector<16xf32>,
      tpu.vector_store_idx %arg10[%mul3A_5, %add3A_8, %add3A_345], %gather3A_347 : memref<1x32x521xf32, #tpu.memory_space<vmem>>[vector<16xi32>, vector<16xi32>, vector<16xi32>], vector<16xf32>,
      %mul3A_348 = arith.constant 16 : i32
      %mul3A_349 = arith.muli %scan3A_228, %mul3A_348 : i32
      %add3A_350 = arith.constant 15 : i32
      %add3A_351 = arith.addi %mul3A_349, %add3A_350 : i32
      %add3A_352 = vector.broadcast %add3A_351 : i32 to vector<16xi32>
      %add3A_353 = arith.addi %mul3A_5, %add3A_352 : vector<16xi32>
      %gather3A_354 = tpu.vector_load_idx %arg8[%add3A_353, %iota3A] : memref<512x32xf32, #tpu.memory_space<vmem>>[vector<16xi32>, vector<16xi32>], vector<16xf32>,
      %gather3A_355 = tpu.vector_load_idx %arg8[%add3A_353, %add3A_8] : memref<512x32xf32, #tpu.memory_space<vmem>>[vector<16xi32>, vector<16xi32>], vector<16xf32>,
      tpu.vector_store_idx %arg10[%mul3A_5, %iota3A, %add3A_353], %gather3A_354 : memref<1x32x521xf32, #tpu.memory_space<vmem>>[vector<16xi32>, vector<16xi32>, vector<16xi32>], vector<16xf32>,
      tpu.vector_store_idx %arg10[%mul3A_5, %add3A_8, %add3A_353], %gather3A_355 : memref<1x32x521xf32, #tpu.memory_space<vmem>>[vector<16xi32>, vector<16xi32>, vector<16xi32>], vector<16xf32>,
    }
    %scan3A_52 = arith.constant 32 : i32
    %dma_start3A_53 = arith.constant 0 : i32
    %dma_start3A_54 = arith.constant 0 : i32
    %dma_start3A_55 = arith.constant 0 : i32
    %dma_start3A_56 = tpu.memref_slice %arg10[%dma_start3A_53, %dma_start3A_54, %dma_start3A_55] : memref<1x32x521xf32, #tpu.memory_space<vmem>> -> memref<1x32x512xf32, #tpu.memory_space<vmem>>
    %dma_start3A_57 = arith.constant 0 : i32
    %dma_start3A_58 = arith.constant 0 : i32
    %dma_start3A_59 = tpu.memref_slice %arg4[%dma_start3A_57, %dma_start3A_58, %multiple_of3A] : memref<50x32x16384xf32, #tpu.memory_space<hbm>> -> memref<1x32x512xf32, #tpu.memory_space<hbm>>
    %dma_start3A_60 = arith.constant 0 : i32
    %dma_start3A_61 = arith.constant 0 : i32
    %dma_start3A_62 = tpu.memref_slice %arg4[%dma_start3A_60, %dma_start3A_61, %multiple_of3A] : memref<50x32x16384xf32, #tpu.memory_space<hbm>> -> memref<1x32x512xf32, #tpu.memory_space<hbm>>
    %dma_start3A_63 = arith.constant 0 : i32
    %dma_start3A_64 = arith.constant 0 : i32
    %dma_start3A_65 = arith.constant 0 : i32
    %dma_start3A_66 = tpu.memref_slice %arg10[%dma_start3A_63, %dma_start3A_64, %dma_start3A_65] : memref<1x32x521xf32, #tpu.memory_space<vmem>> -> memref<1x32x512xf32, #tpu.memory_space<vmem>>
    tpu.enqueue_dma source(%dma_start3A_66 : memref<1x32x512xf32, #tpu.memory_space<vmem>>) target(%dma_start3A_62 : memref<1x32x512xf32, #tpu.memory_space<hbm>>) target_semaphore(%arg15 : memref<!tpu.dma_semaphore, #tpu.memory_space<semaphore_mem>>)
    %dma_wait3A_67 = arith.constant 0 : i32
    %dma_wait3A_68 = arith.constant 0 : i32
    %dma_wait3A_69 = tpu.memref_slice %arg3[%dma_wait3A_67, %dma_wait3A_68] : memref<1000000x32xf32, #tpu.memory_space<hbm>> -> memref<1000000x32xf32, #tpu.memory_space<hbm>>
    tpu.wait_indirect_dma semaphore(%arg14 : memref<!tpu.dma_semaphore, #tpu.memory_space<semaphore_mem>>) src(%dma_wait3A_69 : memref<1000000x32xf32, #tpu.memory_space<hbm>>) dst(%arg9 : memref<512x32xf32, #tpu.memory_space<vmem>>)
    %mul3A_70 = arith.constant 0 : i32
    %mul3A_71 = vector.broadcast %mul3A_70 : i32 to vector<16xi32>
    %mul3A_72 = arith.muli %iota3A, %mul3A_71 : vector<16xi32>
    %add3A_73 = arith.constant 2 : i32
    %add3A_74 = vector.broadcast %add3A_73 : i32 to vector<16xi32>
    %add3A_75 = arith.addi %mul3A_72, %add3A_74 : vector<16xi32>
    %scan3A_76 = arith.constant 0 : i32
    %scan3A_77 = arith.constant 0 : i32
    %scan3A_78 = arith.constant 32 : i32
    %scan3A_79 = arith.addi %scan3A_77, %scan3A_78 : i32
    %scan3A_80 = arith.constant 1 : i32
    scf.for %scan3A_228 = %scan3A_77 to %scan3A_79 step %scan3A_80  : i32 {
      %mul3A_229 = arith.constant 16 : i32
      %mul3A_230 = arith.muli %scan3A_228, %mul3A_229 : i32
      %add3A_231 = vector.broadcast %mul3A_230 : i32 to vector<16xi32>
      %add3A_232 = arith.addi %iota3A, %add3A_231 : vector<16xi32>
      %gather3A = tpu.vector_load_idx %arg5[%add3A_75, %add3A_232] : memref<50x512xi32, #tpu.memory_space<vmem>>[vector<16xi32>, vector<16xi32>], vector<16xi32>,
      %mul3A_233 = arith.constant 16 : i32
      %mul3A_234 = arith.muli %scan3A_228, %mul3A_233 : i32
      %multiple_of3A_235 = tpu.assume_multiple %mul3A_234, 8 : i32
      %swap3A = arith.index_cast %multiple_of3A_235 : i32 to index
      %swap3A_236 = tpu.vector_load %arg6[%swap3A] {strides = array<i32>} : memref<512xi32, #tpu.memory_space<vmem>>, vector<16xi32>,
      tpu.vector_store %arg6[%swap3A], %gather3A {strides = array<i32>} : memref<512xi32, #tpu.memory_space<vmem>>, vector<16xi32>,
    }
    %scan3A_81 = arith.constant 32 : i32
    %dma_start3A_82 = arith.constant 0 : i32
    %dma_start3A_83 = arith.constant 0 : i32
    %dma_start3A_84 = tpu.memref_slice %arg3[%dma_start3A_82, %dma_start3A_83] : memref<1000000x32xf32, #tpu.memory_space<hbm>> -> memref<1000000x32xf32, #tpu.memory_space<hbm>>
    tpu.enqueue_indirect_dma source(%dma_start3A_84 : memref<1000000x32xf32, #tpu.memory_space<hbm>>) target(%arg8 : memref<512x32xf32, #tpu.memory_space<vmem>>) offsets(%arg6 : memref<512xi32, #tpu.memory_space<vmem>>) semaphore(%arg13 : memref<!tpu.dma_semaphore, #tpu.memory_space<semaphore_mem>>)
    %scan3A_85 = arith.constant 0 : i32
    %scan3A_86 = arith.constant 0 : i32
    %scan3A_87 = arith.constant 32 : i32
    %scan3A_88 = arith.addi %scan3A_86, %scan3A_87 : i32
    %scan3A_89 = arith.constant 1 : i32
    scf.for %scan3A_228 = %scan3A_86 to %scan3A_88 step %scan3A_89  : i32 {
      %mul3A_229 = arith.constant 16 : i32
      %mul3A_230 = arith.muli %scan3A_228, %mul3A_229 : i32
      %add3A_231 = arith.constant 0 : i32
      %add3A_232 = arith.addi %mul3A_230, %add3A_231 : i32
      %add3A_233 = vector.broadcast %add3A_232 : i32 to vector<16xi32>
      %add3A_234 = arith.addi %mul3A_5, %add3A_233 : vector<16xi32>
      %gather3A = tpu.vector_load_idx %arg9[%add3A_234, %iota3A] : memref<512x32xf32, #tpu.memory_space<vmem>>[vector<16xi32>, vector<16xi32>], vector<16xf32>,
      %gather3A_235 = tpu.vector_load_idx %arg9[%add3A_234, %add3A_8] : memref<512x32xf32, #tpu.memory_space<vmem>>[vector<16xi32>, vector<16xi32>], vector<16xf32>,
      tpu.vector_store_idx %arg11[%mul3A_5, %iota3A, %add3A_234], %gather3A : memref<1x32x521xf32, #tpu.memory_space<vmem>>[vector<16xi32>, vector<16xi32>, vector<16xi32>], vector<16xf32>,
      tpu.vector_store_idx %arg11[%mul3A_5, %add3A_8, %add3A_234], %gather3A_235 : memref<1x32x521xf32, #tpu.memory_space<vmem>>[vector<16xi32>, vector<16xi32>, vector<16xi32>], vector<16xf32>,
      %mul3A_236 = arith.constant 16 : i32
      %mul3A_237 = arith.muli %scan3A_228, %mul3A_236 : i32
      %add3A_238 = arith.constant 1 : i32
      %add3A_239 = arith.addi %mul3A_237, %add3A_238 : i32
      %add3A_240 = vector.broadcast %add3A_239 : i32 to vector<16xi32>
      %add3A_241 = arith.addi %mul3A_5, %add3A_240 : vector<16xi32>
      %gather3A_242 = tpu.vector_load_idx %arg9[%add3A_241, %iota3A] : memref<512x32xf32, #tpu.memory_space<vmem>>[vector<16xi32>, vector<16xi32>], vector<16xf32>,
      %gather3A_243 = tpu.vector_load_idx %arg9[%add3A_241, %add3A_8] : memref<512x32xf32, #tpu.memory_space<vmem>>[vector<16xi32>, vector<16xi32>], vector<16xf32>,
      tpu.vector_store_idx %arg11[%mul3A_5, %iota3A, %add3A_241], %gather3A_242 : memref<1x32x521xf32, #tpu.memory_space<vmem>>[vector<16xi32>, vector<16xi32>, vector<16xi32>], vector<16xf32>,
      tpu.vector_store_idx %arg11[%mul3A_5, %add3A_8, %add3A_241], %gather3A_243 : memref<1x32x521xf32, #tpu.memory_space<vmem>>[vector<16xi32>, vector<16xi32>, vector<16xi32>], vector<16xf32>,
      %mul3A_244 = arith.constant 16 : i32
      %mul3A_245 = arith.muli %scan3A_228, %mul3A_244 : i32
      %add3A_246 = arith.constant 2 : i32
      %add3A_247 = arith.addi %mul3A_245, %add3A_246 : i32
      %add3A_248 = vector.broadcast %add3A_247 : i32 to vector<16xi32>
      %add3A_249 = arith.addi %mul3A_5, %add3A_248 : vector<16xi32>
      %gather3A_250 = tpu.vector_load_idx %arg9[%add3A_249, %iota3A] : memref<512x32xf32, #tpu.memory_space<vmem>>[vector<16xi32>, vector<16xi32>], vector<16xf32>,
      %gather3A_251 = tpu.vector_load_idx %arg9[%add3A_249, %add3A_8] : memref<512x32xf32, #tpu.memory_space<vmem>>[vector<16xi32>, vector<16xi32>], vector<16xf32>,
      tpu.vector_store_idx %arg11[%mul3A_5, %iota3A, %add3A_249], %gather3A_250 : memref<1x32x521xf32, #tpu.memory_space<vmem>>[vector<16xi32>, vector<16xi32>, vector<16xi32>], vector<16xf32>,
      tpu.vector_store_idx %arg11[%mul3A_5, %add3A_8, %add3A_249], %gather3A_251 : memref<1x32x521xf32, #tpu.memory_space<vmem>>[vector<16xi32>, vector<16xi32>, vector<16xi32>], vector<16xf32>,
      %mul3A_252 = arith.constant 16 : i32
      %mul3A_253 = arith.muli %scan3A_228, %mul3A_252 : i32
      %add3A_254 = arith.constant 3 : i32
      %add3A_255 = arith.addi %mul3A_253, %add3A_254 : i32
      %add3A_256 = vector.broadcast %add3A_255 : i32 to vector<16xi32>
      %add3A_257 = arith.addi %mul3A_5, %add3A_256 : vector<16xi32>
      %gather3A_258 = tpu.vector_load_idx %arg9[%add3A_257, %iota3A] : memref<512x32xf32, #tpu.memory_space<vmem>>[vector<16xi32>, vector<16xi32>], vector<16xf32>,
      %gather3A_259 = tpu.vector_load_idx %arg9[%add3A_257, %add3A_8] : memref<512x32xf32, #tpu.memory_space<vmem>>[vector<16xi32>, vector<16xi32>], vector<16xf32>,
      tpu.vector_store_idx %arg11[%mul3A_5, %iota3A, %add3A_257], %gather3A_258 : memref<1x32x521xf32, #tpu.memory_space<vmem>>[vector<16xi32>, vector<16xi32>, vector<16xi32>], vector<16xf32>,
      tpu.vector_store_idx %arg11[%mul3A_5, %add3A_8, %add3A_257], %gather3A_259 : memref<1x32x521xf32, #tpu.memory_space<vmem>>[vector<16xi32>, vector<16xi32>, vector<16xi32>], vector<16xf32>,
      %mul3A_260 = arith.constant 16 : i32
      %mul3A_261 = arith.muli %scan3A_228, %mul3A_260 : i32
      %add3A_262 = arith.constant 4 : i32
      %add3A_263 = arith.addi %mul3A_261, %add3A_262 : i32
      %add3A_264 = vector.broadcast %add3A_263 : i32 to vector<16xi32>
      %add3A_265 = arith.addi %mul3A_5, %add3A_264 : vector<16xi32>
      %gather3A_266 = tpu.vector_load_idx %arg9[%add3A_265, %iota3A] : memref<512x32xf32, #tpu.memory_space<vmem>>[vector<16xi32>, vector<16xi32>], vector<16xf32>,
      %gather3A_267 = tpu.vector_load_idx %arg9[%add3A_265, %add3A_8] : memref<512x32xf32, #tpu.memory_space<vmem>>[vector<16xi32>, vector<16xi32>], vector<16xf32>,
      tpu.vector_store_idx %arg11[%mul3A_5, %iota3A, %add3A_265], %gather3A_266 : memref<1x32x521xf32, #tpu.memory_space<vmem>>[vector<16xi32>, vector<16xi32>, vector<16xi32>], vector<16xf32>,
      tpu.vector_store_idx %arg11[%mul3A_5, %add3A_8, %add3A_265], %gather3A_267 : memref<1x32x521xf32, #tpu.memory_space<vmem>>[vector<16xi32>, vector<16xi32>, vector<16xi32>], vector<16xf32>,
      %mul3A_268 = arith.constant 16 : i32
      %mul3A_269 = arith.muli %scan3A_228, %mul3A_268 : i32
      %add3A_270 = arith.constant 5 : i32
      %add3A_271 = arith.addi %mul3A_269, %add3A_270 : i32
      %add3A_272 = vector.broadcast %add3A_271 : i32 to vector<16xi32>
      %add3A_273 = arith.addi %mul3A_5, %add3A_272 : vector<16xi32>
      %gather3A_274 = tpu.vector_load_idx %arg9[%add3A_273, %iota3A] : memref<512x32xf32, #tpu.memory_space<vmem>>[vector<16xi32>, vector<16xi32>], vector<16xf32>,
      %gather3A_275 = tpu.vector_load_idx %arg9[%add3A_273, %add3A_8] : memref<512x32xf32, #tpu.memory_space<vmem>>[vector<16xi32>, vector<16xi32>], vector<16xf32>,
      tpu.vector_store_idx %arg11[%mul3A_5, %iota3A, %add3A_273], %gather3A_274 : memref<1x32x521xf32, #tpu.memory_space<vmem>>[vector<16xi32>, vector<16xi32>, vector<16xi32>], vector<16xf32>,
      tpu.vector_store_idx %arg11[%mul3A_5, %add3A_8, %add3A_273], %gather3A_275 : memref<1x32x521xf32, #tpu.memory_space<vmem>>[vector<16xi32>, vector<16xi32>, vector<16xi32>], vector<16xf32>,
      %mul3A_276 = arith.constant 16 : i32
      %mul3A_277 = arith.muli %scan3A_228, %mul3A_276 : i32
      %add3A_278 = arith.constant 6 : i32
      %add3A_279 = arith.addi %mul3A_277, %add3A_278 : i32
      %add3A_280 = vector.broadcast %add3A_279 : i32 to vector<16xi32>
      %add3A_281 = arith.addi %mul3A_5, %add3A_280 : vector<16xi32>
      %gather3A_282 = tpu.vector_load_idx %arg9[%add3A_281, %iota3A] : memref<512x32xf32, #tpu.memory_space<vmem>>[vector<16xi32>, vector<16xi32>], vector<16xf32>,
      %gather3A_283 = tpu.vector_load_idx %arg9[%add3A_281, %add3A_8] : memref<512x32xf32, #tpu.memory_space<vmem>>[vector<16xi32>, vector<16xi32>], vector<16xf32>,
      tpu.vector_store_idx %arg11[%mul3A_5, %iota3A, %add3A_281], %gather3A_282 : memref<1x32x521xf32, #tpu.memory_space<vmem>>[vector<16xi32>, vector<16xi32>, vector<16xi32>], vector<16xf32>,
      tpu.vector_store_idx %arg11[%mul3A_5, %add3A_8, %add3A_281], %gather3A_283 : memref<1x32x521xf32, #tpu.memory_space<vmem>>[vector<16xi32>, vector<16xi32>, vector<16xi32>], vector<16xf32>,
      %mul3A_284 = arith.constant 16 : i32
      %mul3A_285 = arith.muli %scan3A_228, %mul3A_284 : i32
      %add3A_286 = arith.constant 7 : i32
      %add3A_287 = arith.addi %mul3A_285, %add3A_286 : i32
      %add3A_288 = vector.broadcast %add3A_287 : i32 to vector<16xi32>
      %add3A_289 = arith.addi %mul3A_5, %add3A_288 : vector<16xi32>
      %gather3A_290 = tpu.vector_load_idx %arg9[%add3A_289, %iota3A] : memref<512x32xf32, #tpu.memory_space<vmem>>[vector<16xi32>, vector<16xi32>], vector<16xf32>,
      %gather3A_291 = tpu.vector_load_idx %arg9[%add3A_289, %add3A_8] : memref<512x32xf32, #tpu.memory_space<vmem>>[vector<16xi32>, vector<16xi32>], vector<16xf32>,
      tpu.vector_store_idx %arg11[%mul3A_5, %iota3A, %add3A_289], %gather3A_290 : memref<1x32x521xf32, #tpu.memory_space<vmem>>[vector<16xi32>, vector<16xi32>, vector<16xi32>], vector<16xf32>,
      tpu.vector_store_idx %arg11[%mul3A_5, %add3A_8, %add3A_289], %gather3A_291 : memref<1x32x521xf32, #tpu.memory_space<vmem>>[vector<16xi32>, vector<16xi32>, vector<16xi32>], vector<16xf32>,
      %mul3A_292 = arith.constant 16 : i32
      %mul3A_293 = arith.muli %scan3A_228, %mul3A_292 : i32
      %add3A_294 = arith.constant 8 : i32
      %add3A_295 = arith.addi %mul3A_293, %add3A_294 : i32
      %add3A_296 = vector.broadcast %add3A_295 : i32 to vector<16xi32>
      %add3A_297 = arith.addi %mul3A_5, %add3A_296 : vector<16xi32>
      %gather3A_298 = tpu.vector_load_idx %arg9[%add3A_297, %iota3A] : memref<512x32xf32, #tpu.memory_space<vmem>>[vector<16xi32>, vector<16xi32>], vector<16xf32>,
      %gather3A_299 = tpu.vector_load_idx %arg9[%add3A_297, %add3A_8] : memref<512x32xf32, #tpu.memory_space<vmem>>[vector<16xi32>, vector<16xi32>], vector<16xf32>,
      tpu.vector_store_idx %arg11[%mul3A_5, %iota3A, %add3A_297], %gather3A_298 : memref<1x32x521xf32, #tpu.memory_space<vmem>>[vector<16xi32>, vector<16xi32>, vector<16xi32>], vector<16xf32>,
      tpu.vector_store_idx %arg11[%mul3A_5, %add3A_8, %add3A_297], %gather3A_299 : memref<1x32x521xf32, #tpu.memory_space<vmem>>[vector<16xi32>, vector<16xi32>, vector<16xi32>], vector<16xf32>,
      %mul3A_300 = arith.constant 16 : i32
      %mul3A_301 = arith.muli %scan3A_228, %mul3A_300 : i32
      %add3A_302 = arith.constant 9 : i32
      %add3A_303 = arith.addi %mul3A_301, %add3A_302 : i32
      %add3A_304 = vector.broadcast %add3A_303 : i32 to vector<16xi32>
      %add3A_305 = arith.addi %mul3A_5, %add3A_304 : vector<16xi32>
      %gather3A_306 = tpu.vector_load_idx %arg9[%add3A_305, %iota3A] : memref<512x32xf32, #tpu.memory_space<vmem>>[vector<16xi32>, vector<16xi32>], vector<16xf32>,
      %gather3A_307 = tpu.vector_load_idx %arg9[%add3A_305, %add3A_8] : memref<512x32xf32, #tpu.memory_space<vmem>>[vector<16xi32>, vector<16xi32>], vector<16xf32>,
      tpu.vector_store_idx %arg11[%mul3A_5, %iota3A, %add3A_305], %gather3A_306 : memref<1x32x521xf32, #tpu.memory_space<vmem>>[vector<16xi32>, vector<16xi32>, vector<16xi32>], vector<16xf32>,
      tpu.vector_store_idx %arg11[%mul3A_5, %add3A_8, %add3A_305], %gather3A_307 : memref<1x32x521xf32, #tpu.memory_space<vmem>>[vector<16xi32>, vector<16xi32>, vector<16xi32>], vector<16xf32>,
      %mul3A_308 = arith.constant 16 : i32
      %mul3A_309 = arith.muli %scan3A_228, %mul3A_308 : i32
      %add3A_310 = arith.constant 10 : i32
      %add3A_311 = arith.addi %mul3A_309, %add3A_310 : i32
      %add3A_312 = vector.broadcast %add3A_311 : i32 to vector<16xi32>
      %add3A_313 = arith.addi %mul3A_5, %add3A_312 : vector<16xi32>
      %gather3A_314 = tpu.vector_load_idx %arg9[%add3A_313, %iota3A] : memref<512x32xf32, #tpu.memory_space<vmem>>[vector<16xi32>, vector<16xi32>], vector<16xf32>,
      %gather3A_315 = tpu.vector_load_idx %arg9[%add3A_313, %add3A_8] : memref<512x32xf32, #tpu.memory_space<vmem>>[vector<16xi32>, vector<16xi32>], vector<16xf32>,
      tpu.vector_store_idx %arg11[%mul3A_5, %iota3A, %add3A_313], %gather3A_314 : memref<1x32x521xf32, #tpu.memory_space<vmem>>[vector<16xi32>, vector<16xi32>, vector<16xi32>], vector<16xf32>,
      tpu.vector_store_idx %arg11[%mul3A_5, %add3A_8, %add3A_313], %gather3A_315 : memref<1x32x521xf32, #tpu.memory_space<vmem>>[vector<16xi32>, vector<16xi32>, vector<16xi32>], vector<16xf32>,
      %mul3A_316 = arith.constant 16 : i32
      %mul3A_317 = arith.muli %scan3A_228, %mul3A_316 : i32
      %add3A_318 = arith.constant 11 : i32
      %add3A_319 = arith.addi %mul3A_317, %add3A_318 : i32
      %add3A_320 = vector.broadcast %add3A_319 : i32 to vector<16xi32>
      %add3A_321 = arith.addi %mul3A_5, %add3A_320 : vector<16xi32>
      %gather3A_322 = tpu.vector_load_idx %arg9[%add3A_321, %iota3A] : memref<512x32xf32, #tpu.memory_space<vmem>>[vector<16xi32>, vector<16xi32>], vector<16xf32>,
      %gather3A_323 = tpu.vector_load_idx %arg9[%add3A_321, %add3A_8] : memref<512x32xf32, #tpu.memory_space<vmem>>[vector<16xi32>, vector<16xi32>], vector<16xf32>,
      tpu.vector_store_idx %arg11[%mul3A_5, %iota3A, %add3A_321], %gather3A_322 : memref<1x32x521xf32, #tpu.memory_space<vmem>>[vector<16xi32>, vector<16xi32>, vector<16xi32>], vector<16xf32>,
      tpu.vector_store_idx %arg11[%mul3A_5, %add3A_8, %add3A_321], %gather3A_323 : memref<1x32x521xf32, #tpu.memory_space<vmem>>[vector<16xi32>, vector<16xi32>, vector<16xi32>], vector<16xf32>,
      %mul3A_324 = arith.constant 16 : i32
      %mul3A_325 = arith.muli %scan3A_228, %mul3A_324 : i32
      %add3A_326 = arith.constant 12 : i32
      %add3A_327 = arith.addi %mul3A_325, %add3A_326 : i32
      %add3A_328 = vector.broadcast %add3A_327 : i32 to vector<16xi32>
      %add3A_329 = arith.addi %mul3A_5, %add3A_328 : vector<16xi32>
      %gather3A_330 = tpu.vector_load_idx %arg9[%add3A_329, %iota3A] : memref<512x32xf32, #tpu.memory_space<vmem>>[vector<16xi32>, vector<16xi32>], vector<16xf32>,
      %gather3A_331 = tpu.vector_load_idx %arg9[%add3A_329, %add3A_8] : memref<512x32xf32, #tpu.memory_space<vmem>>[vector<16xi32>, vector<16xi32>], vector<16xf32>,
      tpu.vector_store_idx %arg11[%mul3A_5, %iota3A, %add3A_329], %gather3A_330 : memref<1x32x521xf32, #tpu.memory_space<vmem>>[vector<16xi32>, vector<16xi32>, vector<16xi32>], vector<16xf32>,
      tpu.vector_store_idx %arg11[%mul3A_5, %add3A_8, %add3A_329], %gather3A_331 : memref<1x32x521xf32, #tpu.memory_space<vmem>>[vector<16xi32>, vector<16xi32>, vector<16xi32>], vector<16xf32>,
      %mul3A_332 = arith.constant 16 : i32
      %mul3A_333 = arith.muli %scan3A_228, %mul3A_332 : i32
      %add3A_334 = arith.constant 13 : i32
      %add3A_335 = arith.addi %mul3A_333, %add3A_334 : i32
      %add3A_336 = vector.broadcast %add3A_335 : i32 to vector<16xi32>
      %add3A_337 = arith.addi %mul3A_5, %add3A_336 : vector<16xi32>
      %gather3A_338 = tpu.vector_load_idx %arg9[%add3A_337, %iota3A] : memref<512x32xf32, #tpu.memory_space<vmem>>[vector<16xi32>, vector<16xi32>], vector<16xf32>,
      %gather3A_339 = tpu.vector_load_idx %arg9[%add3A_337, %add3A_8] : memref<512x32xf32, #tpu.memory_space<vmem>>[vector<16xi32>, vector<16xi32>], vector<16xf32>,
      tpu.vector_store_idx %arg11[%mul3A_5, %iota3A, %add3A_337], %gather3A_338 : memref<1x32x521xf32, #tpu.memory_space<vmem>>[vector<16xi32>, vector<16xi32>, vector<16xi32>], vector<16xf32>,
      tpu.vector_store_idx %arg11[%mul3A_5, %add3A_8, %add3A_337], %gather3A_339 : memref<1x32x521xf32, #tpu.memory_space<vmem>>[vector<16xi32>, vector<16xi32>, vector<16xi32>], vector<16xf32>,
      %mul3A_340 = arith.constant 16 : i32
      %mul3A_341 = arith.muli %scan3A_228, %mul3A_340 : i32
      %add3A_342 = arith.constant 14 : i32
      %add3A_343 = arith.addi %mul3A_341, %add3A_342 : i32
      %add3A_344 = vector.broadcast %add3A_343 : i32 to vector<16xi32>
      %add3A_345 = arith.addi %mul3A_5, %add3A_344 : vector<16xi32>
      %gather3A_346 = tpu.vector_load_idx %arg9[%add3A_345, %iota3A] : memref<512x32xf32, #tpu.memory_space<vmem>>[vector<16xi32>, vector<16xi32>], vector<16xf32>,
      %gather3A_347 = tpu.vector_load_idx %arg9[%add3A_345, %add3A_8] : memref<512x32xf32, #tpu.memory_space<vmem>>[vector<16xi32>, vector<16xi32>], vector<16xf32>,
      tpu.vector_store_idx %arg11[%mul3A_5, %iota3A, %add3A_345], %gather3A_346 : memref<1x32x521xf32, #tpu.memory_space<vmem>>[vector<16xi32>, vector<16xi32>, vector<16xi32>], vector<16xf32>,
      tpu.vector_store_idx %arg11[%mul3A_5, %add3A_8, %add3A_345], %gather3A_347 : memref<1x32x521xf32, #tpu.memory_space<vmem>>[vector<16xi32>, vector<16xi32>, vector<16xi32>], vector<16xf32>,
      %mul3A_348 = arith.constant 16 : i32
      %mul3A_349 = arith.muli %scan3A_228, %mul3A_348 : i32
      %add3A_350 = arith.constant 15 : i32
      %add3A_351 = arith.addi %mul3A_349, %add3A_350 : i32
      %add3A_352 = vector.broadcast %add3A_351 : i32 to vector<16xi32>
      %add3A_353 = arith.addi %mul3A_5, %add3A_352 : vector<16xi32>
      %gather3A_354 = tpu.vector_load_idx %arg9[%add3A_353, %iota3A] : memref<512x32xf32, #tpu.memory_space<vmem>>[vector<16xi32>, vector<16xi32>], vector<16xf32>,
      %gather3A_355 = tpu.vector_load_idx %arg9[%add3A_353, %add3A_8] : memref<512x32xf32, #tpu.memory_space<vmem>>[vector<16xi32>, vector<16xi32>], vector<16xf32>,
      tpu.vector_store_idx %arg11[%mul3A_5, %iota3A, %add3A_353], %gather3A_354 : memref<1x32x521xf32, #tpu.memory_space<vmem>>[vector<16xi32>, vector<16xi32>, vector<16xi32>], vector<16xf32>,
      tpu.vector_store_idx %arg11[%mul3A_5, %add3A_8, %add3A_353], %gather3A_355 : memref<1x32x521xf32, #tpu.memory_space<vmem>>[vector<16xi32>, vector<16xi32>, vector<16xi32>], vector<16xf32>,
    }
    %scan3A_90 = arith.constant 32 : i32
    %dma_start3A_91 = arith.constant 0 : i32
    %dma_start3A_92 = arith.constant 0 : i32
    %dma_start3A_93 = arith.constant 0 : i32
    %dma_start3A_94 = tpu.memref_slice %arg11[%dma_start3A_91, %dma_start3A_92, %dma_start3A_93] : memref<1x32x521xf32, #tpu.memory_space<vmem>> -> memref<1x32x512xf32, #tpu.memory_space<vmem>>
    %dma_start3A_95 = arith.constant 1 : i32
    %dma_start3A_96 = arith.constant 0 : i32
    %dma_start3A_97 = tpu.memref_slice %arg4[%dma_start3A_95, %dma_start3A_96, %multiple_of3A] : memref<50x32x16384xf32, #tpu.memory_space<hbm>> -> memref<1x32x512xf32, #tpu.memory_space<hbm>>
    %dma_start3A_98 = arith.constant 1 : i32
    %dma_start3A_99 = arith.constant 0 : i32
    %dma_start3A_100 = tpu.memref_slice %arg4[%dma_start3A_98, %dma_start3A_99, %multiple_of3A] : memref<50x32x16384xf32, #tpu.memory_space<hbm>> -> memref<1x32x512xf32, #tpu.memory_space<hbm>>
    %dma_start3A_101 = arith.constant 0 : i32
    %dma_start3A_102 = arith.constant 0 : i32
    %dma_start3A_103 = arith.constant 0 : i32
    %dma_start3A_104 = tpu.memref_slice %arg11[%dma_start3A_101, %dma_start3A_102, %dma_start3A_103] : memref<1x32x521xf32, #tpu.memory_space<vmem>> -> memref<1x32x512xf32, #tpu.memory_space<vmem>>
    tpu.enqueue_dma source(%dma_start3A_104 : memref<1x32x512xf32, #tpu.memory_space<vmem>>) target(%dma_start3A_100 : memref<1x32x512xf32, #tpu.memory_space<hbm>>) target_semaphore(%arg16 : memref<!tpu.dma_semaphore, #tpu.memory_space<semaphore_mem>>)
    %scan3A_105 = arith.constant 0 : i32
    %scan3A_106 = arith.constant 1 : i32
    %scan3A_107 = arith.constant 23 : i32
    %scan3A_108 = arith.addi %scan3A_106, %scan3A_107 : i32
    %scan3A_109 = arith.constant 1 : i32
    scf.for %scan3A_228 = %scan3A_106 to %scan3A_108 step %scan3A_109  : i32 {
      %mul3A_229 = arith.constant 2 : i32
      %mul3A_230 = arith.muli %mul3A_229, %scan3A_228 : i32
      %add3A_231 = arith.constant 0 : i32
      %add3A_232 = arith.addi %mul3A_230, %add3A_231 : i32
      %dma_wait3A_233 = arith.constant 0 : i32
      %dma_wait3A_234 = arith.constant 0 : i32
      %dma_wait3A_235 = tpu.memref_slice %arg3[%dma_wait3A_233, %dma_wait3A_234] : memref<1000000x32xf32, #tpu.memory_space<hbm>> -> memref<1000000x32xf32, #tpu.memory_space<hbm>>
      tpu.wait_indirect_dma semaphore(%arg13 : memref<!tpu.dma_semaphore, #tpu.memory_space<semaphore_mem>>) src(%dma_wait3A_235 : memref<1000000x32xf32, #tpu.memory_space<hbm>>) dst(%arg8 : memref<512x32xf32, #tpu.memory_space<vmem>>)
      %add3A_236 = arith.constant 1 : i32
      %add3A_237 = arith.addi %add3A_232, %add3A_236 : i32
      %mul3A_238 = arith.constant 0 : i32
      %mul3A_239 = vector.broadcast %mul3A_238 : i32 to vector<16xi32>
      %mul3A_240 = arith.muli %iota3A, %mul3A_239 : vector<16xi32>
      %add3A_241 = vector.broadcast %add3A_237 : i32 to vector<16xi32>
      %add3A_242 = arith.addi %mul3A_240, %add3A_241 : vector<16xi32>
      %scan3A_243 = arith.constant 0 : i32
      %scan3A_244 = arith.constant 0 : i32
      %scan3A_245 = arith.constant 32 : i32
      %scan3A_246 = arith.addi %scan3A_244, %scan3A_245 : i32
      %scan3A_247 = arith.constant 1 : i32
      scf.for %scan3A_336 = %scan3A_244 to %scan3A_246 step %scan3A_247  : i32 {
        %mul3A_337 = arith.constant 16 : i32
        %mul3A_338 = arith.muli %scan3A_336, %mul3A_337 : i32
        %add3A_339 = vector.broadcast %mul3A_338 : i32 to vector<16xi32>
        %add3A_340 = arith.addi %iota3A, %add3A_339 : vector<16xi32>
        %gather3A = tpu.vector_load_idx %arg5[%add3A_242, %add3A_340] : memref<50x512xi32, #tpu.memory_space<vmem>>[vector<16xi32>, vector<16xi32>], vector<16xi32>,
        %mul3A_341 = arith.constant 16 : i32
        %mul3A_342 = arith.muli %scan3A_336, %mul3A_341 : i32
        %multiple_of3A_343 = tpu.assume_multiple %mul3A_342, 8 : i32
        %swap3A = arith.index_cast %multiple_of3A_343 : i32 to index
        %swap3A_344 = tpu.vector_load %arg7[%swap3A] {strides = array<i32>} : memref<512xi32, #tpu.memory_space<vmem>>, vector<16xi32>,
        tpu.vector_store %arg7[%swap3A], %gather3A {strides = array<i32>} : memref<512xi32, #tpu.memory_space<vmem>>, vector<16xi32>,
      }
      %scan3A_248 = arith.constant 32 : i32
      %dma_start3A_249 = arith.constant 0 : i32
      %dma_start3A_250 = arith.constant 0 : i32
      %dma_start3A_251 = tpu.memref_slice %arg3[%dma_start3A_249, %dma_start3A_250] : memref<1000000x32xf32, #tpu.memory_space<hbm>> -> memref<1000000x32xf32, #tpu.memory_space<hbm>>
      tpu.enqueue_indirect_dma source(%dma_start3A_251 : memref<1000000x32xf32, #tpu.memory_space<hbm>>) target(%arg9 : memref<512x32xf32, #tpu.memory_space<vmem>>) offsets(%arg7 : memref<512xi32, #tpu.memory_space<vmem>>) semaphore(%arg14 : memref<!tpu.dma_semaphore, #tpu.memory_space<semaphore_mem>>)
      %sub3A = arith.constant 2 : i32
      %sub3A_252 = arith.subi %add3A_232, %sub3A : i32
      %dma_wait3A_253 = arith.constant 0 : i32
      %dma_wait3A_254 = arith.constant 0 : i32
      %dma_wait3A_255 = arith.constant 0 : i32
      %dma_wait3A_256 = tpu.memref_slice %arg10[%dma_wait3A_253, %dma_wait3A_254, %dma_wait3A_255] : memref<1x32x521xf32, #tpu.memory_space<vmem>> -> memref<1x32x512xf32, #tpu.memory_space<vmem>>
      %dma_wait3A_257 = arith.constant 0 : i32
      %dma_wait3A_258 = tpu.memref_slice %arg4[%sub3A_252, %dma_wait3A_257, %multiple_of3A] : memref<50x32x16384xf32, #tpu.memory_space<hbm>> -> memref<1x32x512xf32, #tpu.memory_space<hbm>>
      %dma_wait3A_259 = arith.constant 0 : i32
      %dma_wait3A_260 = tpu.memref_slice %arg4[%sub3A_252, %dma_wait3A_259, %multiple_of3A] : memref<50x32x16384xf32, #tpu.memory_space<hbm>> -> memref<1x32x512xf32, #tpu.memory_space<hbm>>
      %dma_wait3A_261 = arith.constant 0 : i32
      %dma_wait3A_262 = arith.constant 0 : i32
      %dma_wait3A_263 = arith.constant 0 : i32
      %dma_wait3A_264 = tpu.memref_slice %arg10[%dma_wait3A_261, %dma_wait3A_262, %dma_wait3A_263] : memref<1x32x521xf32, #tpu.memory_space<vmem>> -> memref<1x32x512xf32, #tpu.memory_space<vmem>>
      tpu.wait_dma2 semaphore(%arg15 : memref<!tpu.dma_semaphore, #tpu.memory_space<semaphore_mem>>) src(%dma_wait3A_264 : memref<1x32x512xf32, #tpu.memory_space<vmem>>) dst(%dma_wait3A_260 : memref<1x32x512xf32, #tpu.memory_space<hbm>>)
      %scan3A_265 = arith.constant 0 : i32
      %scan3A_266 = arith.constant 0 : i32
      %scan3A_267 = arith.constant 32 : i32
      %scan3A_268 = arith.addi %scan3A_266, %scan3A_267 : i32
      %scan3A_269 = arith.constant 1 : i32
      scf.for %scan3A_336 = %scan3A_266 to %scan3A_268 step %scan3A_269  : i32 {
        %mul3A_337 = arith.constant 16 : i32
        %mul3A_338 = arith.muli %scan3A_336, %mul3A_337 : i32
        %add3A_339 = arith.constant 0 : i32
        %add3A_340 = arith.addi %mul3A_338, %add3A_339 : i32
        %add3A_341 = vector.broadcast %add3A_340 : i32 to vector<16xi32>
        %add3A_342 = arith.addi %mul3A_5, %add3A_341 : vector<16xi32>
        %gather3A = tpu.vector_load_idx %arg8[%add3A_342, %iota3A] : memref<512x32xf32, #tpu.memory_space<vmem>>[vector<16xi32>, vector<16xi32>], vector<16xf32>,
        %gather3A_343 = tpu.vector_load_idx %arg8[%add3A_342, %add3A_8] : memref<512x32xf32, #tpu.memory_space<vmem>>[vector<16xi32>, vector<16xi32>], vector<16xf32>,
        tpu.vector_store_idx %arg10[%mul3A_5, %iota3A, %add3A_342], %gather3A : memref<1x32x521xf32, #tpu.memory_space<vmem>>[vector<16xi32>, vector<16xi32>, vector<16xi32>], vector<16xf32>,
        tpu.vector_store_idx %arg10[%mul3A_5, %add3A_8, %add3A_342], %gather3A_343 : memref<1x32x521xf32, #tpu.memory_space<vmem>>[vector<16xi32>, vector<16xi32>, vector<16xi32>], vector<16xf32>,
        %mul3A_344 = arith.constant 16 : i32
        %mul3A_345 = arith.muli %scan3A_336, %mul3A_344 : i32
        %add3A_346 = arith.constant 1 : i32
        %add3A_347 = arith.addi %mul3A_345, %add3A_346 : i32
        %add3A_348 = vector.broadcast %add3A_347 : i32 to vector<16xi32>
        %add3A_349 = arith.addi %mul3A_5, %add3A_348 : vector<16xi32>
        %gather3A_350 = tpu.vector_load_idx %arg8[%add3A_349, %iota3A] : memref<512x32xf32, #tpu.memory_space<vmem>>[vector<16xi32>, vector<16xi32>], vector<16xf32>,
        %gather3A_351 = tpu.vector_load_idx %arg8[%add3A_349, %add3A_8] : memref<512x32xf32, #tpu.memory_space<vmem>>[vector<16xi32>, vector<16xi32>], vector<16xf32>,
        tpu.vector_store_idx %arg10[%mul3A_5, %iota3A, %add3A_349], %gather3A_350 : memref<1x32x521xf32, #tpu.memory_space<vmem>>[vector<16xi32>, vector<16xi32>, vector<16xi32>], vector<16xf32>,
        tpu.vector_store_idx %arg10[%mul3A_5, %add3A_8, %add3A_349], %gather3A_351 : memref<1x32x521xf32, #tpu.memory_space<vmem>>[vector<16xi32>, vector<16xi32>, vector<16xi32>], vector<16xf32>,
        %mul3A_352 = arith.constant 16 : i32
        %mul3A_353 = arith.muli %scan3A_336, %mul3A_352 : i32
        %add3A_354 = arith.constant 2 : i32
        %add3A_355 = arith.addi %mul3A_353, %add3A_354 : i32
        %add3A_356 = vector.broadcast %add3A_355 : i32 to vector<16xi32>
        %add3A_357 = arith.addi %mul3A_5, %add3A_356 : vector<16xi32>
        %gather3A_358 = tpu.vector_load_idx %arg8[%add3A_357, %iota3A] : memref<512x32xf32, #tpu.memory_space<vmem>>[vector<16xi32>, vector<16xi32>], vector<16xf32>,
        %gather3A_359 = tpu.vector_load_idx %arg8[%add3A_357, %add3A_8] : memref<512x32xf32, #tpu.memory_space<vmem>>[vector<16xi32>, vector<16xi32>], vector<16xf32>,
        tpu.vector_store_idx %arg10[%mul3A_5, %iota3A, %add3A_357], %gather3A_358 : memref<1x32x521xf32, #tpu.memory_space<vmem>>[vector<16xi32>, vector<16xi32>, vector<16xi32>], vector<16xf32>,
        tpu.vector_store_idx %arg10[%mul3A_5, %add3A_8, %add3A_357], %gather3A_359 : memref<1x32x521xf32, #tpu.memory_space<vmem>>[vector<16xi32>, vector<16xi32>, vector<16xi32>], vector<16xf32>,
        %mul3A_360 = arith.constant 16 : i32
        %mul3A_361 = arith.muli %scan3A_336, %mul3A_360 : i32
        %add3A_362 = arith.constant 3 : i32
        %add3A_363 = arith.addi %mul3A_361, %add3A_362 : i32
        %add3A_364 = vector.broadcast %add3A_363 : i32 to vector<16xi32>
        %add3A_365 = arith.addi %mul3A_5, %add3A_364 : vector<16xi32>
        %gather3A_366 = tpu.vector_load_idx %arg8[%add3A_365, %iota3A] : memref<512x32xf32, #tpu.memory_space<vmem>>[vector<16xi32>, vector<16xi32>], vector<16xf32>,
        %gather3A_367 = tpu.vector_load_idx %arg8[%add3A_365, %add3A_8] : memref<512x32xf32, #tpu.memory_space<vmem>>[vector<16xi32>, vector<16xi32>], vector<16xf32>,
        tpu.vector_store_idx %arg10[%mul3A_5, %iota3A, %add3A_365], %gather3A_366 : memref<1x32x521xf32, #tpu.memory_space<vmem>>[vector<16xi32>, vector<16xi32>, vector<16xi32>], vector<16xf32>,
        tpu.vector_store_idx %arg10[%mul3A_5, %add3A_8, %add3A_365], %gather3A_367 : memref<1x32x521xf32, #tpu.memory_space<vmem>>[vector<16xi32>, vector<16xi32>, vector<16xi32>], vector<16xf32>,
        %mul3A_368 = arith.constant 16 : i32
        %mul3A_369 = arith.muli %scan3A_336, %mul3A_368 : i32
        %add3A_370 = arith.constant 4 : i32
        %add3A_371 = arith.addi %mul3A_369, %add3A_370 : i32
        %add3A_372 = vector.broadcast %add3A_371 : i32 to vector<16xi32>
        %add3A_373 = arith.addi %mul3A_5, %add3A_372 : vector<16xi32>
        %gather3A_374 = tpu.vector_load_idx %arg8[%add3A_373, %iota3A] : memref<512x32xf32, #tpu.memory_space<vmem>>[vector<16xi32>, vector<16xi32>], vector<16xf32>,
        %gather3A_375 = tpu.vector_load_idx %arg8[%add3A_373, %add3A_8] : memref<512x32xf32, #tpu.memory_space<vmem>>[vector<16xi32>, vector<16xi32>], vector<16xf32>,
        tpu.vector_store_idx %arg10[%mul3A_5, %iota3A, %add3A_373], %gather3A_374 : memref<1x32x521xf32, #tpu.memory_space<vmem>>[vector<16xi32>, vector<16xi32>, vector<16xi32>], vector<16xf32>,
        tpu.vector_store_idx %arg10[%mul3A_5, %add3A_8, %add3A_373], %gather3A_375 : memref<1x32x521xf32, #tpu.memory_space<vmem>>[vector<16xi32>, vector<16xi32>, vector<16xi32>], vector<16xf32>,
        %mul3A_376 = arith.constant 16 : i32
        %mul3A_377 = arith.muli %scan3A_336, %mul3A_376 : i32
        %add3A_378 = arith.constant 5 : i32
        %add3A_379 = arith.addi %mul3A_377, %add3A_378 : i32
        %add3A_380 = vector.broadcast %add3A_379 : i32 to vector<16xi32>
        %add3A_381 = arith.addi %mul3A_5, %add3A_380 : vector<16xi32>
        %gather3A_382 = tpu.vector_load_idx %arg8[%add3A_381, %iota3A] : memref<512x32xf32, #tpu.memory_space<vmem>>[vector<16xi32>, vector<16xi32>], vector<16xf32>,
        %gather3A_383 = tpu.vector_load_idx %arg8[%add3A_381, %add3A_8] : memref<512x32xf32, #tpu.memory_space<vmem>>[vector<16xi32>, vector<16xi32>], vector<16xf32>,
        tpu.vector_store_idx %arg10[%mul3A_5, %iota3A, %add3A_381], %gather3A_382 : memref<1x32x521xf32, #tpu.memory_space<vmem>>[vector<16xi32>, vector<16xi32>, vector<16xi32>], vector<16xf32>,
        tpu.vector_store_idx %arg10[%mul3A_5, %add3A_8, %add3A_381], %gather3A_383 : memref<1x32x521xf32, #tpu.memory_space<vmem>>[vector<16xi32>, vector<16xi32>, vector<16xi32>], vector<16xf32>,
        %mul3A_384 = arith.constant 16 : i32
        %mul3A_385 = arith.muli %scan3A_336, %mul3A_384 : i32
        %add3A_386 = arith.constant 6 : i32
        %add3A_387 = arith.addi %mul3A_385, %add3A_386 : i32
        %add3A_388 = vector.broadcast %add3A_387 : i32 to vector<16xi32>
        %add3A_389 = arith.addi %mul3A_5, %add3A_388 : vector<16xi32>
        %gather3A_390 = tpu.vector_load_idx %arg8[%add3A_389, %iota3A] : memref<512x32xf32, #tpu.memory_space<vmem>>[vector<16xi32>, vector<16xi32>], vector<16xf32>,
        %gather3A_391 = tpu.vector_load_idx %arg8[%add3A_389, %add3A_8] : memref<512x32xf32, #tpu.memory_space<vmem>>[vector<16xi32>, vector<16xi32>], vector<16xf32>,
        tpu.vector_store_idx %arg10[%mul3A_5, %iota3A, %add3A_389], %gather3A_390 : memref<1x32x521xf32, #tpu.memory_space<vmem>>[vector<16xi32>, vector<16xi32>, vector<16xi32>], vector<16xf32>,
        tpu.vector_store_idx %arg10[%mul3A_5, %add3A_8, %add3A_389], %gather3A_391 : memref<1x32x521xf32, #tpu.memory_space<vmem>>[vector<16xi32>, vector<16xi32>, vector<16xi32>], vector<16xf32>,
        %mul3A_392 = arith.constant 16 : i32
        %mul3A_393 = arith.muli %scan3A_336, %mul3A_392 : i32
        %add3A_394 = arith.constant 7 : i32
        %add3A_395 = arith.addi %mul3A_393, %add3A_394 : i32
        %add3A_396 = vector.broadcast %add3A_395 : i32 to vector<16xi32>
        %add3A_397 = arith.addi %mul3A_5, %add3A_396 : vector<16xi32>
        %gather3A_398 = tpu.vector_load_idx %arg8[%add3A_397, %iota3A] : memref<512x32xf32, #tpu.memory_space<vmem>>[vector<16xi32>, vector<16xi32>], vector<16xf32>,
        %gather3A_399 = tpu.vector_load_idx %arg8[%add3A_397, %add3A_8] : memref<512x32xf32, #tpu.memory_space<vmem>>[vector<16xi32>, vector<16xi32>], vector<16xf32>,
        tpu.vector_store_idx %arg10[%mul3A_5, %iota3A, %add3A_397], %gather3A_398 : memref<1x32x521xf32, #tpu.memory_space<vmem>>[vector<16xi32>, vector<16xi32>, vector<16xi32>], vector<16xf32>,
        tpu.vector_store_idx %arg10[%mul3A_5, %add3A_8, %add3A_397], %gather3A_399 : memref<1x32x521xf32, #tpu.memory_space<vmem>>[vector<16xi32>, vector<16xi32>, vector<16xi32>], vector<16xf32>,
        %mul3A_400 = arith.constant 16 : i32
        %mul3A_401 = arith.muli %scan3A_336, %mul3A_400 : i32
        %add3A_402 = arith.constant 8 : i32
        %add3A_403 = arith.addi %mul3A_401, %add3A_402 : i32
        %add3A_404 = vector.broadcast %add3A_403 : i32 to vector<16xi32>
        %add3A_405 = arith.addi %mul3A_5, %add3A_404 : vector<16xi32>
        %gather3A_406 = tpu.vector_load_idx %arg8[%add3A_405, %iota3A] : memref<512x32xf32, #tpu.memory_space<vmem>>[vector<16xi32>, vector<16xi32>], vector<16xf32>,
        %gather3A_407 = tpu.vector_load_idx %arg8[%add3A_405, %add3A_8] : memref<512x32xf32, #tpu.memory_space<vmem>>[vector<16xi32>, vector<16xi32>], vector<16xf32>,
        tpu.vector_store_idx %arg10[%mul3A_5, %iota3A, %add3A_405], %gather3A_406 : memref<1x32x521xf32, #tpu.memory_space<vmem>>[vector<16xi32>, vector<16xi32>, vector<16xi32>], vector<16xf32>,
        tpu.vector_store_idx %arg10[%mul3A_5, %add3A_8, %add3A_405], %gather3A_407 : memref<1x32x521xf32, #tpu.memory_space<vmem>>[vector<16xi32>, vector<16xi32>, vector<16xi32>], vector<16xf32>,
        %mul3A_408 = arith.constant 16 : i32
        %mul3A_409 = arith.muli %scan3A_336, %mul3A_408 : i32
        %add3A_410 = arith.constant 9 : i32
        %add3A_411 = arith.addi %mul3A_409, %add3A_410 : i32
        %add3A_412 = vector.broadcast %add3A_411 : i32 to vector<16xi32>
        %add3A_413 = arith.addi %mul3A_5, %add3A_412 : vector<16xi32>
        %gather3A_414 = tpu.vector_load_idx %arg8[%add3A_413, %iota3A] : memref<512x32xf32, #tpu.memory_space<vmem>>[vector<16xi32>, vector<16xi32>], vector<16xf32>,
        %gather3A_415 = tpu.vector_load_idx %arg8[%add3A_413, %add3A_8] : memref<512x32xf32, #tpu.memory_space<vmem>>[vector<16xi32>, vector<16xi32>], vector<16xf32>,
        tpu.vector_store_idx %arg10[%mul3A_5, %iota3A, %add3A_413], %gather3A_414 : memref<1x32x521xf32, #tpu.memory_space<vmem>>[vector<16xi32>, vector<16xi32>, vector<16xi32>], vector<16xf32>,
        tpu.vector_store_idx %arg10[%mul3A_5, %add3A_8, %add3A_413], %gather3A_415 : memref<1x32x521xf32, #tpu.memory_space<vmem>>[vector<16xi32>, vector<16xi32>, vector<16xi32>], vector<16xf32>,
        %mul3A_416 = arith.constant 16 : i32
        %mul3A_417 = arith.muli %scan3A_336, %mul3A_416 : i32
        %add3A_418 = arith.constant 10 : i32
        %add3A_419 = arith.addi %mul3A_417, %add3A_418 : i32
        %add3A_420 = vector.broadcast %add3A_419 : i32 to vector<16xi32>
        %add3A_421 = arith.addi %mul3A_5, %add3A_420 : vector<16xi32>
        %gather3A_422 = tpu.vector_load_idx %arg8[%add3A_421, %iota3A] : memref<512x32xf32, #tpu.memory_space<vmem>>[vector<16xi32>, vector<16xi32>], vector<16xf32>,
        %gather3A_423 = tpu.vector_load_idx %arg8[%add3A_421, %add3A_8] : memref<512x32xf32, #tpu.memory_space<vmem>>[vector<16xi32>, vector<16xi32>], vector<16xf32>,
        tpu.vector_store_idx %arg10[%mul3A_5, %iota3A, %add3A_421], %gather3A_422 : memref<1x32x521xf32, #tpu.memory_space<vmem>>[vector<16xi32>, vector<16xi32>, vector<16xi32>], vector<16xf32>,
        tpu.vector_store_idx %arg10[%mul3A_5, %add3A_8, %add3A_421], %gather3A_423 : memref<1x32x521xf32, #tpu.memory_space<vmem>>[vector<16xi32>, vector<16xi32>, vector<16xi32>], vector<16xf32>,
        %mul3A_424 = arith.constant 16 : i32
        %mul3A_425 = arith.muli %scan3A_336, %mul3A_424 : i32
        %add3A_426 = arith.constant 11 : i32
        %add3A_427 = arith.addi %mul3A_425, %add3A_426 : i32
        %add3A_428 = vector.broadcast %add3A_427 : i32 to vector<16xi32>
        %add3A_429 = arith.addi %mul3A_5, %add3A_428 : vector<16xi32>
        %gather3A_430 = tpu.vector_load_idx %arg8[%add3A_429, %iota3A] : memref<512x32xf32, #tpu.memory_space<vmem>>[vector<16xi32>, vector<16xi32>], vector<16xf32>,
        %gather3A_431 = tpu.vector_load_idx %arg8[%add3A_429, %add3A_8] : memref<512x32xf32, #tpu.memory_space<vmem>>[vector<16xi32>, vector<16xi32>], vector<16xf32>,
        tpu.vector_store_idx %arg10[%mul3A_5, %iota3A, %add3A_429], %gather3A_430 : memref<1x32x521xf32, #tpu.memory_space<vmem>>[vector<16xi32>, vector<16xi32>, vector<16xi32>], vector<16xf32>,
        tpu.vector_store_idx %arg10[%mul3A_5, %add3A_8, %add3A_429], %gather3A_431 : memref<1x32x521xf32, #tpu.memory_space<vmem>>[vector<16xi32>, vector<16xi32>, vector<16xi32>], vector<16xf32>,
        %mul3A_432 = arith.constant 16 : i32
        %mul3A_433 = arith.muli %scan3A_336, %mul3A_432 : i32
        %add3A_434 = arith.constant 12 : i32
        %add3A_435 = arith.addi %mul3A_433, %add3A_434 : i32
        %add3A_436 = vector.broadcast %add3A_435 : i32 to vector<16xi32>
        %add3A_437 = arith.addi %mul3A_5, %add3A_436 : vector<16xi32>
        %gather3A_438 = tpu.vector_load_idx %arg8[%add3A_437, %iota3A] : memref<512x32xf32, #tpu.memory_space<vmem>>[vector<16xi32>, vector<16xi32>], vector<16xf32>,
        %gather3A_439 = tpu.vector_load_idx %arg8[%add3A_437, %add3A_8] : memref<512x32xf32, #tpu.memory_space<vmem>>[vector<16xi32>, vector<16xi32>], vector<16xf32>,
        tpu.vector_store_idx %arg10[%mul3A_5, %iota3A, %add3A_437], %gather3A_438 : memref<1x32x521xf32, #tpu.memory_space<vmem>>[vector<16xi32>, vector<16xi32>, vector<16xi32>], vector<16xf32>,
        tpu.vector_store_idx %arg10[%mul3A_5, %add3A_8, %add3A_437], %gather3A_439 : memref<1x32x521xf32, #tpu.memory_space<vmem>>[vector<16xi32>, vector<16xi32>, vector<16xi32>], vector<16xf32>,
        %mul3A_440 = arith.constant 16 : i32
        %mul3A_441 = arith.muli %scan3A_336, %mul3A_440 : i32
        %add3A_442 = arith.constant 13 : i32
        %add3A_443 = arith.addi %mul3A_441, %add3A_442 : i32
        %add3A_444 = vector.broadcast %add3A_443 : i32 to vector<16xi32>
        %add3A_445 = arith.addi %mul3A_5, %add3A_444 : vector<16xi32>
        %gather3A_446 = tpu.vector_load_idx %arg8[%add3A_445, %iota3A] : memref<512x32xf32, #tpu.memory_space<vmem>>[vector<16xi32>, vector<16xi32>], vector<16xf32>,
        %gather3A_447 = tpu.vector_load_idx %arg8[%add3A_445, %add3A_8] : memref<512x32xf32, #tpu.memory_space<vmem>>[vector<16xi32>, vector<16xi32>], vector<16xf32>,
        tpu.vector_store_idx %arg10[%mul3A_5, %iota3A, %add3A_445], %gather3A_446 : memref<1x32x521xf32, #tpu.memory_space<vmem>>[vector<16xi32>, vector<16xi32>, vector<16xi32>], vector<16xf32>,
        tpu.vector_store_idx %arg10[%mul3A_5, %add3A_8, %add3A_445], %gather3A_447 : memref<1x32x521xf32, #tpu.memory_space<vmem>>[vector<16xi32>, vector<16xi32>, vector<16xi32>], vector<16xf32>,
        %mul3A_448 = arith.constant 16 : i32
        %mul3A_449 = arith.muli %scan3A_336, %mul3A_448 : i32
        %add3A_450 = arith.constant 14 : i32
        %add3A_451 = arith.addi %mul3A_449, %add3A_450 : i32
        %add3A_452 = vector.broadcast %add3A_451 : i32 to vector<16xi32>
        %add3A_453 = arith.addi %mul3A_5, %add3A_452 : vector<16xi32>
        %gather3A_454 = tpu.vector_load_idx %arg8[%add3A_453, %iota3A] : memref<512x32xf32, #tpu.memory_space<vmem>>[vector<16xi32>, vector<16xi32>], vector<16xf32>,
        %gather3A_455 = tpu.vector_load_idx %arg8[%add3A_453, %add3A_8] : memref<512x32xf32, #tpu.memory_space<vmem>>[vector<16xi32>, vector<16xi32>], vector<16xf32>,
        tpu.vector_store_idx %arg10[%mul3A_5, %iota3A, %add3A_453], %gather3A_454 : memref<1x32x521xf32, #tpu.memory_space<vmem>>[vector<16xi32>, vector<16xi32>, vector<16xi32>], vector<16xf32>,
        tpu.vector_store_idx %arg10[%mul3A_5, %add3A_8, %add3A_453], %gather3A_455 : memref<1x32x521xf32, #tpu.memory_space<vmem>>[vector<16xi32>, vector<16xi32>, vector<16xi32>], vector<16xf32>,
        %mul3A_456 = arith.constant 16 : i32
        %mul3A_457 = arith.muli %scan3A_336, %mul3A_456 : i32
        %add3A_458 = arith.constant 15 : i32
        %add3A_459 = arith.addi %mul3A_457, %add3A_458 : i32
        %add3A_460 = vector.broadcast %add3A_459 : i32 to vector<16xi32>
        %add3A_461 = arith.addi %mul3A_5, %add3A_460 : vector<16xi32>
        %gather3A_462 = tpu.vector_load_idx %arg8[%add3A_461, %iota3A] : memref<512x32xf32, #tpu.memory_space<vmem>>[vector<16xi32>, vector<16xi32>], vector<16xf32>,
        %gather3A_463 = tpu.vector_load_idx %arg8[%add3A_461, %add3A_8] : memref<512x32xf32, #tpu.memory_space<vmem>>[vector<16xi32>, vector<16xi32>], vector<16xf32>,
        tpu.vector_store_idx %arg10[%mul3A_5, %iota3A, %add3A_461], %gather3A_462 : memref<1x32x521xf32, #tpu.memory_space<vmem>>[vector<16xi32>, vector<16xi32>, vector<16xi32>], vector<16xf32>,
        tpu.vector_store_idx %arg10[%mul3A_5, %add3A_8, %add3A_461], %gather3A_463 : memref<1x32x521xf32, #tpu.memory_space<vmem>>[vector<16xi32>, vector<16xi32>, vector<16xi32>], vector<16xf32>,
      }
      %scan3A_270 = arith.constant 32 : i32
      %dma_start3A_271 = arith.constant 0 : i32
      %dma_start3A_272 = arith.constant 0 : i32
      %dma_start3A_273 = arith.constant 0 : i32
      %dma_start3A_274 = tpu.memref_slice %arg10[%dma_start3A_271, %dma_start3A_272, %dma_start3A_273] : memref<1x32x521xf32, #tpu.memory_space<vmem>> -> memref<1x32x512xf32, #tpu.memory_space<vmem>>
      %dma_start3A_275 = arith.constant 0 : i32
      %dma_start3A_276 = tpu.memref_slice %arg4[%add3A_232, %dma_start3A_275, %multiple_of3A] : memref<50x32x16384xf32, #tpu.memory_space<hbm>> -> memref<1x32x512xf32, #tpu.memory_space<hbm>>
      %dma_start3A_277 = arith.constant 0 : i32
      %dma_start3A_278 = tpu.memref_slice %arg4[%add3A_232, %dma_start3A_277, %multiple_of3A] : memref<50x32x16384xf32, #tpu.memory_space<hbm>> -> memref<1x32x512xf32, #tpu.memory_space<hbm>>
      %dma_start3A_279 = arith.constant 0 : i32
      %dma_start3A_280 = arith.constant 0 : i32
      %dma_start3A_281 = arith.constant 0 : i32
      %dma_start3A_282 = tpu.memref_slice %arg10[%dma_start3A_279, %dma_start3A_280, %dma_start3A_281] : memref<1x32x521xf32, #tpu.memory_space<vmem>> -> memref<1x32x512xf32, #tpu.memory_space<vmem>>
      tpu.enqueue_dma source(%dma_start3A_282 : memref<1x32x512xf32, #tpu.memory_space<vmem>>) target(%dma_start3A_278 : memref<1x32x512xf32, #tpu.memory_space<hbm>>) target_semaphore(%arg15 : memref<!tpu.dma_semaphore, #tpu.memory_space<semaphore_mem>>)
      %add3A_283 = arith.constant 1 : i32
      %add3A_284 = arith.addi %mul3A_230, %add3A_283 : i32
      %dma_wait3A_285 = arith.constant 0 : i32
      %dma_wait3A_286 = arith.constant 0 : i32
      %dma_wait3A_287 = tpu.memref_slice %arg3[%dma_wait3A_285, %dma_wait3A_286] : memref<1000000x32xf32, #tpu.memory_space<hbm>> -> memref<1000000x32xf32, #tpu.memory_space<hbm>>
      tpu.wait_indirect_dma semaphore(%arg14 : memref<!tpu.dma_semaphore, #tpu.memory_space<semaphore_mem>>) src(%dma_wait3A_287 : memref<1000000x32xf32, #tpu.memory_space<hbm>>) dst(%arg9 : memref<512x32xf32, #tpu.memory_space<vmem>>)
      %add3A_288 = arith.constant 1 : i32
      %add3A_289 = arith.addi %add3A_284, %add3A_288 : i32
      %mul3A_290 = arith.constant 0 : i32
      %mul3A_291 = vector.broadcast %mul3A_290 : i32 to vector<16xi32>
      %mul3A_292 = arith.muli %iota3A, %mul3A_291 : vector<16xi32>
      %add3A_293 = vector.broadcast %add3A_289 : i32 to vector<16xi32>
      %add3A_294 = arith.addi %mul3A_292, %add3A_293 : vector<16xi32>
      %scan3A_295 = arith.constant 0 : i32
      %scan3A_296 = arith.constant 0 : i32
      %scan3A_297 = arith.constant 32 : i32
      %scan3A_298 = arith.addi %scan3A_296, %scan3A_297 : i32
      %scan3A_299 = arith.constant 1 : i32
      scf.for %scan3A_336 = %scan3A_296 to %scan3A_298 step %scan3A_299  : i32 {
        %mul3A_337 = arith.constant 16 : i32
        %mul3A_338 = arith.muli %scan3A_336, %mul3A_337 : i32
        %add3A_339 = vector.broadcast %mul3A_338 : i32 to vector<16xi32>
        %add3A_340 = arith.addi %iota3A, %add3A_339 : vector<16xi32>
        %gather3A = tpu.vector_load_idx %arg5[%add3A_294, %add3A_340] : memref<50x512xi32, #tpu.memory_space<vmem>>[vector<16xi32>, vector<16xi32>], vector<16xi32>,
        %mul3A_341 = arith.constant 16 : i32
        %mul3A_342 = arith.muli %scan3A_336, %mul3A_341 : i32
        %multiple_of3A_343 = tpu.assume_multiple %mul3A_342, 8 : i32
        %swap3A = arith.index_cast %multiple_of3A_343 : i32 to index
        %swap3A_344 = tpu.vector_load %arg6[%swap3A] {strides = array<i32>} : memref<512xi32, #tpu.memory_space<vmem>>, vector<16xi32>,
        tpu.vector_store %arg6[%swap3A], %gather3A {strides = array<i32>} : memref<512xi32, #tpu.memory_space<vmem>>, vector<16xi32>,
      }
      %scan3A_300 = arith.constant 32 : i32
      %dma_start3A_301 = arith.constant 0 : i32
      %dma_start3A_302 = arith.constant 0 : i32
      %dma_start3A_303 = tpu.memref_slice %arg3[%dma_start3A_301, %dma_start3A_302] : memref<1000000x32xf32, #tpu.memory_space<hbm>> -> memref<1000000x32xf32, #tpu.memory_space<hbm>>
      tpu.enqueue_indirect_dma source(%dma_start3A_303 : memref<1000000x32xf32, #tpu.memory_space<hbm>>) target(%arg8 : memref<512x32xf32, #tpu.memory_space<vmem>>) offsets(%arg6 : memref<512xi32, #tpu.memory_space<vmem>>) semaphore(%arg13 : memref<!tpu.dma_semaphore, #tpu.memory_space<semaphore_mem>>)
      %sub3A_304 = arith.constant 2 : i32
      %sub3A_305 = arith.subi %add3A_284, %sub3A_304 : i32
      %dma_wait3A_306 = arith.constant 0 : i32
      %dma_wait3A_307 = arith.constant 0 : i32
      %dma_wait3A_308 = arith.constant 0 : i32
      %dma_wait3A_309 = tpu.memref_slice %arg11[%dma_wait3A_306, %dma_wait3A_307, %dma_wait3A_308] : memref<1x32x521xf32, #tpu.memory_space<vmem>> -> memref<1x32x512xf32, #tpu.memory_space<vmem>>
      %dma_wait3A_310 = arith.constant 0 : i32
      %dma_wait3A_311 = tpu.memref_slice %arg4[%sub3A_305, %dma_wait3A_310, %multiple_of3A] : memref<50x32x16384xf32, #tpu.memory_space<hbm>> -> memref<1x32x512xf32, #tpu.memory_space<hbm>>
      %dma_wait3A_312 = arith.constant 0 : i32
      %dma_wait3A_313 = tpu.memref_slice %arg4[%sub3A_305, %dma_wait3A_312, %multiple_of3A] : memref<50x32x16384xf32, #tpu.memory_space<hbm>> -> memref<1x32x512xf32, #tpu.memory_space<hbm>>
      %dma_wait3A_314 = arith.constant 0 : i32
      %dma_wait3A_315 = arith.constant 0 : i32
      %dma_wait3A_316 = arith.constant 0 : i32
      %dma_wait3A_317 = tpu.memref_slice %arg11[%dma_wait3A_314, %dma_wait3A_315, %dma_wait3A_316] : memref<1x32x521xf32, #tpu.memory_space<vmem>> -> memref<1x32x512xf32, #tpu.memory_space<vmem>>
      tpu.wait_dma2 semaphore(%arg16 : memref<!tpu.dma_semaphore, #tpu.memory_space<semaphore_mem>>) src(%dma_wait3A_317 : memref<1x32x512xf32, #tpu.memory_space<vmem>>) dst(%dma_wait3A_313 : memref<1x32x512xf32, #tpu.memory_space<hbm>>)
      %scan3A_318 = arith.constant 0 : i32
      %scan3A_319 = arith.constant 0 : i32
      %scan3A_320 = arith.constant 32 : i32
      %scan3A_321 = arith.addi %scan3A_319, %scan3A_320 : i32
      %scan3A_322 = arith.constant 1 : i32
      scf.for %scan3A_336 = %scan3A_319 to %scan3A_321 step %scan3A_322  : i32 {
        %mul3A_337 = arith.constant 16 : i32
        %mul3A_338 = arith.muli %scan3A_336, %mul3A_337 : i32
        %add3A_339 = arith.constant 0 : i32
        %add3A_340 = arith.addi %mul3A_338, %add3A_339 : i32
        %add3A_341 = vector.broadcast %add3A_340 : i32 to vector<16xi32>
        %add3A_342 = arith.addi %mul3A_5, %add3A_341 : vector<16xi32>
        %gather3A = tpu.vector_load_idx %arg9[%add3A_342, %iota3A] : memref<512x32xf32, #tpu.memory_space<vmem>>[vector<16xi32>, vector<16xi32>], vector<16xf32>,
        %gather3A_343 = tpu.vector_load_idx %arg9[%add3A_342, %add3A_8] : memref<512x32xf32, #tpu.memory_space<vmem>>[vector<16xi32>, vector<16xi32>], vector<16xf32>,
        tpu.vector_store_idx %arg11[%mul3A_5, %iota3A, %add3A_342], %gather3A : memref<1x32x521xf32, #tpu.memory_space<vmem>>[vector<16xi32>, vector<16xi32>, vector<16xi32>], vector<16xf32>,
        tpu.vector_store_idx %arg11[%mul3A_5, %add3A_8, %add3A_342], %gather3A_343 : memref<1x32x521xf32, #tpu.memory_space<vmem>>[vector<16xi32>, vector<16xi32>, vector<16xi32>], vector<16xf32>,
        %mul3A_344 = arith.constant 16 : i32
        %mul3A_345 = arith.muli %scan3A_336, %mul3A_344 : i32
        %add3A_346 = arith.constant 1 : i32
        %add3A_347 = arith.addi %mul3A_345, %add3A_346 : i32
        %add3A_348 = vector.broadcast %add3A_347 : i32 to vector<16xi32>
        %add3A_349 = arith.addi %mul3A_5, %add3A_348 : vector<16xi32>
        %gather3A_350 = tpu.vector_load_idx %arg9[%add3A_349, %iota3A] : memref<512x32xf32, #tpu.memory_space<vmem>>[vector<16xi32>, vector<16xi32>], vector<16xf32>,
        %gather3A_351 = tpu.vector_load_idx %arg9[%add3A_349, %add3A_8] : memref<512x32xf32, #tpu.memory_space<vmem>>[vector<16xi32>, vector<16xi32>], vector<16xf32>,
        tpu.vector_store_idx %arg11[%mul3A_5, %iota3A, %add3A_349], %gather3A_350 : memref<1x32x521xf32, #tpu.memory_space<vmem>>[vector<16xi32>, vector<16xi32>, vector<16xi32>], vector<16xf32>,
        tpu.vector_store_idx %arg11[%mul3A_5, %add3A_8, %add3A_349], %gather3A_351 : memref<1x32x521xf32, #tpu.memory_space<vmem>>[vector<16xi32>, vector<16xi32>, vector<16xi32>], vector<16xf32>,
        %mul3A_352 = arith.constant 16 : i32
        %mul3A_353 = arith.muli %scan3A_336, %mul3A_352 : i32
        %add3A_354 = arith.constant 2 : i32
        %add3A_355 = arith.addi %mul3A_353, %add3A_354 : i32
        %add3A_356 = vector.broadcast %add3A_355 : i32 to vector<16xi32>
        %add3A_357 = arith.addi %mul3A_5, %add3A_356 : vector<16xi32>
        %gather3A_358 = tpu.vector_load_idx %arg9[%add3A_357, %iota3A] : memref<512x32xf32, #tpu.memory_space<vmem>>[vector<16xi32>, vector<16xi32>], vector<16xf32>,
        %gather3A_359 = tpu.vector_load_idx %arg9[%add3A_357, %add3A_8] : memref<512x32xf32, #tpu.memory_space<vmem>>[vector<16xi32>, vector<16xi32>], vector<16xf32>,
        tpu.vector_store_idx %arg11[%mul3A_5, %iota3A, %add3A_357], %gather3A_358 : memref<1x32x521xf32, #tpu.memory_space<vmem>>[vector<16xi32>, vector<16xi32>, vector<16xi32>], vector<16xf32>,
        tpu.vector_store_idx %arg11[%mul3A_5, %add3A_8, %add3A_357], %gather3A_359 : memref<1x32x521xf32, #tpu.memory_space<vmem>>[vector<16xi32>, vector<16xi32>, vector<16xi32>], vector<16xf32>,
        %mul3A_360 = arith.constant 16 : i32
        %mul3A_361 = arith.muli %scan3A_336, %mul3A_360 : i32
        %add3A_362 = arith.constant 3 : i32
        %add3A_363 = arith.addi %mul3A_361, %add3A_362 : i32
        %add3A_364 = vector.broadcast %add3A_363 : i32 to vector<16xi32>
        %add3A_365 = arith.addi %mul3A_5, %add3A_364 : vector<16xi32>
        %gather3A_366 = tpu.vector_load_idx %arg9[%add3A_365, %iota3A] : memref<512x32xf32, #tpu.memory_space<vmem>>[vector<16xi32>, vector<16xi32>], vector<16xf32>,
        %gather3A_367 = tpu.vector_load_idx %arg9[%add3A_365, %add3A_8] : memref<512x32xf32, #tpu.memory_space<vmem>>[vector<16xi32>, vector<16xi32>], vector<16xf32>,
        tpu.vector_store_idx %arg11[%mul3A_5, %iota3A, %add3A_365], %gather3A_366 : memref<1x32x521xf32, #tpu.memory_space<vmem>>[vector<16xi32>, vector<16xi32>, vector<16xi32>], vector<16xf32>,
        tpu.vector_store_idx %arg11[%mul3A_5, %add3A_8, %add3A_365], %gather3A_367 : memref<1x32x521xf32, #tpu.memory_space<vmem>>[vector<16xi32>, vector<16xi32>, vector<16xi32>], vector<16xf32>,
        %mul3A_368 = arith.constant 16 : i32
        %mul3A_369 = arith.muli %scan3A_336, %mul3A_368 : i32
        %add3A_370 = arith.constant 4 : i32
        %add3A_371 = arith.addi %mul3A_369, %add3A_370 : i32
        %add3A_372 = vector.broadcast %add3A_371 : i32 to vector<16xi32>
        %add3A_373 = arith.addi %mul3A_5, %add3A_372 : vector<16xi32>
        %gather3A_374 = tpu.vector_load_idx %arg9[%add3A_373, %iota3A] : memref<512x32xf32, #tpu.memory_space<vmem>>[vector<16xi32>, vector<16xi32>], vector<16xf32>,
        %gather3A_375 = tpu.vector_load_idx %arg9[%add3A_373, %add3A_8] : memref<512x32xf32, #tpu.memory_space<vmem>>[vector<16xi32>, vector<16xi32>], vector<16xf32>,
        tpu.vector_store_idx %arg11[%mul3A_5, %iota3A, %add3A_373], %gather3A_374 : memref<1x32x521xf32, #tpu.memory_space<vmem>>[vector<16xi32>, vector<16xi32>, vector<16xi32>], vector<16xf32>,
        tpu.vector_store_idx %arg11[%mul3A_5, %add3A_8, %add3A_373], %gather3A_375 : memref<1x32x521xf32, #tpu.memory_space<vmem>>[vector<16xi32>, vector<16xi32>, vector<16xi32>], vector<16xf32>,
        %mul3A_376 = arith.constant 16 : i32
        %mul3A_377 = arith.muli %scan3A_336, %mul3A_376 : i32
        %add3A_378 = arith.constant 5 : i32
        %add3A_379 = arith.addi %mul3A_377, %add3A_378 : i32
        %add3A_380 = vector.broadcast %add3A_379 : i32 to vector<16xi32>
        %add3A_381 = arith.addi %mul3A_5, %add3A_380 : vector<16xi32>
        %gather3A_382 = tpu.vector_load_idx %arg9[%add3A_381, %iota3A] : memref<512x32xf32, #tpu.memory_space<vmem>>[vector<16xi32>, vector<16xi32>], vector<16xf32>,
        %gather3A_383 = tpu.vector_load_idx %arg9[%add3A_381, %add3A_8] : memref<512x32xf32, #tpu.memory_space<vmem>>[vector<16xi32>, vector<16xi32>], vector<16xf32>,
        tpu.vector_store_idx %arg11[%mul3A_5, %iota3A, %add3A_381], %gather3A_382 : memref<1x32x521xf32, #tpu.memory_space<vmem>>[vector<16xi32>, vector<16xi32>, vector<16xi32>], vector<16xf32>,
        tpu.vector_store_idx %arg11[%mul3A_5, %add3A_8, %add3A_381], %gather3A_383 : memref<1x32x521xf32, #tpu.memory_space<vmem>>[vector<16xi32>, vector<16xi32>, vector<16xi32>], vector<16xf32>,
        %mul3A_384 = arith.constant 16 : i32
        %mul3A_385 = arith.muli %scan3A_336, %mul3A_384 : i32
        %add3A_386 = arith.constant 6 : i32
        %add3A_387 = arith.addi %mul3A_385, %add3A_386 : i32
        %add3A_388 = vector.broadcast %add3A_387 : i32 to vector<16xi32>
        %add3A_389 = arith.addi %mul3A_5, %add3A_388 : vector<16xi32>
        %gather3A_390 = tpu.vector_load_idx %arg9[%add3A_389, %iota3A] : memref<512x32xf32, #tpu.memory_space<vmem>>[vector<16xi32>, vector<16xi32>], vector<16xf32>,
        %gather3A_391 = tpu.vector_load_idx %arg9[%add3A_389, %add3A_8] : memref<512x32xf32, #tpu.memory_space<vmem>>[vector<16xi32>, vector<16xi32>], vector<16xf32>,
        tpu.vector_store_idx %arg11[%mul3A_5, %iota3A, %add3A_389], %gather3A_390 : memref<1x32x521xf32, #tpu.memory_space<vmem>>[vector<16xi32>, vector<16xi32>, vector<16xi32>], vector<16xf32>,
        tpu.vector_store_idx %arg11[%mul3A_5, %add3A_8, %add3A_389], %gather3A_391 : memref<1x32x521xf32, #tpu.memory_space<vmem>>[vector<16xi32>, vector<16xi32>, vector<16xi32>], vector<16xf32>,
        %mul3A_392 = arith.constant 16 : i32
        %mul3A_393 = arith.muli %scan3A_336, %mul3A_392 : i32
        %add3A_394 = arith.constant 7 : i32
        %add3A_395 = arith.addi %mul3A_393, %add3A_394 : i32
        %add3A_396 = vector.broadcast %add3A_395 : i32 to vector<16xi32>
        %add3A_397 = arith.addi %mul3A_5, %add3A_396 : vector<16xi32>
        %gather3A_398 = tpu.vector_load_idx %arg9[%add3A_397, %iota3A] : memref<512x32xf32, #tpu.memory_space<vmem>>[vector<16xi32>, vector<16xi32>], vector<16xf32>,
        %gather3A_399 = tpu.vector_load_idx %arg9[%add3A_397, %add3A_8] : memref<512x32xf32, #tpu.memory_space<vmem>>[vector<16xi32>, vector<16xi32>], vector<16xf32>,
        tpu.vector_store_idx %arg11[%mul3A_5, %iota3A, %add3A_397], %gather3A_398 : memref<1x32x521xf32, #tpu.memory_space<vmem>>[vector<16xi32>, vector<16xi32>, vector<16xi32>], vector<16xf32>,
        tpu.vector_store_idx %arg11[%mul3A_5, %add3A_8, %add3A_397], %gather3A_399 : memref<1x32x521xf32, #tpu.memory_space<vmem>>[vector<16xi32>, vector<16xi32>, vector<16xi32>], vector<16xf32>,
        %mul3A_400 = arith.constant 16 : i32
        %mul3A_401 = arith.muli %scan3A_336, %mul3A_400 : i32
        %add3A_402 = arith.constant 8 : i32
        %add3A_403 = arith.addi %mul3A_401, %add3A_402 : i32
        %add3A_404 = vector.broadcast %add3A_403 : i32 to vector<16xi32>
        %add3A_405 = arith.addi %mul3A_5, %add3A_404 : vector<16xi32>
        %gather3A_406 = tpu.vector_load_idx %arg9[%add3A_405, %iota3A] : memref<512x32xf32, #tpu.memory_space<vmem>>[vector<16xi32>, vector<16xi32>], vector<16xf32>,
        %gather3A_407 = tpu.vector_load_idx %arg9[%add3A_405, %add3A_8] : memref<512x32xf32, #tpu.memory_space<vmem>>[vector<16xi32>, vector<16xi32>], vector<16xf32>,
        tpu.vector_store_idx %arg11[%mul3A_5, %iota3A, %add3A_405], %gather3A_406 : memref<1x32x521xf32, #tpu.memory_space<vmem>>[vector<16xi32>, vector<16xi32>, vector<16xi32>], vector<16xf32>,
        tpu.vector_store_idx %arg11[%mul3A_5, %add3A_8, %add3A_405], %gather3A_407 : memref<1x32x521xf32, #tpu.memory_space<vmem>>[vector<16xi32>, vector<16xi32>, vector<16xi32>], vector<16xf32>,
        %mul3A_408 = arith.constant 16 : i32
        %mul3A_409 = arith.muli %scan3A_336, %mul3A_408 : i32
        %add3A_410 = arith.constant 9 : i32
        %add3A_411 = arith.addi %mul3A_409, %add3A_410 : i32
        %add3A_412 = vector.broadcast %add3A_411 : i32 to vector<16xi32>
        %add3A_413 = arith.addi %mul3A_5, %add3A_412 : vector<16xi32>
        %gather3A_414 = tpu.vector_load_idx %arg9[%add3A_413, %iota3A] : memref<512x32xf32, #tpu.memory_space<vmem>>[vector<16xi32>, vector<16xi32>], vector<16xf32>,
        %gather3A_415 = tpu.vector_load_idx %arg9[%add3A_413, %add3A_8] : memref<512x32xf32, #tpu.memory_space<vmem>>[vector<16xi32>, vector<16xi32>], vector<16xf32>,
        tpu.vector_store_idx %arg11[%mul3A_5, %iota3A, %add3A_413], %gather3A_414 : memref<1x32x521xf32, #tpu.memory_space<vmem>>[vector<16xi32>, vector<16xi32>, vector<16xi32>], vector<16xf32>,
        tpu.vector_store_idx %arg11[%mul3A_5, %add3A_8, %add3A_413], %gather3A_415 : memref<1x32x521xf32, #tpu.memory_space<vmem>>[vector<16xi32>, vector<16xi32>, vector<16xi32>], vector<16xf32>,
        %mul3A_416 = arith.constant 16 : i32
        %mul3A_417 = arith.muli %scan3A_336, %mul3A_416 : i32
        %add3A_418 = arith.constant 10 : i32
        %add3A_419 = arith.addi %mul3A_417, %add3A_418 : i32
        %add3A_420 = vector.broadcast %add3A_419 : i32 to vector<16xi32>
        %add3A_421 = arith.addi %mul3A_5, %add3A_420 : vector<16xi32>
        %gather3A_422 = tpu.vector_load_idx %arg9[%add3A_421, %iota3A] : memref<512x32xf32, #tpu.memory_space<vmem>>[vector<16xi32>, vector<16xi32>], vector<16xf32>,
        %gather3A_423 = tpu.vector_load_idx %arg9[%add3A_421, %add3A_8] : memref<512x32xf32, #tpu.memory_space<vmem>>[vector<16xi32>, vector<16xi32>], vector<16xf32>,
        tpu.vector_store_idx %arg11[%mul3A_5, %iota3A, %add3A_421], %gather3A_422 : memref<1x32x521xf32, #tpu.memory_space<vmem>>[vector<16xi32>, vector<16xi32>, vector<16xi32>], vector<16xf32>,
        tpu.vector_store_idx %arg11[%mul3A_5, %add3A_8, %add3A_421], %gather3A_423 : memref<1x32x521xf32, #tpu.memory_space<vmem>>[vector<16xi32>, vector<16xi32>, vector<16xi32>], vector<16xf32>,
        %mul3A_424 = arith.constant 16 : i32
        %mul3A_425 = arith.muli %scan3A_336, %mul3A_424 : i32
        %add3A_426 = arith.constant 11 : i32
        %add3A_427 = arith.addi %mul3A_425, %add3A_426 : i32
        %add3A_428 = vector.broadcast %add3A_427 : i32 to vector<16xi32>
        %add3A_429 = arith.addi %mul3A_5, %add3A_428 : vector<16xi32>
        %gather3A_430 = tpu.vector_load_idx %arg9[%add3A_429, %iota3A] : memref<512x32xf32, #tpu.memory_space<vmem>>[vector<16xi32>, vector<16xi32>], vector<16xf32>,
        %gather3A_431 = tpu.vector_load_idx %arg9[%add3A_429, %add3A_8] : memref<512x32xf32, #tpu.memory_space<vmem>>[vector<16xi32>, vector<16xi32>], vector<16xf32>,
        tpu.vector_store_idx %arg11[%mul3A_5, %iota3A, %add3A_429], %gather3A_430 : memref<1x32x521xf32, #tpu.memory_space<vmem>>[vector<16xi32>, vector<16xi32>, vector<16xi32>], vector<16xf32>,
        tpu.vector_store_idx %arg11[%mul3A_5, %add3A_8, %add3A_429], %gather3A_431 : memref<1x32x521xf32, #tpu.memory_space<vmem>>[vector<16xi32>, vector<16xi32>, vector<16xi32>], vector<16xf32>,
        %mul3A_432 = arith.constant 16 : i32
        %mul3A_433 = arith.muli %scan3A_336, %mul3A_432 : i32
        %add3A_434 = arith.constant 12 : i32
        %add3A_435 = arith.addi %mul3A_433, %add3A_434 : i32
        %add3A_436 = vector.broadcast %add3A_435 : i32 to vector<16xi32>
        %add3A_437 = arith.addi %mul3A_5, %add3A_436 : vector<16xi32>
        %gather3A_438 = tpu.vector_load_idx %arg9[%add3A_437, %iota3A] : memref<512x32xf32, #tpu.memory_space<vmem>>[vector<16xi32>, vector<16xi32>], vector<16xf32>,
        %gather3A_439 = tpu.vector_load_idx %arg9[%add3A_437, %add3A_8] : memref<512x32xf32, #tpu.memory_space<vmem>>[vector<16xi32>, vector<16xi32>], vector<16xf32>,
        tpu.vector_store_idx %arg11[%mul3A_5, %iota3A, %add3A_437], %gather3A_438 : memref<1x32x521xf32, #tpu.memory_space<vmem>>[vector<16xi32>, vector<16xi32>, vector<16xi32>], vector<16xf32>,
        tpu.vector_store_idx %arg11[%mul3A_5, %add3A_8, %add3A_437], %gather3A_439 : memref<1x32x521xf32, #tpu.memory_space<vmem>>[vector<16xi32>, vector<16xi32>, vector<16xi32>], vector<16xf32>,
        %mul3A_440 = arith.constant 16 : i32
        %mul3A_441 = arith.muli %scan3A_336, %mul3A_440 : i32
        %add3A_442 = arith.constant 13 : i32
        %add3A_443 = arith.addi %mul3A_441, %add3A_442 : i32
        %add3A_444 = vector.broadcast %add3A_443 : i32 to vector<16xi32>
        %add3A_445 = arith.addi %mul3A_5, %add3A_444 : vector<16xi32>
        %gather3A_446 = tpu.vector_load_idx %arg9[%add3A_445, %iota3A] : memref<512x32xf32, #tpu.memory_space<vmem>>[vector<16xi32>, vector<16xi32>], vector<16xf32>,
        %gather3A_447 = tpu.vector_load_idx %arg9[%add3A_445, %add3A_8] : memref<512x32xf32, #tpu.memory_space<vmem>>[vector<16xi32>, vector<16xi32>], vector<16xf32>,
        tpu.vector_store_idx %arg11[%mul3A_5, %iota3A, %add3A_445], %gather3A_446 : memref<1x32x521xf32, #tpu.memory_space<vmem>>[vector<16xi32>, vector<16xi32>, vector<16xi32>], vector<16xf32>,
        tpu.vector_store_idx %arg11[%mul3A_5, %add3A_8, %add3A_445], %gather3A_447 : memref<1x32x521xf32, #tpu.memory_space<vmem>>[vector<16xi32>, vector<16xi32>, vector<16xi32>], vector<16xf32>,
        %mul3A_448 = arith.constant 16 : i32
        %mul3A_449 = arith.muli %scan3A_336, %mul3A_448 : i32
        %add3A_450 = arith.constant 14 : i32
        %add3A_451 = arith.addi %mul3A_449, %add3A_450 : i32
        %add3A_452 = vector.broadcast %add3A_451 : i32 to vector<16xi32>
        %add3A_453 = arith.addi %mul3A_5, %add3A_452 : vector<16xi32>
        %gather3A_454 = tpu.vector_load_idx %arg9[%add3A_453, %iota3A] : memref<512x32xf32, #tpu.memory_space<vmem>>[vector<16xi32>, vector<16xi32>], vector<16xf32>,
        %gather3A_455 = tpu.vector_load_idx %arg9[%add3A_453, %add3A_8] : memref<512x32xf32, #tpu.memory_space<vmem>>[vector<16xi32>, vector<16xi32>], vector<16xf32>,
        tpu.vector_store_idx %arg11[%mul3A_5, %iota3A, %add3A_453], %gather3A_454 : memref<1x32x521xf32, #tpu.memory_space<vmem>>[vector<16xi32>, vector<16xi32>, vector<16xi32>], vector<16xf32>,
        tpu.vector_store_idx %arg11[%mul3A_5, %add3A_8, %add3A_453], %gather3A_455 : memref<1x32x521xf32, #tpu.memory_space<vmem>>[vector<16xi32>, vector<16xi32>, vector<16xi32>], vector<16xf32>,
        %mul3A_456 = arith.constant 16 : i32
        %mul3A_457 = arith.muli %scan3A_336, %mul3A_456 : i32
        %add3A_458 = arith.constant 15 : i32
        %add3A_459 = arith.addi %mul3A_457, %add3A_458 : i32
        %add3A_460 = vector.broadcast %add3A_459 : i32 to vector<16xi32>
        %add3A_461 = arith.addi %mul3A_5, %add3A_460 : vector<16xi32>
        %gather3A_462 = tpu.vector_load_idx %arg9[%add3A_461, %iota3A] : memref<512x32xf32, #tpu.memory_space<vmem>>[vector<16xi32>, vector<16xi32>], vector<16xf32>,
        %gather3A_463 = tpu.vector_load_idx %arg9[%add3A_461, %add3A_8] : memref<512x32xf32, #tpu.memory_space<vmem>>[vector<16xi32>, vector<16xi32>], vector<16xf32>,
        tpu.vector_store_idx %arg11[%mul3A_5, %iota3A, %add3A_461], %gather3A_462 : memref<1x32x521xf32, #tpu.memory_space<vmem>>[vector<16xi32>, vector<16xi32>, vector<16xi32>], vector<16xf32>,
        tpu.vector_store_idx %arg11[%mul3A_5, %add3A_8, %add3A_461], %gather3A_463 : memref<1x32x521xf32, #tpu.memory_space<vmem>>[vector<16xi32>, vector<16xi32>, vector<16xi32>], vector<16xf32>,
      }
      %scan3A_323 = arith.constant 32 : i32
      %dma_start3A_324 = arith.constant 0 : i32
      %dma_start3A_325 = arith.constant 0 : i32
      %dma_start3A_326 = arith.constant 0 : i32
      %dma_start3A_327 = tpu.memref_slice %arg11[%dma_start3A_324, %dma_start3A_325, %dma_start3A_326] : memref<1x32x521xf32, #tpu.memory_space<vmem>> -> memref<1x32x512xf32, #tpu.memory_space<vmem>>
      %dma_start3A_328 = arith.constant 0 : i32
      %dma_start3A_329 = tpu.memref_slice %arg4[%add3A_284, %dma_start3A_328, %multiple_of3A] : memref<50x32x16384xf32, #tpu.memory_space<hbm>> -> memref<1x32x512xf32, #tpu.memory_space<hbm>>
      %dma_start3A_330 = arith.constant 0 : i32
      %dma_start3A_331 = tpu.memref_slice %arg4[%add3A_284, %dma_start3A_330, %multiple_of3A] : memref<50x32x16384xf32, #tpu.memory_space<hbm>> -> memref<1x32x512xf32, #tpu.memory_space<hbm>>
      %dma_start3A_332 = arith.constant 0 : i32
      %dma_start3A_333 = arith.constant 0 : i32
      %dma_start3A_334 = arith.constant 0 : i32
      %dma_start3A_335 = tpu.memref_slice %arg11[%dma_start3A_332, %dma_start3A_333, %dma_start3A_334] : memref<1x32x521xf32, #tpu.memory_space<vmem>> -> memref<1x32x512xf32, #tpu.memory_space<vmem>>
      tpu.enqueue_dma source(%dma_start3A_335 : memref<1x32x512xf32, #tpu.memory_space<vmem>>) target(%dma_start3A_331 : memref<1x32x512xf32, #tpu.memory_space<hbm>>) target_semaphore(%arg16 : memref<!tpu.dma_semaphore, #tpu.memory_space<semaphore_mem>>)
    }
    %scan3A_110 = arith.constant 23 : i32
    %dma_wait3A_111 = arith.constant 0 : i32
    %dma_wait3A_112 = arith.constant 0 : i32
    %dma_wait3A_113 = tpu.memref_slice %arg3[%dma_wait3A_111, %dma_wait3A_112] : memref<1000000x32xf32, #tpu.memory_space<hbm>> -> memref<1000000x32xf32, #tpu.memory_space<hbm>>
    tpu.wait_indirect_dma semaphore(%arg13 : memref<!tpu.dma_semaphore, #tpu.memory_space<semaphore_mem>>) src(%dma_wait3A_113 : memref<1000000x32xf32, #tpu.memory_space<hbm>>) dst(%arg8 : memref<512x32xf32, #tpu.memory_space<vmem>>)
    %mul3A_114 = arith.constant 0 : i32
    %mul3A_115 = vector.broadcast %mul3A_114 : i32 to vector<16xi32>
    %mul3A_116 = arith.muli %iota3A, %mul3A_115 : vector<16xi32>
    %add3A_117 = arith.constant 49 : i32
    %add3A_118 = vector.broadcast %add3A_117 : i32 to vector<16xi32>
    %add3A_119 = arith.addi %mul3A_116, %add3A_118 : vector<16xi32>
    %scan3A_120 = arith.constant 0 : i32
    %scan3A_121 = arith.constant 0 : i32
    %scan3A_122 = arith.constant 32 : i32
    %scan3A_123 = arith.addi %scan3A_121, %scan3A_122 : i32
    %scan3A_124 = arith.constant 1 : i32
    scf.for %scan3A_228 = %scan3A_121 to %scan3A_123 step %scan3A_124  : i32 {
      %mul3A_229 = arith.constant 16 : i32
      %mul3A_230 = arith.muli %scan3A_228, %mul3A_229 : i32
      %add3A_231 = vector.broadcast %mul3A_230 : i32 to vector<16xi32>
      %add3A_232 = arith.addi %iota3A, %add3A_231 : vector<16xi32>
      %gather3A = tpu.vector_load_idx %arg5[%add3A_119, %add3A_232] : memref<50x512xi32, #tpu.memory_space<vmem>>[vector<16xi32>, vector<16xi32>], vector<16xi32>,
      %mul3A_233 = arith.constant 16 : i32
      %mul3A_234 = arith.muli %scan3A_228, %mul3A_233 : i32
      %multiple_of3A_235 = tpu.assume_multiple %mul3A_234, 8 : i32
      %swap3A = arith.index_cast %multiple_of3A_235 : i32 to index
      %swap3A_236 = tpu.vector_load %arg7[%swap3A] {strides = array<i32>} : memref<512xi32, #tpu.memory_space<vmem>>, vector<16xi32>,
      tpu.vector_store %arg7[%swap3A], %gather3A {strides = array<i32>} : memref<512xi32, #tpu.memory_space<vmem>>, vector<16xi32>,
    }
    %scan3A_125 = arith.constant 32 : i32
    %dma_start3A_126 = arith.constant 0 : i32
    %dma_start3A_127 = arith.constant 0 : i32
    %dma_start3A_128 = tpu.memref_slice %arg3[%dma_start3A_126, %dma_start3A_127] : memref<1000000x32xf32, #tpu.memory_space<hbm>> -> memref<1000000x32xf32, #tpu.memory_space<hbm>>
    tpu.enqueue_indirect_dma source(%dma_start3A_128 : memref<1000000x32xf32, #tpu.memory_space<hbm>>) target(%arg9 : memref<512x32xf32, #tpu.memory_space<vmem>>) offsets(%arg7 : memref<512xi32, #tpu.memory_space<vmem>>) semaphore(%arg14 : memref<!tpu.dma_semaphore, #tpu.memory_space<semaphore_mem>>)
    %dma_wait3A_129 = arith.constant 0 : i32
    %dma_wait3A_130 = arith.constant 0 : i32
    %dma_wait3A_131 = arith.constant 0 : i32
    %dma_wait3A_132 = tpu.memref_slice %arg10[%dma_wait3A_129, %dma_wait3A_130, %dma_wait3A_131] : memref<1x32x521xf32, #tpu.memory_space<vmem>> -> memref<1x32x512xf32, #tpu.memory_space<vmem>>
    %dma_wait3A_133 = arith.constant 46 : i32
    %dma_wait3A_134 = arith.constant 0 : i32
    %dma_wait3A_135 = tpu.memref_slice %arg4[%dma_wait3A_133, %dma_wait3A_134, %multiple_of3A] : memref<50x32x16384xf32, #tpu.memory_space<hbm>> -> memref<1x32x512xf32, #tpu.memory_space<hbm>>
    %dma_wait3A_136 = arith.constant 46 : i32
    %dma_wait3A_137 = arith.constant 0 : i32
    %dma_wait3A_138 = tpu.memref_slice %arg4[%dma_wait3A_136, %dma_wait3A_137, %multiple_of3A] : memref<50x32x16384xf32, #tpu.memory_space<hbm>> -> memref<1x32x512xf32, #tpu.memory_space<hbm>>
    %dma_wait3A_139 = arith.constant 0 : i32
    %dma_wait3A_140 = arith.constant 0 : i32
    %dma_wait3A_141 = arith.constant 0 : i32
    %dma_wait3A_142 = tpu.memref_slice %arg10[%dma_wait3A_139, %dma_wait3A_140, %dma_wait3A_141] : memref<1x32x521xf32, #tpu.memory_space<vmem>> -> memref<1x32x512xf32, #tpu.memory_space<vmem>>
    tpu.wait_dma2 semaphore(%arg15 : memref<!tpu.dma_semaphore, #tpu.memory_space<semaphore_mem>>) src(%dma_wait3A_142 : memref<1x32x512xf32, #tpu.memory_space<vmem>>) dst(%dma_wait3A_138 : memref<1x32x512xf32, #tpu.memory_space<hbm>>)
    %scan3A_143 = arith.constant 0 : i32
    %scan3A_144 = arith.constant 0 : i32
    %scan3A_145 = arith.constant 32 : i32
    %scan3A_146 = arith.addi %scan3A_144, %scan3A_145 : i32
    %scan3A_147 = arith.constant 1 : i32
    scf.for %scan3A_228 = %scan3A_144 to %scan3A_146 step %scan3A_147  : i32 {
      %mul3A_229 = arith.constant 16 : i32
      %mul3A_230 = arith.muli %scan3A_228, %mul3A_229 : i32
      %add3A_231 = arith.constant 0 : i32
      %add3A_232 = arith.addi %mul3A_230, %add3A_231 : i32
      %add3A_233 = vector.broadcast %add3A_232 : i32 to vector<16xi32>
      %add3A_234 = arith.addi %mul3A_5, %add3A_233 : vector<16xi32>
      %gather3A = tpu.vector_load_idx %arg8[%add3A_234, %iota3A] : memref<512x32xf32, #tpu.memory_space<vmem>>[vector<16xi32>, vector<16xi32>], vector<16xf32>,
      %gather3A_235 = tpu.vector_load_idx %arg8[%add3A_234, %add3A_8] : memref<512x32xf32, #tpu.memory_space<vmem>>[vector<16xi32>, vector<16xi32>], vector<16xf32>,
      tpu.vector_store_idx %arg10[%mul3A_5, %iota3A, %add3A_234], %gather3A : memref<1x32x521xf32, #tpu.memory_space<vmem>>[vector<16xi32>, vector<16xi32>, vector<16xi32>], vector<16xf32>,
      tpu.vector_store_idx %arg10[%mul3A_5, %add3A_8, %add3A_234], %gather3A_235 : memref<1x32x521xf32, #tpu.memory_space<vmem>>[vector<16xi32>, vector<16xi32>, vector<16xi32>], vector<16xf32>,
      %mul3A_236 = arith.constant 16 : i32
      %mul3A_237 = arith.muli %scan3A_228, %mul3A_236 : i32
      %add3A_238 = arith.constant 1 : i32
      %add3A_239 = arith.addi %mul3A_237, %add3A_238 : i32
      %add3A_240 = vector.broadcast %add3A_239 : i32 to vector<16xi32>
      %add3A_241 = arith.addi %mul3A_5, %add3A_240 : vector<16xi32>
      %gather3A_242 = tpu.vector_load_idx %arg8[%add3A_241, %iota3A] : memref<512x32xf32, #tpu.memory_space<vmem>>[vector<16xi32>, vector<16xi32>], vector<16xf32>,
      %gather3A_243 = tpu.vector_load_idx %arg8[%add3A_241, %add3A_8] : memref<512x32xf32, #tpu.memory_space<vmem>>[vector<16xi32>, vector<16xi32>], vector<16xf32>,
      tpu.vector_store_idx %arg10[%mul3A_5, %iota3A, %add3A_241], %gather3A_242 : memref<1x32x521xf32, #tpu.memory_space<vmem>>[vector<16xi32>, vector<16xi32>, vector<16xi32>], vector<16xf32>,
      tpu.vector_store_idx %arg10[%mul3A_5, %add3A_8, %add3A_241], %gather3A_243 : memref<1x32x521xf32, #tpu.memory_space<vmem>>[vector<16xi32>, vector<16xi32>, vector<16xi32>], vector<16xf32>,
      %mul3A_244 = arith.constant 16 : i32
      %mul3A_245 = arith.muli %scan3A_228, %mul3A_244 : i32
      %add3A_246 = arith.constant 2 : i32
      %add3A_247 = arith.addi %mul3A_245, %add3A_246 : i32
      %add3A_248 = vector.broadcast %add3A_247 : i32 to vector<16xi32>
      %add3A_249 = arith.addi %mul3A_5, %add3A_248 : vector<16xi32>
      %gather3A_250 = tpu.vector_load_idx %arg8[%add3A_249, %iota3A] : memref<512x32xf32, #tpu.memory_space<vmem>>[vector<16xi32>, vector<16xi32>], vector<16xf32>,
      %gather3A_251 = tpu.vector_load_idx %arg8[%add3A_249, %add3A_8] : memref<512x32xf32, #tpu.memory_space<vmem>>[vector<16xi32>, vector<16xi32>], vector<16xf32>,
      tpu.vector_store_idx %arg10[%mul3A_5, %iota3A, %add3A_249], %gather3A_250 : memref<1x32x521xf32, #tpu.memory_space<vmem>>[vector<16xi32>, vector<16xi32>, vector<16xi32>], vector<16xf32>,
      tpu.vector_store_idx %arg10[%mul3A_5, %add3A_8, %add3A_249], %gather3A_251 : memref<1x32x521xf32, #tpu.memory_space<vmem>>[vector<16xi32>, vector<16xi32>, vector<16xi32>], vector<16xf32>,
      %mul3A_252 = arith.constant 16 : i32
      %mul3A_253 = arith.muli %scan3A_228, %mul3A_252 : i32
      %add3A_254 = arith.constant 3 : i32
      %add3A_255 = arith.addi %mul3A_253, %add3A_254 : i32
      %add3A_256 = vector.broadcast %add3A_255 : i32 to vector<16xi32>
      %add3A_257 = arith.addi %mul3A_5, %add3A_256 : vector<16xi32>
      %gather3A_258 = tpu.vector_load_idx %arg8[%add3A_257, %iota3A] : memref<512x32xf32, #tpu.memory_space<vmem>>[vector<16xi32>, vector<16xi32>], vector<16xf32>,
      %gather3A_259 = tpu.vector_load_idx %arg8[%add3A_257, %add3A_8] : memref<512x32xf32, #tpu.memory_space<vmem>>[vector<16xi32>, vector<16xi32>], vector<16xf32>,
      tpu.vector_store_idx %arg10[%mul3A_5, %iota3A, %add3A_257], %gather3A_258 : memref<1x32x521xf32, #tpu.memory_space<vmem>>[vector<16xi32>, vector<16xi32>, vector<16xi32>], vector<16xf32>,
      tpu.vector_store_idx %arg10[%mul3A_5, %add3A_8, %add3A_257], %gather3A_259 : memref<1x32x521xf32, #tpu.memory_space<vmem>>[vector<16xi32>, vector<16xi32>, vector<16xi32>], vector<16xf32>,
      %mul3A_260 = arith.constant 16 : i32
      %mul3A_261 = arith.muli %scan3A_228, %mul3A_260 : i32
      %add3A_262 = arith.constant 4 : i32
      %add3A_263 = arith.addi %mul3A_261, %add3A_262 : i32
      %add3A_264 = vector.broadcast %add3A_263 : i32 to vector<16xi32>
      %add3A_265 = arith.addi %mul3A_5, %add3A_264 : vector<16xi32>
      %gather3A_266 = tpu.vector_load_idx %arg8[%add3A_265, %iota3A] : memref<512x32xf32, #tpu.memory_space<vmem>>[vector<16xi32>, vector<16xi32>], vector<16xf32>,
      %gather3A_267 = tpu.vector_load_idx %arg8[%add3A_265, %add3A_8] : memref<512x32xf32, #tpu.memory_space<vmem>>[vector<16xi32>, vector<16xi32>], vector<16xf32>,
      tpu.vector_store_idx %arg10[%mul3A_5, %iota3A, %add3A_265], %gather3A_266 : memref<1x32x521xf32, #tpu.memory_space<vmem>>[vector<16xi32>, vector<16xi32>, vector<16xi32>], vector<16xf32>,
      tpu.vector_store_idx %arg10[%mul3A_5, %add3A_8, %add3A_265], %gather3A_267 : memref<1x32x521xf32, #tpu.memory_space<vmem>>[vector<16xi32>, vector<16xi32>, vector<16xi32>], vector<16xf32>,
      %mul3A_268 = arith.constant 16 : i32
      %mul3A_269 = arith.muli %scan3A_228, %mul3A_268 : i32
      %add3A_270 = arith.constant 5 : i32
      %add3A_271 = arith.addi %mul3A_269, %add3A_270 : i32
      %add3A_272 = vector.broadcast %add3A_271 : i32 to vector<16xi32>
      %add3A_273 = arith.addi %mul3A_5, %add3A_272 : vector<16xi32>
      %gather3A_274 = tpu.vector_load_idx %arg8[%add3A_273, %iota3A] : memref<512x32xf32, #tpu.memory_space<vmem>>[vector<16xi32>, vector<16xi32>], vector<16xf32>,
      %gather3A_275 = tpu.vector_load_idx %arg8[%add3A_273, %add3A_8] : memref<512x32xf32, #tpu.memory_space<vmem>>[vector<16xi32>, vector<16xi32>], vector<16xf32>,
      tpu.vector_store_idx %arg10[%mul3A_5, %iota3A, %add3A_273], %gather3A_274 : memref<1x32x521xf32, #tpu.memory_space<vmem>>[vector<16xi32>, vector<16xi32>, vector<16xi32>], vector<16xf32>,
      tpu.vector_store_idx %arg10[%mul3A_5, %add3A_8, %add3A_273], %gather3A_275 : memref<1x32x521xf32, #tpu.memory_space<vmem>>[vector<16xi32>, vector<16xi32>, vector<16xi32>], vector<16xf32>,
      %mul3A_276 = arith.constant 16 : i32
      %mul3A_277 = arith.muli %scan3A_228, %mul3A_276 : i32
      %add3A_278 = arith.constant 6 : i32
      %add3A_279 = arith.addi %mul3A_277, %add3A_278 : i32
      %add3A_280 = vector.broadcast %add3A_279 : i32 to vector<16xi32>
      %add3A_281 = arith.addi %mul3A_5, %add3A_280 : vector<16xi32>
      %gather3A_282 = tpu.vector_load_idx %arg8[%add3A_281, %iota3A] : memref<512x32xf32, #tpu.memory_space<vmem>>[vector<16xi32>, vector<16xi32>], vector<16xf32>,
      %gather3A_283 = tpu.vector_load_idx %arg8[%add3A_281, %add3A_8] : memref<512x32xf32, #tpu.memory_space<vmem>>[vector<16xi32>, vector<16xi32>], vector<16xf32>,
      tpu.vector_store_idx %arg10[%mul3A_5, %iota3A, %add3A_281], %gather3A_282 : memref<1x32x521xf32, #tpu.memory_space<vmem>>[vector<16xi32>, vector<16xi32>, vector<16xi32>], vector<16xf32>,
      tpu.vector_store_idx %arg10[%mul3A_5, %add3A_8, %add3A_281], %gather3A_283 : memref<1x32x521xf32, #tpu.memory_space<vmem>>[vector<16xi32>, vector<16xi32>, vector<16xi32>], vector<16xf32>,
      %mul3A_284 = arith.constant 16 : i32
      %mul3A_285 = arith.muli %scan3A_228, %mul3A_284 : i32
      %add3A_286 = arith.constant 7 : i32
      %add3A_287 = arith.addi %mul3A_285, %add3A_286 : i32
      %add3A_288 = vector.broadcast %add3A_287 : i32 to vector<16xi32>
      %add3A_289 = arith.addi %mul3A_5, %add3A_288 : vector<16xi32>
      %gather3A_290 = tpu.vector_load_idx %arg8[%add3A_289, %iota3A] : memref<512x32xf32, #tpu.memory_space<vmem>>[vector<16xi32>, vector<16xi32>], vector<16xf32>,
      %gather3A_291 = tpu.vector_load_idx %arg8[%add3A_289, %add3A_8] : memref<512x32xf32, #tpu.memory_space<vmem>>[vector<16xi32>, vector<16xi32>], vector<16xf32>,
      tpu.vector_store_idx %arg10[%mul3A_5, %iota3A, %add3A_289], %gather3A_290 : memref<1x32x521xf32, #tpu.memory_space<vmem>>[vector<16xi32>, vector<16xi32>, vector<16xi32>], vector<16xf32>,
      tpu.vector_store_idx %arg10[%mul3A_5, %add3A_8, %add3A_289], %gather3A_291 : memref<1x32x521xf32, #tpu.memory_space<vmem>>[vector<16xi32>, vector<16xi32>, vector<16xi32>], vector<16xf32>,
      %mul3A_292 = arith.constant 16 : i32
      %mul3A_293 = arith.muli %scan3A_228, %mul3A_292 : i32
      %add3A_294 = arith.constant 8 : i32
      %add3A_295 = arith.addi %mul3A_293, %add3A_294 : i32
      %add3A_296 = vector.broadcast %add3A_295 : i32 to vector<16xi32>
      %add3A_297 = arith.addi %mul3A_5, %add3A_296 : vector<16xi32>
      %gather3A_298 = tpu.vector_load_idx %arg8[%add3A_297, %iota3A] : memref<512x32xf32, #tpu.memory_space<vmem>>[vector<16xi32>, vector<16xi32>], vector<16xf32>,
      %gather3A_299 = tpu.vector_load_idx %arg8[%add3A_297, %add3A_8] : memref<512x32xf32, #tpu.memory_space<vmem>>[vector<16xi32>, vector<16xi32>], vector<16xf32>,
      tpu.vector_store_idx %arg10[%mul3A_5, %iota3A, %add3A_297], %gather3A_298 : memref<1x32x521xf32, #tpu.memory_space<vmem>>[vector<16xi32>, vector<16xi32>, vector<16xi32>], vector<16xf32>,
      tpu.vector_store_idx %arg10[%mul3A_5, %add3A_8, %add3A_297], %gather3A_299 : memref<1x32x521xf32, #tpu.memory_space<vmem>>[vector<16xi32>, vector<16xi32>, vector<16xi32>], vector<16xf32>,
      %mul3A_300 = arith.constant 16 : i32
      %mul3A_301 = arith.muli %scan3A_228, %mul3A_300 : i32
      %add3A_302 = arith.constant 9 : i32
      %add3A_303 = arith.addi %mul3A_301, %add3A_302 : i32
      %add3A_304 = vector.broadcast %add3A_303 : i32 to vector<16xi32>
      %add3A_305 = arith.addi %mul3A_5, %add3A_304 : vector<16xi32>
      %gather3A_306 = tpu.vector_load_idx %arg8[%add3A_305, %iota3A] : memref<512x32xf32, #tpu.memory_space<vmem>>[vector<16xi32>, vector<16xi32>], vector<16xf32>,
      %gather3A_307 = tpu.vector_load_idx %arg8[%add3A_305, %add3A_8] : memref<512x32xf32, #tpu.memory_space<vmem>>[vector<16xi32>, vector<16xi32>], vector<16xf32>,
      tpu.vector_store_idx %arg10[%mul3A_5, %iota3A, %add3A_305], %gather3A_306 : memref<1x32x521xf32, #tpu.memory_space<vmem>>[vector<16xi32>, vector<16xi32>, vector<16xi32>], vector<16xf32>,
      tpu.vector_store_idx %arg10[%mul3A_5, %add3A_8, %add3A_305], %gather3A_307 : memref<1x32x521xf32, #tpu.memory_space<vmem>>[vector<16xi32>, vector<16xi32>, vector<16xi32>], vector<16xf32>,
      %mul3A_308 = arith.constant 16 : i32
      %mul3A_309 = arith.muli %scan3A_228, %mul3A_308 : i32
      %add3A_310 = arith.constant 10 : i32
      %add3A_311 = arith.addi %mul3A_309, %add3A_310 : i32
      %add3A_312 = vector.broadcast %add3A_311 : i32 to vector<16xi32>
      %add3A_313 = arith.addi %mul3A_5, %add3A_312 : vector<16xi32>
      %gather3A_314 = tpu.vector_load_idx %arg8[%add3A_313, %iota3A] : memref<512x32xf32, #tpu.memory_space<vmem>>[vector<16xi32>, vector<16xi32>], vector<16xf32>,
      %gather3A_315 = tpu.vector_load_idx %arg8[%add3A_313, %add3A_8] : memref<512x32xf32, #tpu.memory_space<vmem>>[vector<16xi32>, vector<16xi32>], vector<16xf32>,
      tpu.vector_store_idx %arg10[%mul3A_5, %iota3A, %add3A_313], %gather3A_314 : memref<1x32x521xf32, #tpu.memory_space<vmem>>[vector<16xi32>, vector<16xi32>, vector<16xi32>], vector<16xf32>,
      tpu.vector_store_idx %arg10[%mul3A_5, %add3A_8, %add3A_313], %gather3A_315 : memref<1x32x521xf32, #tpu.memory_space<vmem>>[vector<16xi32>, vector<16xi32>, vector<16xi32>], vector<16xf32>,
      %mul3A_316 = arith.constant 16 : i32
      %mul3A_317 = arith.muli %scan3A_228, %mul3A_316 : i32
      %add3A_318 = arith.constant 11 : i32
      %add3A_319 = arith.addi %mul3A_317, %add3A_318 : i32
      %add3A_320 = vector.broadcast %add3A_319 : i32 to vector<16xi32>
      %add3A_321 = arith.addi %mul3A_5, %add3A_320 : vector<16xi32>
      %gather3A_322 = tpu.vector_load_idx %arg8[%add3A_321, %iota3A] : memref<512x32xf32, #tpu.memory_space<vmem>>[vector<16xi32>, vector<16xi32>], vector<16xf32>,
      %gather3A_323 = tpu.vector_load_idx %arg8[%add3A_321, %add3A_8] : memref<512x32xf32, #tpu.memory_space<vmem>>[vector<16xi32>, vector<16xi32>], vector<16xf32>,
      tpu.vector_store_idx %arg10[%mul3A_5, %iota3A, %add3A_321], %gather3A_322 : memref<1x32x521xf32, #tpu.memory_space<vmem>>[vector<16xi32>, vector<16xi32>, vector<16xi32>], vector<16xf32>,
      tpu.vector_store_idx %arg10[%mul3A_5, %add3A_8, %add3A_321], %gather3A_323 : memref<1x32x521xf32, #tpu.memory_space<vmem>>[vector<16xi32>, vector<16xi32>, vector<16xi32>], vector<16xf32>,
      %mul3A_324 = arith.constant 16 : i32
      %mul3A_325 = arith.muli %scan3A_228, %mul3A_324 : i32
      %add3A_326 = arith.constant 12 : i32
      %add3A_327 = arith.addi %mul3A_325, %add3A_326 : i32
      %add3A_328 = vector.broadcast %add3A_327 : i32 to vector<16xi32>
      %add3A_329 = arith.addi %mul3A_5, %add3A_328 : vector<16xi32>
      %gather3A_330 = tpu.vector_load_idx %arg8[%add3A_329, %iota3A] : memref<512x32xf32, #tpu.memory_space<vmem>>[vector<16xi32>, vector<16xi32>], vector<16xf32>,
      %gather3A_331 = tpu.vector_load_idx %arg8[%add3A_329, %add3A_8] : memref<512x32xf32, #tpu.memory_space<vmem>>[vector<16xi32>, vector<16xi32>], vector<16xf32>,
      tpu.vector_store_idx %arg10[%mul3A_5, %iota3A, %add3A_329], %gather3A_330 : memref<1x32x521xf32, #tpu.memory_space<vmem>>[vector<16xi32>, vector<16xi32>, vector<16xi32>], vector<16xf32>,
      tpu.vector_store_idx %arg10[%mul3A_5, %add3A_8, %add3A_329], %gather3A_331 : memref<1x32x521xf32, #tpu.memory_space<vmem>>[vector<16xi32>, vector<16xi32>, vector<16xi32>], vector<16xf32>,
      %mul3A_332 = arith.constant 16 : i32
      %mul3A_333 = arith.muli %scan3A_228, %mul3A_332 : i32
      %add3A_334 = arith.constant 13 : i32
      %add3A_335 = arith.addi %mul3A_333, %add3A_334 : i32
      %add3A_336 = vector.broadcast %add3A_335 : i32 to vector<16xi32>
      %add3A_337 = arith.addi %mul3A_5, %add3A_336 : vector<16xi32>
      %gather3A_338 = tpu.vector_load_idx %arg8[%add3A_337, %iota3A] : memref<512x32xf32, #tpu.memory_space<vmem>>[vector<16xi32>, vector<16xi32>], vector<16xf32>,
      %gather3A_339 = tpu.vector_load_idx %arg8[%add3A_337, %add3A_8] : memref<512x32xf32, #tpu.memory_space<vmem>>[vector<16xi32>, vector<16xi32>], vector<16xf32>,
      tpu.vector_store_idx %arg10[%mul3A_5, %iota3A, %add3A_337], %gather3A_338 : memref<1x32x521xf32, #tpu.memory_space<vmem>>[vector<16xi32>, vector<16xi32>, vector<16xi32>], vector<16xf32>,
      tpu.vector_store_idx %arg10[%mul3A_5, %add3A_8, %add3A_337], %gather3A_339 : memref<1x32x521xf32, #tpu.memory_space<vmem>>[vector<16xi32>, vector<16xi32>, vector<16xi32>], vector<16xf32>,
      %mul3A_340 = arith.constant 16 : i32
      %mul3A_341 = arith.muli %scan3A_228, %mul3A_340 : i32
      %add3A_342 = arith.constant 14 : i32
      %add3A_343 = arith.addi %mul3A_341, %add3A_342 : i32
      %add3A_344 = vector.broadcast %add3A_343 : i32 to vector<16xi32>
      %add3A_345 = arith.addi %mul3A_5, %add3A_344 : vector<16xi32>
      %gather3A_346 = tpu.vector_load_idx %arg8[%add3A_345, %iota3A] : memref<512x32xf32, #tpu.memory_space<vmem>>[vector<16xi32>, vector<16xi32>], vector<16xf32>,
      %gather3A_347 = tpu.vector_load_idx %arg8[%add3A_345, %add3A_8] : memref<512x32xf32, #tpu.memory_space<vmem>>[vector<16xi32>, vector<16xi32>], vector<16xf32>,
      tpu.vector_store_idx %arg10[%mul3A_5, %iota3A, %add3A_345], %gather3A_346 : memref<1x32x521xf32, #tpu.memory_space<vmem>>[vector<16xi32>, vector<16xi32>, vector<16xi32>], vector<16xf32>,
      tpu.vector_store_idx %arg10[%mul3A_5, %add3A_8, %add3A_345], %gather3A_347 : memref<1x32x521xf32, #tpu.memory_space<vmem>>[vector<16xi32>, vector<16xi32>, vector<16xi32>], vector<16xf32>,
      %mul3A_348 = arith.constant 16 : i32
      %mul3A_349 = arith.muli %scan3A_228, %mul3A_348 : i32
      %add3A_350 = arith.constant 15 : i32
      %add3A_351 = arith.addi %mul3A_349, %add3A_350 : i32
      %add3A_352 = vector.broadcast %add3A_351 : i32 to vector<16xi32>
      %add3A_353 = arith.addi %mul3A_5, %add3A_352 : vector<16xi32>
      %gather3A_354 = tpu.vector_load_idx %arg8[%add3A_353, %iota3A] : memref<512x32xf32, #tpu.memory_space<vmem>>[vector<16xi32>, vector<16xi32>], vector<16xf32>,
      %gather3A_355 = tpu.vector_load_idx %arg8[%add3A_353, %add3A_8] : memref<512x32xf32, #tpu.memory_space<vmem>>[vector<16xi32>, vector<16xi32>], vector<16xf32>,
      tpu.vector_store_idx %arg10[%mul3A_5, %iota3A, %add3A_353], %gather3A_354 : memref<1x32x521xf32, #tpu.memory_space<vmem>>[vector<16xi32>, vector<16xi32>, vector<16xi32>], vector<16xf32>,
      tpu.vector_store_idx %arg10[%mul3A_5, %add3A_8, %add3A_353], %gather3A_355 : memref<1x32x521xf32, #tpu.memory_space<vmem>>[vector<16xi32>, vector<16xi32>, vector<16xi32>], vector<16xf32>,
    }
    %scan3A_148 = arith.constant 32 : i32
    %dma_start3A_149 = arith.constant 0 : i32
    %dma_start3A_150 = arith.constant 0 : i32
    %dma_start3A_151 = arith.constant 0 : i32
    %dma_start3A_152 = tpu.memref_slice %arg10[%dma_start3A_149, %dma_start3A_150, %dma_start3A_151] : memref<1x32x521xf32, #tpu.memory_space<vmem>> -> memref<1x32x512xf32, #tpu.memory_space<vmem>>
    %dma_start3A_153 = arith.constant 48 : i32
    %dma_start3A_154 = arith.constant 0 : i32
    %dma_start3A_155 = tpu.memref_slice %arg4[%dma_start3A_153, %dma_start3A_154, %multiple_of3A] : memref<50x32x16384xf32, #tpu.memory_space<hbm>> -> memref<1x32x512xf32, #tpu.memory_space<hbm>>
    %dma_start3A_156 = arith.constant 48 : i32
    %dma_start3A_157 = arith.constant 0 : i32
    %dma_start3A_158 = tpu.memref_slice %arg4[%dma_start3A_156, %dma_start3A_157, %multiple_of3A] : memref<50x32x16384xf32, #tpu.memory_space<hbm>> -> memref<1x32x512xf32, #tpu.memory_space<hbm>>
    %dma_start3A_159 = arith.constant 0 : i32
    %dma_start3A_160 = arith.constant 0 : i32
    %dma_start3A_161 = arith.constant 0 : i32
    %dma_start3A_162 = tpu.memref_slice %arg10[%dma_start3A_159, %dma_start3A_160, %dma_start3A_161] : memref<1x32x521xf32, #tpu.memory_space<vmem>> -> memref<1x32x512xf32, #tpu.memory_space<vmem>>
    tpu.enqueue_dma source(%dma_start3A_162 : memref<1x32x512xf32, #tpu.memory_space<vmem>>) target(%dma_start3A_158 : memref<1x32x512xf32, #tpu.memory_space<hbm>>) target_semaphore(%arg15 : memref<!tpu.dma_semaphore, #tpu.memory_space<semaphore_mem>>)
    %dma_wait3A_163 = arith.constant 0 : i32
    %dma_wait3A_164 = arith.constant 0 : i32
    %dma_wait3A_165 = tpu.memref_slice %arg3[%dma_wait3A_163, %dma_wait3A_164] : memref<1000000x32xf32, #tpu.memory_space<hbm>> -> memref<1000000x32xf32, #tpu.memory_space<hbm>>
    tpu.wait_indirect_dma semaphore(%arg14 : memref<!tpu.dma_semaphore, #tpu.memory_space<semaphore_mem>>) src(%dma_wait3A_165 : memref<1000000x32xf32, #tpu.memory_space<hbm>>) dst(%arg9 : memref<512x32xf32, #tpu.memory_space<vmem>>)
    %dma_wait3A_166 = arith.constant 0 : i32
    %dma_wait3A_167 = arith.constant 0 : i32
    %dma_wait3A_168 = arith.constant 0 : i32
    %dma_wait3A_169 = tpu.memref_slice %arg11[%dma_wait3A_166, %dma_wait3A_167, %dma_wait3A_168] : memref<1x32x521xf32, #tpu.memory_space<vmem>> -> memref<1x32x512xf32, #tpu.memory_space<vmem>>
    %dma_wait3A_170 = arith.constant 47 : i32
    %dma_wait3A_171 = arith.constant 0 : i32
    %dma_wait3A_172 = tpu.memref_slice %arg4[%dma_wait3A_170, %dma_wait3A_171, %multiple_of3A] : memref<50x32x16384xf32, #tpu.memory_space<hbm>> -> memref<1x32x512xf32, #tpu.memory_space<hbm>>
    %dma_wait3A_173 = arith.constant 47 : i32
    %dma_wait3A_174 = arith.constant 0 : i32
    %dma_wait3A_175 = tpu.memref_slice %arg4[%dma_wait3A_173, %dma_wait3A_174, %multiple_of3A] : memref<50x32x16384xf32, #tpu.memory_space<hbm>> -> memref<1x32x512xf32, #tpu.memory_space<hbm>>
    %dma_wait3A_176 = arith.constant 0 : i32
    %dma_wait3A_177 = arith.constant 0 : i32
    %dma_wait3A_178 = arith.constant 0 : i32
    %dma_wait3A_179 = tpu.memref_slice %arg11[%dma_wait3A_176, %dma_wait3A_177, %dma_wait3A_178] : memref<1x32x521xf32, #tpu.memory_space<vmem>> -> memref<1x32x512xf32, #tpu.memory_space<vmem>>
    tpu.wait_dma2 semaphore(%arg16 : memref<!tpu.dma_semaphore, #tpu.memory_space<semaphore_mem>>) src(%dma_wait3A_179 : memref<1x32x512xf32, #tpu.memory_space<vmem>>) dst(%dma_wait3A_175 : memref<1x32x512xf32, #tpu.memory_space<hbm>>)
    %scan3A_180 = arith.constant 0 : i32
    %scan3A_181 = arith.constant 0 : i32
    %scan3A_182 = arith.constant 32 : i32
    %scan3A_183 = arith.addi %scan3A_181, %scan3A_182 : i32
    %scan3A_184 = arith.constant 1 : i32
    scf.for %scan3A_228 = %scan3A_181 to %scan3A_183 step %scan3A_184  : i32 {
      %mul3A_229 = arith.constant 16 : i32
      %mul3A_230 = arith.muli %scan3A_228, %mul3A_229 : i32
      %add3A_231 = arith.constant 0 : i32
      %add3A_232 = arith.addi %mul3A_230, %add3A_231 : i32
      %add3A_233 = vector.broadcast %add3A_232 : i32 to vector<16xi32>
      %add3A_234 = arith.addi %mul3A_5, %add3A_233 : vector<16xi32>
      %gather3A = tpu.vector_load_idx %arg9[%add3A_234, %iota3A] : memref<512x32xf32, #tpu.memory_space<vmem>>[vector<16xi32>, vector<16xi32>], vector<16xf32>,
      %gather3A_235 = tpu.vector_load_idx %arg9[%add3A_234, %add3A_8] : memref<512x32xf32, #tpu.memory_space<vmem>>[vector<16xi32>, vector<16xi32>], vector<16xf32>,
      tpu.vector_store_idx %arg11[%mul3A_5, %iota3A, %add3A_234], %gather3A : memref<1x32x521xf32, #tpu.memory_space<vmem>>[vector<16xi32>, vector<16xi32>, vector<16xi32>], vector<16xf32>,
      tpu.vector_store_idx %arg11[%mul3A_5, %add3A_8, %add3A_234], %gather3A_235 : memref<1x32x521xf32, #tpu.memory_space<vmem>>[vector<16xi32>, vector<16xi32>, vector<16xi32>], vector<16xf32>,
      %mul3A_236 = arith.constant 16 : i32
      %mul3A_237 = arith.muli %scan3A_228, %mul3A_236 : i32
      %add3A_238 = arith.constant 1 : i32
      %add3A_239 = arith.addi %mul3A_237, %add3A_238 : i32
      %add3A_240 = vector.broadcast %add3A_239 : i32 to vector<16xi32>
      %add3A_241 = arith.addi %mul3A_5, %add3A_240 : vector<16xi32>
      %gather3A_242 = tpu.vector_load_idx %arg9[%add3A_241, %iota3A] : memref<512x32xf32, #tpu.memory_space<vmem>>[vector<16xi32>, vector<16xi32>], vector<16xf32>,
      %gather3A_243 = tpu.vector_load_idx %arg9[%add3A_241, %add3A_8] : memref<512x32xf32, #tpu.memory_space<vmem>>[vector<16xi32>, vector<16xi32>], vector<16xf32>,
      tpu.vector_store_idx %arg11[%mul3A_5, %iota3A, %add3A_241], %gather3A_242 : memref<1x32x521xf32, #tpu.memory_space<vmem>>[vector<16xi32>, vector<16xi32>, vector<16xi32>], vector<16xf32>,
      tpu.vector_store_idx %arg11[%mul3A_5, %add3A_8, %add3A_241], %gather3A_243 : memref<1x32x521xf32, #tpu.memory_space<vmem>>[vector<16xi32>, vector<16xi32>, vector<16xi32>], vector<16xf32>,
      %mul3A_244 = arith.constant 16 : i32
      %mul3A_245 = arith.muli %scan3A_228, %mul3A_244 : i32
      %add3A_246 = arith.constant 2 : i32
      %add3A_247 = arith.addi %mul3A_245, %add3A_246 : i32
      %add3A_248 = vector.broadcast %add3A_247 : i32 to vector<16xi32>
      %add3A_249 = arith.addi %mul3A_5, %add3A_248 : vector<16xi32>
      %gather3A_250 = tpu.vector_load_idx %arg9[%add3A_249, %iota3A] : memref<512x32xf32, #tpu.memory_space<vmem>>[vector<16xi32>, vector<16xi32>], vector<16xf32>,
      %gather3A_251 = tpu.vector_load_idx %arg9[%add3A_249, %add3A_8] : memref<512x32xf32, #tpu.memory_space<vmem>>[vector<16xi32>, vector<16xi32>], vector<16xf32>,
      tpu.vector_store_idx %arg11[%mul3A_5, %iota3A, %add3A_249], %gather3A_250 : memref<1x32x521xf32, #tpu.memory_space<vmem>>[vector<16xi32>, vector<16xi32>, vector<16xi32>], vector<16xf32>,
      tpu.vector_store_idx %arg11[%mul3A_5, %add3A_8, %add3A_249], %gather3A_251 : memref<1x32x521xf32, #tpu.memory_space<vmem>>[vector<16xi32>, vector<16xi32>, vector<16xi32>], vector<16xf32>,
      %mul3A_252 = arith.constant 16 : i32
      %mul3A_253 = arith.muli %scan3A_228, %mul3A_252 : i32
      %add3A_254 = arith.constant 3 : i32
      %add3A_255 = arith.addi %mul3A_253, %add3A_254 : i32
      %add3A_256 = vector.broadcast %add3A_255 : i32 to vector<16xi32>
      %add3A_257 = arith.addi %mul3A_5, %add3A_256 : vector<16xi32>
      %gather3A_258 = tpu.vector_load_idx %arg9[%add3A_257, %iota3A] : memref<512x32xf32, #tpu.memory_space<vmem>>[vector<16xi32>, vector<16xi32>], vector<16xf32>,
      %gather3A_259 = tpu.vector_load_idx %arg9[%add3A_257, %add3A_8] : memref<512x32xf32, #tpu.memory_space<vmem>>[vector<16xi32>, vector<16xi32>], vector<16xf32>,
      tpu.vector_store_idx %arg11[%mul3A_5, %iota3A, %add3A_257], %gather3A_258 : memref<1x32x521xf32, #tpu.memory_space<vmem>>[vector<16xi32>, vector<16xi32>, vector<16xi32>], vector<16xf32>,
      tpu.vector_store_idx %arg11[%mul3A_5, %add3A_8, %add3A_257], %gather3A_259 : memref<1x32x521xf32, #tpu.memory_space<vmem>>[vector<16xi32>, vector<16xi32>, vector<16xi32>], vector<16xf32>,
      %mul3A_260 = arith.constant 16 : i32
      %mul3A_261 = arith.muli %scan3A_228, %mul3A_260 : i32
      %add3A_262 = arith.constant 4 : i32
      %add3A_263 = arith.addi %mul3A_261, %add3A_262 : i32
      %add3A_264 = vector.broadcast %add3A_263 : i32 to vector<16xi32>
      %add3A_265 = arith.addi %mul3A_5, %add3A_264 : vector<16xi32>
      %gather3A_266 = tpu.vector_load_idx %arg9[%add3A_265, %iota3A] : memref<512x32xf32, #tpu.memory_space<vmem>>[vector<16xi32>, vector<16xi32>], vector<16xf32>,
      %gather3A_267 = tpu.vector_load_idx %arg9[%add3A_265, %add3A_8] : memref<512x32xf32, #tpu.memory_space<vmem>>[vector<16xi32>, vector<16xi32>], vector<16xf32>,
      tpu.vector_store_idx %arg11[%mul3A_5, %iota3A, %add3A_265], %gather3A_266 : memref<1x32x521xf32, #tpu.memory_space<vmem>>[vector<16xi32>, vector<16xi32>, vector<16xi32>], vector<16xf32>,
      tpu.vector_store_idx %arg11[%mul3A_5, %add3A_8, %add3A_265], %gather3A_267 : memref<1x32x521xf32, #tpu.memory_space<vmem>>[vector<16xi32>, vector<16xi32>, vector<16xi32>], vector<16xf32>,
      %mul3A_268 = arith.constant 16 : i32
      %mul3A_269 = arith.muli %scan3A_228, %mul3A_268 : i32
      %add3A_270 = arith.constant 5 : i32
      %add3A_271 = arith.addi %mul3A_269, %add3A_270 : i32
      %add3A_272 = vector.broadcast %add3A_271 : i32 to vector<16xi32>
      %add3A_273 = arith.addi %mul3A_5, %add3A_272 : vector<16xi32>
      %gather3A_274 = tpu.vector_load_idx %arg9[%add3A_273, %iota3A] : memref<512x32xf32, #tpu.memory_space<vmem>>[vector<16xi32>, vector<16xi32>], vector<16xf32>,
      %gather3A_275 = tpu.vector_load_idx %arg9[%add3A_273, %add3A_8] : memref<512x32xf32, #tpu.memory_space<vmem>>[vector<16xi32>, vector<16xi32>], vector<16xf32>,
      tpu.vector_store_idx %arg11[%mul3A_5, %iota3A, %add3A_273], %gather3A_274 : memref<1x32x521xf32, #tpu.memory_space<vmem>>[vector<16xi32>, vector<16xi32>, vector<16xi32>], vector<16xf32>,
      tpu.vector_store_idx %arg11[%mul3A_5, %add3A_8, %add3A_273], %gather3A_275 : memref<1x32x521xf32, #tpu.memory_space<vmem>>[vector<16xi32>, vector<16xi32>, vector<16xi32>], vector<16xf32>,
      %mul3A_276 = arith.constant 16 : i32
      %mul3A_277 = arith.muli %scan3A_228, %mul3A_276 : i32
      %add3A_278 = arith.constant 6 : i32
      %add3A_279 = arith.addi %mul3A_277, %add3A_278 : i32
      %add3A_280 = vector.broadcast %add3A_279 : i32 to vector<16xi32>
      %add3A_281 = arith.addi %mul3A_5, %add3A_280 : vector<16xi32>
      %gather3A_282 = tpu.vector_load_idx %arg9[%add3A_281, %iota3A] : memref<512x32xf32, #tpu.memory_space<vmem>>[vector<16xi32>, vector<16xi32>], vector<16xf32>,
      %gather3A_283 = tpu.vector_load_idx %arg9[%add3A_281, %add3A_8] : memref<512x32xf32, #tpu.memory_space<vmem>>[vector<16xi32>, vector<16xi32>], vector<16xf32>,
      tpu.vector_store_idx %arg11[%mul3A_5, %iota3A, %add3A_281], %gather3A_282 : memref<1x32x521xf32, #tpu.memory_space<vmem>>[vector<16xi32>, vector<16xi32>, vector<16xi32>], vector<16xf32>,
      tpu.vector_store_idx %arg11[%mul3A_5, %add3A_8, %add3A_281], %gather3A_283 : memref<1x32x521xf32, #tpu.memory_space<vmem>>[vector<16xi32>, vector<16xi32>, vector<16xi32>], vector<16xf32>,
      %mul3A_284 = arith.constant 16 : i32
      %mul3A_285 = arith.muli %scan3A_228, %mul3A_284 : i32
      %add3A_286 = arith.constant 7 : i32
      %add3A_287 = arith.addi %mul3A_285, %add3A_286 : i32
      %add3A_288 = vector.broadcast %add3A_287 : i32 to vector<16xi32>
      %add3A_289 = arith.addi %mul3A_5, %add3A_288 : vector<16xi32>
      %gather3A_290 = tpu.vector_load_idx %arg9[%add3A_289, %iota3A] : memref<512x32xf32, #tpu.memory_space<vmem>>[vector<16xi32>, vector<16xi32>], vector<16xf32>,
      %gather3A_291 = tpu.vector_load_idx %arg9[%add3A_289, %add3A_8] : memref<512x32xf32, #tpu.memory_space<vmem>>[vector<16xi32>, vector<16xi32>], vector<16xf32>,
      tpu.vector_store_idx %arg11[%mul3A_5, %iota3A, %add3A_289], %gather3A_290 : memref<1x32x521xf32, #tpu.memory_space<vmem>>[vector<16xi32>, vector<16xi32>, vector<16xi32>], vector<16xf32>,
      tpu.vector_store_idx %arg11[%mul3A_5, %add3A_8, %add3A_289], %gather3A_291 : memref<1x32x521xf32, #tpu.memory_space<vmem>>[vector<16xi32>, vector<16xi32>, vector<16xi32>], vector<16xf32>,
      %mul3A_292 = arith.constant 16 : i32
      %mul3A_293 = arith.muli %scan3A_228, %mul3A_292 : i32
      %add3A_294 = arith.constant 8 : i32
      %add3A_295 = arith.addi %mul3A_293, %add3A_294 : i32
      %add3A_296 = vector.broadcast %add3A_295 : i32 to vector<16xi32>
      %add3A_297 = arith.addi %mul3A_5, %add3A_296 : vector<16xi32>
      %gather3A_298 = tpu.vector_load_idx %arg9[%add3A_297, %iota3A] : memref<512x32xf32, #tpu.memory_space<vmem>>[vector<16xi32>, vector<16xi32>], vector<16xf32>,
      %gather3A_299 = tpu.vector_load_idx %arg9[%add3A_297, %add3A_8] : memref<512x32xf32, #tpu.memory_space<vmem>>[vector<16xi32>, vector<16xi32>], vector<16xf32>,
      tpu.vector_store_idx %arg11[%mul3A_5, %iota3A, %add3A_297], %gather3A_298 : memref<1x32x521xf32, #tpu.memory_space<vmem>>[vector<16xi32>, vector<16xi32>, vector<16xi32>], vector<16xf32>,
      tpu.vector_store_idx %arg11[%mul3A_5, %add3A_8, %add3A_297], %gather3A_299 : memref<1x32x521xf32, #tpu.memory_space<vmem>>[vector<16xi32>, vector<16xi32>, vector<16xi32>], vector<16xf32>,
      %mul3A_300 = arith.constant 16 : i32
      %mul3A_301 = arith.muli %scan3A_228, %mul3A_300 : i32
      %add3A_302 = arith.constant 9 : i32
      %add3A_303 = arith.addi %mul3A_301, %add3A_302 : i32
      %add3A_304 = vector.broadcast %add3A_303 : i32 to vector<16xi32>
      %add3A_305 = arith.addi %mul3A_5, %add3A_304 : vector<16xi32>
      %gather3A_306 = tpu.vector_load_idx %arg9[%add3A_305, %iota3A] : memref<512x32xf32, #tpu.memory_space<vmem>>[vector<16xi32>, vector<16xi32>], vector<16xf32>,
      %gather3A_307 = tpu.vector_load_idx %arg9[%add3A_305, %add3A_8] : memref<512x32xf32, #tpu.memory_space<vmem>>[vector<16xi32>, vector<16xi32>], vector<16xf32>,
      tpu.vector_store_idx %arg11[%mul3A_5, %iota3A, %add3A_305], %gather3A_306 : memref<1x32x521xf32, #tpu.memory_space<vmem>>[vector<16xi32>, vector<16xi32>, vector<16xi32>], vector<16xf32>,
      tpu.vector_store_idx %arg11[%mul3A_5, %add3A_8, %add3A_305], %gather3A_307 : memref<1x32x521xf32, #tpu.memory_space<vmem>>[vector<16xi32>, vector<16xi32>, vector<16xi32>], vector<16xf32>,
      %mul3A_308 = arith.constant 16 : i32
      %mul3A_309 = arith.muli %scan3A_228, %mul3A_308 : i32
      %add3A_310 = arith.constant 10 : i32
      %add3A_311 = arith.addi %mul3A_309, %add3A_310 : i32
      %add3A_312 = vector.broadcast %add3A_311 : i32 to vector<16xi32>
      %add3A_313 = arith.addi %mul3A_5, %add3A_312 : vector<16xi32>
      %gather3A_314 = tpu.vector_load_idx %arg9[%add3A_313, %iota3A] : memref<512x32xf32, #tpu.memory_space<vmem>>[vector<16xi32>, vector<16xi32>], vector<16xf32>,
      %gather3A_315 = tpu.vector_load_idx %arg9[%add3A_313, %add3A_8] : memref<512x32xf32, #tpu.memory_space<vmem>>[vector<16xi32>, vector<16xi32>], vector<16xf32>,
      tpu.vector_store_idx %arg11[%mul3A_5, %iota3A, %add3A_313], %gather3A_314 : memref<1x32x521xf32, #tpu.memory_space<vmem>>[vector<16xi32>, vector<16xi32>, vector<16xi32>], vector<16xf32>,
      tpu.vector_store_idx %arg11[%mul3A_5, %add3A_8, %add3A_313], %gather3A_315 : memref<1x32x521xf32, #tpu.memory_space<vmem>>[vector<16xi32>, vector<16xi32>, vector<16xi32>], vector<16xf32>,
      %mul3A_316 = arith.constant 16 : i32
      %mul3A_317 = arith.muli %scan3A_228, %mul3A_316 : i32
      %add3A_318 = arith.constant 11 : i32
      %add3A_319 = arith.addi %mul3A_317, %add3A_318 : i32
      %add3A_320 = vector.broadcast %add3A_319 : i32 to vector<16xi32>
      %add3A_321 = arith.addi %mul3A_5, %add3A_320 : vector<16xi32>
      %gather3A_322 = tpu.vector_load_idx %arg9[%add3A_321, %iota3A] : memref<512x32xf32, #tpu.memory_space<vmem>>[vector<16xi32>, vector<16xi32>], vector<16xf32>,
      %gather3A_323 = tpu.vector_load_idx %arg9[%add3A_321, %add3A_8] : memref<512x32xf32, #tpu.memory_space<vmem>>[vector<16xi32>, vector<16xi32>], vector<16xf32>,
      tpu.vector_store_idx %arg11[%mul3A_5, %iota3A, %add3A_321], %gather3A_322 : memref<1x32x521xf32, #tpu.memory_space<vmem>>[vector<16xi32>, vector<16xi32>, vector<16xi32>], vector<16xf32>,
      tpu.vector_store_idx %arg11[%mul3A_5, %add3A_8, %add3A_321], %gather3A_323 : memref<1x32x521xf32, #tpu.memory_space<vmem>>[vector<16xi32>, vector<16xi32>, vector<16xi32>], vector<16xf32>,
      %mul3A_324 = arith.constant 16 : i32
      %mul3A_325 = arith.muli %scan3A_228, %mul3A_324 : i32
      %add3A_326 = arith.constant 12 : i32
      %add3A_327 = arith.addi %mul3A_325, %add3A_326 : i32
      %add3A_328 = vector.broadcast %add3A_327 : i32 to vector<16xi32>
      %add3A_329 = arith.addi %mul3A_5, %add3A_328 : vector<16xi32>
      %gather3A_330 = tpu.vector_load_idx %arg9[%add3A_329, %iota3A] : memref<512x32xf32, #tpu.memory_space<vmem>>[vector<16xi32>, vector<16xi32>], vector<16xf32>,
      %gather3A_331 = tpu.vector_load_idx %arg9[%add3A_329, %add3A_8] : memref<512x32xf32, #tpu.memory_space<vmem>>[vector<16xi32>, vector<16xi32>], vector<16xf32>,
      tpu.vector_store_idx %arg11[%mul3A_5, %iota3A, %add3A_329], %gather3A_330 : memref<1x32x521xf32, #tpu.memory_space<vmem>>[vector<16xi32>, vector<16xi32>, vector<16xi32>], vector<16xf32>,
      tpu.vector_store_idx %arg11[%mul3A_5, %add3A_8, %add3A_329], %gather3A_331 : memref<1x32x521xf32, #tpu.memory_space<vmem>>[vector<16xi32>, vector<16xi32>, vector<16xi32>], vector<16xf32>,
      %mul3A_332 = arith.constant 16 : i32
      %mul3A_333 = arith.muli %scan3A_228, %mul3A_332 : i32
      %add3A_334 = arith.constant 13 : i32
      %add3A_335 = arith.addi %mul3A_333, %add3A_334 : i32
      %add3A_336 = vector.broadcast %add3A_335 : i32 to vector<16xi32>
      %add3A_337 = arith.addi %mul3A_5, %add3A_336 : vector<16xi32>
      %gather3A_338 = tpu.vector_load_idx %arg9[%add3A_337, %iota3A] : memref<512x32xf32, #tpu.memory_space<vmem>>[vector<16xi32>, vector<16xi32>], vector<16xf32>,
      %gather3A_339 = tpu.vector_load_idx %arg9[%add3A_337, %add3A_8] : memref<512x32xf32, #tpu.memory_space<vmem>>[vector<16xi32>, vector<16xi32>], vector<16xf32>,
      tpu.vector_store_idx %arg11[%mul3A_5, %iota3A, %add3A_337], %gather3A_338 : memref<1x32x521xf32, #tpu.memory_space<vmem>>[vector<16xi32>, vector<16xi32>, vector<16xi32>], vector<16xf32>,
      tpu.vector_store_idx %arg11[%mul3A_5, %add3A_8, %add3A_337], %gather3A_339 : memref<1x32x521xf32, #tpu.memory_space<vmem>>[vector<16xi32>, vector<16xi32>, vector<16xi32>], vector<16xf32>,
      %mul3A_340 = arith.constant 16 : i32
      %mul3A_341 = arith.muli %scan3A_228, %mul3A_340 : i32
      %add3A_342 = arith.constant 14 : i32
      %add3A_343 = arith.addi %mul3A_341, %add3A_342 : i32
      %add3A_344 = vector.broadcast %add3A_343 : i32 to vector<16xi32>
      %add3A_345 = arith.addi %mul3A_5, %add3A_344 : vector<16xi32>
      %gather3A_346 = tpu.vector_load_idx %arg9[%add3A_345, %iota3A] : memref<512x32xf32, #tpu.memory_space<vmem>>[vector<16xi32>, vector<16xi32>], vector<16xf32>,
      %gather3A_347 = tpu.vector_load_idx %arg9[%add3A_345, %add3A_8] : memref<512x32xf32, #tpu.memory_space<vmem>>[vector<16xi32>, vector<16xi32>], vector<16xf32>,
      tpu.vector_store_idx %arg11[%mul3A_5, %iota3A, %add3A_345], %gather3A_346 : memref<1x32x521xf32, #tpu.memory_space<vmem>>[vector<16xi32>, vector<16xi32>, vector<16xi32>], vector<16xf32>,
      tpu.vector_store_idx %arg11[%mul3A_5, %add3A_8, %add3A_345], %gather3A_347 : memref<1x32x521xf32, #tpu.memory_space<vmem>>[vector<16xi32>, vector<16xi32>, vector<16xi32>], vector<16xf32>,
      %mul3A_348 = arith.constant 16 : i32
      %mul3A_349 = arith.muli %scan3A_228, %mul3A_348 : i32
      %add3A_350 = arith.constant 15 : i32
      %add3A_351 = arith.addi %mul3A_349, %add3A_350 : i32
      %add3A_352 = vector.broadcast %add3A_351 : i32 to vector<16xi32>
      %add3A_353 = arith.addi %mul3A_5, %add3A_352 : vector<16xi32>
      %gather3A_354 = tpu.vector_load_idx %arg9[%add3A_353, %iota3A] : memref<512x32xf32, #tpu.memory_space<vmem>>[vector<16xi32>, vector<16xi32>], vector<16xf32>,
      %gather3A_355 = tpu.vector_load_idx %arg9[%add3A_353, %add3A_8] : memref<512x32xf32, #tpu.memory_space<vmem>>[vector<16xi32>, vector<16xi32>], vector<16xf32>,
      tpu.vector_store_idx %arg11[%mul3A_5, %iota3A, %add3A_353], %gather3A_354 : memref<1x32x521xf32, #tpu.memory_space<vmem>>[vector<16xi32>, vector<16xi32>, vector<16xi32>], vector<16xf32>,
      tpu.vector_store_idx %arg11[%mul3A_5, %add3A_8, %add3A_353], %gather3A_355 : memref<1x32x521xf32, #tpu.memory_space<vmem>>[vector<16xi32>, vector<16xi32>, vector<16xi32>], vector<16xf32>,
    }
    %scan3A_185 = arith.constant 32 : i32
    %dma_start3A_186 = arith.constant 0 : i32
    %dma_start3A_187 = arith.constant 0 : i32
    %dma_start3A_188 = arith.constant 0 : i32
    %dma_start3A_189 = tpu.memref_slice %arg11[%dma_start3A_186, %dma_start3A_187, %dma_start3A_188] : memref<1x32x521xf32, #tpu.memory_space<vmem>> -> memref<1x32x512xf32, #tpu.memory_space<vmem>>
    %dma_start3A_190 = arith.constant 49 : i32
    %dma_start3A_191 = arith.constant 0 : i32
    %dma_start3A_192 = tpu.memref_slice %arg4[%dma_start3A_190, %dma_start3A_191, %multiple_of3A] : memref<50x32x16384xf32, #tpu.memory_space<hbm>> -> memref<1x32x512xf32, #tpu.memory_space<hbm>>
    %dma_start3A_193 = arith.constant 49 : i32
    %dma_start3A_194 = arith.constant 0 : i32
    %dma_start3A_195 = tpu.memref_slice %arg4[%dma_start3A_193, %dma_start3A_194, %multiple_of3A] : memref<50x32x16384xf32, #tpu.memory_space<hbm>> -> memref<1x32x512xf32, #tpu.memory_space<hbm>>
    %dma_start3A_196 = arith.constant 0 : i32
    %dma_start3A_197 = arith.constant 0 : i32
    %dma_start3A_198 = arith.constant 0 : i32
    %dma_start3A_199 = tpu.memref_slice %arg11[%dma_start3A_196, %dma_start3A_197, %dma_start3A_198] : memref<1x32x521xf32, #tpu.memory_space<vmem>> -> memref<1x32x512xf32, #tpu.memory_space<vmem>>
    tpu.enqueue_dma source(%dma_start3A_199 : memref<1x32x512xf32, #tpu.memory_space<vmem>>) target(%dma_start3A_195 : memref<1x32x512xf32, #tpu.memory_space<hbm>>) target_semaphore(%arg16 : memref<!tpu.dma_semaphore, #tpu.memory_space<semaphore_mem>>)
    %dma_wait3A_200 = arith.constant 0 : i32
    %dma_wait3A_201 = arith.constant 0 : i32
    %dma_wait3A_202 = arith.constant 0 : i32
    %dma_wait3A_203 = tpu.memref_slice %arg10[%dma_wait3A_200, %dma_wait3A_201, %dma_wait3A_202] : memref<1x32x521xf32, #tpu.memory_space<vmem>> -> memref<1x32x512xf32, #tpu.memory_space<vmem>>
    %dma_wait3A_204 = arith.constant 48 : i32
    %dma_wait3A_205 = arith.constant 0 : i32
    %dma_wait3A_206 = tpu.memref_slice %arg4[%dma_wait3A_204, %dma_wait3A_205, %multiple_of3A] : memref<50x32x16384xf32, #tpu.memory_space<hbm>> -> memref<1x32x512xf32, #tpu.memory_space<hbm>>
    %dma_wait3A_207 = arith.constant 48 : i32
    %dma_wait3A_208 = arith.constant 0 : i32
    %dma_wait3A_209 = tpu.memref_slice %arg4[%dma_wait3A_207, %dma_wait3A_208, %multiple_of3A] : memref<50x32x16384xf32, #tpu.memory_space<hbm>> -> memref<1x32x512xf32, #tpu.memory_space<hbm>>
    %dma_wait3A_210 = arith.constant 0 : i32
    %dma_wait3A_211 = arith.constant 0 : i32
    %dma_wait3A_212 = arith.constant 0 : i32
    %dma_wait3A_213 = tpu.memref_slice %arg10[%dma_wait3A_210, %dma_wait3A_211, %dma_wait3A_212] : memref<1x32x521xf32, #tpu.memory_space<vmem>> -> memref<1x32x512xf32, #tpu.memory_space<vmem>>
    tpu.wait_dma2 semaphore(%arg15 : memref<!tpu.dma_semaphore, #tpu.memory_space<semaphore_mem>>) src(%dma_wait3A_213 : memref<1x32x512xf32, #tpu.memory_space<vmem>>) dst(%dma_wait3A_209 : memref<1x32x512xf32, #tpu.memory_space<hbm>>)
    %dma_wait3A_214 = arith.constant 0 : i32
    %dma_wait3A_215 = arith.constant 0 : i32
    %dma_wait3A_216 = arith.constant 0 : i32
    %dma_wait3A_217 = tpu.memref_slice %arg11[%dma_wait3A_214, %dma_wait3A_215, %dma_wait3A_216] : memref<1x32x521xf32, #tpu.memory_space<vmem>> -> memref<1x32x512xf32, #tpu.memory_space<vmem>>
    %dma_wait3A_218 = arith.constant 49 : i32
    %dma_wait3A_219 = arith.constant 0 : i32
    %dma_wait3A_220 = tpu.memref_slice %arg4[%dma_wait3A_218, %dma_wait3A_219, %multiple_of3A] : memref<50x32x16384xf32, #tpu.memory_space<hbm>> -> memref<1x32x512xf32, #tpu.memory_space<hbm>>
    %dma_wait3A_221 = arith.constant 49 : i32
    %dma_wait3A_222 = arith.constant 0 : i32
    %dma_wait3A_223 = tpu.memref_slice %arg4[%dma_wait3A_221, %dma_wait3A_222, %multiple_of3A] : memref<50x32x16384xf32, #tpu.memory_space<hbm>> -> memref<1x32x512xf32, #tpu.memory_space<hbm>>
    %dma_wait3A_224 = arith.constant 0 : i32
    %dma_wait3A_225 = arith.constant 0 : i32
    %dma_wait3A_226 = arith.constant 0 : i32
    %dma_wait3A_227 = tpu.memref_slice %arg11[%dma_wait3A_224, %dma_wait3A_225, %dma_wait3A_226] : memref<1x32x521xf32, #tpu.memory_space<vmem>> -> memref<1x32x512xf32, #tpu.memory_space<vmem>>
    tpu.wait_dma2 semaphore(%arg16 : memref<!tpu.dma_semaphore, #tpu.memory_space<semaphore_mem>>) src(%dma_wait3A_227 : memref<1x32x512xf32, #tpu.memory_space<vmem>>) dst(%dma_wait3A_223 : memref<1x32x512xf32, #tpu.memory_space<hbm>>)
    return
  }
}

</mosaic_0001>

<sc_bundles>
// kernel: _gather_rows.3.cloned.1.call-start
scs
__scs_entry_jumppad:
0x0: {  	(pc) =	sbr.rel $0x88, $3  }
0x1: {  	(tag) =	ssettag $0x0;
	lr =	simm.s32 $0x1  }
0x2: {  	[smem:$0x3F9F] =	sst lr;
	_ =	strace $0xD0000000  }
0x3: {  	_ = 	snop  }
0x4: {  	_ = 	snop  }
0x5: {  	_ = 	snop  }
0x6: {  	_ = 	snop  }
0x7: {  	_ = 	snop  }
__scs_overlays_trampoline_lowered:
0x8: {  	[smem:$0x3FAE] =	sst s0  }
0x9: {  	[smem:$0x3FAF] =	sst s1  }
0xa: {  	[smem:$0x3FB0] =	sst s2  }
0xb: {  	[smem:$0x3FB1] =	sst s3  }
0xc: {  	[smem:$0x3FB2] =	sst s4  }
0xd: {  	[smem:$0x3FB3] =	sst s5  }
0xe: {  	[smem:$0x3FB4] =	sst s6  }
0xf: {  	[smem:$0x3FB5] =	sst s7  }
0x10: {  	[smem:$0x3FB6] =	sst s8  }
0x11: {  	[smem:$0x3FB7] =	sst s9;
	s0 =	simm.s32 @!p0 $0x0  }
0x12: {  	s1 =	sld [smem:$0x3F9D];
	s0 =	simm.s32 @p0 $0x1  }
0x13: {  	[smem:$0x3FB8] =	sst s0;
	s0 =	simm.s32 @!p1 $0x0  }
0x14: {  	s2 =	sld [smem:$0x3F9C];
	s0 =	simm.s32 @p1 $0x1  }
0x15: {  	[smem:$0x3FB9] =	sst s0;
	s0 =	simm.s32 @!p2 $0x0  }
0x16: {  	s3 =	sld [smem:$0x3FDB];
	s0 =	simm.s32 @p2 $0x1  }
0x17: {  	s4 =	simm.s32 $0x1BF5;
	[smem:$0x3FBB] =	sst s0  }
0x18: {  	s0 =	sld [smem:$0x3F9E];
	_ =	swait.ge [sflag:s4], $0x0  }
0x19: {  	s7 =	sld [smem:$0x3F9F]  }
0x1a: {  	s8 =	sadd.s32 $0xFFFFE003, lr  }
0x1b: {  	s9 =	sadd.s32 $0xFFFFFEF7, lr;
	s5 =	simm.s32 $0xFFFFFFFF;
	p2 =	slt.u32 s8, $0xFFFFF086  }
0x1c: {  	p1 =	slt.u32 s9, $0xF7A;
	s5 =	simm.s32 @!p2 $0x0  }
0x1d: {  	s5 =	simm.s32 @p1 $0x1;
	p0 =	seq.s32 s7, s2  }
0x1e: {  	s7 =	smul.u32 @!p0 $0xF7A, s2;
	p2 =	seq.s32 @!p0 s5, $0x0  }
0x1f: {  	s9 =	smul.u32 $0xF7A, s1;
	s8 =	simm.s32 @!p0 $0x1BF5;
	p2 =	por !p2, p0  }
0x20: {  	[sflag:s8] =	ssyncset.s32 @!p0 $0xFFFFF086;
	s6 =	sadd.s32 @!p0 s3, s7;
	s7 =	simm.s32 @!p0 $0x108  }
0x21: {  	s3 =	sadd.s32 s3, s9;
	s6 =	sadd.s32 @!p0 $0x88, s6;
	s7 =	simm.s32 @p2 $0x1082  }
0x22: {  	[simem:s7], [sflag:s8] =	dma.local @!p0 [hbm:s6], $0xF7A  }
0x23: {  	s9 =	sor.u32 $0xD0000000, s2;
	s6 =	simm.s32 $0x108;
	_ =	swait.ge @!p0 [sflag:s8], $0x0  }
0x24: {  	s3 =	sadd.s32 $0x88, s3;
	s6 =	simm.s32 @!p1 $0x1082;
	[sflag:s4] =	ssyncset.s32 $0xFFFFF086  }
0x25: {  	[simem:s6], [sflag:s4] =	dma.local [hbm:s3], $0xF7A  }
0x26: {  	[smem:$0x3F9F] =	sst s1;
	(tag) =	ssettag s2;
	_ =	strace s9  }
0x27: {  	s1 =	sld [smem:$0x3FAF]  }
0x28: {  	s2 =	sld [smem:$0x3FB0]  }
0x29: {  	s4 =	sld [smem:$0x3FB2]  }
0x2a: {  	p0 =	seq.s32 s5, $0x0;
	s5 =	sld [smem:$0x3FB3]  }
0x2b: {  	s6 =	sld [smem:$0x3FB4]  }
0x2c: {  	s7 =	sld [smem:$0x3FB5]  }
0x2d: {  	s3 =	simm.s32 $0x108;
	s8 =	sld [smem:$0x3FB6]  }
0x2e: {  	s3 =	simm.s32 @!p0 $0x1082;
	s9 =	sld [smem:$0x3FB7]  }
0x2f: {  	lr =	sadd.s32 s0, s3;
	s0 =	sld [smem:$0x3FAE]  }
0x30: {  	s3 =	sld [smem:$0x3FB1]  }
0x31: {  	[smem:$0x3FBA] =	sst s10  }
0x32: {  	s10 =	sld [smem:$0x3FB8];
	_ =	sdelay $0x3  }
0x33: {  	p0 =	seq.s32 s10, $0x1;
	s10 =	sld [smem:$0x3FBA];
	_ =	sdelay $0x3  }
0x34: {  	[smem:$0x3FBA] =	sst s10  }
0x35: {  	s10 =	sld [smem:$0x3FB9];
	_ =	sdelay $0x3  }
0x36: {  	p1 =	seq.s32 s10, $0x1;
	s10 =	sld [smem:$0x3FBA];
	_ =	sdelay $0x3  }
0x37: {  	[smem:$0x3FBA] =	sst s10  }
0x38: {  	s10 =	sld [smem:$0x3FBB]  }
0x39: {  	_ = 	snop;
	(pc) =	sbr.ind lr, $3  }
0x3a: {  	_ = 	snop  }
0x3b: {  	_ = 	snop  }
0x3c: {  	p2 =	seq.s32 s10, $0x1;
	s10 =	sld [smem:$0x3FBA]  }
0x3d: {  	_ =	shalt  }
0x3e: {  	_ =	shalt  }
0x3f: {  	_ =	shalt  }
0x40: {  	_ =	shalt  }
0x41: {  	_ =	shalt  }
0x42: {  	_ =	shalt  }
0x43: {  	_ =	shalt  }
0x44: {  	_ =	shalt  }
0x45: {  	_ =	shalt  }
0x46: {  	_ =	shalt  }
0x47: {  	_ =	shalt  }
0x48: {  	_ =	shalt  }
0x49: {  	_ =	shalt  }
0x4a: {  	_ =	shalt  }
0x4b: {  	_ =	shalt  }
0x4c: {  	_ =	shalt  }
0x4d: {  	_ =	shalt  }
0x4e: {  	_ =	shalt  }
0x4f: {  	_ =	shalt  }
0x50: {  	_ =	shalt  }
0x51: {  	_ =	shalt  }
0x52: {  	_ =	shalt  }
0x53: {  	_ =	shalt  }
0x54: {  	_ =	shalt  }
0x55: {  	_ =	shalt  }
0x56: {  	_ =	shalt  }
0x57: {  	_ =	shalt  }
0x58: {  	_ =	shalt  }
0x59: {  	_ =	shalt  }
0x5a: {  	_ =	shalt  }
0x5b: {  	_ =	shalt  }
0x5c: {  	_ =	shalt  }
0x5d: {  	_ =	shalt  }
0x5e: {  	_ =	shalt  }
0x5f: {  	_ =	shalt  }
0x60: {  	_ =	shalt  }
0x61: {  	_ =	shalt  }
0x62: {  	_ =	shalt  }
0x63: {  	_ =	shalt  }
0x64: {  	_ =	shalt  }
0x65: {  	_ =	shalt  }
0x66: {  	_ =	shalt  }
0x67: {  	_ =	shalt  }
0x68: {  	_ =	shalt  }
0x69: {  	_ =	shalt  }
0x6a: {  	_ =	shalt  }
0x6b: {  	_ =	shalt  }
0x6c: {  	_ =	shalt  }
0x6d: {  	_ =	shalt  }
0x6e: {  	_ =	shalt  }
0x6f: {  	_ =	shalt  }
0x70: {  	_ =	shalt  }
0x71: {  	_ =	shalt  }
0x72: {  	_ =	shalt  }
0x73: {  	_ =	shalt  }
0x74: {  	_ =	shalt  }
0x75: {  	_ =	shalt  }
0x76: {  	_ =	shalt  }
0x77: {  	_ =	shalt  }
0x78: {  	_ =	shalt  }
0x79: {  	_ =	shalt  }
0x7a: {  	_ =	shalt  }
0x7b: {  	_ =	shalt  }
0x7c: {  	_ =	shalt  }
0x7d: {  	_ =	shalt  }
0x7e: {  	_ =	shalt  }
0x7f: {  	_ =	shalt  }
0x80: {  	_ =	shalt  }
0x81: {  	_ =	shalt  }
0x82: {  	_ =	shalt  }
0x83: {  	_ =	shalt  }
0x84: {  	_ =	shalt  }
0x85: {  	_ =	shalt  }
0x86: {  	_ =	shalt  }
0x87: {  	_ =	shalt  }
.Lfunc_end0:
.L_simem_size_0:
called_computation_lowered:
.L_overlay_start_0:
0x88: {  	s2 =	sld [smem:$0x3FD9]  }
0x89: {  	s3 =	sld [smem:$0x3FFE];
	_ =	sdelay $0x1  }
0x8a: {  	s1 =	srdreg.scid  }
0x8b: {  	s0 =	sand.u32 $0x1, s1  }
0x8c: {  	s17 =	sshll.u32 s0, $0xA;
	s2 =	sadd.s32 s3, s2  }
0x8d: {  	s2 =	sadd.s32 s2, s17  }
0x8e: {  	[smem:$0x3FC6] =	sst s2  }
0x8f: {  	_ = 	snop  }
0x90: {  	s2 =	sld [smem:$0x3FD0];
	(tm) =	ssettm $0x1  }
0x91: {  	s18 =	sld [smem:$0x3FFB];
	_ =	sdelay $0x3  }
0x92: {  	_ =	strace s18  }
0x93: {  	s3 =	sld [smem:$0x3FFC];
	_ =	sdelay $0x3  }
0x94: {  	_ =	strace s3  }
0x95: {  	s3 =	sld [smem:$0x3FFD];
	_ =	sdelay $0x3  }
0x96: {  	_ =	strace s3  }
0x97: {  	_ =	strace $0x8FFFFFFF  }
0x98: {  	s19 =	sld [smem:$0x3FDB];
	_ =	sdelay $0x1  }
0x99: {  	s4 =	simm.s32 $_scs_section_size  }
0x9a: {  	s5 =	simm.s32 $_size__tile_overlayer_lowered;
	s6 =	simm.s32 $_tile_overlayer_lowered  }
0x9b: {  	s22 =	simm.s32 $0x1BFF;
	s21 =	sshll.u32 s6, $0x1;
	s3 =	sadd.s32 s4, s19  }
0x9c: {  	s7 =	simm.s32 $0x0;
	s20 =	sshll.u32 s5, $0x1;
	s5 =	sadd.s32 s21, s3  }
0x9d: {  	[timem:s7], [sflag:s22] =	dma.local [hbm:s5], s20  }
0x9e: {  	_ =	swait.ge [sflag:s22], s20  }
0x9f: {  	s4 =	ssub.s32 $0x0, s20;
	[sflag:s22] =	ssyncset.done $0x0  }
0xa0: {  	[sflag:s22] =	ssyncadd.s32 s4;
	_ =	sdelay $0x1  }
0xa1: {  	s23 =	simm.s32 $0x1B8B  }
0xa2: {  	_ =	swait.ge [sflag:s23], $0x1  }
0xa3: {  	[sflag:s23] =	ssyncset.done $0x0  }
0xa4: {  	s25 =	simm.s32 $0x1B8E;
	s24 =	sld [smem:$0x3FFE];
	[sflag:s23] =	ssyncadd.s32 $0xFFFFFFFF  }
0xa5: {  	s26 =	simm.s32 $execute0_lowered;
	[smem:$0x3FD2] =	sst s25  }
0xa6: {  	s5 =	sshll.u32 s26, $0x1;
	_ =	strace $0x80000046;
	[dreg:$0x1] =	wrdreg $0xFFFFFFFF  }
0xa7: {  	s28 =	simm.s32 $_size_execute0_lowered;
	s3 =	sadd.s32 s3, s5;
	[dreg:$0x0] =	wrdreg $0x0  }
0xa8: {  	s5 =	sshll.u32 s28, $0x1;
	[dreg:$0x2] =	wrdreg s3  }
0xa9: {  	[dreg:$0x3] =	wrdreg s5  }
0xaa: {  	[dreg:$0x4] =	wrdreg $0xC0  }
0xab: {  	_ =	task [dreg:s7], $0x5FFFF  }
0xac: {  	[dreg:$0x1] =	wrdreg $0xFFFFFFFF  }
0xad: {  	[dreg:$0x0] =	wrdreg $0x60  }
0xae: {  	[dreg:$0x2] =	wrdreg s2  }
0xaf: {  	[dreg:$0x3] =	wrdreg s24  }
0xb0: {  	[dreg:$0x4] =	wrdreg $0x9  }
0xb1: {  	_ =	task.clear_ibuf [dreg:s7], $0x5FFFF;
	_ =	strace $0x90000046  }
0xb2: {  	s29 =	simm.s32 $0x9;
	_ =	strace $0x80000048  }
0xb3: {  	_ =	swait.ge [sflag:s29], $0x1  }
0xb4: {  	[sflag:s29] =	ssyncadd.s32 $0xFFFFFFFF  }
0xb5: {  	_ =	strace $0x90000048  }
0xb6: {  	_ =	sfence  }
0xb7: {  	s30 =	sld [smem:$0x0];
	_ =	sdelay $0x2  }
0xb8: {  	s31 =	sshll.u32 s1, $0xD;
	s1 =	sshrl.u32 s1, $0x2  }
0xb9: {  	s3 =	sand.u32 $0x4000, s31;
	s1 =	sadd.s32 s1, s30  }
0xba: {  	s0 =	sor.u32 s3, s0;
	s1 =	sshll.u32 s1, $0x11  }
0xbb: {  	s0 =	sor.u32 s1, s0  }
0xbc: {  	s0 =	sadd.s32 $0x8F2B, s0  }
0xbd: {  	[sflag:s0] =	ssyncadd.remote.s32 $0x1  }
0xbe: {  	_ =	sfence.sel $0xFFFF  }
0xbf: {  	[dreg:$0x0] =	wrdreg $0xFFFFFFFF;
	(pc) =	sbr.abs _section_cstart, $3  }
0xc0: {  	[dreg:$0x1] =	wrdreg $0xFFFFFFFF  }
0xc1: {  	_ =	task.clear_ibuf [dreg:s7], $0x2FFFF;
	_ =	strace $0x9FFFFFFF  }
0xc2: {  	(tm) =	ssettm $0x7FFFFFFF  }
0xc3: {  	_ =	shalt  }
tec
execute0_lowered:
.L_overlay_start_1:
0x0: {  	(tag) =	ssettag $0x1  }
0x1: {  	s0 =	rddreg [dreg:$0x0]  }
0x2: {  	s1 =	rddreg [dreg:$0x1];
	s2 =	simm.s32 $0x0  }
0x3: {  	s3 =	srdreg.scid;
	s5 =	stileid.u32;
	s12 =	simm.s32 $0x200  }
0x4: {  	s14 =	simm.s32 $0x1;
	s15 =	simm.s32 $0x6400;
	s16 =	simm.s32 $0x6800  }
0x5: {  	s17 =	simm.s32 $0x2;
	s18 =	simm.s32 $0x6600;
	s19 =	simm.s32 $0xA800  }
0x6: {  	v0 =	vlaneseq.u32;
	s20 =	simm.s32 $0xE800;
	s21 =	simm.s32 $0x3;
	s22 =	simm.s32 $0x12A00  }
0x7: {  	s23 =	simm.s32 $0x4;
	s24 =	simm.s32 $0x5;
	s25 =	simm.s32 $0x0;
	v1 =	vmul.u32 $0x210, v0  }
0x8: {  	[smem:$0x7FF] =	sst s2;
	s4 =	sand.u32 $0x1, s3;
	s5 =	sshll.u32 s5, $0xA;
	v2 =	vor.u32 $0x200, v0;
	v3 =	vor.u32 $0x10, v0;
	v19 =	vor.u32 $0x400, v0  }
0x9: {  	s3 =	sadd.s32 $0xF42A00, s1;
	s6 =	sshll.u32 s4, $0x9;
	s7 =	ssub.s32 $0x2, s4;
	v4 =	vadd.s32 $0x2100, v1;
	v5 =	vor.u32 $0x1, v1;
	v6 =	vadd.s32 $0x2101, v1  }
0xa: {  	_ =	strace $0x80000047;
	s4 =	sor.u32 s6, s5;
	s31 =	sshrl.u32 s7, $0x1;
	v7 =	vor.u32 $0x2, v1;
	v8 =	vadd.s32 $0x2102, v1;
	v9 =	vor.u32 $0x3, v1  }
0xb: {  	s5 =	sadd.s32 $0x600, s1;
	v10 =	vadd.s32 $0x2103, v1;
	v11 =	vor.u32 $0x4, v1;
	v12 =	vadd.s32 $0x2104, v1;
	s8 =	sshrl.u32 s4, $0x3;
	s1 =	ssub.s32 s7, s31  }
0xc: {  	v13 =	vor.u32 $0x5, v1;
	v14 =	vadd.s32 $0x2105, v1;
	v15 =	vor.u32 $0x6, v1;
	s6 =	sadd.s32 s0, s8;
	s7 =	sadd.s32 s5, s8;
	s11 =	smax.u32 s1, $0x1  }
0xd: {  	v16 =	vadd.s32 $0x2106, v1;
	v17 =	vor.u32 $0x7, v1;
	v18 =	vadd.s32 $0x2107, v1;
	s8 =	sadd.s32 $0x10000, s7;
	s9 =	sadd.s32 $0x300000, s7;
	s10 =	sadd.s32 $0x310000, s7  }
.LBB2_1:
0xe: {  	v20 =	vor.u32 s2, v0;
	s0 =	simm.s32 $0x4000  }
0xf: {  	[tilespmem:s2], [sflag:$0x1] =	stream.strided.gather [hbm4b:s6+s12], $0x6400, s0, s12, $0x38;
	[tilespmem:$0x16C00] =	vst v63  }
0x10: {  	_ =	swait.ge [sflag:s14], $0x6400  }
0x11: {  	[sflag:s14] =	ssyncset.done $0x0  }
0x12: {  	[sflag:s14] =	ssyncadd.s32 $0xFFFF9C00  }
0x13: {  	s30 =	simm.s32 $0x10;
	v20 =	vld.idx.msk [tilespmem:v20+s2+$0x0], $0xffff  }
0x14: {  	v21 =	vor.u32 s30, v0;
	_ =	sdelay $0x3  }
0x15: {  	[tilespmem:s15+$0x0] =	vst v20  }
0x16: {  	s31 =	simm.s32 $0x20;
	v20 =	vld.idx.msk [tilespmem:v21+s2+$0x0], $0xffff  }
0x17: {  	s1 =	simm.s32 $0x30;
	s0 =	simm.s32 $0x6400;
	v21 =	vor.u32 s31, v0  }
.LBB2_2:
0x18: {  	p0 =	sne.s32 s1, $0x1F0;
	_ =	sdelay $0x1  }
.Ltmp0:
0x19: {  	s0 =	sadd.s32 $0x10, s0;
	(pc) =	sbr.rel @p0 .LBB2_2-.Ltmp0, $3  }
0x1a: {  	[tilespmem:s0+$0x0] =	vst v20  }
0x1b: {  	v20 =	vld.idx.msk [tilespmem:v21+s2+$0x0], $0xffff;
	_ =	sdelay $0x1  }
0x1c: {  	v21 =	vor.u32 s1, v0;
	s1 =	sadd.s32 $0x10, s1  }
0x1d: {  	_ =	sdelay $0x1  }
0x1e: {  	s0 =	sadd.s32 $0x10, s0  }
0x1f: {  	[tilespmem:s0+$0x0] =	vst v20  }
0x20: {  	v20 =	vld.idx.msk [tilespmem:v21+s2+$0x0], $0xffff;
	_ =	sdelay $0x3  }
0x21: {  	s1 =	simm.s32 $0x0;
	s0 =	sadd.s32 $0x10, s0  }
0x22: {  	[tilespmem:s0+$0x0] =	vst v20;
	v20 =	vor.u32 s1, v2  }
0x23: {  	[tilespmem:s16], [sflag:$0x2] =	stream.indirect.gather [hbm4b:s3+s12], $0x20, s15, s12, $0xb8;
	[tilespmem:$0x16C00] =	vst v63  }
0x24: {  	_ =	swait.ge [sflag:s17], $0x4000  }
0x25: {  	[sflag:s17] =	ssyncset.done $0x0  }
0x26: {  	[sflag:s17] =	ssyncadd.s32 $0xFFFFC000  }
0x27: {  	s30 =	simm.s32 $0x10;
	v20 =	vld.idx.msk [tilespmem:v20+s2+$0x0], $0xffff  }
0x28: {  	v21 =	vor.u32 s30, v2;
	_ =	sdelay $0x2  }
0x29: {  	s0 =	simm.s32 $0x6600  }
0x2a: {  	[tilespmem:s0+$0x0] =	vst v20  }
0x2b: {  	s31 =	simm.s32 $0x20;
	v20 =	vld.idx.msk [tilespmem:v21+s2+$0x0], $0xffff  }
0x2c: {  	s1 =	simm.s32 $0x30;
	v21 =	vor.u32 s31, v2  }
.LBB2_4:
0x2d: {  	p0 =	sne.s32 s1, $0x1F0;
	_ =	sdelay $0x1  }
.Ltmp1:
0x2e: {  	s0 =	sadd.s32 $0x10, s0;
	(pc) =	sbr.rel @p0 .LBB2_4-.Ltmp1, $3  }
0x2f: {  	[tilespmem:s0+$0x0] =	vst v20  }
0x30: {  	v20 =	vld.idx.msk [tilespmem:v21+s2+$0x0], $0xffff;
	_ =	sdelay $0x1  }
0x31: {  	v21 =	vor.u32 s1, v2;
	s1 =	sadd.s32 $0x10, s1  }
0x32: {  	_ =	sdelay $0x1  }
0x33: {  	s0 =	sadd.s32 $0x10, s0  }
0x34: {  	s1 =	simm.s32 $0x0;
	[tilespmem:s0+$0x0] =	vst v20  }
0x35: {  	v20 =	vld.idx.msk [tilespmem:v21+s2+$0x0], $0xffff;
	v21 =	vmov s1  }
0x36: {  	v21 =	vshll.u32 v21, $0x5  }
0x37: {  	v22 =	vor.u32 v0, v21  }
0x38: {  	v21 =	vor.u32 v3, v21  }
0x39: {  	s0 =	sadd.s32 $0x10, s0  }
0x3a: {  	s29 =	simm.s32 $0x1;
	[tilespmem:s0+$0x0] =	vst v20  }
0x3b: {  	[tilespmem:s19], [sflag:$0x3] =	stream.indirect.gather [hbm4b:s3+s12], $0x20, s18, s12, $0xb8;
	[tilespmem:$0x16C00] =	vst v63  }
0x3c: {  	v23 =	vmov s29;
	v20 =	vld.idx.msk [tilespmem:v22+s16+$0x0], $0xffff;
	v22 =	vadd.s32 s1, v1  }
0x3d: {  	v24 =	vadd.s32 s1, v4;
	v25 =	vshll.u32 v23, $0x5;
	v21 =	vld.idx.msk [tilespmem:v21+s16+$0x0], $0xffff  }
0x3e: {  	v26 =	vor.u32 v0, v25  }
0x3f: {  	v25 =	vor.u32 v3, v25;
	_ =	sdelay $0x1  }
0x40: {  	[tilespmem:v22+s20+$0x0] =	vst.idx.msk $0xffff, v20  }
0x41: {  	s30 =	simm.s32 $0x2;
	v20 =	vand.u32 $0x1F0, v23;
	[tilespmem:v24+s20+$0x0] =	vst.idx.msk $0xffff, v21  }
0x42: {  	v23 =	vmov s30;
	v22 =	vadd.s32 v5, v20;
	v21 =	vld.idx.msk [tilespmem:v26+s16+$0x0], $0xffff  }
0x43: {  	v20 =	vadd.s32 v6, v20;
	v35 =	vshll.u32 v23, $0x5;
	v24 =	vld.idx.msk [tilespmem:v25+s16+$0x0], $0xffff  }
0x44: {  	v36 =	vor.u32 v0, v35  }
0x45: {  	v25 =	vor.u32 v3, v35;
	_ =	sdelay $0x1  }
0x46: {  	[tilespmem:v22+s20+$0x0] =	vst.idx.msk $0xffff, v21  }
0x47: {  	s31 =	simm.s32 $0x3;
	v21 =	vand.u32 $0x1F0, v23;
	[tilespmem:v20+s20+$0x0] =	vst.idx.msk $0xffff, v24  }
0x48: {  	v23 =	vmov s31;
	v22 =	vadd.s32 v7, v21;
	v20 =	vld.idx.msk [tilespmem:v36+s16+$0x0], $0xffff  }
0x49: {  	v21 =	vadd.s32 v8, v21;
	v37 =	vshll.u32 v23, $0x5;
	v24 =	vld.idx.msk [tilespmem:v25+s16+$0x0], $0xffff  }
0x4a: {  	v38 =	vor.u32 v0, v37  }
0x4b: {  	v25 =	vor.u32 v3, v37;
	_ =	sdelay $0x1  }
0x4c: {  	[tilespmem:v22+s20+$0x0] =	vst.idx.msk $0xffff, v20  }
0x4d: {  	s1 =	simm.s32 $0x4;
	v20 =	vand.u32 $0x1F0, v23;
	[tilespmem:v21+s20+$0x0] =	vst.idx.msk $0xffff, v24  }
0x4e: {  	v23 =	vmov s1;
	v22 =	vadd.s32 v9, v20;
	v21 =	vld.idx.msk [tilespmem:v38+s16+$0x0], $0xffff  }
0x4f: {  	v20 =	vadd.s32 v10, v20;
	v39 =	vshll.u32 v23, $0x5;
	v24 =	vld.idx.msk [tilespmem:v25+s16+$0x0], $0xffff  }
0x50: {  	v40 =	vor.u32 v0, v39  }
0x51: {  	v25 =	vor.u32 v3, v39;
	_ =	sdelay $0x1  }
0x52: {  	[tilespmem:v22+s20+$0x0] =	vst.idx.msk $0xffff, v21  }
0x53: {  	s13 =	simm.s32 $0x5;
	v21 =	vand.u32 $0x1F0, v23;
	[tilespmem:v20+s20+$0x0] =	vst.idx.msk $0xffff, v24  }
0x54: {  	v23 =	vmov s13;
	v22 =	vadd.s32 v11, v21;
	v20 =	vld.idx.msk [tilespmem:v40+s16+$0x0], $0xffff  }
0x55: {  	v21 =	vadd.s32 v12, v21;
	v41 =	vshll.u32 v23, $0x5;
	v24 =	vld.idx.msk [tilespmem:v25+s16+$0x0], $0xffff  }
0x56: {  	v42 =	vor.u32 v0, v41  }
0x57: {  	v25 =	vor.u32 v3, v41;
	_ =	sdelay $0x1  }
0x58: {  	[tilespmem:v22+s20+$0x0] =	vst.idx.msk $0xffff, v20  }
0x59: {  	s26 =	simm.s32 $0x6;
	v20 =	vand.u32 $0x1F0, v23;
	[tilespmem:v21+s20+$0x0] =	vst.idx.msk $0xffff, v24  }
0x5a: {  	v23 =	vmov s26;
	v22 =	vadd.s32 v13, v20;
	v21 =	vld.idx.msk [tilespmem:v42+s16+$0x0], $0xffff  }
0x5b: {  	v20 =	vadd.s32 v14, v20;
	v43 =	vshll.u32 v23, $0x5;
	v24 =	vld.idx.msk [tilespmem:v25+s16+$0x0], $0xffff  }
0x5c: {  	v44 =	vor.u32 v0, v43  }
0x5d: {  	v25 =	vor.u32 v3, v43;
	_ =	sdelay $0x1  }
0x5e: {  	[tilespmem:v22+s20+$0x0] =	vst.idx.msk $0xffff, v21  }
0x5f: {  	s29 =	simm.s32 $0x7;
	v21 =	vand.u32 $0x1F0, v23;
	[tilespmem:v20+s20+$0x0] =	vst.idx.msk $0xffff, v24  }
0x60: {  	v23 =	vmov s29;
	v22 =	vadd.s32 v15, v21;
	v20 =	vld.idx.msk [tilespmem:v44+s16+$0x0], $0xffff  }
0x61: {  	v21 =	vadd.s32 v16, v21;
	v45 =	vshll.u32 v23, $0x5;
	v24 =	vld.idx.msk [tilespmem:v25+s16+$0x0], $0xffff  }
0x62: {  	v46 =	vor.u32 v0, v45  }
0x63: {  	v25 =	vor.u32 v3, v45;
	_ =	sdelay $0x1  }
0x64: {  	[tilespmem:v22+s20+$0x0] =	vst.idx.msk $0xffff, v20  }
0x65: {  	s30 =	simm.s32 $0x8;
	v20 =	vand.u32 $0x1F0, v23;
	[tilespmem:v21+s20+$0x0] =	vst.idx.msk $0xffff, v24  }
0x66: {  	v23 =	vmov s30;
	v22 =	vadd.s32 v17, v20;
	v21 =	vld.idx.msk [tilespmem:v46+s16+$0x0], $0xffff  }
0x67: {  	v20 =	vadd.s32 v18, v20;
	v23 =	vshll.u32 v23, $0x5;
	v24 =	vld.idx.msk [tilespmem:v25+s16+$0x0], $0xffff  }
0x68: {  	v47 =	vor.u32 v0, v23  }
0x69: {  	v23 =	vor.u32 v3, v23;
	_ =	sdelay $0x1  }
0x6a: {  	[tilespmem:v22+s20+$0x0] =	vst.idx.msk $0xffff, v21  }
0x6b: {  	s31 =	simm.s32 $0x9;
	[tilespmem:v20+s20+$0x0] =	vst.idx.msk $0xffff, v24  }
0x6c: {  	v21 =	vadd.s32 s30, v1;
	v22 =	vmov s31;
	v20 =	vld.idx.msk [tilespmem:v47+s16+$0x0], $0xffff  }
0x6d: {  	v48 =	vadd.s32 s30, v4;
	v49 =	vshll.u32 v22, $0x5;
	v23 =	vld.idx.msk [tilespmem:v23+s16+$0x0], $0xffff  }
0x6e: {  	v50 =	vor.u32 v0, v49  }
0x6f: {  	v25 =	vor.u32 v3, v49;
	_ =	sdelay $0x1  }
0x70: {  	[tilespmem:v21+s20+$0x0] =	vst.idx.msk $0xffff, v20  }
0x71: {  	s1 =	simm.s32 $0xA;
	v20 =	vand.u32 $0x1F8, v22;
	[tilespmem:v48+s20+$0x0] =	vst.idx.msk $0xffff, v23  }
0x72: {  	v22 =	vadd.s32 v5, v20;
	v23 =	vmov s1;
	v21 =	vld.idx.msk [tilespmem:v50+s16+$0x0], $0xffff  }
0x73: {  	v20 =	vadd.s32 v6, v20;
	v24 =	vld.idx.msk [tilespmem:v25+s16+$0x0], $0xffff;
	v51 =	vshll.u32 v23, $0x5  }
0x74: {  	v52 =	vor.u32 v0, v51  }
0x75: {  	v25 =	vor.u32 v3, v51;
	_ =	sdelay $0x1  }
0x76: {  	[tilespmem:v22+s20+$0x0] =	vst.idx.msk $0xffff, v21  }
0x77: {  	s13 =	simm.s32 $0xB;
	v21 =	vand.u32 $0x1F8, v23;
	[tilespmem:v20+s20+$0x0] =	vst.idx.msk $0xffff, v24  }
0x78: {  	v23 =	vmov s13;
	v22 =	vadd.s32 v7, v21;
	v20 =	vld.idx.msk [tilespmem:v52+s16+$0x0], $0xffff  }
0x79: {  	v21 =	vadd.s32 v8, v21;
	v53 =	vshll.u32 v23, $0x5;
	v24 =	vld.idx.msk [tilespmem:v25+s16+$0x0], $0xffff  }
0x7a: {  	v54 =	vor.u32 v0, v53  }
0x7b: {  	v25 =	vor.u32 v3, v53;
	_ =	sdelay $0x1  }
0x7c: {  	[tilespmem:v22+s20+$0x0] =	vst.idx.msk $0xffff, v20  }
0x7d: {  	s26 =	simm.s32 $0xC;
	v20 =	vand.u32 $0x1F8, v23;
	[tilespmem:v21+s20+$0x0] =	vst.idx.msk $0xffff, v24  }
0x7e: {  	v23 =	vmov s26;
	v22 =	vadd.s32 v9, v20;
	v21 =	vld.idx.msk [tilespmem:v54+s16+$0x0], $0xffff  }
0x7f: {  	v20 =	vadd.s32 v10, v20;
	v55 =	vshll.u32 v23, $0x5;
	v24 =	vld.idx.msk [tilespmem:v25+s16+$0x0], $0xffff  }
0x80: {  	v56 =	vor.u32 v0, v55  }
0x81: {  	v25 =	vor.u32 v3, v55;
	_ =	sdelay $0x1  }
0x82: {  	[tilespmem:v22+s20+$0x0] =	vst.idx.msk $0xffff, v21  }
0x83: {  	s29 =	simm.s32 $0xD;
	v21 =	vand.u32 $0x1F8, v23;
	[tilespmem:v20+s20+$0x0] =	vst.idx.msk $0xffff, v24  }
0x84: {  	v23 =	vmov s29;
	v22 =	vadd.s32 v11, v21;
	v20 =	vld.idx.msk [tilespmem:v56+s16+$0x0], $0xffff  }
0x85: {  	v21 =	vadd.s32 v12, v21;
	v57 =	vshll.u32 v23, $0x5;
	v24 =	vld.idx.msk [tilespmem:v25+s16+$0x0], $0xffff  }
0x86: {  	v58 =	vor.u32 v0, v57  }
0x87: {  	v25 =	vor.u32 v3, v57;
	_ =	sdelay $0x1  }
0x88: {  	[tilespmem:v22+s20+$0x0] =	vst.idx.msk $0xffff, v20  }
0x89: {  	s30 =	simm.s32 $0xE;
	v20 =	vand.u32 $0x1F8, v23;
	[tilespmem:v21+s20+$0x0] =	vst.idx.msk $0xffff, v24  }
0x8a: {  	v23 =	vmov s30;
	v22 =	vadd.s32 v13, v20;
	v21 =	vld.idx.msk [tilespmem:v58+s16+$0x0], $0xffff  }
0x8b: {  	v20 =	vadd.s32 v14, v20;
	v59 =	vshll.u32 v23, $0x5;
	v24 =	vld.idx.msk [tilespmem:v25+s16+$0x0], $0xffff  }
0x8c: {  	v60 =	vor.u32 v0, v59;
	_ =	sdelay $0x2  }
0x8d: {  	v25 =	vor.u32 v3, v59;
	[tilespmem:v22+s20+$0x0] =	vst.idx.msk $0xffff, v21  }
0x8e: {  	v21 =	vand.u32 $0x1F8, v23;
	[tilespmem:v20+s20+$0x0] =	vst.idx.msk $0xffff, v24  }
0x8f: {  	v22 =	vadd.s32 v15, v21;
	v20 =	vld.idx.msk [tilespmem:v60+s16+$0x0], $0xffff  }
0x90: {  	s31 =	simm.s32 $0xF  }
0x91: {  	v23 =	vmov s31  }
0x92: {  	v21 =	vadd.s32 v16, v21;
	v61 =	vshll.u32 v23, $0x5;
	v24 =	vld.idx.msk [tilespmem:v25+s16+$0x0], $0xffff  }
0x93: {  	v62 =	vor.u32 v0, v61  }
0x94: {  	[tilespmem:v22+s20+$0x0] =	vst.idx.msk $0xffff, v20;
	v20 =	vor.u32 v3, v61;
	_ =	sdelay $0x2  }
0x95: {  	s0 =	simm.s32 $0x10;
	v22 =	vand.u32 $0x1F8, v23;
	[tilespmem:v21+s20+$0x0] =	vst.idx.msk $0xffff, v24  }
0x96: {  	v63 =	vadd.s32 v17, v22;
	v21 =	vmov s0;
	v24 =	vld.idx.msk [tilespmem:v62+s16+$0x0], $0xffff  }
0x97: {  	v23 =	vadd.s32 v18, v22;
	v21 =	vshll.u32 v21, $0x5;
	v20 =	vld.idx.msk [tilespmem:v20+s16+$0x0], $0xffff  }
0x98: {  	v22 =	vor.u32 v0, v21  }
0x99: {  	v21 =	vor.u32 v3, v21;
	_ =	sdelay $0x1  }
0x9a: {  	s28 =	simm.s32 $0x2F;
	s26 =	simm.s32 $0x1F;
	[tilespmem:v63+s20+$0x0] =	vst.idx.msk $0xffff, v24  }
.LBB2_6:
0x9b: {  	p0 =	sne.s32 s28, $0x1FF;
	[tilespmem:v23+s20+$0x0] =	vst.idx.msk $0xffff, v20;
	s29 =	smov.u32 s28;
	s28 =	sadd.s32 $0x10, s28  }
0x9c: {  	s1 =	sadd.s32 $0xFFFFFFF2, s26;
	v20 =	vld.idx.msk [tilespmem:v22+s16+$0x0], $0xffff  }
0x9d: {  	v22 =	vadd.s32 s0, v1;
	v23 =	vmov s1;
	v21 =	vld.idx.msk [tilespmem:v21+s16+$0x0], $0xffff  }
0x9e: {  	v24 =	vadd.s32 s0, v4;
	v25 =	vshll.u32 v23, $0x5;
	v23 =	vand.u32 $0x1F0, v23  }
0x9f: {  	v26 =	vor.u32 v0, v25  }
0xa0: {  	v25 =	vor.u32 v3, v25;
	_ =	sdelay $0x1  }
0xa1: {  	[tilespmem:v22+s20+$0x0] =	vst.idx.msk $0xffff, v20  }
0xa2: {  	[tilespmem:v24+s20+$0x0] =	vst.idx.msk $0xffff, v21  }
0xa3: {  	s0 =	sadd.s32 $0xFFFFFFF3, s26;
	v20 =	vld.idx.msk [tilespmem:v26+s16+$0x0], $0xffff  }
0xa4: {  	v22 =	vadd.s32 v5, v23;
	v24 =	vmov s0;
	v21 =	vld.idx.msk [tilespmem:v25+s16+$0x0], $0xffff  }
0xa5: {  	v23 =	vadd.s32 v6, v23;
	v25 =	vshll.u32 v24, $0x5;
	v24 =	vand.u32 $0x1F0, v24  }
0xa6: {  	v26 =	vor.u32 v0, v25  }
0xa7: {  	v25 =	vor.u32 v3, v25;
	_ =	sdelay $0x1  }
0xa8: {  	[tilespmem:v22+s20+$0x0] =	vst.idx.msk $0xffff, v20  }
0xa9: {  	[tilespmem:v23+s20+$0x0] =	vst.idx.msk $0xffff, v21  }
0xaa: {  	s0 =	sadd.s32 $0xFFFFFFF4, s26;
	v20 =	vld.idx.msk [tilespmem:v26+s16+$0x0], $0xffff  }
0xab: {  	v22 =	vadd.s32 v7, v24;
	v23 =	vmov s0;
	v21 =	vld.idx.msk [tilespmem:v25+s16+$0x0], $0xffff  }
0xac: {  	v24 =	vadd.s32 v8, v24;
	v25 =	vshll.u32 v23, $0x5;
	v23 =	vand.u32 $0x1F0, v23  }
0xad: {  	v26 =	vor.u32 v0, v25  }
0xae: {  	v25 =	vor.u32 v3, v25;
	_ =	sdelay $0x1  }
0xaf: {  	[tilespmem:v22+s20+$0x0] =	vst.idx.msk $0xffff, v20  }
0xb0: {  	[tilespmem:v24+s20+$0x0] =	vst.idx.msk $0xffff, v21  }
0xb1: {  	s0 =	sadd.s32 $0xFFFFFFF5, s26;
	v20 =	vld.idx.msk [tilespmem:v26+s16+$0x0], $0xffff  }
0xb2: {  	v22 =	vadd.s32 v9, v23;
	v24 =	vmov s0;
	v21 =	vld.idx.msk [tilespmem:v25+s16+$0x0], $0xffff  }
0xb3: {  	v23 =	vadd.s32 v10, v23;
	v25 =	vshll.u32 v24, $0x5;
	v24 =	vand.u32 $0x1F0, v24  }
0xb4: {  	v26 =	vor.u32 v0, v25  }
0xb5: {  	v25 =	vor.u32 v3, v25;
	_ =	sdelay $0x1  }
0xb6: {  	[tilespmem:v22+s20+$0x0] =	vst.idx.msk $0xffff, v20  }
0xb7: {  	[tilespmem:v23+s20+$0x0] =	vst.idx.msk $0xffff, v21  }
0xb8: {  	s0 =	sadd.s32 $0xFFFFFFF6, s26;
	v20 =	vld.idx.msk [tilespmem:v26+s16+$0x0], $0xffff  }
0xb9: {  	v22 =	vadd.s32 v11, v24;
	v23 =	vmov s0;
	v21 =	vld.idx.msk [tilespmem:v25+s16+$0x0], $0xffff  }
0xba: {  	v24 =	vadd.s32 v12, v24;
	v25 =	vshll.u32 v23, $0x5;
	v23 =	vand.u32 $0x1F0, v23  }
0xbb: {  	v26 =	vor.u32 v0, v25  }
0xbc: {  	v25 =	vor.u32 v3, v25;
	_ =	sdelay $0x1  }
0xbd: {  	[tilespmem:v22+s20+$0x0] =	vst.idx.msk $0xffff, v20  }
0xbe: {  	[tilespmem:v24+s20+$0x0] =	vst.idx.msk $0xffff, v21  }
0xbf: {  	s0 =	sadd.s32 $0xFFFFFFF7, s26;
	v20 =	vld.idx.msk [tilespmem:v26+s16+$0x0], $0xffff  }
0xc0: {  	v22 =	vadd.s32 v13, v23;
	v24 =	vmov s0;
	v21 =	vld.idx.msk [tilespmem:v25+s16+$0x0], $0xffff  }
0xc1: {  	v23 =	vadd.s32 v14, v23;
	v25 =	vshll.u32 v24, $0x5;
	v24 =	vand.u32 $0x1F0, v24  }
0xc2: {  	v26 =	vor.u32 v0, v25  }
0xc3: {  	v25 =	vor.u32 v3, v25;
	_ =	sdelay $0x1  }
0xc4: {  	[tilespmem:v22+s20+$0x0] =	vst.idx.msk $0xffff, v20  }
0xc5: {  	[tilespmem:v23+s20+$0x0] =	vst.idx.msk $0xffff, v21  }
0xc6: {  	s0 =	sadd.s32 $0xFFFFFFF8, s26;
	v20 =	vld.idx.msk [tilespmem:v26+s16+$0x0], $0xffff  }
0xc7: {  	v22 =	vadd.s32 v15, v24;
	v23 =	vmov s0;
	v21 =	vld.idx.msk [tilespmem:v25+s16+$0x0], $0xffff  }
0xc8: {  	v24 =	vadd.s32 v16, v24;
	v25 =	vshll.u32 v23, $0x5;
	v23 =	vand.u32 $0x1F0, v23  }
0xc9: {  	v26 =	vor.u32 v0, v25  }
0xca: {  	v25 =	vor.u32 v3, v25;
	_ =	sdelay $0x1  }
0xcb: {  	[tilespmem:v22+s20+$0x0] =	vst.idx.msk $0xffff, v20  }
0xcc: {  	[tilespmem:v24+s20+$0x0] =	vst.idx.msk $0xffff, v21  }
0xcd: {  	s0 =	sadd.s32 $0xFFFFFFF9, s26;
	v20 =	vld.idx.msk [tilespmem:v26+s16+$0x0], $0xffff  }
0xce: {  	v22 =	vadd.s32 v17, v23;
	v24 =	vmov s0;
	v21 =	vld.idx.msk [tilespmem:v25+s16+$0x0], $0xffff  }
0xcf: {  	v23 =	vadd.s32 v18, v23;
	v24 =	vshll.u32 v24, $0x5  }
0xd0: {  	v25 =	vor.u32 v0, v24  }
0xd1: {  	v24 =	vor.u32 v3, v24;
	_ =	sdelay $0x1  }
0xd2: {  	[tilespmem:v22+s20+$0x0] =	vst.idx.msk $0xffff, v20  }
0xd3: {  	[tilespmem:v23+s20+$0x0] =	vst.idx.msk $0xffff, v21  }
0xd4: {  	s1 =	sadd.s32 $0xFFFFFFFA, s26;
	v20 =	vld.idx.msk [tilespmem:v25+s16+$0x0], $0xffff  }
0xd5: {  	v22 =	vadd.s32 s0, v1;
	v23 =	vmov s1;
	v21 =	vld.idx.msk [tilespmem:v24+s16+$0x0], $0xffff  }
0xd6: {  	v25 =	vshll.u32 v23, $0x5;
	v24 =	vadd.s32 s0, v4  }
0xd7: {  	v26 =	vor.u32 v0, v25  }
0xd8: {  	v25 =	vor.u32 v3, v25;
	_ =	sdelay $0x1  }
0xd9: {  	[tilespmem:v22+s20+$0x0] =	vst.idx.msk $0xffff, v20  }
0xda: {  	[tilespmem:v24+s20+$0x0] =	vst.idx.msk $0xffff, v21  }
0xdb: {  	s0 =	sadd.s32 $0xFFFFFFFB, s26;
	v21 =	vand.u32 $0x1F8, v23;
	v20 =	vld.idx.msk [tilespmem:v26+s16+$0x0], $0xffff  }
0xdc: {  	v24 =	vmov s0;
	v23 =	vadd.s32 v5, v21;
	v22 =	vld.idx.msk [tilespmem:v25+s16+$0x0], $0xffff  }
0xdd: {  	v21 =	vadd.s32 v6, v21;
	v25 =	vshll.u32 v24, $0x5;
	v24 =	vand.u32 $0x1F8, v24  }
0xde: {  	v26 =	vor.u32 v0, v25  }
0xdf: {  	v25 =	vor.u32 v3, v25;
	_ =	sdelay $0x1  }
0xe0: {  	[tilespmem:v23+s20+$0x0] =	vst.idx.msk $0xffff, v20  }
0xe1: {  	[tilespmem:v21+s20+$0x0] =	vst.idx.msk $0xffff, v22  }
0xe2: {  	s0 =	sadd.s32 $0xFFFFFFFC, s26;
	v20 =	vld.idx.msk [tilespmem:v26+s16+$0x0], $0xffff  }
0xe3: {  	v23 =	vmov s0;
	v22 =	vadd.s32 v7, v24;
	v21 =	vld.idx.msk [tilespmem:v25+s16+$0x0], $0xffff  }
0xe4: {  	v24 =	vadd.s32 v8, v24;
	v25 =	vshll.u32 v23, $0x5;
	v23 =	vand.u32 $0x1F8, v23  }
0xe5: {  	v26 =	vor.u32 v0, v25  }
0xe6: {  	v25 =	vor.u32 v3, v25;
	_ =	sdelay $0x1  }
0xe7: {  	[tilespmem:v22+s20+$0x0] =	vst.idx.msk $0xffff, v20  }
0xe8: {  	[tilespmem:v24+s20+$0x0] =	vst.idx.msk $0xffff, v21  }
0xe9: {  	s0 =	sadd.s32 $0xFFFFFFFD, s26;
	v20 =	vld.idx.msk [tilespmem:v26+s16+$0x0], $0xffff  }
0xea: {  	v22 =	vadd.s32 v9, v23;
	v24 =	vmov s0;
	v21 =	vld.idx.msk [tilespmem:v25+s16+$0x0], $0xffff  }
0xeb: {  	v23 =	vadd.s32 v10, v23;
	v25 =	vshll.u32 v24, $0x5;
	v24 =	vand.u32 $0x1F8, v24  }
0xec: {  	v26 =	vor.u32 v0, v25  }
0xed: {  	v25 =	vor.u32 v3, v25;
	_ =	sdelay $0x1  }
0xee: {  	[tilespmem:v22+s20+$0x0] =	vst.idx.msk $0xffff, v20  }
0xef: {  	[tilespmem:v23+s20+$0x0] =	vst.idx.msk $0xffff, v21  }
0xf0: {  	s0 =	sadd.s32 $0xFFFFFFFE, s26;
	v20 =	vld.idx.msk [tilespmem:v26+s16+$0x0], $0xffff  }
0xf1: {  	v22 =	vadd.s32 v11, v24;
	v23 =	vmov s0;
	v21 =	vld.idx.msk [tilespmem:v25+s16+$0x0], $0xffff  }
0xf2: {  	v24 =	vadd.s32 v12, v24;
	v25 =	vshll.u32 v23, $0x5;
	v23 =	vand.u32 $0x1F8, v23  }
0xf3: {  	v26 =	vor.u32 v0, v25  }
0xf4: {  	v25 =	vor.u32 v3, v25;
	_ =	sdelay $0x1  }
0xf5: {  	[tilespmem:v22+s20+$0x0] =	vst.idx.msk $0xffff, v20  }
0xf6: {  	[tilespmem:v24+s20+$0x0] =	vst.idx.msk $0xffff, v21  }
0xf7: {  	s0 =	sadd.s32 $0xFFFFFFFF, s26;
	v20 =	vld.idx.msk [tilespmem:v26+s16+$0x0], $0xffff  }
0xf8: {  	v22 =	vadd.s32 v13, v23;
	v24 =	vmov s0;
	v21 =	vld.idx.msk [tilespmem:v25+s16+$0x0], $0xffff  }
0xf9: {  	v23 =	vadd.s32 v14, v23;
	v25 =	vshll.u32 v24, $0x5;
	v24 =	vand.u32 $0x1F8, v24  }
0xfa: {  	v26 =	vor.u32 v0, v25  }
0xfb: {  	v25 =	vor.u32 v3, v25;
	_ =	sdelay $0x1  }
0xfc: {  	[tilespmem:v22+s20+$0x0] =	vst.idx.msk $0xffff, v20  }
0xfd: {  	[tilespmem:v23+s20+$0x0] =	vst.idx.msk $0xffff, v21  }
0xfe: {  	v20 =	vld.idx.msk [tilespmem:v26+s16+$0x0], $0xffff  }
0xff: {  	v22 =	vadd.s32 v15, v24;
	v23 =	vmov s26;
	s26 =	smov.u32 s29;
	v21 =	vld.idx.msk [tilespmem:v25+s16+$0x0], $0xffff  }
0x100: {  	v24 =	vadd.s32 v16, v24;
	v25 =	vshll.u32 v23, $0x5;
	v23 =	vand.u32 $0x1F8, v23  }
0x101: {  	v26 =	vor.u32 v0, v25  }
0x102: {  	v25 =	vor.u32 v3, v25;
	_ =	sdelay $0x1  }
0x103: {  	[tilespmem:v22+s20+$0x0] =	vst.idx.msk $0xffff, v20  }
0x104: {  	[tilespmem:v24+s20+$0x0] =	vst.idx.msk $0xffff, v21  }
0x105: {  	s0 =	sadd.s32 $0xFFFFFFF1, s26;
	v24 =	vld.idx.msk [tilespmem:v26+s16+$0x0], $0xffff  }
0x106: {  	v21 =	vmov s0;
	v20 =	vld.idx.msk [tilespmem:v25+s16+$0x0], $0xffff;
	v25 =	vadd.s32 v17, v23  }
.Ltmp2:
0x107: {  	v21 =	vshll.u32 v21, $0x5;
	v23 =	vadd.s32 v18, v23;
	(pc) =	sbr.rel @p0 .LBB2_6-.Ltmp2, $2  }
0x108: {  	v22 =	vor.u32 v0, v21;
	v21 =	vor.u32 v3, v21;
	_ =	sdelay $0x2  }
0x109: {  	[tilespmem:v25+s20+$0x0] =	vst.idx.msk $0xffff, v24  }
0x10a: {  	_ =	sdelay $0x3  }
0x10b: {  	[tilespmem:v23+s20+$0x0] =	vst.idx.msk $0xffff, v20;
	s1 =	sadd.s32 $0xFFFFFFF2, s26  }
0x10c: {  	v35 =	vadd.s32 s0, v1;
	v20 =	vld.idx.msk [tilespmem:v22+s16+$0x0], $0xffff;
	v36 =	vmov s1  }
0x10d: {  	v24 =	vadd.s32 s0, v4;
	v21 =	vld.idx.msk [tilespmem:v21+s16+$0x0], $0xffff;
	v25 =	vshll.u32 v36, $0x5  }
0x10e: {  	v26 =	vor.u32 v0, v25  }
0x10f: {  	v25 =	vor.u32 v3, v25;
	_ =	sdelay $0x1  }
0x110: {  	[tilespmem:v35+s20+$0x0] =	vst.idx.msk $0xffff, v20  }
0x111: {  	s30 =	sadd.s32 $0xFFFFFFF3, s26;
	v20 =	vand.u32 $0x1F0, v36;
	[tilespmem:v24+s20+$0x0] =	vst.idx.msk $0xffff, v21  }
0x112: {  	v38 =	vmov s30;
	v37 =	vadd.s32 v5, v20;
	v21 =	vld.idx.msk [tilespmem:v26+s16+$0x0], $0xffff  }
0x113: {  	v39 =	vshll.u32 v38, $0x5;
	v20 =	vadd.s32 v6, v20;
	v24 =	vld.idx.msk [tilespmem:v25+s16+$0x0], $0xffff  }
0x114: {  	v40 =	vor.u32 v0, v39  }
0x115: {  	v25 =	vor.u32 v3, v39;
	_ =	sdelay $0x1  }
0x116: {  	[tilespmem:v37+s20+$0x0] =	vst.idx.msk $0xffff, v21  }
0x117: {  	s31 =	sadd.s32 $0xFFFFFFF4, s26;
	v41 =	vand.u32 $0x1F0, v38;
	[tilespmem:v20+s20+$0x0] =	vst.idx.msk $0xffff, v24  }
0x118: {  	v43 =	vmov s31;
	v42 =	vadd.s32 v7, v41;
	v20 =	vld.idx.msk [tilespmem:v40+s16+$0x0], $0xffff  }
0x119: {  	v44 =	vshll.u32 v43, $0x5;
	v21 =	vadd.s32 v8, v41;
	v24 =	vld.idx.msk [tilespmem:v25+s16+$0x0], $0xffff  }
0x11a: {  	v45 =	vor.u32 v0, v44  }
0x11b: {  	v25 =	vor.u32 v3, v44;
	_ =	sdelay $0x1  }
0x11c: {  	[tilespmem:v42+s20+$0x0] =	vst.idx.msk $0xffff, v20  }
0x11d: {  	s1 =	sadd.s32 $0xFFFFFFF5, s26;
	v20 =	vand.u32 $0x1F0, v43;
	[tilespmem:v21+s20+$0x0] =	vst.idx.msk $0xffff, v24  }
0x11e: {  	v47 =	vmov s1;
	v46 =	vadd.s32 v9, v20;
	v21 =	vld.idx.msk [tilespmem:v45+s16+$0x0], $0xffff  }
0x11f: {  	v48 =	vshll.u32 v47, $0x5;
	v20 =	vadd.s32 v10, v20;
	v24 =	vld.idx.msk [tilespmem:v25+s16+$0x0], $0xffff  }
0x120: {  	v49 =	vor.u32 v0, v48  }
0x121: {  	v25 =	vor.u32 v3, v48;
	_ =	sdelay $0x1  }
0x122: {  	[tilespmem:v46+s20+$0x0] =	vst.idx.msk $0xffff, v21  }
0x123: {  	s13 =	sadd.s32 $0xFFFFFFF6, s26;
	v50 =	vand.u32 $0x1F0, v47;
	[tilespmem:v20+s20+$0x0] =	vst.idx.msk $0xffff, v24  }
0x124: {  	v52 =	vmov s13;
	v51 =	vadd.s32 v11, v50;
	v20 =	vld.idx.msk [tilespmem:v49+s16+$0x0], $0xffff  }
0x125: {  	v53 =	vshll.u32 v52, $0x5;
	v21 =	vadd.s32 v12, v50;
	v24 =	vld.idx.msk [tilespmem:v25+s16+$0x0], $0xffff  }
0x126: {  	v54 =	vor.u32 v0, v53  }
0x127: {  	v25 =	vor.u32 v3, v53;
	_ =	sdelay $0x1  }
0x128: {  	[tilespmem:v51+s20+$0x0] =	vst.idx.msk $0xffff, v20  }
0x129: {  	s28 =	sadd.s32 $0xFFFFFFF7, s26;
	v20 =	vand.u32 $0x1F0, v52;
	[tilespmem:v21+s20+$0x0] =	vst.idx.msk $0xffff, v24  }
0x12a: {  	v56 =	vmov s28;
	v55 =	vadd.s32 v13, v20;
	v21 =	vld.idx.msk [tilespmem:v54+s16+$0x0], $0xffff  }
0x12b: {  	v57 =	vshll.u32 v56, $0x5;
	v20 =	vadd.s32 v14, v20;
	v24 =	vld.idx.msk [tilespmem:v25+s16+$0x0], $0xffff  }
0x12c: {  	v58 =	vor.u32 v0, v57  }
0x12d: {  	v25 =	vor.u32 v3, v57;
	_ =	sdelay $0x1  }
0x12e: {  	[tilespmem:v55+s20+$0x0] =	vst.idx.msk $0xffff, v21  }
0x12f: {  	s29 =	sadd.s32 $0xFFFFFFF8, s26;
	v59 =	vand.u32 $0x1F0, v56;
	[tilespmem:v20+s20+$0x0] =	vst.idx.msk $0xffff, v24  }
0x130: {  	v61 =	vmov s29;
	v60 =	vadd.s32 v15, v59;
	v20 =	vld.idx.msk [tilespmem:v58+s16+$0x0], $0xffff  }
0x131: {  	v62 =	vshll.u32 v61, $0x5;
	v21 =	vadd.s32 v16, v59;
	v24 =	vld.idx.msk [tilespmem:v25+s16+$0x0], $0xffff  }
0x132: {  	v63 =	vor.u32 v0, v62  }
0x133: {  	v25 =	vor.u32 v3, v62;
	_ =	sdelay $0x1  }
0x134: {  	[tilespmem:v60+s20+$0x0] =	vst.idx.msk $0xffff, v20  }
0x135: {  	s30 =	sadd.s32 $0xFFFFFFF9, s26;
	v20 =	vand.u32 $0x1F0, v61;
	[tilespmem:v21+s20+$0x0] =	vst.idx.msk $0xffff, v24  }
0x136: {  	v29 =	vmov s30;
	v28 =	vadd.s32 v17, v20;
	v21 =	vld.idx.msk [tilespmem:v63+s16+$0x0], $0xffff  }
0x137: {  	v23 =	vshll.u32 v29, $0x5;
	v20 =	vadd.s32 v18, v20;
	v24 =	vld.idx.msk [tilespmem:v25+s16+$0x0], $0xffff  }
0x138: {  	v30 =	vor.u32 v0, v23  }
0x139: {  	v23 =	vor.u32 v3, v23;
	_ =	sdelay $0x1  }
0x13a: {  	[tilespmem:v28+s20+$0x0] =	vst.idx.msk $0xffff, v21  }
0x13b: {  	s31 =	sadd.s32 $0xFFFFFFFA, s26;
	[tilespmem:v20+s20+$0x0] =	vst.idx.msk $0xffff, v24  }
0x13c: {  	v31 =	vadd.s32 s30, v1;
	v32 =	vmov s31;
	v20 =	vld.idx.msk [tilespmem:v30+s16+$0x0], $0xffff  }
0x13d: {  	v33 =	vadd.s32 s30, v4;
	v34 =	vshll.u32 v32, $0x5;
	v23 =	vld.idx.msk [tilespmem:v23+s16+$0x0], $0xffff  }
0x13e: {  	v35 =	vor.u32 v0, v34  }
0x13f: {  	v25 =	vor.u32 v3, v34;
	_ =	sdelay $0x1  }
0x140: {  	[tilespmem:v31+s20+$0x0] =	vst.idx.msk $0xffff, v20  }
0x141: {  	s13 =	sadd.s32 $0xFFFFFFFB, s26;
	v20 =	vand.u32 $0x1F8, v32;
	[tilespmem:v33+s20+$0x0] =	vst.idx.msk $0xffff, v23  }
0x142: {  	v36 =	vmov s13;
	v22 =	vadd.s32 v5, v20;
	v21 =	vld.idx.msk [tilespmem:v35+s16+$0x0], $0xffff  }
0x143: {  	v37 =	vshll.u32 v36, $0x5;
	v20 =	vadd.s32 v6, v20;
	v24 =	vld.idx.msk [tilespmem:v25+s16+$0x0], $0xffff  }
0x144: {  	v38 =	vor.u32 v0, v37  }
0x145: {  	v25 =	vor.u32 v3, v37;
	_ =	sdelay $0x1  }
0x146: {  	[tilespmem:v22+s20+$0x0] =	vst.idx.msk $0xffff, v21  }
0x147: {  	s28 =	sadd.s32 $0xFFFFFFFC, s26;
	v39 =	vand.u32 $0x1F8, v36;
	[tilespmem:v20+s20+$0x0] =	vst.idx.msk $0xffff, v24  }
0x148: {  	v41 =	vmov s28;
	v40 =	vadd.s32 v7, v39;
	v20 =	vld.idx.msk [tilespmem:v38+s16+$0x0], $0xffff  }
0x149: {  	v42 =	vshll.u32 v41, $0x5;
	v21 =	vadd.s32 v8, v39;
	v24 =	vld.idx.msk [tilespmem:v25+s16+$0x0], $0xffff  }
0x14a: {  	v43 =	vor.u32 v0, v42  }
0x14b: {  	v25 =	vor.u32 v3, v42;
	_ =	sdelay $0x1  }
0x14c: {  	[tilespmem:v40+s20+$0x0] =	vst.idx.msk $0xffff, v20  }
0x14d: {  	s29 =	sadd.s32 $0xFFFFFFFD, s26;
	v20 =	vand.u32 $0x1F8, v41;
	[tilespmem:v21+s20+$0x0] =	vst.idx.msk $0xffff, v24  }
0x14e: {  	v45 =	vmov s29;
	v44 =	vadd.s32 v9, v20;
	v21 =	vld.idx.msk [tilespmem:v43+s16+$0x0], $0xffff  }
0x14f: {  	v46 =	vshll.u32 v45, $0x5;
	v20 =	vadd.s32 v10, v20;
	v24 =	vld.idx.msk [tilespmem:v25+s16+$0x0], $0xffff  }
0x150: {  	v47 =	vor.u32 v0, v46  }
0x151: {  	v25 =	vor.u32 v3, v46;
	_ =	sdelay $0x1  }
0x152: {  	[tilespmem:v44+s20+$0x0] =	vst.idx.msk $0xffff, v21  }
0x153: {  	s30 =	sadd.s32 $0xFFFFFFFE, s26;
	v48 =	vand.u32 $0x1F8, v45;
	[tilespmem:v20+s20+$0x0] =	vst.idx.msk $0xffff, v24  }
0x154: {  	v50 =	vmov s30;
	v49 =	vadd.s32 v11, v48;
	v20 =	vld.idx.msk [tilespmem:v47+s16+$0x0], $0xffff  }
0x155: {  	v51 =	vshll.u32 v50, $0x5;
	v21 =	vadd.s32 v12, v48;
	v24 =	vld.idx.msk [tilespmem:v25+s16+$0x0], $0xffff  }
0x156: {  	v52 =	vor.u32 v0, v51  }
0x157: {  	v25 =	vor.u32 v3, v51;
	_ =	sdelay $0x1  }
0x158: {  	[tilespmem:v49+s20+$0x0] =	vst.idx.msk $0xffff, v20  }
0x159: {  	s31 =	sadd.s32 $0xFFFFFFFF, s26;
	v20 =	vand.u32 $0x1F8, v50;
	[tilespmem:v21+s20+$0x0] =	vst.idx.msk $0xffff, v24  }
0x15a: {  	v54 =	vmov s31;
	v53 =	vadd.s32 v13, v20;
	v21 =	vld.idx.msk [tilespmem:v52+s16+$0x0], $0xffff  }
0x15b: {  	v55 =	vshll.u32 v54, $0x5;
	v20 =	vadd.s32 v14, v20;
	v24 =	vld.idx.msk [tilespmem:v25+s16+$0x0], $0xffff  }
0x15c: {  	v56 =	vor.u32 v0, v55  }
0x15d: {  	v25 =	vor.u32 v3, v55;
	_ =	sdelay $0x1  }
0x15e: {  	[tilespmem:v53+s20+$0x0] =	vst.idx.msk $0xffff, v21  }
0x15f: {  	v57 =	vand.u32 $0x1F8, v54;
	[tilespmem:v20+s20+$0x0] =	vst.idx.msk $0xffff, v24  }
0x160: {  	v59 =	vmov s26;
	v58 =	vadd.s32 v15, v57;
	v20 =	vld.idx.msk [tilespmem:v56+s16+$0x0], $0xffff  }
0x161: {  	v60 =	vshll.u32 v59, $0x5;
	v21 =	vadd.s32 v16, v57;
	v24 =	vld.idx.msk [tilespmem:v25+s16+$0x0], $0xffff  }
0x162: {  	v61 =	vor.u32 v0, v60  }
0x163: {  	v25 =	vor.u32 v3, v60;
	_ =	sdelay $0x1  }
0x164: {  	[tilespmem:v58+s20+$0x0] =	vst.idx.msk $0xffff, v20  }
0x165: {  	v20 =	vand.u32 $0x1F8, v59;
	[tilespmem:v21+s20+$0x0] =	vst.idx.msk $0xffff, v24  }
0x166: {  	v62 =	vadd.s32 v17, v20;
	v21 =	vld.idx.msk [tilespmem:v61+s16+$0x0], $0xffff  }
0x167: {  	v20 =	vadd.s32 v18, v20;
	v63 =	vld.idx.msk [tilespmem:v25+s16+$0x0], $0xffff;
	_ =	sdelay $0x3  }
0x168: {  	s0 =	simm.s32 $0xE800;
	[tilespmem:v62+s20+$0x0] =	vst.idx.msk $0xffff, v21  }
0x169: {  	s1 =	simm.s32 $0x800;
	s13 =	sadd.s32 $0x0, s7;
	s26 =	simm.s32 $0xEA10;
	[tilespmem:v20+s20+$0x0] =	vst.idx.msk $0xffff, v63  }
.LBB2_8:
0x16a: {  	[hbm4b:s13+s2] =	stream.linear.scatter [tilespmem:s0], [sflag:$0x4], $0x200, $0x38;
	[tilespmem:$0x16C00] =	vst v63  }
0x16b: {  	s13 =	smov.u32 s1;
	s0 =	smov.u32 s26;
	p0 =	sne.s32 s1, $0xF800  }
.Ltmp3:
0x16c: {  	s1 =	sadd.s32 $0x800, s1;
	(pc) =	sbr.rel @p0 .LBB2_8-.Ltmp3, $2  }
0x16d: {  	_ =	sdelay $0x2  }
0x16e: {  	s26 =	sadd.s32 $0x210, s26;
	s13 =	sadd.s32 s13, s7  }
0x16f: {  	s1 =	simm.s32 $0x0  }
0x170: {  	v20 =	vor.u32 s1, v19  }
0x171: {  	[hbm4b:s13+s2] =	stream.linear.scatter [tilespmem:s0], [sflag:$0x4], $0x200, $0x38;
	[tilespmem:$0x16C00] =	vst v63  }
0x172: {  	_ =	swait.ge [sflag:s21], $0x4000  }
0x173: {  	[sflag:s21] =	ssyncset.done $0x0  }
0x174: {  	[sflag:s21] =	ssyncadd.s32 $0xFFFFC000  }
0x175: {  	s30 =	simm.s32 $0x10;
	v20 =	vld.idx.msk [tilespmem:v20+s2+$0x0], $0xffff  }
0x176: {  	v21 =	vor.u32 s30, v19;
	_ =	sdelay $0x2  }
0x177: {  	s0 =	simm.s32 $0x6400  }
0x178: {  	[tilespmem:s0+$0x0] =	vst v20  }
0x179: {  	s31 =	simm.s32 $0x20;
	v20 =	vld.idx.msk [tilespmem:v21+s2+$0x0], $0xffff  }
0x17a: {  	s1 =	simm.s32 $0x30;
	v21 =	vor.u32 s31, v19  }
.LBB2_10:
0x17b: {  	p0 =	sne.s32 s1, $0x1F0;
	_ =	sdelay $0x1  }
.Ltmp4:
0x17c: {  	s0 =	sadd.s32 $0x10, s0;
	(pc) =	sbr.rel @p0 .LBB2_10-.Ltmp4, $3  }
0x17d: {  	[tilespmem:s0+$0x0] =	vst v20  }
0x17e: {  	v20 =	vld.idx.msk [tilespmem:v21+s2+$0x0], $0xffff;
	_ =	sdelay $0x1  }
0x17f: {  	v21 =	vor.u32 s1, v19;
	s1 =	sadd.s32 $0x10, s1  }
0x180: {  	_ =	sdelay $0x1  }
0x181: {  	s0 =	sadd.s32 $0x10, s0  }
0x182: {  	s1 =	simm.s32 $0x0;
	[tilespmem:s0+$0x0] =	vst v20  }
0x183: {  	v20 =	vld.idx.msk [tilespmem:v21+s2+$0x0], $0xffff;
	v21 =	vmov s1  }
0x184: {  	v21 =	vshll.u32 v21, $0x5  }
0x185: {  	v22 =	vor.u32 v0, v21  }
0x186: {  	v21 =	vor.u32 v3, v21  }
0x187: {  	s0 =	sadd.s32 $0x10, s0  }
0x188: {  	s29 =	simm.s32 $0x1;
	[tilespmem:s0+$0x0] =	vst v20  }
0x189: {  	[tilespmem:s16], [sflag:$0x2] =	stream.indirect.gather [hbm4b:s3+s12], $0x20, s15, s12, $0xb8;
	[tilespmem:$0x16C00] =	vst v63  }
0x18a: {  	v23 =	vmov s29;
	v20 =	vld.idx.msk [tilespmem:v22+s19+$0x0], $0xffff;
	v22 =	vadd.s32 s1, v1  }
0x18b: {  	v24 =	vadd.s32 s1, v4;
	v25 =	vshll.u32 v23, $0x5;
	v21 =	vld.idx.msk [tilespmem:v21+s19+$0x0], $0xffff  }
0x18c: {  	v26 =	vor.u32 v0, v25  }
0x18d: {  	v25 =	vor.u32 v3, v25;
	_ =	sdelay $0x1  }
0x18e: {  	[tilespmem:v22+s22+$0x0] =	vst.idx.msk $0xffff, v20  }
0x18f: {  	s30 =	simm.s32 $0x2;
	v20 =	vand.u32 $0x1F0, v23;
	[tilespmem:v24+s22+$0x0] =	vst.idx.msk $0xffff, v21  }
0x190: {  	v23 =	vmov s30;
	v22 =	vadd.s32 v5, v20;
	v21 =	vld.idx.msk [tilespmem:v26+s19+$0x0], $0xffff  }
0x191: {  	v20 =	vadd.s32 v6, v20;
	v35 =	vshll.u32 v23, $0x5;
	v24 =	vld.idx.msk [tilespmem:v25+s19+$0x0], $0xffff  }
0x192: {  	v36 =	vor.u32 v0, v35  }
0x193: {  	v25 =	vor.u32 v3, v35;
	_ =	sdelay $0x1  }
0x194: {  	[tilespmem:v22+s22+$0x0] =	vst.idx.msk $0xffff, v21  }
0x195: {  	s31 =	simm.s32 $0x3;
	v21 =	vand.u32 $0x1F0, v23;
	[tilespmem:v20+s22+$0x0] =	vst.idx.msk $0xffff, v24  }
0x196: {  	v23 =	vmov s31;
	v22 =	vadd.s32 v7, v21;
	v20 =	vld.idx.msk [tilespmem:v36+s19+$0x0], $0xffff  }
0x197: {  	v21 =	vadd.s32 v8, v21;
	v37 =	vshll.u32 v23, $0x5;
	v24 =	vld.idx.msk [tilespmem:v25+s19+$0x0], $0xffff  }
0x198: {  	v38 =	vor.u32 v0, v37  }
0x199: {  	v25 =	vor.u32 v3, v37;
	_ =	sdelay $0x1  }
0x19a: {  	[tilespmem:v22+s22+$0x0] =	vst.idx.msk $0xffff, v20  }
0x19b: {  	s1 =	simm.s32 $0x4;
	v20 =	vand.u32 $0x1F0, v23;
	[tilespmem:v21+s22+$0x0] =	vst.idx.msk $0xffff, v24  }
0x19c: {  	v23 =	vmov s1;
	v22 =	vadd.s32 v9, v20;
	v21 =	vld.idx.msk [tilespmem:v38+s19+$0x0], $0xffff  }
0x19d: {  	v20 =	vadd.s32 v10, v20;
	v39 =	vshll.u32 v23, $0x5;
	v24 =	vld.idx.msk [tilespmem:v25+s19+$0x0], $0xffff  }
0x19e: {  	v40 =	vor.u32 v0, v39  }
0x19f: {  	v25 =	vor.u32 v3, v39;
	_ =	sdelay $0x1  }
0x1a0: {  	[tilespmem:v22+s22+$0x0] =	vst.idx.msk $0xffff, v21  }
0x1a1: {  	s13 =	simm.s32 $0x5;
	v21 =	vand.u32 $0x1F0, v23;
	[tilespmem:v20+s22+$0x0] =	vst.idx.msk $0xffff, v24  }
0x1a2: {  	v23 =	vmov s13;
	v22 =	vadd.s32 v11, v21;
	v20 =	vld.idx.msk [tilespmem:v40+s19+$0x0], $0xffff  }
0x1a3: {  	v21 =	vadd.s32 v12, v21;
	v41 =	vshll.u32 v23, $0x5;
	v24 =	vld.idx.msk [tilespmem:v25+s19+$0x0], $0xffff  }
0x1a4: {  	v42 =	vor.u32 v0, v41  }
0x1a5: {  	v25 =	vor.u32 v3, v41;
	_ =	sdelay $0x1  }
0x1a6: {  	[tilespmem:v22+s22+$0x0] =	vst.idx.msk $0xffff, v20  }
0x1a7: {  	s26 =	simm.s32 $0x6;
	v20 =	vand.u32 $0x1F0, v23;
	[tilespmem:v21+s22+$0x0] =	vst.idx.msk $0xffff, v24  }
0x1a8: {  	v23 =	vmov s26;
	v22 =	vadd.s32 v13, v20;
	v21 =	vld.idx.msk [tilespmem:v42+s19+$0x0], $0xffff  }
0x1a9: {  	v20 =	vadd.s32 v14, v20;
	v43 =	vshll.u32 v23, $0x5;
	v24 =	vld.idx.msk [tilespmem:v25+s19+$0x0], $0xffff  }
0x1aa: {  	v44 =	vor.u32 v0, v43  }
0x1ab: {  	v25 =	vor.u32 v3, v43;
	_ =	sdelay $0x1  }
0x1ac: {  	[tilespmem:v22+s22+$0x0] =	vst.idx.msk $0xffff, v21  }
0x1ad: {  	s29 =	simm.s32 $0x7;
	v21 =	vand.u32 $0x1F0, v23;
	[tilespmem:v20+s22+$0x0] =	vst.idx.msk $0xffff, v24  }
0x1ae: {  	v23 =	vmov s29;
	v22 =	vadd.s32 v15, v21;
	v20 =	vld.idx.msk [tilespmem:v44+s19+$0x0], $0xffff  }
0x1af: {  	v21 =	vadd.s32 v16, v21;
	v45 =	vshll.u32 v23, $0x5;
	v24 =	vld.idx.msk [tilespmem:v25+s19+$0x0], $0xffff  }
0x1b0: {  	v46 =	vor.u32 v0, v45  }
0x1b1: {  	v25 =	vor.u32 v3, v45;
	_ =	sdelay $0x1  }
0x1b2: {  	[tilespmem:v22+s22+$0x0] =	vst.idx.msk $0xffff, v20  }
0x1b3: {  	s30 =	simm.s32 $0x8;
	v20 =	vand.u32 $0x1F0, v23;
	[tilespmem:v21+s22+$0x0] =	vst.idx.msk $0xffff, v24  }
0x1b4: {  	v23 =	vmov s30;
	v22 =	vadd.s32 v17, v20;
	v21 =	vld.idx.msk [tilespmem:v46+s19+$0x0], $0xffff  }
0x1b5: {  	v20 =	vadd.s32 v18, v20;
	v23 =	vshll.u32 v23, $0x5;
	v24 =	vld.idx.msk [tilespmem:v25+s19+$0x0], $0xffff  }
0x1b6: {  	v47 =	vor.u32 v0, v23  }
0x1b7: {  	v23 =	vor.u32 v3, v23;
	_ =	sdelay $0x1  }
0x1b8: {  	[tilespmem:v22+s22+$0x0] =	vst.idx.msk $0xffff, v21  }
0x1b9: {  	s31 =	simm.s32 $0x9;
	[tilespmem:v20+s22+$0x0] =	vst.idx.msk $0xffff, v24  }
0x1ba: {  	v21 =	vadd.s32 s30, v1;
	v22 =	vmov s31;
	v20 =	vld.idx.msk [tilespmem:v47+s19+$0x0], $0xffff  }
0x1bb: {  	v48 =	vadd.s32 s30, v4;
	v49 =	vshll.u32 v22, $0x5;
	v23 =	vld.idx.msk [tilespmem:v23+s19+$0x0], $0xffff  }
0x1bc: {  	v50 =	vor.u32 v0, v49  }
0x1bd: {  	v25 =	vor.u32 v3, v49;
	_ =	sdelay $0x1  }
0x1be: {  	[tilespmem:v21+s22+$0x0] =	vst.idx.msk $0xffff, v20  }
0x1bf: {  	s1 =	simm.s32 $0xA;
	v20 =	vand.u32 $0x1F8, v22;
	[tilespmem:v48+s22+$0x0] =	vst.idx.msk $0xffff, v23  }
0x1c0: {  	v22 =	vadd.s32 v5, v20;
	v23 =	vmov s1;
	v21 =	vld.idx.msk [tilespmem:v50+s19+$0x0], $0xffff  }
0x1c1: {  	v20 =	vadd.s32 v6, v20;
	v24 =	vld.idx.msk [tilespmem:v25+s19+$0x0], $0xffff;
	v51 =	vshll.u32 v23, $0x5  }
0x1c2: {  	v52 =	vor.u32 v0, v51  }
0x1c3: {  	v25 =	vor.u32 v3, v51;
	_ =	sdelay $0x1  }
0x1c4: {  	[tilespmem:v22+s22+$0x0] =	vst.idx.msk $0xffff, v21  }
0x1c5: {  	s13 =	simm.s32 $0xB;
	v21 =	vand.u32 $0x1F8, v23;
	[tilespmem:v20+s22+$0x0] =	vst.idx.msk $0xffff, v24  }
0x1c6: {  	v23 =	vmov s13;
	v22 =	vadd.s32 v7, v21;
	v20 =	vld.idx.msk [tilespmem:v52+s19+$0x0], $0xffff  }
0x1c7: {  	v21 =	vadd.s32 v8, v21;
	v53 =	vshll.u32 v23, $0x5;
	v24 =	vld.idx.msk [tilespmem:v25+s19+$0x0], $0xffff  }
0x1c8: {  	v54 =	vor.u32 v0, v53  }
0x1c9: {  	v25 =	vor.u32 v3, v53;
	_ =	sdelay $0x1  }
0x1ca: {  	[tilespmem:v22+s22+$0x0] =	vst.idx.msk $0xffff, v20  }
0x1cb: {  	s26 =	simm.s32 $0xC;
	v20 =	vand.u32 $0x1F8, v23;
	[tilespmem:v21+s22+$0x0] =	vst.idx.msk $0xffff, v24  }
0x1cc: {  	v23 =	vmov s26;
	v22 =	vadd.s32 v9, v20;
	v21 =	vld.idx.msk [tilespmem:v54+s19+$0x0], $0xffff  }
0x1cd: {  	v20 =	vadd.s32 v10, v20;
	v55 =	vshll.u32 v23, $0x5;
	v24 =	vld.idx.msk [tilespmem:v25+s19+$0x0], $0xffff  }
0x1ce: {  	v56 =	vor.u32 v0, v55  }
0x1cf: {  	v25 =	vor.u32 v3, v55;
	_ =	sdelay $0x1  }
0x1d0: {  	[tilespmem:v22+s22+$0x0] =	vst.idx.msk $0xffff, v21  }
0x1d1: {  	s29 =	simm.s32 $0xD;
	v21 =	vand.u32 $0x1F8, v23;
	[tilespmem:v20+s22+$0x0] =	vst.idx.msk $0xffff, v24  }
0x1d2: {  	v23 =	vmov s29;
	v22 =	vadd.s32 v11, v21;
	v20 =	vld.idx.msk [tilespmem:v56+s19+$0x0], $0xffff  }
0x1d3: {  	v21 =	vadd.s32 v12, v21;
	v57 =	vshll.u32 v23, $0x5;
	v24 =	vld.idx.msk [tilespmem:v25+s19+$0x0], $0xffff  }
0x1d4: {  	v58 =	vor.u32 v0, v57  }
0x1d5: {  	v25 =	vor.u32 v3, v57;
	_ =	sdelay $0x1  }
0x1d6: {  	[tilespmem:v22+s22+$0x0] =	vst.idx.msk $0xffff, v20  }
0x1d7: {  	s30 =	simm.s32 $0xE;
	v20 =	vand.u32 $0x1F8, v23;
	[tilespmem:v21+s22+$0x0] =	vst.idx.msk $0xffff, v24  }
0x1d8: {  	v23 =	vmov s30;
	v22 =	vadd.s32 v13, v20;
	v21 =	vld.idx.msk [tilespmem:v58+s19+$0x0], $0xffff  }
0x1d9: {  	v20 =	vadd.s32 v14, v20;
	v59 =	vshll.u32 v23, $0x5;
	v24 =	vld.idx.msk [tilespmem:v25+s19+$0x0], $0xffff  }
0x1da: {  	v60 =	vor.u32 v0, v59;
	_ =	sdelay $0x2  }
0x1db: {  	v25 =	vor.u32 v3, v59;
	[tilespmem:v22+s22+$0x0] =	vst.idx.msk $0xffff, v21  }
0x1dc: {  	v21 =	vand.u32 $0x1F8, v23;
	[tilespmem:v20+s22+$0x0] =	vst.idx.msk $0xffff, v24  }
0x1dd: {  	v22 =	vadd.s32 v15, v21;
	v20 =	vld.idx.msk [tilespmem:v60+s19+$0x0], $0xffff  }
0x1de: {  	s31 =	simm.s32 $0xF  }
0x1df: {  	v23 =	vmov s31  }
0x1e0: {  	v21 =	vadd.s32 v16, v21;
	v61 =	vshll.u32 v23, $0x5;
	v24 =	vld.idx.msk [tilespmem:v25+s19+$0x0], $0xffff  }
0x1e1: {  	v62 =	vor.u32 v0, v61  }
0x1e2: {  	[tilespmem:v22+s22+$0x0] =	vst.idx.msk $0xffff, v20;
	v20 =	vor.u32 v3, v61;
	_ =	sdelay $0x2  }
0x1e3: {  	s0 =	simm.s32 $0x10;
	v22 =	vand.u32 $0x1F8, v23;
	[tilespmem:v21+s22+$0x0] =	vst.idx.msk $0xffff, v24  }
0x1e4: {  	v63 =	vadd.s32 v17, v22;
	v21 =	vmov s0;
	v24 =	vld.idx.msk [tilespmem:v62+s19+$0x0], $0xffff  }
0x1e5: {  	v23 =	vadd.s32 v18, v22;
	v21 =	vshll.u32 v21, $0x5;
	v20 =	vld.idx.msk [tilespmem:v20+s19+$0x0], $0xffff  }
0x1e6: {  	v22 =	vor.u32 v0, v21  }
0x1e7: {  	v21 =	vor.u32 v3, v21;
	_ =	sdelay $0x1  }
0x1e8: {  	s28 =	simm.s32 $0x2F;
	s26 =	simm.s32 $0x1F;
	[tilespmem:v63+s22+$0x0] =	vst.idx.msk $0xffff, v24  }
.LBB2_12:
0x1e9: {  	p0 =	sne.s32 s28, $0x1FF;
	[tilespmem:v23+s22+$0x0] =	vst.idx.msk $0xffff, v20;
	s29 =	smov.u32 s28;
	s28 =	sadd.s32 $0x10, s28  }
0x1ea: {  	s1 =	sadd.s32 $0xFFFFFFF2, s26;
	v20 =	vld.idx.msk [tilespmem:v22+s19+$0x0], $0xffff  }
0x1eb: {  	v22 =	vadd.s32 s0, v1;
	v23 =	vmov s1;
	v21 =	vld.idx.msk [tilespmem:v21+s19+$0x0], $0xffff  }
0x1ec: {  	v24 =	vadd.s32 s0, v4;
	v25 =	vshll.u32 v23, $0x5;
	v23 =	vand.u32 $0x1F0, v23  }
0x1ed: {  	v26 =	vor.u32 v0, v25  }
0x1ee: {  	v25 =	vor.u32 v3, v25;
	_ =	sdelay $0x1  }
0x1ef: {  	[tilespmem:v22+s22+$0x0] =	vst.idx.msk $0xffff, v20  }
0x1f0: {  	[tilespmem:v24+s22+$0x0] =	vst.idx.msk $0xffff, v21  }
0x1f1: {  	s0 =	sadd.s32 $0xFFFFFFF3, s26;
	v20 =	vld.idx.msk [tilespmem:v26+s19+$0x0], $0xffff  }
0x1f2: {  	v22 =	vadd.s32 v5, v23;
	v24 =	vmov s0;
	v21 =	vld.idx.msk [tilespmem:v25+s19+$0x0], $0xffff  }
0x1f3: {  	v23 =	vadd.s32 v6, v23;
	v25 =	vshll.u32 v24, $0x5;
	v24 =	vand.u32 $0x1F0, v24  }
0x1f4: {  	v26 =	vor.u32 v0, v25  }
0x1f5: {  	v25 =	vor.u32 v3, v25;
	_ =	sdelay $0x1  }
0x1f6: {  	[tilespmem:v22+s22+$0x0] =	vst.idx.msk $0xffff, v20  }
0x1f7: {  	[tilespmem:v23+s22+$0x0] =	vst.idx.msk $0xffff, v21  }
0x1f8: {  	s0 =	sadd.s32 $0xFFFFFFF4, s26;
	v20 =	vld.idx.msk [tilespmem:v26+s19+$0x0], $0xffff  }
0x1f9: {  	v22 =	vadd.s32 v7, v24;
	v23 =	vmov s0;
	v21 =	vld.idx.msk [tilespmem:v25+s19+$0x0], $0xffff  }
0x1fa: {  	v24 =	vadd.s32 v8, v24;
	v25 =	vshll.u32 v23, $0x5;
	v23 =	vand.u32 $0x1F0, v23  }
0x1fb: {  	v26 =	vor.u32 v0, v25  }
0x1fc: {  	v25 =	vor.u32 v3, v25;
	_ =	sdelay $0x1  }
0x1fd: {  	[tilespmem:v22+s22+$0x0] =	vst.idx.msk $0xffff, v20  }
0x1fe: {  	[tilespmem:v24+s22+$0x0] =	vst.idx.msk $0xffff, v21  }
0x1ff: {  	s0 =	sadd.s32 $0xFFFFFFF5, s26;
	v20 =	vld.idx.msk [tilespmem:v26+s19+$0x0], $0xffff  }
0x200: {  	v22 =	vadd.s32 v9, v23;
	v24 =	vmov s0;
	v21 =	vld.idx.msk [tilespmem:v25+s19+$0x0], $0xffff  }
0x201: {  	v23 =	vadd.s32 v10, v23;
	v25 =	vshll.u32 v24, $0x5;
	v24 =	vand.u32 $0x1F0, v24  }
0x202: {  	v26 =	vor.u32 v0, v25  }
0x203: {  	v25 =	vor.u32 v3, v25;
	_ =	sdelay $0x1  }
0x204: {  	[tilespmem:v22+s22+$0x0] =	vst.idx.msk $0xffff, v20  }
0x205: {  	[tilespmem:v23+s22+$0x0] =	vst.idx.msk $0xffff, v21  }
0x206: {  	s0 =	sadd.s32 $0xFFFFFFF6, s26;
	v20 =	vld.idx.msk [tilespmem:v26+s19+$0x0], $0xffff  }
0x207: {  	v22 =	vadd.s32 v11, v24;
	v23 =	vmov s0;
	v21 =	vld.idx.msk [tilespmem:v25+s19+$0x0], $0xffff  }
0x208: {  	v24 =	vadd.s32 v12, v24;
	v25 =	vshll.u32 v23, $0x5;
	v23 =	vand.u32 $0x1F0, v23  }
0x209: {  	v26 =	vor.u32 v0, v25  }
0x20a: {  	v25 =	vor.u32 v3, v25;
	_ =	sdelay $0x1  }
0x20b: {  	[tilespmem:v22+s22+$0x0] =	vst.idx.msk $0xffff, v20  }
0x20c: {  	[tilespmem:v24+s22+$0x0] =	vst.idx.msk $0xffff, v21  }
0x20d: {  	s0 =	sadd.s32 $0xFFFFFFF7, s26;
	v20 =	vld.idx.msk [tilespmem:v26+s19+$0x0], $0xffff  }
0x20e: {  	v22 =	vadd.s32 v13, v23;
	v24 =	vmov s0;
	v21 =	vld.idx.msk [tilespmem:v25+s19+$0x0], $0xffff  }
0x20f: {  	v23 =	vadd.s32 v14, v23;
	v25 =	vshll.u32 v24, $0x5;
	v24 =	vand.u32 $0x1F0, v24  }
0x210: {  	v26 =	vor.u32 v0, v25  }
0x211: {  	v25 =	vor.u32 v3, v25;
	_ =	sdelay $0x1  }
0x212: {  	[tilespmem:v22+s22+$0x0] =	vst.idx.msk $0xffff, v20  }
0x213: {  	[tilespmem:v23+s22+$0x0] =	vst.idx.msk $0xffff, v21  }
0x214: {  	s0 =	sadd.s32 $0xFFFFFFF8, s26;
	v20 =	vld.idx.msk [tilespmem:v26+s19+$0x0], $0xffff  }
0x215: {  	v22 =	vadd.s32 v15, v24;
	v23 =	vmov s0;
	v21 =	vld.idx.msk [tilespmem:v25+s19+$0x0], $0xffff  }
0x216: {  	v24 =	vadd.s32 v16, v24;
	v25 =	vshll.u32 v23, $0x5;
	v23 =	vand.u32 $0x1F0, v23  }
0x217: {  	v26 =	vor.u32 v0, v25  }
0x218: {  	v25 =	vor.u32 v3, v25;
	_ =	sdelay $0x1  }
0x219: {  	[tilespmem:v22+s22+$0x0] =	vst.idx.msk $0xffff, v20  }
0x21a: {  	[tilespmem:v24+s22+$0x0] =	vst.idx.msk $0xffff, v21  }
0x21b: {  	s0 =	sadd.s32 $0xFFFFFFF9, s26;
	v20 =	vld.idx.msk [tilespmem:v26+s19+$0x0], $0xffff  }
0x21c: {  	v22 =	vadd.s32 v17, v23;
	v24 =	vmov s0;
	v21 =	vld.idx.msk [tilespmem:v25+s19+$0x0], $0xffff  }
0x21d: {  	v23 =	vadd.s32 v18, v23;
	v24 =	vshll.u32 v24, $0x5  }
0x21e: {  	v25 =	vor.u32 v0, v24  }
0x21f: {  	v24 =	vor.u32 v3, v24;
	_ =	sdelay $0x1  }
0x220: {  	[tilespmem:v22+s22+$0x0] =	vst.idx.msk $0xffff, v20  }
0x221: {  	[tilespmem:v23+s22+$0x0] =	vst.idx.msk $0xffff, v21  }
0x222: {  	s1 =	sadd.s32 $0xFFFFFFFA, s26;
	v20 =	vld.idx.msk [tilespmem:v25+s19+$0x0], $0xffff  }
0x223: {  	v22 =	vadd.s32 s0, v1;
	v23 =	vmov s1;
	v21 =	vld.idx.msk [tilespmem:v24+s19+$0x0], $0xffff  }
0x224: {  	v25 =	vshll.u32 v23, $0x5;
	v24 =	vadd.s32 s0, v4  }
0x225: {  	v26 =	vor.u32 v0, v25  }
0x226: {  	v25 =	vor.u32 v3, v25;
	_ =	sdelay $0x1  }
0x227: {  	[tilespmem:v22+s22+$0x0] =	vst.idx.msk $0xffff, v20  }
0x228: {  	[tilespmem:v24+s22+$0x0] =	vst.idx.msk $0xffff, v21  }
0x229: {  	s0 =	sadd.s32 $0xFFFFFFFB, s26;
	v21 =	vand.u32 $0x1F8, v23;
	v20 =	vld.idx.msk [tilespmem:v26+s19+$0x0], $0xffff  }
0x22a: {  	v24 =	vmov s0;
	v23 =	vadd.s32 v5, v21;
	v22 =	vld.idx.msk [tilespmem:v25+s19+$0x0], $0xffff  }
0x22b: {  	v21 =	vadd.s32 v6, v21;
	v25 =	vshll.u32 v24, $0x5;
	v24 =	vand.u32 $0x1F8, v24  }
0x22c: {  	v26 =	vor.u32 v0, v25  }
0x22d: {  	v25 =	vor.u32 v3, v25;
	_ =	sdelay $0x1  }
0x22e: {  	[tilespmem:v23+s22+$0x0] =	vst.idx.msk $0xffff, v20  }
0x22f: {  	[tilespmem:v21+s22+$0x0] =	vst.idx.msk $0xffff, v22  }
0x230: {  	s0 =	sadd.s32 $0xFFFFFFFC, s26;
	v20 =	vld.idx.msk [tilespmem:v26+s19+$0x0], $0xffff  }
0x231: {  	v23 =	vmov s0;
	v22 =	vadd.s32 v7, v24;
	v21 =	vld.idx.msk [tilespmem:v25+s19+$0x0], $0xffff  }
0x232: {  	v24 =	vadd.s32 v8, v24;
	v25 =	vshll.u32 v23, $0x5;
	v23 =	vand.u32 $0x1F8, v23  }
0x233: {  	v26 =	vor.u32 v0, v25  }
0x234: {  	v25 =	vor.u32 v3, v25;
	_ =	sdelay $0x1  }
0x235: {  	[tilespmem:v22+s22+$0x0] =	vst.idx.msk $0xffff, v20  }
0x236: {  	[tilespmem:v24+s22+$0x0] =	vst.idx.msk $0xffff, v21  }
0x237: {  	s0 =	sadd.s32 $0xFFFFFFFD, s26;
	v20 =	vld.idx.msk [tilespmem:v26+s19+$0x0], $0xffff  }
0x238: {  	v22 =	vadd.s32 v9, v23;
	v24 =	vmov s0;
	v21 =	vld.idx.msk [tilespmem:v25+s19+$0x0], $0xffff  }
0x239: {  	v23 =	vadd.s32 v10, v23;
	v25 =	vshll.u32 v24, $0x5;
	v24 =	vand.u32 $0x1F8, v24  }
0x23a: {  	v26 =	vor.u32 v0, v25  }
0x23b: {  	v25 =	vor.u32 v3, v25;
	_ =	sdelay $0x1  }
0x23c: {  	[tilespmem:v22+s22+$0x0] =	vst.idx.msk $0xffff, v20  }
0x23d: {  	[tilespmem:v23+s22+$0x0] =	vst.idx.msk $0xffff, v21  }
0x23e: {  	s0 =	sadd.s32 $0xFFFFFFFE, s26;
	v20 =	vld.idx.msk [tilespmem:v26+s19+$0x0], $0xffff  }
0x23f: {  	v22 =	vadd.s32 v11, v24;
	v23 =	vmov s0;
	v21 =	vld.idx.msk [tilespmem:v25+s19+$0x0], $0xffff  }
0x240: {  	v24 =	vadd.s32 v12, v24;
	v25 =	vshll.u32 v23, $0x5;
	v23 =	vand.u32 $0x1F8, v23  }
0x241: {  	v26 =	vor.u32 v0, v25  }
0x242: {  	v25 =	vor.u32 v3, v25;
	_ =	sdelay $0x1  }
0x243: {  	[tilespmem:v22+s22+$0x0] =	vst.idx.msk $0xffff, v20  }
0x244: {  	[tilespmem:v24+s22+$0x0] =	vst.idx.msk $0xffff, v21  }
0x245: {  	s0 =	sadd.s32 $0xFFFFFFFF, s26;
	v20 =	vld.idx.msk [tilespmem:v26+s19+$0x0], $0xffff  }
0x246: {  	v22 =	vadd.s32 v13, v23;
	v24 =	vmov s0;
	v21 =	vld.idx.msk [tilespmem:v25+s19+$0x0], $0xffff  }
0x247: {  	v23 =	vadd.s32 v14, v23;
	v25 =	vshll.u32 v24, $0x5;
	v24 =	vand.u32 $0x1F8, v24  }
0x248: {  	v26 =	vor.u32 v0, v25  }
0x249: {  	v25 =	vor.u32 v3, v25;
	_ =	sdelay $0x1  }
0x24a: {  	[tilespmem:v22+s22+$0x0] =	vst.idx.msk $0xffff, v20  }
0x24b: {  	[tilespmem:v23+s22+$0x0] =	vst.idx.msk $0xffff, v21  }
0x24c: {  	v20 =	vld.idx.msk [tilespmem:v26+s19+$0x0], $0xffff  }
0x24d: {  	v22 =	vadd.s32 v15, v24;
	v23 =	vmov s26;
	s26 =	smov.u32 s29;
	v21 =	vld.idx.msk [tilespmem:v25+s19+$0x0], $0xffff  }
0x24e: {  	v24 =	vadd.s32 v16, v24;
	v25 =	vshll.u32 v23, $0x5;
	v23 =	vand.u32 $0x1F8, v23  }
0x24f: {  	v26 =	vor.u32 v0, v25  }
0x250: {  	v25 =	vor.u32 v3, v25;
	_ =	sdelay $0x1  }
0x251: {  	[tilespmem:v22+s22+$0x0] =	vst.idx.msk $0xffff, v20  }
0x252: {  	[tilespmem:v24+s22+$0x0] =	vst.idx.msk $0xffff, v21  }
0x253: {  	s0 =	sadd.s32 $0xFFFFFFF1, s26;
	v24 =	vld.idx.msk [tilespmem:v26+s19+$0x0], $0xffff  }
0x254: {  	v21 =	vmov s0;
	v20 =	vld.idx.msk [tilespmem:v25+s19+$0x0], $0xffff;
	v25 =	vadd.s32 v17, v23  }
.Ltmp5:
0x255: {  	v21 =	vshll.u32 v21, $0x5;
	v23 =	vadd.s32 v18, v23;
	(pc) =	sbr.rel @p0 .LBB2_12-.Ltmp5, $2  }
0x256: {  	v22 =	vor.u32 v0, v21;
	v21 =	vor.u32 v3, v21;
	_ =	sdelay $0x2  }
0x257: {  	[tilespmem:v25+s22+$0x0] =	vst.idx.msk $0xffff, v24  }
0x258: {  	_ =	sdelay $0x3  }
0x259: {  	[tilespmem:v23+s22+$0x0] =	vst.idx.msk $0xffff, v20;
	s1 =	sadd.s32 $0xFFFFFFF2, s26  }
0x25a: {  	v35 =	vadd.s32 s0, v1;
	v20 =	vld.idx.msk [tilespmem:v22+s19+$0x0], $0xffff;
	v36 =	vmov s1  }
0x25b: {  	v24 =	vadd.s32 s0, v4;
	v21 =	vld.idx.msk [tilespmem:v21+s19+$0x0], $0xffff;
	v25 =	vshll.u32 v36, $0x5  }
0x25c: {  	v26 =	vor.u32 v0, v25  }
0x25d: {  	v25 =	vor.u32 v3, v25;
	_ =	sdelay $0x1  }
0x25e: {  	[tilespmem:v35+s22+$0x0] =	vst.idx.msk $0xffff, v20  }
0x25f: {  	s30 =	sadd.s32 $0xFFFFFFF3, s26;
	v20 =	vand.u32 $0x1F0, v36;
	[tilespmem:v24+s22+$0x0] =	vst.idx.msk $0xffff, v21  }
0x260: {  	v38 =	vmov s30;
	v37 =	vadd.s32 v5, v20;
	v21 =	vld.idx.msk [tilespmem:v26+s19+$0x0], $0xffff  }
0x261: {  	v39 =	vshll.u32 v38, $0x5;
	v20 =	vadd.s32 v6, v20;
	v24 =	vld.idx.msk [tilespmem:v25+s19+$0x0], $0xffff  }
0x262: {  	v40 =	vor.u32 v0, v39  }
0x263: {  	v25 =	vor.u32 v3, v39;
	_ =	sdelay $0x1  }
0x264: {  	[tilespmem:v37+s22+$0x0] =	vst.idx.msk $0xffff, v21  }
0x265: {  	s31 =	sadd.s32 $0xFFFFFFF4, s26;
	v41 =	vand.u32 $0x1F0, v38;
	[tilespmem:v20+s22+$0x0] =	vst.idx.msk $0xffff, v24  }
0x266: {  	v43 =	vmov s31;
	v42 =	vadd.s32 v7, v41;
	v20 =	vld.idx.msk [tilespmem:v40+s19+$0x0], $0xffff  }
0x267: {  	v44 =	vshll.u32 v43, $0x5;
	v21 =	vadd.s32 v8, v41;
	v24 =	vld.idx.msk [tilespmem:v25+s19+$0x0], $0xffff  }
0x268: {  	v45 =	vor.u32 v0, v44  }
0x269: {  	v25 =	vor.u32 v3, v44;
	_ =	sdelay $0x1  }
0x26a: {  	[tilespmem:v42+s22+$0x0] =	vst.idx.msk $0xffff, v20  }
0x26b: {  	s1 =	sadd.s32 $0xFFFFFFF5, s26;
	v20 =	vand.u32 $0x1F0, v43;
	[tilespmem:v21+s22+$0x0] =	vst.idx.msk $0xffff, v24  }
0x26c: {  	v47 =	vmov s1;
	v46 =	vadd.s32 v9, v20;
	v21 =	vld.idx.msk [tilespmem:v45+s19+$0x0], $0xffff  }
0x26d: {  	v48 =	vshll.u32 v47, $0x5;
	v20 =	vadd.s32 v10, v20;
	v24 =	vld.idx.msk [tilespmem:v25+s19+$0x0], $0xffff  }
0x26e: {  	v49 =	vor.u32 v0, v48  }
0x26f: {  	v25 =	vor.u32 v3, v48;
	_ =	sdelay $0x1  }
0x270: {  	[tilespmem:v46+s22+$0x0] =	vst.idx.msk $0xffff, v21  }
0x271: {  	s13 =	sadd.s32 $0xFFFFFFF6, s26;
	v50 =	vand.u32 $0x1F0, v47;
	[tilespmem:v20+s22+$0x0] =	vst.idx.msk $0xffff, v24  }
0x272: {  	v52 =	vmov s13;
	v51 =	vadd.s32 v11, v50;
	v20 =	vld.idx.msk [tilespmem:v49+s19+$0x0], $0xffff  }
0x273: {  	v53 =	vshll.u32 v52, $0x5;
	v21 =	vadd.s32 v12, v50;
	v24 =	vld.idx.msk [tilespmem:v25+s19+$0x0], $0xffff  }
0x274: {  	v54 =	vor.u32 v0, v53  }
0x275: {  	v25 =	vor.u32 v3, v53;
	_ =	sdelay $0x1  }
0x276: {  	[tilespmem:v51+s22+$0x0] =	vst.idx.msk $0xffff, v20  }
0x277: {  	s28 =	sadd.s32 $0xFFFFFFF7, s26;
	v20 =	vand.u32 $0x1F0, v52;
	[tilespmem:v21+s22+$0x0] =	vst.idx.msk $0xffff, v24  }
0x278: {  	v56 =	vmov s28;
	v55 =	vadd.s32 v13, v20;
	v21 =	vld.idx.msk [tilespmem:v54+s19+$0x0], $0xffff  }
0x279: {  	v57 =	vshll.u32 v56, $0x5;
	v20 =	vadd.s32 v14, v20;
	v24 =	vld.idx.msk [tilespmem:v25+s19+$0x0], $0xffff  }
0x27a: {  	v58 =	vor.u32 v0, v57  }
0x27b: {  	v25 =	vor.u32 v3, v57;
	_ =	sdelay $0x1  }
0x27c: {  	[tilespmem:v55+s22+$0x0] =	vst.idx.msk $0xffff, v21  }
0x27d: {  	s29 =	sadd.s32 $0xFFFFFFF8, s26;
	v59 =	vand.u32 $0x1F0, v56;
	[tilespmem:v20+s22+$0x0] =	vst.idx.msk $0xffff, v24  }
0x27e: {  	v61 =	vmov s29;
	v60 =	vadd.s32 v15, v59;
	v20 =	vld.idx.msk [tilespmem:v58+s19+$0x0], $0xffff  }
0x27f: {  	v62 =	vshll.u32 v61, $0x5;
	v21 =	vadd.s32 v16, v59;
	v24 =	vld.idx.msk [tilespmem:v25+s19+$0x0], $0xffff  }
0x280: {  	v63 =	vor.u32 v0, v62  }
0x281: {  	v25 =	vor.u32 v3, v62;
	_ =	sdelay $0x1  }
0x282: {  	[tilespmem:v60+s22+$0x0] =	vst.idx.msk $0xffff, v20  }
0x283: {  	s30 =	sadd.s32 $0xFFFFFFF9, s26;
	v20 =	vand.u32 $0x1F0, v61;
	[tilespmem:v21+s22+$0x0] =	vst.idx.msk $0xffff, v24  }
0x284: {  	v29 =	vmov s30;
	v28 =	vadd.s32 v17, v20;
	v21 =	vld.idx.msk [tilespmem:v63+s19+$0x0], $0xffff  }
0x285: {  	v23 =	vshll.u32 v29, $0x5;
	v20 =	vadd.s32 v18, v20;
	v24 =	vld.idx.msk [tilespmem:v25+s19+$0x0], $0xffff  }
0x286: {  	v30 =	vor.u32 v0, v23  }
0x287: {  	v23 =	vor.u32 v3, v23;
	_ =	sdelay $0x1  }
0x288: {  	[tilespmem:v28+s22+$0x0] =	vst.idx.msk $0xffff, v21  }
0x289: {  	s31 =	sadd.s32 $0xFFFFFFFA, s26;
	[tilespmem:v20+s22+$0x0] =	vst.idx.msk $0xffff, v24  }
0x28a: {  	v31 =	vadd.s32 s30, v1;
	v32 =	vmov s31;
	v20 =	vld.idx.msk [tilespmem:v30+s19+$0x0], $0xffff  }
0x28b: {  	v33 =	vadd.s32 s30, v4;
	v34 =	vshll.u32 v32, $0x5;
	v23 =	vld.idx.msk [tilespmem:v23+s19+$0x0], $0xffff  }
0x28c: {  	v35 =	vor.u32 v0, v34  }
0x28d: {  	v25 =	vor.u32 v3, v34;
	_ =	sdelay $0x1  }
0x28e: {  	[tilespmem:v31+s22+$0x0] =	vst.idx.msk $0xffff, v20  }
0x28f: {  	s13 =	sadd.s32 $0xFFFFFFFB, s26;
	v20 =	vand.u32 $0x1F8, v32;
	[tilespmem:v33+s22+$0x0] =	vst.idx.msk $0xffff, v23  }
0x290: {  	v36 =	vmov s13;
	v22 =	vadd.s32 v5, v20;
	v21 =	vld.idx.msk [tilespmem:v35+s19+$0x0], $0xffff  }
0x291: {  	v37 =	vshll.u32 v36, $0x5;
	v20 =	vadd.s32 v6, v20;
	v24 =	vld.idx.msk [tilespmem:v25+s19+$0x0], $0xffff  }
0x292: {  	v38 =	vor.u32 v0, v37  }
0x293: {  	v25 =	vor.u32 v3, v37;
	_ =	sdelay $0x1  }
0x294: {  	[tilespmem:v22+s22+$0x0] =	vst.idx.msk $0xffff, v21  }
0x295: {  	s28 =	sadd.s32 $0xFFFFFFFC, s26;
	v39 =	vand.u32 $0x1F8, v36;
	[tilespmem:v20+s22+$0x0] =	vst.idx.msk $0xffff, v24  }
0x296: {  	v41 =	vmov s28;
	v40 =	vadd.s32 v7, v39;
	v20 =	vld.idx.msk [tilespmem:v38+s19+$0x0], $0xffff  }
0x297: {  	v42 =	vshll.u32 v41, $0x5;
	v21 =	vadd.s32 v8, v39;
	v24 =	vld.idx.msk [tilespmem:v25+s19+$0x0], $0xffff  }
0x298: {  	v43 =	vor.u32 v0, v42  }
0x299: {  	v25 =	vor.u32 v3, v42;
	_ =	sdelay $0x1  }
0x29a: {  	[tilespmem:v40+s22+$0x0] =	vst.idx.msk $0xffff, v20  }
0x29b: {  	s29 =	sadd.s32 $0xFFFFFFFD, s26;
	v20 =	vand.u32 $0x1F8, v41;
	[tilespmem:v21+s22+$0x0] =	vst.idx.msk $0xffff, v24  }
0x29c: {  	v45 =	vmov s29;
	v44 =	vadd.s32 v9, v20;
	v21 =	vld.idx.msk [tilespmem:v43+s19+$0x0], $0xffff  }
0x29d: {  	v46 =	vshll.u32 v45, $0x5;
	v20 =	vadd.s32 v10, v20;
	v24 =	vld.idx.msk [tilespmem:v25+s19+$0x0], $0xffff  }
0x29e: {  	v47 =	vor.u32 v0, v46  }
0x29f: {  	v25 =	vor.u32 v3, v46;
	_ =	sdelay $0x1  }
0x2a0: {  	[tilespmem:v44+s22+$0x0] =	vst.idx.msk $0xffff, v21  }
0x2a1: {  	s30 =	sadd.s32 $0xFFFFFFFE, s26;
	v48 =	vand.u32 $0x1F8, v45;
	[tilespmem:v20+s22+$0x0] =	vst.idx.msk $0xffff, v24  }
0x2a2: {  	v50 =	vmov s30;
	v49 =	vadd.s32 v11, v48;
	v20 =	vld.idx.msk [tilespmem:v47+s19+$0x0], $0xffff  }
0x2a3: {  	v51 =	vshll.u32 v50, $0x5;
	v21 =	vadd.s32 v12, v48;
	v24 =	vld.idx.msk [tilespmem:v25+s19+$0x0], $0xffff  }
0x2a4: {  	v52 =	vor.u32 v0, v51  }
0x2a5: {  	v25 =	vor.u32 v3, v51;
	_ =	sdelay $0x1  }
0x2a6: {  	[tilespmem:v49+s22+$0x0] =	vst.idx.msk $0xffff, v20  }
0x2a7: {  	s31 =	sadd.s32 $0xFFFFFFFF, s26;
	v20 =	vand.u32 $0x1F8, v50;
	[tilespmem:v21+s22+$0x0] =	vst.idx.msk $0xffff, v24  }
0x2a8: {  	v54 =	vmov s31;
	v53 =	vadd.s32 v13, v20;
	v21 =	vld.idx.msk [tilespmem:v52+s19+$0x0], $0xffff  }
0x2a9: {  	v55 =	vshll.u32 v54, $0x5;
	v20 =	vadd.s32 v14, v20;
	v24 =	vld.idx.msk [tilespmem:v25+s19+$0x0], $0xffff  }
0x2aa: {  	v56 =	vor.u32 v0, v55  }
0x2ab: {  	v25 =	vor.u32 v3, v55;
	_ =	sdelay $0x1  }
0x2ac: {  	[tilespmem:v53+s22+$0x0] =	vst.idx.msk $0xffff, v21  }
0x2ad: {  	v57 =	vand.u32 $0x1F8, v54;
	[tilespmem:v20+s22+$0x0] =	vst.idx.msk $0xffff, v24  }
0x2ae: {  	v59 =	vmov s26;
	v58 =	vadd.s32 v15, v57;
	v20 =	vld.idx.msk [tilespmem:v56+s19+$0x0], $0xffff  }
0x2af: {  	v60 =	vshll.u32 v59, $0x5;
	v21 =	vadd.s32 v16, v57;
	v24 =	vld.idx.msk [tilespmem:v25+s19+$0x0], $0xffff  }
0x2b0: {  	v61 =	vor.u32 v0, v60  }
0x2b1: {  	v25 =	vor.u32 v3, v60;
	_ =	sdelay $0x1  }
0x2b2: {  	[tilespmem:v58+s22+$0x0] =	vst.idx.msk $0xffff, v20  }
0x2b3: {  	v20 =	vand.u32 $0x1F8, v59;
	[tilespmem:v21+s22+$0x0] =	vst.idx.msk $0xffff, v24  }
0x2b4: {  	v62 =	vadd.s32 v17, v20;
	v21 =	vld.idx.msk [tilespmem:v61+s19+$0x0], $0xffff  }
0x2b5: {  	v20 =	vadd.s32 v18, v20;
	v63 =	vld.idx.msk [tilespmem:v25+s19+$0x0], $0xffff;
	_ =	sdelay $0x3  }
0x2b6: {  	[tilespmem:v62+s22+$0x0] =	vst.idx.msk $0xffff, v21  }
0x2b7: {  	s0 =	simm.s32 $0x0;
	s1 =	simm.s32 $0x12A00;
	[tilespmem:v20+s22+$0x0] =	vst.idx.msk $0xffff, v63  }
.LBB2_14:
0x2b8: {  	p0 =	sne.s32 s0, $0xF800  }
.Ltmp6:
0x2b9: {  	_ = 	snop;
	(pc) =	sbr.rel @p0 .LBB2_14-.Ltmp6, $4  }
0x2ba: {  	_ = 	snop  }
0x2bb: {  	s13 =	sadd.s32 s0, s8  }
0x2bc: {  	[hbm4b:s13+s2] =	stream.linear.scatter [tilespmem:s1], [sflag:$0x5], $0x200, $0x38;
	[tilespmem:$0x16C00] =	vst v63  }
0x2bd: {  	s0 =	sadd.s32 $0x800, s0;
	s1 =	sadd.s32 $0x210, s1  }
0x2be: {  	s26 =	simm.s32 $0x1  }
.LBB2_16:
0x2bf: {  	s28 =	sshllo.u32 s26, $0x1  }
0x2c0: {  	s1 =	simm.s32 $0x0;
	s0 =	sshll.u32 s28, $0x9  }
0x2c1: {  	s1 =	sor.u32 s0, s1  }
0x2c2: {  	v20 =	vor.u32 s1, v0;
	_ =	sdelay $0x1  }
0x2c3: {  	_ =	swait.ge [sflag:s17], $0x4000  }
0x2c4: {  	[sflag:s17] =	ssyncset.done $0x0  }
0x2c5: {  	s31 =	simm.s32 $0x10;
	[sflag:s17] =	ssyncadd.s32 $0xFFFFC000  }
0x2c6: {  	s1 =	sor.u32 s0, s31;
	v20 =	vld.idx.msk [tilespmem:v20+s2+$0x0], $0xffff  }
0x2c7: {  	v21 =	vor.u32 s1, v0;
	_ =	sdelay $0x2  }
0x2c8: {  	s1 =	simm.s32 $0x6600  }
0x2c9: {  	s13 =	simm.s32 $0x20;
	[tilespmem:s1+$0x0] =	vst v20  }
0x2ca: {  	s29 =	sshll.u32 s26, $0x1;
	s30 =	simm.s32 $0x30;
	s13 =	sor.u32 s0, s13;
	v20 =	vld.idx.msk [tilespmem:v21+s2+$0x0], $0xffff  }
.LBB2_17:
0x2cb: {  	p0 =	sne.s32 s30, $0x1F0;
	v21 =	vor.u32 s13, v0;
	_ =	sdelay $0x1  }
.Ltmp7:
0x2cc: {  	(pc) =	sbr.rel @p0 .LBB2_17-.Ltmp7, $4  }
0x2cd: {  	s1 =	sadd.s32 $0x10, s1  }
0x2ce: {  	[tilespmem:s1+$0x0] =	vst v20  }
0x2cf: {  	v20 =	vld.idx.msk [tilespmem:v21+s2+$0x0], $0xffff  }
0x2d0: {  	s13 =	sor.u32 s0, s30;
	s30 =	sadd.s32 $0x10, s30  }
0x2d1: {  	v21 =	vor.u32 s13, v0;
	_ =	sdelay $0x2  }
0x2d2: {  	s0 =	sadd.s32 $0x10, s1  }
0x2d3: {  	[tilespmem:s0+$0x0] =	vst v20  }
0x2d4: {  	v20 =	vld.idx.msk [tilespmem:v21+s2+$0x0], $0xffff;
	_ =	sdelay $0x1  }
0x2d5: {  	s1 =	simm.s32 $0x0  }
0x2d6: {  	v21 =	vmov s1  }
0x2d7: {  	s0 =	sadd.s32 $0x10, s0;
	v21 =	vshll.u32 v21, $0x5  }
0x2d8: {  	[tilespmem:s0+$0x0] =	vst v20;
	v20 =	vor.u32 v0, v21  }
0x2d9: {  	v21 =	vor.u32 v3, v21;
	[tilespmem:s19], [sflag:$0x3] =	stream.indirect.gather [hbm4b:s3+s12], $0x20, s18, s12, $0xb8;
	[tilespmem:$0x16C00] =	vst v63  }
0x2da: {  	_ =	swait.ge [sflag:s23], $0x4000  }
0x2db: {  	[sflag:s23] =	ssyncset.done $0x0  }
0x2dc: {  	s13 =	simm.s32 $0x1;
	[sflag:s23] =	ssyncadd.s32 $0xFFFFC000  }
0x2dd: {  	v22 =	vadd.s32 s1, v1;
	v23 =	vmov s13;
	v20 =	vld.idx.msk [tilespmem:v20+s16+$0x0], $0xffff  }
0x2de: {  	v24 =	vadd.s32 s1, v4;
	v25 =	vshll.u32 v23, $0x5;
	v21 =	vld.idx.msk [tilespmem:v21+s16+$0x0], $0xffff  }
0x2df: {  	v26 =	vor.u32 v0, v25  }
0x2e0: {  	v25 =	vor.u32 v3, v25;
	_ =	sdelay $0x1  }
0x2e1: {  	[tilespmem:v22+s20+$0x0] =	vst.idx.msk $0xffff, v20  }
0x2e2: {  	s13 =	simm.s32 $0x2;
	v20 =	vand.u32 $0x1F0, v23;
	[tilespmem:v24+s20+$0x0] =	vst.idx.msk $0xffff, v21  }
0x2e3: {  	v23 =	vmov s13;
	v22 =	vadd.s32 v5, v20;
	v21 =	vld.idx.msk [tilespmem:v26+s16+$0x0], $0xffff  }
0x2e4: {  	v20 =	vadd.s32 v6, v20;
	v35 =	vshll.u32 v23, $0x5;
	v24 =	vld.idx.msk [tilespmem:v25+s16+$0x0], $0xffff  }
0x2e5: {  	v36 =	vor.u32 v0, v35  }
0x2e6: {  	v25 =	vor.u32 v3, v35;
	_ =	sdelay $0x1  }
0x2e7: {  	[tilespmem:v22+s20+$0x0] =	vst.idx.msk $0xffff, v21  }
0x2e8: {  	s1 =	simm.s32 $0x3;
	v21 =	vand.u32 $0x1F0, v23;
	[tilespmem:v20+s20+$0x0] =	vst.idx.msk $0xffff, v24  }
0x2e9: {  	v23 =	vmov s1;
	v22 =	vadd.s32 v7, v21;
	v20 =	vld.idx.msk [tilespmem:v36+s16+$0x0], $0xffff  }
0x2ea: {  	v21 =	vadd.s32 v8, v21;
	v37 =	vshll.u32 v23, $0x5;
	v24 =	vld.idx.msk [tilespmem:v25+s16+$0x0], $0xffff  }
0x2eb: {  	v38 =	vor.u32 v0, v37  }
0x2ec: {  	v25 =	vor.u32 v3, v37;
	_ =	sdelay $0x1  }
0x2ed: {  	[tilespmem:v22+s20+$0x0] =	vst.idx.msk $0xffff, v20  }
0x2ee: {  	s13 =	simm.s32 $0x4;
	v20 =	vand.u32 $0x1F0, v23;
	[tilespmem:v21+s20+$0x0] =	vst.idx.msk $0xffff, v24  }
0x2ef: {  	v23 =	vmov s13;
	v22 =	vadd.s32 v9, v20;
	v21 =	vld.idx.msk [tilespmem:v38+s16+$0x0], $0xffff  }
0x2f0: {  	v20 =	vadd.s32 v10, v20;
	v39 =	vshll.u32 v23, $0x5;
	v24 =	vld.idx.msk [tilespmem:v25+s16+$0x0], $0xffff  }
0x2f1: {  	v40 =	vor.u32 v0, v39  }
0x2f2: {  	v25 =	vor.u32 v3, v39;
	_ =	sdelay $0x1  }
0x2f3: {  	[tilespmem:v22+s20+$0x0] =	vst.idx.msk $0xffff, v21  }
0x2f4: {  	s1 =	simm.s32 $0x5;
	v21 =	vand.u32 $0x1F0, v23;
	[tilespmem:v20+s20+$0x0] =	vst.idx.msk $0xffff, v24  }
0x2f5: {  	v23 =	vmov s1;
	v22 =	vadd.s32 v11, v21;
	v20 =	vld.idx.msk [tilespmem:v40+s16+$0x0], $0xffff  }
0x2f6: {  	v21 =	vadd.s32 v12, v21;
	v41 =	vshll.u32 v23, $0x5;
	v24 =	vld.idx.msk [tilespmem:v25+s16+$0x0], $0xffff  }
0x2f7: {  	v42 =	vor.u32 v0, v41  }
0x2f8: {  	v25 =	vor.u32 v3, v41;
	_ =	sdelay $0x1  }
0x2f9: {  	[tilespmem:v22+s20+$0x0] =	vst.idx.msk $0xffff, v20  }
0x2fa: {  	s13 =	simm.s32 $0x6;
	v20 =	vand.u32 $0x1F0, v23;
	[tilespmem:v21+s20+$0x0] =	vst.idx.msk $0xffff, v24  }
0x2fb: {  	v23 =	vmov s13;
	v22 =	vadd.s32 v13, v20;
	v21 =	vld.idx.msk [tilespmem:v42+s16+$0x0], $0xffff  }
0x2fc: {  	v20 =	vadd.s32 v14, v20;
	v43 =	vshll.u32 v23, $0x5;
	v24 =	vld.idx.msk [tilespmem:v25+s16+$0x0], $0xffff  }
0x2fd: {  	v44 =	vor.u32 v0, v43  }
0x2fe: {  	v25 =	vor.u32 v3, v43;
	_ =	sdelay $0x1  }
0x2ff: {  	[tilespmem:v22+s20+$0x0] =	vst.idx.msk $0xffff, v21  }
0x300: {  	s1 =	simm.s32 $0x7;
	v21 =	vand.u32 $0x1F0, v23;
	[tilespmem:v20+s20+$0x0] =	vst.idx.msk $0xffff, v24  }
0x301: {  	v23 =	vmov s1;
	v22 =	vadd.s32 v15, v21;
	v20 =	vld.idx.msk [tilespmem:v44+s16+$0x0], $0xffff  }
0x302: {  	v21 =	vadd.s32 v16, v21;
	v45 =	vshll.u32 v23, $0x5;
	v24 =	vld.idx.msk [tilespmem:v25+s16+$0x0], $0xffff  }
0x303: {  	v46 =	vor.u32 v0, v45  }
0x304: {  	v25 =	vor.u32 v3, v45;
	_ =	sdelay $0x1  }
0x305: {  	[tilespmem:v22+s20+$0x0] =	vst.idx.msk $0xffff, v20  }
0x306: {  	s0 =	simm.s32 $0x8;
	v20 =	vand.u32 $0x1F0, v23;
	[tilespmem:v21+s20+$0x0] =	vst.idx.msk $0xffff, v24  }
0x307: {  	v23 =	vmov s0;
	v22 =	vadd.s32 v17, v20;
	v21 =	vld.idx.msk [tilespmem:v46+s16+$0x0], $0xffff  }
0x308: {  	v20 =	vadd.s32 v18, v20;
	v23 =	vshll.u32 v23, $0x5;
	v24 =	vld.idx.msk [tilespmem:v25+s16+$0x0], $0xffff  }
0x309: {  	v47 =	vor.u32 v0, v23  }
0x30a: {  	v23 =	vor.u32 v3, v23;
	_ =	sdelay $0x1  }
0x30b: {  	[tilespmem:v22+s20+$0x0] =	vst.idx.msk $0xffff, v21  }
0x30c: {  	s13 =	simm.s32 $0x9;
	[tilespmem:v20+s20+$0x0] =	vst.idx.msk $0xffff, v24  }
0x30d: {  	v21 =	vadd.s32 s0, v1;
	v22 =	vmov s13;
	v20 =	vld.idx.msk [tilespmem:v47+s16+$0x0], $0xffff  }
0x30e: {  	v48 =	vadd.s32 s0, v4;
	v49 =	vshll.u32 v22, $0x5;
	v23 =	vld.idx.msk [tilespmem:v23+s16+$0x0], $0xffff  }
0x30f: {  	v50 =	vor.u32 v0, v49  }
0x310: {  	v25 =	vor.u32 v3, v49;
	_ =	sdelay $0x1  }
0x311: {  	[tilespmem:v21+s20+$0x0] =	vst.idx.msk $0xffff, v20  }
0x312: {  	s1 =	simm.s32 $0xA;
	v20 =	vand.u32 $0x1F8, v22;
	[tilespmem:v48+s20+$0x0] =	vst.idx.msk $0xffff, v23  }
0x313: {  	v22 =	vadd.s32 v5, v20;
	v23 =	vmov s1;
	v21 =	vld.idx.msk [tilespmem:v50+s16+$0x0], $0xffff  }
0x314: {  	v20 =	vadd.s32 v6, v20;
	v24 =	vld.idx.msk [tilespmem:v25+s16+$0x0], $0xffff;
	v51 =	vshll.u32 v23, $0x5  }
0x315: {  	v52 =	vor.u32 v0, v51  }
0x316: {  	v25 =	vor.u32 v3, v51;
	_ =	sdelay $0x1  }
0x317: {  	[tilespmem:v22+s20+$0x0] =	vst.idx.msk $0xffff, v21  }
0x318: {  	s13 =	simm.s32 $0xB;
	v21 =	vand.u32 $0x1F8, v23;
	[tilespmem:v20+s20+$0x0] =	vst.idx.msk $0xffff, v24  }
0x319: {  	v23 =	vmov s13;
	v22 =	vadd.s32 v7, v21;
	v20 =	vld.idx.msk [tilespmem:v52+s16+$0x0], $0xffff  }
0x31a: {  	v21 =	vadd.s32 v8, v21;
	v53 =	vshll.u32 v23, $0x5;
	v24 =	vld.idx.msk [tilespmem:v25+s16+$0x0], $0xffff  }
0x31b: {  	v54 =	vor.u32 v0, v53  }
0x31c: {  	v25 =	vor.u32 v3, v53;
	_ =	sdelay $0x1  }
0x31d: {  	[tilespmem:v22+s20+$0x0] =	vst.idx.msk $0xffff, v20  }
0x31e: {  	s1 =	simm.s32 $0xC;
	v20 =	vand.u32 $0x1F8, v23;
	[tilespmem:v21+s20+$0x0] =	vst.idx.msk $0xffff, v24  }
0x31f: {  	v23 =	vmov s1;
	v22 =	vadd.s32 v9, v20;
	v21 =	vld.idx.msk [tilespmem:v54+s16+$0x0], $0xffff  }
0x320: {  	v20 =	vadd.s32 v10, v20;
	v55 =	vshll.u32 v23, $0x5;
	v24 =	vld.idx.msk [tilespmem:v25+s16+$0x0], $0xffff  }
0x321: {  	v56 =	vor.u32 v0, v55  }
0x322: {  	v25 =	vor.u32 v3, v55;
	_ =	sdelay $0x1  }
0x323: {  	[tilespmem:v22+s20+$0x0] =	vst.idx.msk $0xffff, v21  }
0x324: {  	s13 =	simm.s32 $0xD;
	v21 =	vand.u32 $0x1F8, v23;
	[tilespmem:v20+s20+$0x0] =	vst.idx.msk $0xffff, v24  }
0x325: {  	v23 =	vmov s13;
	v22 =	vadd.s32 v11, v21;
	v20 =	vld.idx.msk [tilespmem:v56+s16+$0x0], $0xffff  }
0x326: {  	v21 =	vadd.s32 v12, v21;
	v57 =	vshll.u32 v23, $0x5;
	v24 =	vld.idx.msk [tilespmem:v25+s16+$0x0], $0xffff  }
0x327: {  	v58 =	vor.u32 v0, v57  }
0x328: {  	v25 =	vor.u32 v3, v57;
	_ =	sdelay $0x1  }
0x329: {  	[tilespmem:v22+s20+$0x0] =	vst.idx.msk $0xffff, v20  }
0x32a: {  	s1 =	simm.s32 $0xE;
	v20 =	vand.u32 $0x1F8, v23;
	[tilespmem:v21+s20+$0x0] =	vst.idx.msk $0xffff, v24  }
0x32b: {  	v23 =	vmov s1;
	v22 =	vadd.s32 v13, v20;
	v21 =	vld.idx.msk [tilespmem:v58+s16+$0x0], $0xffff  }
0x32c: {  	v20 =	vadd.s32 v14, v20;
	v59 =	vshll.u32 v23, $0x5;
	v24 =	vld.idx.msk [tilespmem:v25+s16+$0x0], $0xffff  }
0x32d: {  	v60 =	vor.u32 v0, v59;
	_ =	sdelay $0x2  }
0x32e: {  	v25 =	vor.u32 v3, v59;
	[tilespmem:v22+s20+$0x0] =	vst.idx.msk $0xffff, v21  }
0x32f: {  	v21 =	vand.u32 $0x1F8, v23;
	[tilespmem:v20+s20+$0x0] =	vst.idx.msk $0xffff, v24  }
0x330: {  	v22 =	vadd.s32 v15, v21;
	v20 =	vld.idx.msk [tilespmem:v60+s16+$0x0], $0xffff  }
0x331: {  	s13 =	simm.s32 $0xF  }
0x332: {  	v23 =	vmov s13  }
0x333: {  	v21 =	vadd.s32 v16, v21;
	v61 =	vshll.u32 v23, $0x5;
	v24 =	vld.idx.msk [tilespmem:v25+s16+$0x0], $0xffff  }
0x334: {  	v62 =	vor.u32 v0, v61  }
0x335: {  	[tilespmem:v22+s20+$0x0] =	vst.idx.msk $0xffff, v20;
	v20 =	vor.u32 v3, v61;
	_ =	sdelay $0x2  }
0x336: {  	s1 =	simm.s32 $0x10;
	v22 =	vand.u32 $0x1F8, v23;
	[tilespmem:v21+s20+$0x0] =	vst.idx.msk $0xffff, v24  }
0x337: {  	v63 =	vadd.s32 v17, v22;
	v21 =	vmov s1;
	v24 =	vld.idx.msk [tilespmem:v62+s16+$0x0], $0xffff  }
0x338: {  	v23 =	vadd.s32 v18, v22;
	v21 =	vshll.u32 v21, $0x5;
	v20 =	vld.idx.msk [tilespmem:v20+s16+$0x0], $0xffff  }
0x339: {  	v22 =	vor.u32 v0, v21  }
0x33a: {  	v21 =	vor.u32 v3, v21;
	_ =	sdelay $0x1  }
0x33b: {  	s30 =	simm.s32 $0x1F;
	s31 =	simm.s32 $0x2F;
	[tilespmem:v63+s20+$0x0] =	vst.idx.msk $0xffff, v24  }
.LBB2_19:
0x33c: {  	p0 =	sne.s32 s31, $0x1FF;
	[tilespmem:v23+s20+$0x0] =	vst.idx.msk $0xffff, v20;
	s0 =	smov.u32 s31;
	s31 =	sadd.s32 $0x10, s31  }
0x33d: {  	s13 =	sadd.s32 $0xFFFFFFF2, s30;
	v20 =	vld.idx.msk [tilespmem:v22+s16+$0x0], $0xffff  }
0x33e: {  	v22 =	vadd.s32 s1, v1;
	v23 =	vmov s13;
	v21 =	vld.idx.msk [tilespmem:v21+s16+$0x0], $0xffff  }
0x33f: {  	v24 =	vadd.s32 s1, v4;
	v25 =	vshll.u32 v23, $0x5;
	v23 =	vand.u32 $0x1F0, v23  }
0x340: {  	v26 =	vor.u32 v0, v25  }
0x341: {  	v25 =	vor.u32 v3, v25;
	_ =	sdelay $0x1  }
0x342: {  	[tilespmem:v22+s20+$0x0] =	vst.idx.msk $0xffff, v20  }
0x343: {  	[tilespmem:v24+s20+$0x0] =	vst.idx.msk $0xffff, v21  }
0x344: {  	s1 =	sadd.s32 $0xFFFFFFF3, s30;
	v20 =	vld.idx.msk [tilespmem:v26+s16+$0x0], $0xffff  }
0x345: {  	v22 =	vadd.s32 v5, v23;
	v24 =	vmov s1;
	v21 =	vld.idx.msk [tilespmem:v25+s16+$0x0], $0xffff  }
0x346: {  	v23 =	vadd.s32 v6, v23;
	v25 =	vshll.u32 v24, $0x5;
	v24 =	vand.u32 $0x1F0, v24  }
0x347: {  	v26 =	vor.u32 v0, v25  }
0x348: {  	v25 =	vor.u32 v3, v25;
	_ =	sdelay $0x1  }
0x349: {  	[tilespmem:v22+s20+$0x0] =	vst.idx.msk $0xffff, v20  }
0x34a: {  	[tilespmem:v23+s20+$0x0] =	vst.idx.msk $0xffff, v21  }
0x34b: {  	s1 =	sadd.s32 $0xFFFFFFF4, s30;
	v20 =	vld.idx.msk [tilespmem:v26+s16+$0x0], $0xffff  }
0x34c: {  	v22 =	vadd.s32 v7, v24;
	v23 =	vmov s1;
	v21 =	vld.idx.msk [tilespmem:v25+s16+$0x0], $0xffff  }
0x34d: {  	v24 =	vadd.s32 v8, v24;
	v25 =	vshll.u32 v23, $0x5;
	v23 =	vand.u32 $0x1F0, v23  }
0x34e: {  	v26 =	vor.u32 v0, v25  }
0x34f: {  	v25 =	vor.u32 v3, v25;
	_ =	sdelay $0x1  }
0x350: {  	[tilespmem:v22+s20+$0x0] =	vst.idx.msk $0xffff, v20  }
0x351: {  	[tilespmem:v24+s20+$0x0] =	vst.idx.msk $0xffff, v21  }
0x352: {  	s1 =	sadd.s32 $0xFFFFFFF5, s30;
	v20 =	vld.idx.msk [tilespmem:v26+s16+$0x0], $0xffff  }
0x353: {  	v22 =	vadd.s32 v9, v23;
	v24 =	vmov s1;
	v21 =	vld.idx.msk [tilespmem:v25+s16+$0x0], $0xffff  }
0x354: {  	v23 =	vadd.s32 v10, v23;
	v25 =	vshll.u32 v24, $0x5;
	v24 =	vand.u32 $0x1F0, v24  }
0x355: {  	v26 =	vor.u32 v0, v25  }
0x356: {  	v25 =	vor.u32 v3, v25;
	_ =	sdelay $0x1  }
0x357: {  	[tilespmem:v22+s20+$0x0] =	vst.idx.msk $0xffff, v20  }
0x358: {  	[tilespmem:v23+s20+$0x0] =	vst.idx.msk $0xffff, v21  }
0x359: {  	s1 =	sadd.s32 $0xFFFFFFF6, s30;
	v20 =	vld.idx.msk [tilespmem:v26+s16+$0x0], $0xffff  }
0x35a: {  	v22 =	vadd.s32 v11, v24;
	v23 =	vmov s1;
	v21 =	vld.idx.msk [tilespmem:v25+s16+$0x0], $0xffff  }
0x35b: {  	v24 =	vadd.s32 v12, v24;
	v25 =	vshll.u32 v23, $0x5;
	v23 =	vand.u32 $0x1F0, v23  }
0x35c: {  	v26 =	vor.u32 v0, v25  }
0x35d: {  	v25 =	vor.u32 v3, v25;
	_ =	sdelay $0x1  }
0x35e: {  	[tilespmem:v22+s20+$0x0] =	vst.idx.msk $0xffff, v20  }
0x35f: {  	[tilespmem:v24+s20+$0x0] =	vst.idx.msk $0xffff, v21  }
0x360: {  	s1 =	sadd.s32 $0xFFFFFFF7, s30;
	v20 =	vld.idx.msk [tilespmem:v26+s16+$0x0], $0xffff  }
0x361: {  	v22 =	vadd.s32 v13, v23;
	v24 =	vmov s1;
	v21 =	vld.idx.msk [tilespmem:v25+s16+$0x0], $0xffff  }
0x362: {  	v23 =	vadd.s32 v14, v23;
	v25 =	vshll.u32 v24, $0x5;
	v24 =	vand.u32 $0x1F0, v24  }
0x363: {  	v26 =	vor.u32 v0, v25  }
0x364: {  	v25 =	vor.u32 v3, v25;
	_ =	sdelay $0x1  }
0x365: {  	[tilespmem:v22+s20+$0x0] =	vst.idx.msk $0xffff, v20  }
0x366: {  	[tilespmem:v23+s20+$0x0] =	vst.idx.msk $0xffff, v21  }
0x367: {  	s1 =	sadd.s32 $0xFFFFFFF8, s30;
	v20 =	vld.idx.msk [tilespmem:v26+s16+$0x0], $0xffff  }
0x368: {  	v22 =	vadd.s32 v15, v24;
	v23 =	vmov s1;
	v21 =	vld.idx.msk [tilespmem:v25+s16+$0x0], $0xffff  }
0x369: {  	v24 =	vadd.s32 v16, v24;
	v25 =	vshll.u32 v23, $0x5;
	v23 =	vand.u32 $0x1F0, v23  }
0x36a: {  	v26 =	vor.u32 v0, v25  }
0x36b: {  	v25 =	vor.u32 v3, v25;
	_ =	sdelay $0x1  }
0x36c: {  	[tilespmem:v22+s20+$0x0] =	vst.idx.msk $0xffff, v20  }
0x36d: {  	[tilespmem:v24+s20+$0x0] =	vst.idx.msk $0xffff, v21  }
0x36e: {  	s1 =	sadd.s32 $0xFFFFFFF9, s30;
	v20 =	vld.idx.msk [tilespmem:v26+s16+$0x0], $0xffff  }
0x36f: {  	v22 =	vadd.s32 v17, v23;
	v24 =	vmov s1;
	v21 =	vld.idx.msk [tilespmem:v25+s16+$0x0], $0xffff  }
0x370: {  	v23 =	vadd.s32 v18, v23;
	v24 =	vshll.u32 v24, $0x5  }
0x371: {  	v25 =	vor.u32 v0, v24  }
0x372: {  	v24 =	vor.u32 v3, v24;
	_ =	sdelay $0x1  }
0x373: {  	[tilespmem:v22+s20+$0x0] =	vst.idx.msk $0xffff, v20  }
0x374: {  	[tilespmem:v23+s20+$0x0] =	vst.idx.msk $0xffff, v21  }
0x375: {  	s13 =	sadd.s32 $0xFFFFFFFA, s30;
	v20 =	vld.idx.msk [tilespmem:v25+s16+$0x0], $0xffff  }
0x376: {  	v22 =	vadd.s32 s1, v1;
	v23 =	vmov s13;
	v21 =	vld.idx.msk [tilespmem:v24+s16+$0x0], $0xffff  }
0x377: {  	v25 =	vshll.u32 v23, $0x5;
	v24 =	vadd.s32 s1, v4  }
0x378: {  	v26 =	vor.u32 v0, v25  }
0x379: {  	v25 =	vor.u32 v3, v25;
	_ =	sdelay $0x1  }
0x37a: {  	[tilespmem:v22+s20+$0x0] =	vst.idx.msk $0xffff, v20  }
0x37b: {  	[tilespmem:v24+s20+$0x0] =	vst.idx.msk $0xffff, v21  }
0x37c: {  	s1 =	sadd.s32 $0xFFFFFFFB, s30;
	v21 =	vand.u32 $0x1F8, v23;
	v20 =	vld.idx.msk [tilespmem:v26+s16+$0x0], $0xffff  }
0x37d: {  	v24 =	vmov s1;
	v23 =	vadd.s32 v5, v21;
	v22 =	vld.idx.msk [tilespmem:v25+s16+$0x0], $0xffff  }
0x37e: {  	v21 =	vadd.s32 v6, v21;
	v25 =	vshll.u32 v24, $0x5;
	v24 =	vand.u32 $0x1F8, v24  }
0x37f: {  	v26 =	vor.u32 v0, v25  }
0x380: {  	v25 =	vor.u32 v3, v25;
	_ =	sdelay $0x1  }
0x381: {  	[tilespmem:v23+s20+$0x0] =	vst.idx.msk $0xffff, v20  }
0x382: {  	[tilespmem:v21+s20+$0x0] =	vst.idx.msk $0xffff, v22  }
0x383: {  	s1 =	sadd.s32 $0xFFFFFFFC, s30;
	v20 =	vld.idx.msk [tilespmem:v26+s16+$0x0], $0xffff  }
0x384: {  	v23 =	vmov s1;
	v22 =	vadd.s32 v7, v24;
	v21 =	vld.idx.msk [tilespmem:v25+s16+$0x0], $0xffff  }
0x385: {  	v24 =	vadd.s32 v8, v24;
	v25 =	vshll.u32 v23, $0x5;
	v23 =	vand.u32 $0x1F8, v23  }
0x386: {  	v26 =	vor.u32 v0, v25  }
0x387: {  	v25 =	vor.u32 v3, v25;
	_ =	sdelay $0x1  }
0x388: {  	[tilespmem:v22+s20+$0x0] =	vst.idx.msk $0xffff, v20  }
0x389: {  	[tilespmem:v24+s20+$0x0] =	vst.idx.msk $0xffff, v21  }
0x38a: {  	s1 =	sadd.s32 $0xFFFFFFFD, s30;
	v20 =	vld.idx.msk [tilespmem:v26+s16+$0x0], $0xffff  }
0x38b: {  	v22 =	vadd.s32 v9, v23;
	v24 =	vmov s1;
	v21 =	vld.idx.msk [tilespmem:v25+s16+$0x0], $0xffff  }
0x38c: {  	v23 =	vadd.s32 v10, v23;
	v25 =	vshll.u32 v24, $0x5;
	v24 =	vand.u32 $0x1F8, v24  }
0x38d: {  	v26 =	vor.u32 v0, v25  }
0x38e: {  	v25 =	vor.u32 v3, v25;
	_ =	sdelay $0x1  }
0x38f: {  	[tilespmem:v22+s20+$0x0] =	vst.idx.msk $0xffff, v20  }
0x390: {  	[tilespmem:v23+s20+$0x0] =	vst.idx.msk $0xffff, v21  }
0x391: {  	s1 =	sadd.s32 $0xFFFFFFFE, s30;
	v20 =	vld.idx.msk [tilespmem:v26+s16+$0x0], $0xffff  }
0x392: {  	v22 =	vadd.s32 v11, v24;
	v23 =	vmov s1;
	v21 =	vld.idx.msk [tilespmem:v25+s16+$0x0], $0xffff  }
0x393: {  	v24 =	vadd.s32 v12, v24;
	v25 =	vshll.u32 v23, $0x5;
	v23 =	vand.u32 $0x1F8, v23  }
0x394: {  	v26 =	vor.u32 v0, v25  }
0x395: {  	v25 =	vor.u32 v3, v25;
	_ =	sdelay $0x1  }
0x396: {  	[tilespmem:v22+s20+$0x0] =	vst.idx.msk $0xffff, v20  }
0x397: {  	[tilespmem:v24+s20+$0x0] =	vst.idx.msk $0xffff, v21  }
0x398: {  	s1 =	sadd.s32 $0xFFFFFFFF, s30;
	v20 =	vld.idx.msk [tilespmem:v26+s16+$0x0], $0xffff  }
0x399: {  	v22 =	vadd.s32 v13, v23;
	v24 =	vmov s1;
	v21 =	vld.idx.msk [tilespmem:v25+s16+$0x0], $0xffff  }
0x39a: {  	v23 =	vadd.s32 v14, v23;
	v25 =	vshll.u32 v24, $0x5;
	v24 =	vand.u32 $0x1F8, v24  }
0x39b: {  	v26 =	vor.u32 v0, v25  }
0x39c: {  	v25 =	vor.u32 v3, v25;
	_ =	sdelay $0x1  }
0x39d: {  	[tilespmem:v22+s20+$0x0] =	vst.idx.msk $0xffff, v20  }
0x39e: {  	[tilespmem:v23+s20+$0x0] =	vst.idx.msk $0xffff, v21  }
0x39f: {  	v20 =	vld.idx.msk [tilespmem:v26+s16+$0x0], $0xffff  }
0x3a0: {  	v22 =	vadd.s32 v15, v24;
	v23 =	vmov s30;
	s30 =	smov.u32 s0;
	v21 =	vld.idx.msk [tilespmem:v25+s16+$0x0], $0xffff  }
0x3a1: {  	v24 =	vadd.s32 v16, v24;
	v25 =	vshll.u32 v23, $0x5;
	v23 =	vand.u32 $0x1F8, v23  }
0x3a2: {  	v26 =	vor.u32 v0, v25  }
0x3a3: {  	v25 =	vor.u32 v3, v25;
	_ =	sdelay $0x1  }
0x3a4: {  	[tilespmem:v22+s20+$0x0] =	vst.idx.msk $0xffff, v20  }
0x3a5: {  	[tilespmem:v24+s20+$0x0] =	vst.idx.msk $0xffff, v21  }
0x3a6: {  	s1 =	sadd.s32 $0xFFFFFFF1, s30;
	v24 =	vld.idx.msk [tilespmem:v26+s16+$0x0], $0xffff  }
0x3a7: {  	v21 =	vmov s1;
	v20 =	vld.idx.msk [tilespmem:v25+s16+$0x0], $0xffff;
	v25 =	vadd.s32 v17, v23  }
.Ltmp8:
0x3a8: {  	v21 =	vshll.u32 v21, $0x5;
	v23 =	vadd.s32 v18, v23;
	(pc) =	sbr.rel @p0 .LBB2_19-.Ltmp8, $2  }
0x3a9: {  	v22 =	vor.u32 v0, v21;
	v21 =	vor.u32 v3, v21;
	_ =	sdelay $0x2  }
0x3aa: {  	[tilespmem:v25+s20+$0x0] =	vst.idx.msk $0xffff, v24  }
0x3ab: {  	_ =	sdelay $0x3  }
0x3ac: {  	[tilespmem:v23+s20+$0x0] =	vst.idx.msk $0xffff, v20;
	s0 =	sadd.s32 $0xFFFFFFF2, s30  }
0x3ad: {  	v35 =	vadd.s32 s1, v1;
	v20 =	vld.idx.msk [tilespmem:v22+s16+$0x0], $0xffff;
	v36 =	vmov s0  }
0x3ae: {  	v24 =	vadd.s32 s1, v4;
	v21 =	vld.idx.msk [tilespmem:v21+s16+$0x0], $0xffff;
	v25 =	vshll.u32 v36, $0x5  }
0x3af: {  	v26 =	vor.u32 v0, v25  }
0x3b0: {  	v25 =	vor.u32 v3, v25;
	_ =	sdelay $0x1  }
0x3b1: {  	[tilespmem:v35+s20+$0x0] =	vst.idx.msk $0xffff, v20  }
0x3b2: {  	s13 =	sadd.s32 $0xFFFFFFF3, s30;
	v20 =	vand.u32 $0x1F0, v36;
	[tilespmem:v24+s20+$0x0] =	vst.idx.msk $0xffff, v21  }
0x3b3: {  	v38 =	vmov s13;
	v37 =	vadd.s32 v5, v20;
	v21 =	vld.idx.msk [tilespmem:v26+s16+$0x0], $0xffff  }
0x3b4: {  	v39 =	vshll.u32 v38, $0x5;
	v20 =	vadd.s32 v6, v20;
	v24 =	vld.idx.msk [tilespmem:v25+s16+$0x0], $0xffff  }
0x3b5: {  	v40 =	vor.u32 v0, v39  }
0x3b6: {  	v25 =	vor.u32 v3, v39;
	_ =	sdelay $0x1  }
0x3b7: {  	[tilespmem:v37+s20+$0x0] =	vst.idx.msk $0xffff, v21  }
0x3b8: {  	s1 =	sadd.s32 $0xFFFFFFF4, s30;
	v41 =	vand.u32 $0x1F0, v38;
	[tilespmem:v20+s20+$0x0] =	vst.idx.msk $0xffff, v24  }
0x3b9: {  	v43 =	vmov s1;
	v42 =	vadd.s32 v7, v41;
	v20 =	vld.idx.msk [tilespmem:v40+s16+$0x0], $0xffff  }
0x3ba: {  	v44 =	vshll.u32 v43, $0x5;
	v21 =	vadd.s32 v8, v41;
	v24 =	vld.idx.msk [tilespmem:v25+s16+$0x0], $0xffff  }
0x3bb: {  	v45 =	vor.u32 v0, v44  }
0x3bc: {  	v25 =	vor.u32 v3, v44;
	_ =	sdelay $0x1  }
0x3bd: {  	[tilespmem:v42+s20+$0x0] =	vst.idx.msk $0xffff, v20  }
0x3be: {  	s13 =	sadd.s32 $0xFFFFFFF5, s30;
	v20 =	vand.u32 $0x1F0, v43;
	[tilespmem:v21+s20+$0x0] =	vst.idx.msk $0xffff, v24  }
0x3bf: {  	v47 =	vmov s13;
	v46 =	vadd.s32 v9, v20;
	v21 =	vld.idx.msk [tilespmem:v45+s16+$0x0], $0xffff  }
0x3c0: {  	v48 =	vshll.u32 v47, $0x5;
	v20 =	vadd.s32 v10, v20;
	v24 =	vld.idx.msk [tilespmem:v25+s16+$0x0], $0xffff  }
0x3c1: {  	v49 =	vor.u32 v0, v48  }
0x3c2: {  	v25 =	vor.u32 v3, v48;
	_ =	sdelay $0x1  }
0x3c3: {  	[tilespmem:v46+s20+$0x0] =	vst.idx.msk $0xffff, v21  }
0x3c4: {  	s1 =	sadd.s32 $0xFFFFFFF6, s30;
	v50 =	vand.u32 $0x1F0, v47;
	[tilespmem:v20+s20+$0x0] =	vst.idx.msk $0xffff, v24  }
0x3c5: {  	v52 =	vmov s1;
	v51 =	vadd.s32 v11, v50;
	v20 =	vld.idx.msk [tilespmem:v49+s16+$0x0], $0xffff  }
0x3c6: {  	v53 =	vshll.u32 v52, $0x5;
	v21 =	vadd.s32 v12, v50;
	v24 =	vld.idx.msk [tilespmem:v25+s16+$0x0], $0xffff  }
0x3c7: {  	v54 =	vor.u32 v0, v53  }
0x3c8: {  	v25 =	vor.u32 v3, v53;
	_ =	sdelay $0x1  }
0x3c9: {  	[tilespmem:v51+s20+$0x0] =	vst.idx.msk $0xffff, v20  }
0x3ca: {  	s13 =	sadd.s32 $0xFFFFFFF7, s30;
	v20 =	vand.u32 $0x1F0, v52;
	[tilespmem:v21+s20+$0x0] =	vst.idx.msk $0xffff, v24  }
0x3cb: {  	v56 =	vmov s13;
	v55 =	vadd.s32 v13, v20;
	v21 =	vld.idx.msk [tilespmem:v54+s16+$0x0], $0xffff  }
0x3cc: {  	v57 =	vshll.u32 v56, $0x5;
	v20 =	vadd.s32 v14, v20;
	v24 =	vld.idx.msk [tilespmem:v25+s16+$0x0], $0xffff  }
0x3cd: {  	v58 =	vor.u32 v0, v57  }
0x3ce: {  	v25 =	vor.u32 v3, v57;
	_ =	sdelay $0x1  }
0x3cf: {  	[tilespmem:v55+s20+$0x0] =	vst.idx.msk $0xffff, v21  }
0x3d0: {  	s1 =	sadd.s32 $0xFFFFFFF8, s30;
	v59 =	vand.u32 $0x1F0, v56;
	[tilespmem:v20+s20+$0x0] =	vst.idx.msk $0xffff, v24  }
0x3d1: {  	v61 =	vmov s1;
	v60 =	vadd.s32 v15, v59;
	v20 =	vld.idx.msk [tilespmem:v58+s16+$0x0], $0xffff  }
0x3d2: {  	v62 =	vshll.u32 v61, $0x5;
	v21 =	vadd.s32 v16, v59;
	v24 =	vld.idx.msk [tilespmem:v25+s16+$0x0], $0xffff  }
0x3d3: {  	v63 =	vor.u32 v0, v62  }
0x3d4: {  	v25 =	vor.u32 v3, v62;
	_ =	sdelay $0x1  }
0x3d5: {  	[tilespmem:v60+s20+$0x0] =	vst.idx.msk $0xffff, v20  }
0x3d6: {  	s0 =	sadd.s32 $0xFFFFFFF9, s30;
	v20 =	vand.u32 $0x1F0, v61;
	[tilespmem:v21+s20+$0x0] =	vst.idx.msk $0xffff, v24  }
0x3d7: {  	v29 =	vmov s0;
	v28 =	vadd.s32 v17, v20;
	v21 =	vld.idx.msk [tilespmem:v63+s16+$0x0], $0xffff  }
0x3d8: {  	v23 =	vshll.u32 v29, $0x5;
	v20 =	vadd.s32 v18, v20;
	v24 =	vld.idx.msk [tilespmem:v25+s16+$0x0], $0xffff  }
0x3d9: {  	v30 =	vor.u32 v0, v23  }
0x3da: {  	v23 =	vor.u32 v3, v23;
	_ =	sdelay $0x1  }
0x3db: {  	[tilespmem:v28+s20+$0x0] =	vst.idx.msk $0xffff, v21  }
0x3dc: {  	s13 =	sadd.s32 $0xFFFFFFFA, s30;
	[tilespmem:v20+s20+$0x0] =	vst.idx.msk $0xffff, v24  }
0x3dd: {  	v31 =	vadd.s32 s0, v1;
	v32 =	vmov s13;
	v20 =	vld.idx.msk [tilespmem:v30+s16+$0x0], $0xffff  }
0x3de: {  	v33 =	vadd.s32 s0, v4;
	v34 =	vshll.u32 v32, $0x5;
	v23 =	vld.idx.msk [tilespmem:v23+s16+$0x0], $0xffff  }
0x3df: {  	v35 =	vor.u32 v0, v34  }
0x3e0: {  	v25 =	vor.u32 v3, v34;
	_ =	sdelay $0x1  }
0x3e1: {  	[tilespmem:v31+s20+$0x0] =	vst.idx.msk $0xffff, v20  }
0x3e2: {  	s1 =	sadd.s32 $0xFFFFFFFB, s30;
	v20 =	vand.u32 $0x1F8, v32;
	[tilespmem:v33+s20+$0x0] =	vst.idx.msk $0xffff, v23  }
0x3e3: {  	v36 =	vmov s1;
	v22 =	vadd.s32 v5, v20;
	v21 =	vld.idx.msk [tilespmem:v35+s16+$0x0], $0xffff  }
0x3e4: {  	v37 =	vshll.u32 v36, $0x5;
	v20 =	vadd.s32 v6, v20;
	v24 =	vld.idx.msk [tilespmem:v25+s16+$0x0], $0xffff  }
0x3e5: {  	v38 =	vor.u32 v0, v37  }
0x3e6: {  	v25 =	vor.u32 v3, v37;
	_ =	sdelay $0x1  }
0x3e7: {  	[tilespmem:v22+s20+$0x0] =	vst.idx.msk $0xffff, v21  }
0x3e8: {  	s13 =	sadd.s32 $0xFFFFFFFC, s30;
	v39 =	vand.u32 $0x1F8, v36;
	[tilespmem:v20+s20+$0x0] =	vst.idx.msk $0xffff, v24  }
0x3e9: {  	v41 =	vmov s13;
	v40 =	vadd.s32 v7, v39;
	v20 =	vld.idx.msk [tilespmem:v38+s16+$0x0], $0xffff  }
0x3ea: {  	v42 =	vshll.u32 v41, $0x5;
	v21 =	vadd.s32 v8, v39;
	v24 =	vld.idx.msk [tilespmem:v25+s16+$0x0], $0xffff  }
0x3eb: {  	v43 =	vor.u32 v0, v42  }
0x3ec: {  	v25 =	vor.u32 v3, v42;
	_ =	sdelay $0x1  }
0x3ed: {  	[tilespmem:v40+s20+$0x0] =	vst.idx.msk $0xffff, v20  }
0x3ee: {  	s1 =	sadd.s32 $0xFFFFFFFD, s30;
	v20 =	vand.u32 $0x1F8, v41;
	[tilespmem:v21+s20+$0x0] =	vst.idx.msk $0xffff, v24  }
0x3ef: {  	v45 =	vmov s1;
	v44 =	vadd.s32 v9, v20;
	v21 =	vld.idx.msk [tilespmem:v43+s16+$0x0], $0xffff  }
0x3f0: {  	v46 =	vshll.u32 v45, $0x5;
	v20 =	vadd.s32 v10, v20;
	v24 =	vld.idx.msk [tilespmem:v25+s16+$0x0], $0xffff  }
0x3f1: {  	v47 =	vor.u32 v0, v46  }
0x3f2: {  	v25 =	vor.u32 v3, v46;
	_ =	sdelay $0x1  }
0x3f3: {  	[tilespmem:v44+s20+$0x0] =	vst.idx.msk $0xffff, v21  }
0x3f4: {  	s13 =	sadd.s32 $0xFFFFFFFE, s30;
	v48 =	vand.u32 $0x1F8, v45;
	[tilespmem:v20+s20+$0x0] =	vst.idx.msk $0xffff, v24  }
0x3f5: {  	v50 =	vmov s13;
	v49 =	vadd.s32 v11, v48;
	v20 =	vld.idx.msk [tilespmem:v47+s16+$0x0], $0xffff  }
0x3f6: {  	v51 =	vshll.u32 v50, $0x5;
	v21 =	vadd.s32 v12, v48;
	v24 =	vld.idx.msk [tilespmem:v25+s16+$0x0], $0xffff  }
0x3f7: {  	v52 =	vor.u32 v0, v51  }
0x3f8: {  	v25 =	vor.u32 v3, v51;
	_ =	sdelay $0x1  }
0x3f9: {  	[tilespmem:v49+s20+$0x0] =	vst.idx.msk $0xffff, v20  }
0x3fa: {  	s1 =	sadd.s32 $0xFFFFFFFF, s30;
	v20 =	vand.u32 $0x1F8, v50;
	[tilespmem:v21+s20+$0x0] =	vst.idx.msk $0xffff, v24  }
0x3fb: {  	v54 =	vmov s1;
	v53 =	vadd.s32 v13, v20;
	v21 =	vld.idx.msk [tilespmem:v52+s16+$0x0], $0xffff  }
0x3fc: {  	v55 =	vshll.u32 v54, $0x5;
	v20 =	vadd.s32 v14, v20;
	v24 =	vld.idx.msk [tilespmem:v25+s16+$0x0], $0xffff  }
0x3fd: {  	v56 =	vor.u32 v0, v55  }
0x3fe: {  	v25 =	vor.u32 v3, v55;
	_ =	sdelay $0x1  }
0x3ff: {  	[tilespmem:v53+s20+$0x0] =	vst.idx.msk $0xffff, v21  }
0x400: {  	v57 =	vand.u32 $0x1F8, v54;
	[tilespmem:v20+s20+$0x0] =	vst.idx.msk $0xffff, v24  }
0x401: {  	v59 =	vmov s30;
	v58 =	vadd.s32 v15, v57;
	v20 =	vld.idx.msk [tilespmem:v56+s16+$0x0], $0xffff  }
0x402: {  	v60 =	vshll.u32 v59, $0x5;
	v21 =	vadd.s32 v16, v57;
	v24 =	vld.idx.msk [tilespmem:v25+s16+$0x0], $0xffff  }
0x403: {  	v61 =	vor.u32 v0, v60  }
0x404: {  	v25 =	vor.u32 v3, v60;
	_ =	sdelay $0x1  }
0x405: {  	[tilespmem:v58+s20+$0x0] =	vst.idx.msk $0xffff, v20  }
0x406: {  	v20 =	vand.u32 $0x1F8, v59;
	[tilespmem:v21+s20+$0x0] =	vst.idx.msk $0xffff, v24  }
0x407: {  	v62 =	vadd.s32 v17, v20;
	v21 =	vld.idx.msk [tilespmem:v61+s16+$0x0], $0xffff  }
0x408: {  	v20 =	vadd.s32 v18, v20;
	v63 =	vld.idx.msk [tilespmem:v25+s16+$0x0], $0xffff  }
0x409: {  	s13 =	sshll.u32 s26, $0x14  }
0x40a: {  	s0 =	sor.u32 s4, s13  }
0x40b: {  	s0 =	sshrl.u32 s0, $0x3  }
0x40c: {  	s31 =	simm.s32 $0xEA10;
	s0 =	sadd.s32 s5, s0;
	[tilespmem:v62+s20+$0x0] =	vst.idx.msk $0xffff, v21  }
0x40d: {  	s13 =	sadd.s32 $0x0, s0;
	s1 =	simm.s32 $0xE800;
	s30 =	simm.s32 $0x800;
	[tilespmem:v20+s20+$0x0] =	vst.idx.msk $0xffff, v63  }
.LBB2_21:
0x40e: {  	[hbm4b:s13+s2] =	stream.linear.scatter [tilespmem:s1], [sflag:$0x4], $0x200, $0x38;
	[tilespmem:$0x16C00] =	vst v63  }
0x40f: {  	s13 =	smov.u32 s30;
	s1 =	smov.u32 s31;
	p0 =	sne.s32 s30, $0xF800  }
.Ltmp9:
0x410: {  	s30 =	sadd.s32 $0x800, s30;
	(pc) =	sbr.rel @p0 .LBB2_21-.Ltmp9, $2  }
0x411: {  	_ =	sdelay $0x2  }
0x412: {  	s31 =	sadd.s32 $0x210, s31;
	s13 =	sadd.s32 s13, s0  }
0x413: {  	s0 =	sshll.u32 s29, $0x9  }
0x414: {  	s29 =	simm.s32 $0x0;
	s0 =	sadd.s32 $0x400, s0  }
0x415: {  	s29 =	sor.u32 s0, s29  }
0x416: {  	v20 =	vor.u32 s29, v0  }
0x417: {  	[hbm4b:s13+s2] =	stream.linear.scatter [tilespmem:s1], [sflag:$0x4], $0x200, $0x38;
	[tilespmem:$0x16C00] =	vst v63  }
0x418: {  	_ =	swait.ge [sflag:s21], $0x4000  }
0x419: {  	[sflag:s21] =	ssyncset.done $0x0  }
0x41a: {  	s30 =	simm.s32 $0x10;
	[sflag:s21] =	ssyncadd.s32 $0xFFFFC000  }
0x41b: {  	s1 =	sor.u32 s0, s30;
	v20 =	vld.idx.msk [tilespmem:v20+s2+$0x0], $0xffff  }
0x41c: {  	v21 =	vor.u32 s1, v0;
	_ =	sdelay $0x2  }
0x41d: {  	s1 =	simm.s32 $0x6400  }
0x41e: {  	s31 =	simm.s32 $0x20;
	[tilespmem:s1+$0x0] =	vst v20  }
0x41f: {  	s13 =	sor.u32 s0, s31;
	s29 =	simm.s32 $0x30;
	v20 =	vld.idx.msk [tilespmem:v21+s2+$0x0], $0xffff  }
.LBB2_23:
0x420: {  	p0 =	sne.s32 s29, $0x1F0;
	v21 =	vor.u32 s13, v0;
	_ =	sdelay $0x1  }
.Ltmp10:
0x421: {  	(pc) =	sbr.rel @p0 .LBB2_23-.Ltmp10, $4  }
0x422: {  	s1 =	sadd.s32 $0x10, s1  }
0x423: {  	[tilespmem:s1+$0x0] =	vst v20  }
0x424: {  	v20 =	vld.idx.msk [tilespmem:v21+s2+$0x0], $0xffff  }
0x425: {  	s13 =	sor.u32 s0, s29;
	s29 =	sadd.s32 $0x10, s29  }
0x426: {  	v21 =	vor.u32 s13, v0;
	_ =	sdelay $0x2  }
0x427: {  	s0 =	sadd.s32 $0x10, s1  }
0x428: {  	[tilespmem:s0+$0x0] =	vst v20  }
0x429: {  	v20 =	vld.idx.msk [tilespmem:v21+s2+$0x0], $0xffff;
	_ =	sdelay $0x1  }
0x42a: {  	s13 =	simm.s32 $0x0  }
0x42b: {  	v21 =	vmov s13  }
0x42c: {  	s0 =	sadd.s32 $0x10, s0;
	v21 =	vshll.u32 v21, $0x5  }
0x42d: {  	[tilespmem:s0+$0x0] =	vst v20;
	v20 =	vor.u32 v0, v21  }
0x42e: {  	v21 =	vor.u32 v3, v21;
	[tilespmem:s16], [sflag:$0x2] =	stream.indirect.gather [hbm4b:s3+s12], $0x20, s15, s12, $0xb8;
	[tilespmem:$0x16C00] =	vst v63  }
0x42f: {  	_ =	swait.ge [sflag:s24], $0x4000  }
0x430: {  	[sflag:s24] =	ssyncset.done $0x0  }
0x431: {  	s31 =	simm.s32 $0x1;
	[sflag:s24] =	ssyncadd.s32 $0xFFFFC000  }
0x432: {  	v22 =	vadd.s32 s13, v1;
	v23 =	vmov s31;
	v20 =	vld.idx.msk [tilespmem:v20+s19+$0x0], $0xffff  }
0x433: {  	v24 =	vadd.s32 s13, v4;
	v25 =	vshll.u32 v23, $0x5;
	v21 =	vld.idx.msk [tilespmem:v21+s19+$0x0], $0xffff  }
0x434: {  	v26 =	vor.u32 v0, v25  }
0x435: {  	v25 =	vor.u32 v3, v25;
	_ =	sdelay $0x1  }
0x436: {  	[tilespmem:v22+s22+$0x0] =	vst.idx.msk $0xffff, v20  }
0x437: {  	s13 =	simm.s32 $0x2;
	v20 =	vand.u32 $0x1F0, v23;
	[tilespmem:v24+s22+$0x0] =	vst.idx.msk $0xffff, v21  }
0x438: {  	v23 =	vmov s13;
	v22 =	vadd.s32 v5, v20;
	v21 =	vld.idx.msk [tilespmem:v26+s19+$0x0], $0xffff  }
0x439: {  	v20 =	vadd.s32 v6, v20;
	v35 =	vshll.u32 v23, $0x5;
	v24 =	vld.idx.msk [tilespmem:v25+s19+$0x0], $0xffff  }
0x43a: {  	v36 =	vor.u32 v0, v35  }
0x43b: {  	v25 =	vor.u32 v3, v35;
	_ =	sdelay $0x1  }
0x43c: {  	[tilespmem:v22+s22+$0x0] =	vst.idx.msk $0xffff, v21  }
0x43d: {  	s31 =	simm.s32 $0x3;
	v21 =	vand.u32 $0x1F0, v23;
	[tilespmem:v20+s22+$0x0] =	vst.idx.msk $0xffff, v24  }
0x43e: {  	v23 =	vmov s31;
	v22 =	vadd.s32 v7, v21;
	v20 =	vld.idx.msk [tilespmem:v36+s19+$0x0], $0xffff  }
0x43f: {  	v21 =	vadd.s32 v8, v21;
	v37 =	vshll.u32 v23, $0x5;
	v24 =	vld.idx.msk [tilespmem:v25+s19+$0x0], $0xffff  }
0x440: {  	v38 =	vor.u32 v0, v37  }
0x441: {  	v25 =	vor.u32 v3, v37;
	_ =	sdelay $0x1  }
0x442: {  	[tilespmem:v22+s22+$0x0] =	vst.idx.msk $0xffff, v20  }
0x443: {  	s1 =	simm.s32 $0x4;
	v20 =	vand.u32 $0x1F0, v23;
	[tilespmem:v21+s22+$0x0] =	vst.idx.msk $0xffff, v24  }
0x444: {  	v23 =	vmov s1;
	v22 =	vadd.s32 v9, v20;
	v21 =	vld.idx.msk [tilespmem:v38+s19+$0x0], $0xffff  }
0x445: {  	v20 =	vadd.s32 v10, v20;
	v39 =	vshll.u32 v23, $0x5;
	v24 =	vld.idx.msk [tilespmem:v25+s19+$0x0], $0xffff  }
0x446: {  	v40 =	vor.u32 v0, v39  }
0x447: {  	v25 =	vor.u32 v3, v39;
	_ =	sdelay $0x1  }
0x448: {  	[tilespmem:v22+s22+$0x0] =	vst.idx.msk $0xffff, v21  }
0x449: {  	s13 =	simm.s32 $0x5;
	v21 =	vand.u32 $0x1F0, v23;
	[tilespmem:v20+s22+$0x0] =	vst.idx.msk $0xffff, v24  }
0x44a: {  	v23 =	vmov s13;
	v22 =	vadd.s32 v11, v21;
	v20 =	vld.idx.msk [tilespmem:v40+s19+$0x0], $0xffff  }
0x44b: {  	v21 =	vadd.s32 v12, v21;
	v41 =	vshll.u32 v23, $0x5;
	v24 =	vld.idx.msk [tilespmem:v25+s19+$0x0], $0xffff  }
0x44c: {  	v42 =	vor.u32 v0, v41  }
0x44d: {  	v25 =	vor.u32 v3, v41;
	_ =	sdelay $0x1  }
0x44e: {  	[tilespmem:v22+s22+$0x0] =	vst.idx.msk $0xffff, v20  }
0x44f: {  	s31 =	simm.s32 $0x6;
	v20 =	vand.u32 $0x1F0, v23;
	[tilespmem:v21+s22+$0x0] =	vst.idx.msk $0xffff, v24  }
0x450: {  	v23 =	vmov s31;
	v22 =	vadd.s32 v13, v20;
	v21 =	vld.idx.msk [tilespmem:v42+s19+$0x0], $0xffff  }
0x451: {  	v20 =	vadd.s32 v14, v20;
	v43 =	vshll.u32 v23, $0x5;
	v24 =	vld.idx.msk [tilespmem:v25+s19+$0x0], $0xffff  }
0x452: {  	v44 =	vor.u32 v0, v43  }
0x453: {  	v25 =	vor.u32 v3, v43;
	_ =	sdelay $0x1  }
0x454: {  	[tilespmem:v22+s22+$0x0] =	vst.idx.msk $0xffff, v21  }
0x455: {  	s1 =	simm.s32 $0x7;
	v21 =	vand.u32 $0x1F0, v23;
	[tilespmem:v20+s22+$0x0] =	vst.idx.msk $0xffff, v24  }
0x456: {  	v23 =	vmov s1;
	v22 =	vadd.s32 v15, v21;
	v20 =	vld.idx.msk [tilespmem:v44+s19+$0x0], $0xffff  }
0x457: {  	v21 =	vadd.s32 v16, v21;
	v45 =	vshll.u32 v23, $0x5;
	v24 =	vld.idx.msk [tilespmem:v25+s19+$0x0], $0xffff  }
0x458: {  	v46 =	vor.u32 v0, v45  }
0x459: {  	v25 =	vor.u32 v3, v45;
	_ =	sdelay $0x1  }
0x45a: {  	[tilespmem:v22+s22+$0x0] =	vst.idx.msk $0xffff, v20  }
0x45b: {  	s13 =	simm.s32 $0x8;
	v20 =	vand.u32 $0x1F0, v23;
	[tilespmem:v21+s22+$0x0] =	vst.idx.msk $0xffff, v24  }
0x45c: {  	v23 =	vmov s13;
	v22 =	vadd.s32 v17, v20;
	v21 =	vld.idx.msk [tilespmem:v46+s19+$0x0], $0xffff  }
0x45d: {  	v20 =	vadd.s32 v18, v20;
	v23 =	vshll.u32 v23, $0x5;
	v24 =	vld.idx.msk [tilespmem:v25+s19+$0x0], $0xffff  }
0x45e: {  	v47 =	vor.u32 v0, v23  }
0x45f: {  	v23 =	vor.u32 v3, v23;
	_ =	sdelay $0x1  }
0x460: {  	[tilespmem:v22+s22+$0x0] =	vst.idx.msk $0xffff, v21  }
0x461: {  	s31 =	simm.s32 $0x9;
	[tilespmem:v20+s22+$0x0] =	vst.idx.msk $0xffff, v24  }
0x462: {  	v21 =	vadd.s32 s13, v1;
	v22 =	vmov s31;
	v20 =	vld.idx.msk [tilespmem:v47+s19+$0x0], $0xffff  }
0x463: {  	v48 =	vadd.s32 s13, v4;
	v49 =	vshll.u32 v22, $0x5;
	v23 =	vld.idx.msk [tilespmem:v23+s19+$0x0], $0xffff  }
0x464: {  	v50 =	vor.u32 v0, v49  }
0x465: {  	v25 =	vor.u32 v3, v49;
	_ =	sdelay $0x1  }
0x466: {  	[tilespmem:v21+s22+$0x0] =	vst.idx.msk $0xffff, v20  }
0x467: {  	s1 =	simm.s32 $0xA;
	v20 =	vand.u32 $0x1F8, v22;
	[tilespmem:v48+s22+$0x0] =	vst.idx.msk $0xffff, v23  }
0x468: {  	v22 =	vadd.s32 v5, v20;
	v23 =	vmov s1;
	v21 =	vld.idx.msk [tilespmem:v50+s19+$0x0], $0xffff  }
0x469: {  	v20 =	vadd.s32 v6, v20;
	v24 =	vld.idx.msk [tilespmem:v25+s19+$0x0], $0xffff;
	v51 =	vshll.u32 v23, $0x5  }
0x46a: {  	v52 =	vor.u32 v0, v51  }
0x46b: {  	v25 =	vor.u32 v3, v51;
	_ =	sdelay $0x1  }
0x46c: {  	[tilespmem:v22+s22+$0x0] =	vst.idx.msk $0xffff, v21  }
0x46d: {  	s13 =	simm.s32 $0xB;
	v21 =	vand.u32 $0x1F8, v23;
	[tilespmem:v20+s22+$0x0] =	vst.idx.msk $0xffff, v24  }
0x46e: {  	v23 =	vmov s13;
	v22 =	vadd.s32 v7, v21;
	v20 =	vld.idx.msk [tilespmem:v52+s19+$0x0], $0xffff  }
0x46f: {  	v21 =	vadd.s32 v8, v21;
	v53 =	vshll.u32 v23, $0x5;
	v24 =	vld.idx.msk [tilespmem:v25+s19+$0x0], $0xffff  }
0x470: {  	v54 =	vor.u32 v0, v53  }
0x471: {  	v25 =	vor.u32 v3, v53;
	_ =	sdelay $0x1  }
0x472: {  	[tilespmem:v22+s22+$0x0] =	vst.idx.msk $0xffff, v20  }
0x473: {  	s31 =	simm.s32 $0xC;
	v20 =	vand.u32 $0x1F8, v23;
	[tilespmem:v21+s22+$0x0] =	vst.idx.msk $0xffff, v24  }
0x474: {  	v23 =	vmov s31;
	v22 =	vadd.s32 v9, v20;
	v21 =	vld.idx.msk [tilespmem:v54+s19+$0x0], $0xffff  }
0x475: {  	v20 =	vadd.s32 v10, v20;
	v55 =	vshll.u32 v23, $0x5;
	v24 =	vld.idx.msk [tilespmem:v25+s19+$0x0], $0xffff  }
0x476: {  	v56 =	vor.u32 v0, v55  }
0x477: {  	v25 =	vor.u32 v3, v55;
	_ =	sdelay $0x1  }
0x478: {  	[tilespmem:v22+s22+$0x0] =	vst.idx.msk $0xffff, v21  }
0x479: {  	s1 =	simm.s32 $0xD;
	v21 =	vand.u32 $0x1F8, v23;
	[tilespmem:v20+s22+$0x0] =	vst.idx.msk $0xffff, v24  }
0x47a: {  	v23 =	vmov s1;
	v22 =	vadd.s32 v11, v21;
	v20 =	vld.idx.msk [tilespmem:v56+s19+$0x0], $0xffff  }
0x47b: {  	v21 =	vadd.s32 v12, v21;
	v57 =	vshll.u32 v23, $0x5;
	v24 =	vld.idx.msk [tilespmem:v25+s19+$0x0], $0xffff  }
0x47c: {  	v58 =	vor.u32 v0, v57  }
0x47d: {  	v25 =	vor.u32 v3, v57;
	_ =	sdelay $0x1  }
0x47e: {  	[tilespmem:v22+s22+$0x0] =	vst.idx.msk $0xffff, v20  }
0x47f: {  	s13 =	simm.s32 $0xE;
	v20 =	vand.u32 $0x1F8, v23;
	[tilespmem:v21+s22+$0x0] =	vst.idx.msk $0xffff, v24  }
0x480: {  	v23 =	vmov s13;
	v22 =	vadd.s32 v13, v20;
	v21 =	vld.idx.msk [tilespmem:v58+s19+$0x0], $0xffff  }
0x481: {  	v20 =	vadd.s32 v14, v20;
	v59 =	vshll.u32 v23, $0x5;
	v24 =	vld.idx.msk [tilespmem:v25+s19+$0x0], $0xffff  }
0x482: {  	v60 =	vor.u32 v0, v59;
	_ =	sdelay $0x2  }
0x483: {  	v25 =	vor.u32 v3, v59;
	[tilespmem:v22+s22+$0x0] =	vst.idx.msk $0xffff, v21  }
0x484: {  	v21 =	vand.u32 $0x1F8, v23;
	[tilespmem:v20+s22+$0x0] =	vst.idx.msk $0xffff, v24  }
0x485: {  	v22 =	vadd.s32 v15, v21;
	v20 =	vld.idx.msk [tilespmem:v60+s19+$0x0], $0xffff  }
0x486: {  	s31 =	simm.s32 $0xF  }
0x487: {  	v23 =	vmov s31  }
0x488: {  	v21 =	vadd.s32 v16, v21;
	v61 =	vshll.u32 v23, $0x5;
	v24 =	vld.idx.msk [tilespmem:v25+s19+$0x0], $0xffff  }
0x489: {  	v62 =	vor.u32 v0, v61  }
0x48a: {  	[tilespmem:v22+s22+$0x0] =	vst.idx.msk $0xffff, v20;
	v20 =	vor.u32 v3, v61;
	_ =	sdelay $0x2  }
0x48b: {  	s1 =	simm.s32 $0x10;
	v22 =	vand.u32 $0x1F8, v23;
	[tilespmem:v21+s22+$0x0] =	vst.idx.msk $0xffff, v24  }
0x48c: {  	v63 =	vadd.s32 v17, v22;
	v21 =	vmov s1;
	v24 =	vld.idx.msk [tilespmem:v62+s19+$0x0], $0xffff  }
0x48d: {  	v23 =	vadd.s32 v18, v22;
	v21 =	vshll.u32 v21, $0x5;
	v20 =	vld.idx.msk [tilespmem:v20+s19+$0x0], $0xffff  }
0x48e: {  	v22 =	vor.u32 v0, v21  }
0x48f: {  	v21 =	vor.u32 v3, v21;
	_ =	sdelay $0x1  }
0x490: {  	s29 =	simm.s32 $0x1F;
	s30 =	simm.s32 $0x2F;
	[tilespmem:v63+s22+$0x0] =	vst.idx.msk $0xffff, v24  }
.LBB2_25:
0x491: {  	p0 =	sne.s32 s30, $0x1FF;
	[tilespmem:v23+s22+$0x0] =	vst.idx.msk $0xffff, v20;
	s0 =	smov.u32 s30;
	s30 =	sadd.s32 $0x10, s30  }
0x492: {  	s13 =	sadd.s32 $0xFFFFFFF2, s29;
	v20 =	vld.idx.msk [tilespmem:v22+s19+$0x0], $0xffff  }
0x493: {  	v22 =	vadd.s32 s1, v1;
	v23 =	vmov s13;
	v21 =	vld.idx.msk [tilespmem:v21+s19+$0x0], $0xffff  }
0x494: {  	v24 =	vadd.s32 s1, v4;
	v25 =	vshll.u32 v23, $0x5;
	v23 =	vand.u32 $0x1F0, v23  }
0x495: {  	v26 =	vor.u32 v0, v25  }
0x496: {  	v25 =	vor.u32 v3, v25;
	_ =	sdelay $0x1  }
0x497: {  	[tilespmem:v22+s22+$0x0] =	vst.idx.msk $0xffff, v20  }
0x498: {  	[tilespmem:v24+s22+$0x0] =	vst.idx.msk $0xffff, v21  }
0x499: {  	s1 =	sadd.s32 $0xFFFFFFF3, s29;
	v20 =	vld.idx.msk [tilespmem:v26+s19+$0x0], $0xffff  }
0x49a: {  	v22 =	vadd.s32 v5, v23;
	v24 =	vmov s1;
	v21 =	vld.idx.msk [tilespmem:v25+s19+$0x0], $0xffff  }
0x49b: {  	v23 =	vadd.s32 v6, v23;
	v25 =	vshll.u32 v24, $0x5;
	v24 =	vand.u32 $0x1F0, v24  }
0x49c: {  	v26 =	vor.u32 v0, v25  }
0x49d: {  	v25 =	vor.u32 v3, v25;
	_ =	sdelay $0x1  }
0x49e: {  	[tilespmem:v22+s22+$0x0] =	vst.idx.msk $0xffff, v20  }
0x49f: {  	[tilespmem:v23+s22+$0x0] =	vst.idx.msk $0xffff, v21  }
0x4a0: {  	s1 =	sadd.s32 $0xFFFFFFF4, s29;
	v20 =	vld.idx.msk [tilespmem:v26+s19+$0x0], $0xffff  }
0x4a1: {  	v22 =	vadd.s32 v7, v24;
	v23 =	vmov s1;
	v21 =	vld.idx.msk [tilespmem:v25+s19+$0x0], $0xffff  }
0x4a2: {  	v24 =	vadd.s32 v8, v24;
	v25 =	vshll.u32 v23, $0x5;
	v23 =	vand.u32 $0x1F0, v23  }
0x4a3: {  	v26 =	vor.u32 v0, v25  }
0x4a4: {  	v25 =	vor.u32 v3, v25;
	_ =	sdelay $0x1  }
0x4a5: {  	[tilespmem:v22+s22+$0x0] =	vst.idx.msk $0xffff, v20  }
0x4a6: {  	[tilespmem:v24+s22+$0x0] =	vst.idx.msk $0xffff, v21  }
0x4a7: {  	s1 =	sadd.s32 $0xFFFFFFF5, s29;
	v20 =	vld.idx.msk [tilespmem:v26+s19+$0x0], $0xffff  }
0x4a8: {  	v22 =	vadd.s32 v9, v23;
	v24 =	vmov s1;
	v21 =	vld.idx.msk [tilespmem:v25+s19+$0x0], $0xffff  }
0x4a9: {  	v23 =	vadd.s32 v10, v23;
	v25 =	vshll.u32 v24, $0x5;
	v24 =	vand.u32 $0x1F0, v24  }
0x4aa: {  	v26 =	vor.u32 v0, v25  }
0x4ab: {  	v25 =	vor.u32 v3, v25;
	_ =	sdelay $0x1  }
0x4ac: {  	[tilespmem:v22+s22+$0x0] =	vst.idx.msk $0xffff, v20  }
0x4ad: {  	[tilespmem:v23+s22+$0x0] =	vst.idx.msk $0xffff, v21  }
0x4ae: {  	s1 =	sadd.s32 $0xFFFFFFF6, s29;
	v20 =	vld.idx.msk [tilespmem:v26+s19+$0x0], $0xffff  }
0x4af: {  	v22 =	vadd.s32 v11, v24;
	v23 =	vmov s1;
	v21 =	vld.idx.msk [tilespmem:v25+s19+$0x0], $0xffff  }
0x4b0: {  	v24 =	vadd.s32 v12, v24;
	v25 =	vshll.u32 v23, $0x5;
	v23 =	vand.u32 $0x1F0, v23  }
0x4b1: {  	v26 =	vor.u32 v0, v25  }
0x4b2: {  	v25 =	vor.u32 v3, v25;
	_ =	sdelay $0x1  }
0x4b3: {  	[tilespmem:v22+s22+$0x0] =	vst.idx.msk $0xffff, v20  }
0x4b4: {  	[tilespmem:v24+s22+$0x0] =	vst.idx.msk $0xffff, v21  }
0x4b5: {  	s1 =	sadd.s32 $0xFFFFFFF7, s29;
	v20 =	vld.idx.msk [tilespmem:v26+s19+$0x0], $0xffff  }
0x4b6: {  	v22 =	vadd.s32 v13, v23;
	v24 =	vmov s1;
	v21 =	vld.idx.msk [tilespmem:v25+s19+$0x0], $0xffff  }
0x4b7: {  	v23 =	vadd.s32 v14, v23;
	v25 =	vshll.u32 v24, $0x5;
	v24 =	vand.u32 $0x1F0, v24  }
0x4b8: {  	v26 =	vor.u32 v0, v25  }
0x4b9: {  	v25 =	vor.u32 v3, v25;
	_ =	sdelay $0x1  }
0x4ba: {  	[tilespmem:v22+s22+$0x0] =	vst.idx.msk $0xffff, v20  }
0x4bb: {  	[tilespmem:v23+s22+$0x0] =	vst.idx.msk $0xffff, v21  }
0x4bc: {  	s1 =	sadd.s32 $0xFFFFFFF8, s29;
	v20 =	vld.idx.msk [tilespmem:v26+s19+$0x0], $0xffff  }
0x4bd: {  	v22 =	vadd.s32 v15, v24;
	v23 =	vmov s1;
	v21 =	vld.idx.msk [tilespmem:v25+s19+$0x0], $0xffff  }
0x4be: {  	v24 =	vadd.s32 v16, v24;
	v25 =	vshll.u32 v23, $0x5;
	v23 =	vand.u32 $0x1F0, v23  }
0x4bf: {  	v26 =	vor.u32 v0, v25  }
0x4c0: {  	v25 =	vor.u32 v3, v25;
	_ =	sdelay $0x1  }
0x4c1: {  	[tilespmem:v22+s22+$0x0] =	vst.idx.msk $0xffff, v20  }
0x4c2: {  	[tilespmem:v24+s22+$0x0] =	vst.idx.msk $0xffff, v21  }
0x4c3: {  	s1 =	sadd.s32 $0xFFFFFFF9, s29;
	v20 =	vld.idx.msk [tilespmem:v26+s19+$0x0], $0xffff  }
0x4c4: {  	v22 =	vadd.s32 v17, v23;
	v24 =	vmov s1;
	v21 =	vld.idx.msk [tilespmem:v25+s19+$0x0], $0xffff  }
0x4c5: {  	v23 =	vadd.s32 v18, v23;
	v24 =	vshll.u32 v24, $0x5  }
0x4c6: {  	v25 =	vor.u32 v0, v24  }
0x4c7: {  	v24 =	vor.u32 v3, v24;
	_ =	sdelay $0x1  }
0x4c8: {  	[tilespmem:v22+s22+$0x0] =	vst.idx.msk $0xffff, v20  }
0x4c9: {  	[tilespmem:v23+s22+$0x0] =	vst.idx.msk $0xffff, v21  }
0x4ca: {  	s13 =	sadd.s32 $0xFFFFFFFA, s29;
	v20 =	vld.idx.msk [tilespmem:v25+s19+$0x0], $0xffff  }
0x4cb: {  	v22 =	vadd.s32 s1, v1;
	v23 =	vmov s13;
	v21 =	vld.idx.msk [tilespmem:v24+s19+$0x0], $0xffff  }
0x4cc: {  	v25 =	vshll.u32 v23, $0x5;
	v24 =	vadd.s32 s1, v4  }
0x4cd: {  	v26 =	vor.u32 v0, v25  }
0x4ce: {  	v25 =	vor.u32 v3, v25;
	_ =	sdelay $0x1  }
0x4cf: {  	[tilespmem:v22+s22+$0x0] =	vst.idx.msk $0xffff, v20  }
0x4d0: {  	[tilespmem:v24+s22+$0x0] =	vst.idx.msk $0xffff, v21  }
0x4d1: {  	s1 =	sadd.s32 $0xFFFFFFFB, s29;
	v21 =	vand.u32 $0x1F8, v23;
	v20 =	vld.idx.msk [tilespmem:v26+s19+$0x0], $0xffff  }
0x4d2: {  	v24 =	vmov s1;
	v23 =	vadd.s32 v5, v21;
	v22 =	vld.idx.msk [tilespmem:v25+s19+$0x0], $0xffff  }
0x4d3: {  	v21 =	vadd.s32 v6, v21;
	v25 =	vshll.u32 v24, $0x5;
	v24 =	vand.u32 $0x1F8, v24  }
0x4d4: {  	v26 =	vor.u32 v0, v25  }
0x4d5: {  	v25 =	vor.u32 v3, v25;
	_ =	sdelay $0x1  }
0x4d6: {  	[tilespmem:v23+s22+$0x0] =	vst.idx.msk $0xffff, v20  }
0x4d7: {  	[tilespmem:v21+s22+$0x0] =	vst.idx.msk $0xffff, v22  }
0x4d8: {  	s1 =	sadd.s32 $0xFFFFFFFC, s29;
	v20 =	vld.idx.msk [tilespmem:v26+s19+$0x0], $0xffff  }
0x4d9: {  	v23 =	vmov s1;
	v22 =	vadd.s32 v7, v24;
	v21 =	vld.idx.msk [tilespmem:v25+s19+$0x0], $0xffff  }
0x4da: {  	v24 =	vadd.s32 v8, v24;
	v25 =	vshll.u32 v23, $0x5;
	v23 =	vand.u32 $0x1F8, v23  }
0x4db: {  	v26 =	vor.u32 v0, v25  }
0x4dc: {  	v25 =	vor.u32 v3, v25;
	_ =	sdelay $0x1  }
0x4dd: {  	[tilespmem:v22+s22+$0x0] =	vst.idx.msk $0xffff, v20  }
0x4de: {  	[tilespmem:v24+s22+$0x0] =	vst.idx.msk $0xffff, v21  }
0x4df: {  	s1 =	sadd.s32 $0xFFFFFFFD, s29;
	v20 =	vld.idx.msk [tilespmem:v26+s19+$0x0], $0xffff  }
0x4e0: {  	v22 =	vadd.s32 v9, v23;
	v24 =	vmov s1;
	v21 =	vld.idx.msk [tilespmem:v25+s19+$0x0], $0xffff  }
0x4e1: {  	v23 =	vadd.s32 v10, v23;
	v25 =	vshll.u32 v24, $0x5;
	v24 =	vand.u32 $0x1F8, v24  }
0x4e2: {  	v26 =	vor.u32 v0, v25  }
0x4e3: {  	v25 =	vor.u32 v3, v25;
	_ =	sdelay $0x1  }
0x4e4: {  	[tilespmem:v22+s22+$0x0] =	vst.idx.msk $0xffff, v20  }
0x4e5: {  	[tilespmem:v23+s22+$0x0] =	vst.idx.msk $0xffff, v21  }
0x4e6: {  	s1 =	sadd.s32 $0xFFFFFFFE, s29;
	v20 =	vld.idx.msk [tilespmem:v26+s19+$0x0], $0xffff  }
0x4e7: {  	v22 =	vadd.s32 v11, v24;
	v23 =	vmov s1;
	v21 =	vld.idx.msk [tilespmem:v25+s19+$0x0], $0xffff  }
0x4e8: {  	v24 =	vadd.s32 v12, v24;
	v25 =	vshll.u32 v23, $0x5;
	v23 =	vand.u32 $0x1F8, v23  }
0x4e9: {  	v26 =	vor.u32 v0, v25  }
0x4ea: {  	v25 =	vor.u32 v3, v25;
	_ =	sdelay $0x1  }
0x4eb: {  	[tilespmem:v22+s22+$0x0] =	vst.idx.msk $0xffff, v20  }
0x4ec: {  	[tilespmem:v24+s22+$0x0] =	vst.idx.msk $0xffff, v21  }
0x4ed: {  	s1 =	sadd.s32 $0xFFFFFFFF, s29;
	v20 =	vld.idx.msk [tilespmem:v26+s19+$0x0], $0xffff  }
0x4ee: {  	v22 =	vadd.s32 v13, v23;
	v24 =	vmov s1;
	v21 =	vld.idx.msk [tilespmem:v25+s19+$0x0], $0xffff  }
0x4ef: {  	v23 =	vadd.s32 v14, v23;
	v25 =	vshll.u32 v24, $0x5;
	v24 =	vand.u32 $0x1F8, v24  }
0x4f0: {  	v26 =	vor.u32 v0, v25  }
0x4f1: {  	v25 =	vor.u32 v3, v25;
	_ =	sdelay $0x1  }
0x4f2: {  	[tilespmem:v22+s22+$0x0] =	vst.idx.msk $0xffff, v20  }
0x4f3: {  	[tilespmem:v23+s22+$0x0] =	vst.idx.msk $0xffff, v21  }
0x4f4: {  	v20 =	vld.idx.msk [tilespmem:v26+s19+$0x0], $0xffff  }
0x4f5: {  	v22 =	vadd.s32 v15, v24;
	v23 =	vmov s29;
	s29 =	smov.u32 s0;
	v21 =	vld.idx.msk [tilespmem:v25+s19+$0x0], $0xffff  }
0x4f6: {  	v24 =	vadd.s32 v16, v24;
	v25 =	vshll.u32 v23, $0x5;
	v23 =	vand.u32 $0x1F8, v23  }
0x4f7: {  	v26 =	vor.u32 v0, v25  }
0x4f8: {  	v25 =	vor.u32 v3, v25;
	_ =	sdelay $0x1  }
0x4f9: {  	[tilespmem:v22+s22+$0x0] =	vst.idx.msk $0xffff, v20  }
0x4fa: {  	[tilespmem:v24+s22+$0x0] =	vst.idx.msk $0xffff, v21  }
0x4fb: {  	s1 =	sadd.s32 $0xFFFFFFF1, s29;
	v24 =	vld.idx.msk [tilespmem:v26+s19+$0x0], $0xffff  }
0x4fc: {  	v21 =	vmov s1;
	v20 =	vld.idx.msk [tilespmem:v25+s19+$0x0], $0xffff;
	v25 =	vadd.s32 v17, v23  }
.Ltmp11:
0x4fd: {  	v21 =	vshll.u32 v21, $0x5;
	v23 =	vadd.s32 v18, v23;
	(pc) =	sbr.rel @p0 .LBB2_25-.Ltmp11, $2  }
0x4fe: {  	v22 =	vor.u32 v0, v21;
	v21 =	vor.u32 v3, v21;
	_ =	sdelay $0x2  }
0x4ff: {  	[tilespmem:v25+s22+$0x0] =	vst.idx.msk $0xffff, v24  }
0x500: {  	_ =	sdelay $0x3  }
0x501: {  	[tilespmem:v23+s22+$0x0] =	vst.idx.msk $0xffff, v20;
	s0 =	sadd.s32 $0xFFFFFFF2, s29  }
0x502: {  	v35 =	vadd.s32 s1, v1;
	v20 =	vld.idx.msk [tilespmem:v22+s19+$0x0], $0xffff;
	v36 =	vmov s0  }
0x503: {  	v24 =	vadd.s32 s1, v4;
	v21 =	vld.idx.msk [tilespmem:v21+s19+$0x0], $0xffff;
	v25 =	vshll.u32 v36, $0x5  }
0x504: {  	v26 =	vor.u32 v0, v25  }
0x505: {  	v25 =	vor.u32 v3, v25;
	_ =	sdelay $0x1  }
0x506: {  	[tilespmem:v35+s22+$0x0] =	vst.idx.msk $0xffff, v20  }
0x507: {  	s13 =	sadd.s32 $0xFFFFFFF3, s29;
	v20 =	vand.u32 $0x1F0, v36;
	[tilespmem:v24+s22+$0x0] =	vst.idx.msk $0xffff, v21  }
0x508: {  	v38 =	vmov s13;
	v37 =	vadd.s32 v5, v20;
	v21 =	vld.idx.msk [tilespmem:v26+s19+$0x0], $0xffff  }
0x509: {  	v39 =	vshll.u32 v38, $0x5;
	v20 =	vadd.s32 v6, v20;
	v24 =	vld.idx.msk [tilespmem:v25+s19+$0x0], $0xffff  }
0x50a: {  	v40 =	vor.u32 v0, v39  }
0x50b: {  	v25 =	vor.u32 v3, v39;
	_ =	sdelay $0x1  }
0x50c: {  	[tilespmem:v37+s22+$0x0] =	vst.idx.msk $0xffff, v21  }
0x50d: {  	s30 =	sadd.s32 $0xFFFFFFF4, s29;
	v41 =	vand.u32 $0x1F0, v38;
	[tilespmem:v20+s22+$0x0] =	vst.idx.msk $0xffff, v24  }
0x50e: {  	v43 =	vmov s30;
	v42 =	vadd.s32 v7, v41;
	v20 =	vld.idx.msk [tilespmem:v40+s19+$0x0], $0xffff  }
0x50f: {  	v44 =	vshll.u32 v43, $0x5;
	v21 =	vadd.s32 v8, v41;
	v24 =	vld.idx.msk [tilespmem:v25+s19+$0x0], $0xffff  }
0x510: {  	v45 =	vor.u32 v0, v44  }
0x511: {  	v25 =	vor.u32 v3, v44;
	_ =	sdelay $0x1  }
0x512: {  	[tilespmem:v42+s22+$0x0] =	vst.idx.msk $0xffff, v20  }
0x513: {  	s31 =	sadd.s32 $0xFFFFFFF5, s29;
	v20 =	vand.u32 $0x1F0, v43;
	[tilespmem:v21+s22+$0x0] =	vst.idx.msk $0xffff, v24  }
0x514: {  	v47 =	vmov s31;
	v46 =	vadd.s32 v9, v20;
	v21 =	vld.idx.msk [tilespmem:v45+s19+$0x0], $0xffff  }
0x515: {  	v48 =	vshll.u32 v47, $0x5;
	v20 =	vadd.s32 v10, v20;
	v24 =	vld.idx.msk [tilespmem:v25+s19+$0x0], $0xffff  }
0x516: {  	v49 =	vor.u32 v0, v48  }
0x517: {  	v25 =	vor.u32 v3, v48;
	_ =	sdelay $0x1  }
0x518: {  	[tilespmem:v46+s22+$0x0] =	vst.idx.msk $0xffff, v21  }
0x519: {  	s1 =	sadd.s32 $0xFFFFFFF6, s29;
	v50 =	vand.u32 $0x1F0, v47;
	[tilespmem:v20+s22+$0x0] =	vst.idx.msk $0xffff, v24  }
0x51a: {  	v52 =	vmov s1;
	v51 =	vadd.s32 v11, v50;
	v20 =	vld.idx.msk [tilespmem:v49+s19+$0x0], $0xffff  }
0x51b: {  	v53 =	vshll.u32 v52, $0x5;
	v21 =	vadd.s32 v12, v50;
	v24 =	vld.idx.msk [tilespmem:v25+s19+$0x0], $0xffff  }
0x51c: {  	v54 =	vor.u32 v0, v53  }
0x51d: {  	v25 =	vor.u32 v3, v53;
	_ =	sdelay $0x1  }
0x51e: {  	[tilespmem:v51+s22+$0x0] =	vst.idx.msk $0xffff, v20  }
0x51f: {  	s13 =	sadd.s32 $0xFFFFFFF7, s29;
	v20 =	vand.u32 $0x1F0, v52;
	[tilespmem:v21+s22+$0x0] =	vst.idx.msk $0xffff, v24  }
0x520: {  	v56 =	vmov s13;
	v55 =	vadd.s32 v13, v20;
	v21 =	vld.idx.msk [tilespmem:v54+s19+$0x0], $0xffff  }
0x521: {  	v57 =	vshll.u32 v56, $0x5;
	v20 =	vadd.s32 v14, v20;
	v24 =	vld.idx.msk [tilespmem:v25+s19+$0x0], $0xffff  }
0x522: {  	v58 =	vor.u32 v0, v57  }
0x523: {  	v25 =	vor.u32 v3, v57;
	_ =	sdelay $0x1  }
0x524: {  	[tilespmem:v55+s22+$0x0] =	vst.idx.msk $0xffff, v21  }
0x525: {  	s30 =	sadd.s32 $0xFFFFFFF8, s29;
	v59 =	vand.u32 $0x1F0, v56;
	[tilespmem:v20+s22+$0x0] =	vst.idx.msk $0xffff, v24  }
0x526: {  	v61 =	vmov s30;
	v60 =	vadd.s32 v15, v59;
	v20 =	vld.idx.msk [tilespmem:v58+s19+$0x0], $0xffff  }
0x527: {  	v62 =	vshll.u32 v61, $0x5;
	v21 =	vadd.s32 v16, v59;
	v24 =	vld.idx.msk [tilespmem:v25+s19+$0x0], $0xffff  }
0x528: {  	v63 =	vor.u32 v0, v62  }
0x529: {  	v25 =	vor.u32 v3, v62;
	_ =	sdelay $0x1  }
0x52a: {  	[tilespmem:v60+s22+$0x0] =	vst.idx.msk $0xffff, v20  }
0x52b: {  	s31 =	sadd.s32 $0xFFFFFFF9, s29;
	v20 =	vand.u32 $0x1F0, v61;
	[tilespmem:v21+s22+$0x0] =	vst.idx.msk $0xffff, v24  }
0x52c: {  	v29 =	vmov s31;
	v28 =	vadd.s32 v17, v20;
	v21 =	vld.idx.msk [tilespmem:v63+s19+$0x0], $0xffff  }
0x52d: {  	v23 =	vshll.u32 v29, $0x5;
	v20 =	vadd.s32 v18, v20;
	v24 =	vld.idx.msk [tilespmem:v25+s19+$0x0], $0xffff  }
0x52e: {  	v30 =	vor.u32 v0, v23  }
0x52f: {  	v23 =	vor.u32 v3, v23;
	_ =	sdelay $0x1  }
0x530: {  	[tilespmem:v28+s22+$0x0] =	vst.idx.msk $0xffff, v21  }
0x531: {  	s13 =	sadd.s32 $0xFFFFFFFA, s29;
	[tilespmem:v20+s22+$0x0] =	vst.idx.msk $0xffff, v24  }
0x532: {  	v31 =	vadd.s32 s31, v1;
	v32 =	vmov s13;
	v20 =	vld.idx.msk [tilespmem:v30+s19+$0x0], $0xffff  }
0x533: {  	v33 =	vadd.s32 s31, v4;
	v34 =	vshll.u32 v32, $0x5;
	v23 =	vld.idx.msk [tilespmem:v23+s19+$0x0], $0xffff  }
0x534: {  	v35 =	vor.u32 v0, v34  }
0x535: {  	v25 =	vor.u32 v3, v34;
	_ =	sdelay $0x1  }
0x536: {  	[tilespmem:v31+s22+$0x0] =	vst.idx.msk $0xffff, v20  }
0x537: {  	s30 =	sadd.s32 $0xFFFFFFFB, s29;
	v20 =	vand.u32 $0x1F8, v32;
	[tilespmem:v33+s22+$0x0] =	vst.idx.msk $0xffff, v23  }
0x538: {  	v36 =	vmov s30;
	v22 =	vadd.s32 v5, v20;
	v21 =	vld.idx.msk [tilespmem:v35+s19+$0x0], $0xffff  }
0x539: {  	v37 =	vshll.u32 v36, $0x5;
	v20 =	vadd.s32 v6, v20;
	v24 =	vld.idx.msk [tilespmem:v25+s19+$0x0], $0xffff  }
0x53a: {  	v38 =	vor.u32 v0, v37  }
0x53b: {  	v25 =	vor.u32 v3, v37;
	_ =	sdelay $0x1  }
0x53c: {  	[tilespmem:v22+s22+$0x0] =	vst.idx.msk $0xffff, v21  }
0x53d: {  	s31 =	sadd.s32 $0xFFFFFFFC, s29;
	v39 =	vand.u32 $0x1F8, v36;
	[tilespmem:v20+s22+$0x0] =	vst.idx.msk $0xffff, v24  }
0x53e: {  	v41 =	vmov s31;
	v40 =	vadd.s32 v7, v39;
	v20 =	vld.idx.msk [tilespmem:v38+s19+$0x0], $0xffff  }
0x53f: {  	v42 =	vshll.u32 v41, $0x5;
	v21 =	vadd.s32 v8, v39;
	v24 =	vld.idx.msk [tilespmem:v25+s19+$0x0], $0xffff  }
0x540: {  	v43 =	vor.u32 v0, v42  }
0x541: {  	v25 =	vor.u32 v3, v42;
	_ =	sdelay $0x1  }
0x542: {  	[tilespmem:v40+s22+$0x0] =	vst.idx.msk $0xffff, v20  }
0x543: {  	s1 =	sadd.s32 $0xFFFFFFFD, s29;
	v20 =	vand.u32 $0x1F8, v41;
	[tilespmem:v21+s22+$0x0] =	vst.idx.msk $0xffff, v24  }
0x544: {  	v45 =	vmov s1;
	v44 =	vadd.s32 v9, v20;
	v21 =	vld.idx.msk [tilespmem:v43+s19+$0x0], $0xffff  }
0x545: {  	v46 =	vshll.u32 v45, $0x5;
	v20 =	vadd.s32 v10, v20;
	v24 =	vld.idx.msk [tilespmem:v25+s19+$0x0], $0xffff  }
0x546: {  	v47 =	vor.u32 v0, v46  }
0x547: {  	v25 =	vor.u32 v3, v46;
	_ =	sdelay $0x1  }
0x548: {  	[tilespmem:v44+s22+$0x0] =	vst.idx.msk $0xffff, v21  }
0x549: {  	s13 =	sadd.s32 $0xFFFFFFFE, s29;
	v48 =	vand.u32 $0x1F8, v45;
	[tilespmem:v20+s22+$0x0] =	vst.idx.msk $0xffff, v24  }
0x54a: {  	v50 =	vmov s13;
	v49 =	vadd.s32 v11, v48;
	v20 =	vld.idx.msk [tilespmem:v47+s19+$0x0], $0xffff  }
0x54b: {  	v51 =	vshll.u32 v50, $0x5;
	v21 =	vadd.s32 v12, v48;
	v24 =	vld.idx.msk [tilespmem:v25+s19+$0x0], $0xffff  }
0x54c: {  	v52 =	vor.u32 v0, v51  }
0x54d: {  	v25 =	vor.u32 v3, v51;
	_ =	sdelay $0x1  }
0x54e: {  	[tilespmem:v49+s22+$0x0] =	vst.idx.msk $0xffff, v20  }
0x54f: {  	s30 =	sadd.s32 $0xFFFFFFFF, s29;
	v20 =	vand.u32 $0x1F8, v50;
	[tilespmem:v21+s22+$0x0] =	vst.idx.msk $0xffff, v24  }
0x550: {  	v54 =	vmov s30;
	v53 =	vadd.s32 v13, v20;
	v21 =	vld.idx.msk [tilespmem:v52+s19+$0x0], $0xffff  }
0x551: {  	v55 =	vshll.u32 v54, $0x5;
	v20 =	vadd.s32 v14, v20;
	v24 =	vld.idx.msk [tilespmem:v25+s19+$0x0], $0xffff  }
0x552: {  	v56 =	vor.u32 v0, v55  }
0x553: {  	v25 =	vor.u32 v3, v55;
	_ =	sdelay $0x1  }
0x554: {  	[tilespmem:v53+s22+$0x0] =	vst.idx.msk $0xffff, v21  }
0x555: {  	v57 =	vand.u32 $0x1F8, v54;
	[tilespmem:v20+s22+$0x0] =	vst.idx.msk $0xffff, v24  }
0x556: {  	v59 =	vmov s29;
	v58 =	vadd.s32 v15, v57;
	v20 =	vld.idx.msk [tilespmem:v56+s19+$0x0], $0xffff  }
0x557: {  	v60 =	vshll.u32 v59, $0x5;
	v21 =	vadd.s32 v16, v57;
	v24 =	vld.idx.msk [tilespmem:v25+s19+$0x0], $0xffff  }
0x558: {  	v61 =	vor.u32 v0, v60  }
0x559: {  	v25 =	vor.u32 v3, v60;
	_ =	sdelay $0x1  }
0x55a: {  	[tilespmem:v58+s22+$0x0] =	vst.idx.msk $0xffff, v20  }
0x55b: {  	v20 =	vand.u32 $0x1F8, v59;
	[tilespmem:v21+s22+$0x0] =	vst.idx.msk $0xffff, v24  }
0x55c: {  	v62 =	vadd.s32 v17, v20;
	v21 =	vld.idx.msk [tilespmem:v61+s19+$0x0], $0xffff  }
0x55d: {  	v20 =	vadd.s32 v18, v20;
	v63 =	vld.idx.msk [tilespmem:v25+s19+$0x0], $0xffff  }
0x55e: {  	s31 =	sshll.u32 s28, $0x13  }
0x55f: {  	s0 =	sor.u32 s4, s31  }
0x560: {  	s0 =	sshrl.u32 s0, $0x3  }
0x561: {  	s28 =	simm.s32 $0x800;
	s0 =	sadd.s32 s5, s0;
	[tilespmem:v62+s22+$0x0] =	vst.idx.msk $0xffff, v21  }
0x562: {  	s1 =	simm.s32 $0x12A00;
	s13 =	sadd.s32 $0x0, s0;
	s29 =	simm.s32 $0x12C10;
	[tilespmem:v20+s22+$0x0] =	vst.idx.msk $0xffff, v63  }
.LBB2_27:
0x563: {  	[hbm4b:s13+s2] =	stream.linear.scatter [tilespmem:s1], [sflag:$0x5], $0x200, $0x38;
	[tilespmem:$0x16C00] =	vst v63  }
0x564: {  	s13 =	smov.u32 s28;
	s1 =	smov.u32 s29;
	p0 =	sne.s32 s28, $0xF800  }
.Ltmp12:
0x565: {  	s28 =	sadd.s32 $0x800, s28;
	(pc) =	sbr.rel @p0 .LBB2_27-.Ltmp12, $2  }
0x566: {  	_ =	sdelay $0x2  }
0x567: {  	s29 =	sadd.s32 $0x210, s29;
	s13 =	sadd.s32 s13, s0  }
0x568: {  	s26 =	sadd.s32 $0x1, s26  }
0x569: {  	p0 =	sne.s32 s26, $0x18  }
.Ltmp13:
0x56a: {  	_ = 	snop;
	(pc) =	sbr.rel @p0 .LBB2_16-.Ltmp13, $2  }
0x56b: {  	_ =	sdelay $0x2  }
0x56c: {  	[hbm4b:s13+s2] =	stream.linear.scatter [tilespmem:s1], [sflag:$0x5], $0x200, $0x38;
	[tilespmem:$0x16C00] =	vst v63  }
0x56d: {  	s0 =	simm.s32 $0x0;
	v20 =	vor.u32 $0x6200, v0  }
0x56e: {  	v21 =	vor.u32 s0, v20;
	_ =	sdelay $0x1  }
0x56f: {  	_ =	swait.ge [sflag:s17], $0x4000  }
0x570: {  	[sflag:s17] =	ssyncset.done $0x0  }
0x571: {  	[sflag:s17] =	ssyncadd.s32 $0xFFFFC000  }
0x572: {  	s31 =	simm.s32 $0x10;
	v21 =	vld.idx.msk [tilespmem:v21+s2+$0x0], $0xffff  }
0x573: {  	v22 =	vor.u32 s31, v20;
	_ =	sdelay $0x2  }
0x574: {  	s0 =	simm.s32 $0x6600  }
0x575: {  	[tilespmem:s0+$0x0] =	vst v21  }
0x576: {  	s1 =	simm.s32 $0x20;
	s26 =	simm.s32 $0x30;
	v21 =	vld.idx.msk [tilespmem:v22+s2+$0x0], $0xffff  }
.LBB2_30:
0x577: {  	p0 =	sne.s32 s26, $0x1F0;
	v22 =	vor.u32 s1, v20;
	s1 =	smov.u32 s26;
	_ =	sdelay $0x1  }
.Ltmp14:
0x578: {  	(pc) =	sbr.rel @p0 .LBB2_30-.Ltmp14, $4  }
0x579: {  	s0 =	sadd.s32 $0x10, s0  }
0x57a: {  	[tilespmem:s0+$0x0] =	vst v21  }
0x57b: {  	v21 =	vld.idx.msk [tilespmem:v22+s2+$0x0], $0xffff  }
0x57c: {  	s26 =	sadd.s32 $0x10, s26  }
0x57d: {  	v20 =	vor.u32 s1, v20;
	_ =	sdelay $0x2  }
0x57e: {  	s0 =	sadd.s32 $0x10, s0  }
0x57f: {  	[tilespmem:s0+$0x0] =	vst v21  }
0x580: {  	v20 =	vld.idx.msk [tilespmem:v20+s2+$0x0], $0xffff;
	_ =	sdelay $0x1  }
0x581: {  	s26 =	simm.s32 $0x0  }
0x582: {  	v21 =	vmov s26  }
0x583: {  	s0 =	sadd.s32 $0x10, s0;
	v21 =	vshll.u32 v21, $0x5  }
0x584: {  	[tilespmem:s0+$0x0] =	vst v20;
	v20 =	vor.u32 v0, v21  }
0x585: {  	v21 =	vor.u32 v3, v21;
	[tilespmem:s19], [sflag:$0x3] =	stream.indirect.gather [hbm4b:s3+s12], $0x20, s18, s12, $0xb8;
	[tilespmem:$0x16C00] =	vst v63  }
0x586: {  	_ =	swait.ge [sflag:s23], $0x4000  }
0x587: {  	[sflag:s23] =	ssyncset.done $0x0  }
0x588: {  	s29 =	simm.s32 $0x1;
	[sflag:s23] =	ssyncadd.s32 $0xFFFFC000  }
0x589: {  	v22 =	vadd.s32 s26, v1;
	v23 =	vmov s29;
	v20 =	vld.idx.msk [tilespmem:v20+s16+$0x0], $0xffff  }
0x58a: {  	v24 =	vadd.s32 s26, v4;
	v25 =	vshll.u32 v23, $0x5;
	v21 =	vld.idx.msk [tilespmem:v21+s16+$0x0], $0xffff  }
0x58b: {  	v26 =	vor.u32 v0, v25  }
0x58c: {  	v25 =	vor.u32 v3, v25;
	_ =	sdelay $0x1  }
0x58d: {  	[tilespmem:v22+s20+$0x0] =	vst.idx.msk $0xffff, v20  }
0x58e: {  	s30 =	simm.s32 $0x2;
	v20 =	vand.u32 $0x1F0, v23;
	[tilespmem:v24+s20+$0x0] =	vst.idx.msk $0xffff, v21  }
0x58f: {  	v23 =	vmov s30;
	v22 =	vadd.s32 v5, v20;
	v21 =	vld.idx.msk [tilespmem:v26+s16+$0x0], $0xffff  }
0x590: {  	v20 =	vadd.s32 v6, v20;
	v35 =	vshll.u32 v23, $0x5;
	v24 =	vld.idx.msk [tilespmem:v25+s16+$0x0], $0xffff  }
0x591: {  	v36 =	vor.u32 v0, v35  }
0x592: {  	v25 =	vor.u32 v3, v35;
	_ =	sdelay $0x1  }
0x593: {  	[tilespmem:v22+s20+$0x0] =	vst.idx.msk $0xffff, v21  }
0x594: {  	s31 =	simm.s32 $0x3;
	v21 =	vand.u32 $0x1F0, v23;
	[tilespmem:v20+s20+$0x0] =	vst.idx.msk $0xffff, v24  }
0x595: {  	v23 =	vmov s31;
	v22 =	vadd.s32 v7, v21;
	v20 =	vld.idx.msk [tilespmem:v36+s16+$0x0], $0xffff  }
0x596: {  	v21 =	vadd.s32 v8, v21;
	v37 =	vshll.u32 v23, $0x5;
	v24 =	vld.idx.msk [tilespmem:v25+s16+$0x0], $0xffff  }
0x597: {  	v38 =	vor.u32 v0, v37  }
0x598: {  	v25 =	vor.u32 v3, v37;
	_ =	sdelay $0x1  }
0x599: {  	[tilespmem:v22+s20+$0x0] =	vst.idx.msk $0xffff, v20  }
0x59a: {  	s1 =	simm.s32 $0x4;
	v20 =	vand.u32 $0x1F0, v23;
	[tilespmem:v21+s20+$0x0] =	vst.idx.msk $0xffff, v24  }
0x59b: {  	v23 =	vmov s1;
	v22 =	vadd.s32 v9, v20;
	v21 =	vld.idx.msk [tilespmem:v38+s16+$0x0], $0xffff  }
0x59c: {  	v20 =	vadd.s32 v10, v20;
	v39 =	vshll.u32 v23, $0x5;
	v24 =	vld.idx.msk [tilespmem:v25+s16+$0x0], $0xffff  }
0x59d: {  	v40 =	vor.u32 v0, v39  }
0x59e: {  	v25 =	vor.u32 v3, v39;
	_ =	sdelay $0x1  }
0x59f: {  	[tilespmem:v22+s20+$0x0] =	vst.idx.msk $0xffff, v21  }
0x5a0: {  	s13 =	simm.s32 $0x5;
	v21 =	vand.u32 $0x1F0, v23;
	[tilespmem:v20+s20+$0x0] =	vst.idx.msk $0xffff, v24  }
0x5a1: {  	v23 =	vmov s13;
	v22 =	vadd.s32 v11, v21;
	v20 =	vld.idx.msk [tilespmem:v40+s16+$0x0], $0xffff  }
0x5a2: {  	v21 =	vadd.s32 v12, v21;
	v41 =	vshll.u32 v23, $0x5;
	v24 =	vld.idx.msk [tilespmem:v25+s16+$0x0], $0xffff  }
0x5a3: {  	v42 =	vor.u32 v0, v41  }
0x5a4: {  	v25 =	vor.u32 v3, v41;
	_ =	sdelay $0x1  }
0x5a5: {  	[tilespmem:v22+s20+$0x0] =	vst.idx.msk $0xffff, v20  }
0x5a6: {  	s26 =	simm.s32 $0x6;
	v20 =	vand.u32 $0x1F0, v23;
	[tilespmem:v21+s20+$0x0] =	vst.idx.msk $0xffff, v24  }
0x5a7: {  	v23 =	vmov s26;
	v22 =	vadd.s32 v13, v20;
	v21 =	vld.idx.msk [tilespmem:v42+s16+$0x0], $0xffff  }
0x5a8: {  	v20 =	vadd.s32 v14, v20;
	v43 =	vshll.u32 v23, $0x5;
	v24 =	vld.idx.msk [tilespmem:v25+s16+$0x0], $0xffff  }
0x5a9: {  	v44 =	vor.u32 v0, v43  }
0x5aa: {  	v25 =	vor.u32 v3, v43;
	_ =	sdelay $0x1  }
0x5ab: {  	[tilespmem:v22+s20+$0x0] =	vst.idx.msk $0xffff, v21  }
0x5ac: {  	s29 =	simm.s32 $0x7;
	v21 =	vand.u32 $0x1F0, v23;
	[tilespmem:v20+s20+$0x0] =	vst.idx.msk $0xffff, v24  }
0x5ad: {  	v23 =	vmov s29;
	v22 =	vadd.s32 v15, v21;
	v20 =	vld.idx.msk [tilespmem:v44+s16+$0x0], $0xffff  }
0x5ae: {  	v21 =	vadd.s32 v16, v21;
	v45 =	vshll.u32 v23, $0x5;
	v24 =	vld.idx.msk [tilespmem:v25+s16+$0x0], $0xffff  }
0x5af: {  	v46 =	vor.u32 v0, v45  }
0x5b0: {  	v25 =	vor.u32 v3, v45;
	_ =	sdelay $0x1  }
0x5b1: {  	[tilespmem:v22+s20+$0x0] =	vst.idx.msk $0xffff, v20  }
0x5b2: {  	s30 =	simm.s32 $0x8;
	v20 =	vand.u32 $0x1F0, v23;
	[tilespmem:v21+s20+$0x0] =	vst.idx.msk $0xffff, v24  }
0x5b3: {  	v23 =	vmov s30;
	v22 =	vadd.s32 v17, v20;
	v21 =	vld.idx.msk [tilespmem:v46+s16+$0x0], $0xffff  }
0x5b4: {  	v20 =	vadd.s32 v18, v20;
	v23 =	vshll.u32 v23, $0x5;
	v24 =	vld.idx.msk [tilespmem:v25+s16+$0x0], $0xffff  }
0x5b5: {  	v47 =	vor.u32 v0, v23  }
0x5b6: {  	v23 =	vor.u32 v3, v23;
	_ =	sdelay $0x1  }
0x5b7: {  	[tilespmem:v22+s20+$0x0] =	vst.idx.msk $0xffff, v21  }
0x5b8: {  	s31 =	simm.s32 $0x9;
	[tilespmem:v20+s20+$0x0] =	vst.idx.msk $0xffff, v24  }
0x5b9: {  	v21 =	vadd.s32 s30, v1;
	v22 =	vmov s31;
	v20 =	vld.idx.msk [tilespmem:v47+s16+$0x0], $0xffff  }
0x5ba: {  	v48 =	vadd.s32 s30, v4;
	v49 =	vshll.u32 v22, $0x5;
	v23 =	vld.idx.msk [tilespmem:v23+s16+$0x0], $0xffff  }
0x5bb: {  	v50 =	vor.u32 v0, v49  }
0x5bc: {  	v25 =	vor.u32 v3, v49;
	_ =	sdelay $0x1  }
0x5bd: {  	[tilespmem:v21+s20+$0x0] =	vst.idx.msk $0xffff, v20  }
0x5be: {  	s1 =	simm.s32 $0xA;
	v20 =	vand.u32 $0x1F8, v22;
	[tilespmem:v48+s20+$0x0] =	vst.idx.msk $0xffff, v23  }
0x5bf: {  	v22 =	vadd.s32 v5, v20;
	v23 =	vmov s1;
	v21 =	vld.idx.msk [tilespmem:v50+s16+$0x0], $0xffff  }
0x5c0: {  	v20 =	vadd.s32 v6, v20;
	v24 =	vld.idx.msk [tilespmem:v25+s16+$0x0], $0xffff;
	v51 =	vshll.u32 v23, $0x5  }
0x5c1: {  	v52 =	vor.u32 v0, v51  }
0x5c2: {  	v25 =	vor.u32 v3, v51;
	_ =	sdelay $0x1  }
0x5c3: {  	[tilespmem:v22+s20+$0x0] =	vst.idx.msk $0xffff, v21  }
0x5c4: {  	s13 =	simm.s32 $0xB;
	v21 =	vand.u32 $0x1F8, v23;
	[tilespmem:v20+s20+$0x0] =	vst.idx.msk $0xffff, v24  }
0x5c5: {  	v23 =	vmov s13;
	v22 =	vadd.s32 v7, v21;
	v20 =	vld.idx.msk [tilespmem:v52+s16+$0x0], $0xffff  }
0x5c6: {  	v21 =	vadd.s32 v8, v21;
	v53 =	vshll.u32 v23, $0x5;
	v24 =	vld.idx.msk [tilespmem:v25+s16+$0x0], $0xffff  }
0x5c7: {  	v54 =	vor.u32 v0, v53  }
0x5c8: {  	v25 =	vor.u32 v3, v53;
	_ =	sdelay $0x1  }
0x5c9: {  	[tilespmem:v22+s20+$0x0] =	vst.idx.msk $0xffff, v20  }
0x5ca: {  	s26 =	simm.s32 $0xC;
	v20 =	vand.u32 $0x1F8, v23;
	[tilespmem:v21+s20+$0x0] =	vst.idx.msk $0xffff, v24  }
0x5cb: {  	v23 =	vmov s26;
	v22 =	vadd.s32 v9, v20;
	v21 =	vld.idx.msk [tilespmem:v54+s16+$0x0], $0xffff  }
0x5cc: {  	v20 =	vadd.s32 v10, v20;
	v55 =	vshll.u32 v23, $0x5;
	v24 =	vld.idx.msk [tilespmem:v25+s16+$0x0], $0xffff  }
0x5cd: {  	v56 =	vor.u32 v0, v55  }
0x5ce: {  	v25 =	vor.u32 v3, v55;
	_ =	sdelay $0x1  }
0x5cf: {  	[tilespmem:v22+s20+$0x0] =	vst.idx.msk $0xffff, v21  }
0x5d0: {  	s29 =	simm.s32 $0xD;
	v21 =	vand.u32 $0x1F8, v23;
	[tilespmem:v20+s20+$0x0] =	vst.idx.msk $0xffff, v24  }
0x5d1: {  	v23 =	vmov s29;
	v22 =	vadd.s32 v11, v21;
	v20 =	vld.idx.msk [tilespmem:v56+s16+$0x0], $0xffff  }
0x5d2: {  	v21 =	vadd.s32 v12, v21;
	v57 =	vshll.u32 v23, $0x5;
	v24 =	vld.idx.msk [tilespmem:v25+s16+$0x0], $0xffff  }
0x5d3: {  	v58 =	vor.u32 v0, v57  }
0x5d4: {  	v25 =	vor.u32 v3, v57;
	_ =	sdelay $0x1  }
0x5d5: {  	[tilespmem:v22+s20+$0x0] =	vst.idx.msk $0xffff, v20  }
0x5d6: {  	s30 =	simm.s32 $0xE;
	v20 =	vand.u32 $0x1F8, v23;
	[tilespmem:v21+s20+$0x0] =	vst.idx.msk $0xffff, v24  }
0x5d7: {  	v23 =	vmov s30;
	v22 =	vadd.s32 v13, v20;
	v21 =	vld.idx.msk [tilespmem:v58+s16+$0x0], $0xffff  }
0x5d8: {  	v20 =	vadd.s32 v14, v20;
	v59 =	vshll.u32 v23, $0x5;
	v24 =	vld.idx.msk [tilespmem:v25+s16+$0x0], $0xffff  }
0x5d9: {  	v60 =	vor.u32 v0, v59;
	_ =	sdelay $0x2  }
0x5da: {  	v25 =	vor.u32 v3, v59;
	[tilespmem:v22+s20+$0x0] =	vst.idx.msk $0xffff, v21  }
0x5db: {  	v21 =	vand.u32 $0x1F8, v23;
	[tilespmem:v20+s20+$0x0] =	vst.idx.msk $0xffff, v24  }
0x5dc: {  	v22 =	vadd.s32 v15, v21;
	v20 =	vld.idx.msk [tilespmem:v60+s16+$0x0], $0xffff  }
0x5dd: {  	s31 =	simm.s32 $0xF  }
0x5de: {  	v23 =	vmov s31  }
0x5df: {  	v21 =	vadd.s32 v16, v21;
	v61 =	vshll.u32 v23, $0x5;
	v24 =	vld.idx.msk [tilespmem:v25+s16+$0x0], $0xffff  }
0x5e0: {  	v62 =	vor.u32 v0, v61  }
0x5e1: {  	[tilespmem:v22+s20+$0x0] =	vst.idx.msk $0xffff, v20;
	v20 =	vor.u32 v3, v61;
	_ =	sdelay $0x2  }
0x5e2: {  	s1 =	simm.s32 $0x10;
	v22 =	vand.u32 $0x1F8, v23;
	[tilespmem:v21+s20+$0x0] =	vst.idx.msk $0xffff, v24  }
0x5e3: {  	v63 =	vadd.s32 v17, v22;
	v21 =	vmov s1;
	v24 =	vld.idx.msk [tilespmem:v62+s16+$0x0], $0xffff  }
0x5e4: {  	v23 =	vadd.s32 v18, v22;
	v21 =	vshll.u32 v21, $0x5;
	v20 =	vld.idx.msk [tilespmem:v20+s16+$0x0], $0xffff  }
0x5e5: {  	v22 =	vor.u32 v0, v21  }
0x5e6: {  	v21 =	vor.u32 v3, v21;
	_ =	sdelay $0x1  }
0x5e7: {  	s28 =	simm.s32 $0x2F;
	s26 =	simm.s32 $0x1F;
	[tilespmem:v63+s20+$0x0] =	vst.idx.msk $0xffff, v24  }
.LBB2_32:
0x5e8: {  	p0 =	sne.s32 s28, $0x1FF;
	[tilespmem:v23+s20+$0x0] =	vst.idx.msk $0xffff, v20;
	s0 =	smov.u32 s28;
	s28 =	sadd.s32 $0x10, s28  }
0x5e9: {  	s13 =	sadd.s32 $0xFFFFFFF2, s26;
	v20 =	vld.idx.msk [tilespmem:v22+s16+$0x0], $0xffff  }
0x5ea: {  	v22 =	vadd.s32 s1, v1;
	v23 =	vmov s13;
	v21 =	vld.idx.msk [tilespmem:v21+s16+$0x0], $0xffff  }
0x5eb: {  	v24 =	vadd.s32 s1, v4;
	v25 =	vshll.u32 v23, $0x5;
	v23 =	vand.u32 $0x1F0, v23  }
0x5ec: {  	v26 =	vor.u32 v0, v25  }
0x5ed: {  	v25 =	vor.u32 v3, v25;
	_ =	sdelay $0x1  }
0x5ee: {  	[tilespmem:v22+s20+$0x0] =	vst.idx.msk $0xffff, v20  }
0x5ef: {  	[tilespmem:v24+s20+$0x0] =	vst.idx.msk $0xffff, v21  }
0x5f0: {  	s1 =	sadd.s32 $0xFFFFFFF3, s26;
	v20 =	vld.idx.msk [tilespmem:v26+s16+$0x0], $0xffff  }
0x5f1: {  	v22 =	vadd.s32 v5, v23;
	v24 =	vmov s1;
	v21 =	vld.idx.msk [tilespmem:v25+s16+$0x0], $0xffff  }
0x5f2: {  	v23 =	vadd.s32 v6, v23;
	v25 =	vshll.u32 v24, $0x5;
	v24 =	vand.u32 $0x1F0, v24  }
0x5f3: {  	v26 =	vor.u32 v0, v25  }
0x5f4: {  	v25 =	vor.u32 v3, v25;
	_ =	sdelay $0x1  }
0x5f5: {  	[tilespmem:v22+s20+$0x0] =	vst.idx.msk $0xffff, v20  }
0x5f6: {  	[tilespmem:v23+s20+$0x0] =	vst.idx.msk $0xffff, v21  }
0x5f7: {  	s1 =	sadd.s32 $0xFFFFFFF4, s26;
	v20 =	vld.idx.msk [tilespmem:v26+s16+$0x0], $0xffff  }
0x5f8: {  	v22 =	vadd.s32 v7, v24;
	v23 =	vmov s1;
	v21 =	vld.idx.msk [tilespmem:v25+s16+$0x0], $0xffff  }
0x5f9: {  	v24 =	vadd.s32 v8, v24;
	v25 =	vshll.u32 v23, $0x5;
	v23 =	vand.u32 $0x1F0, v23  }
0x5fa: {  	v26 =	vor.u32 v0, v25  }
0x5fb: {  	v25 =	vor.u32 v3, v25;
	_ =	sdelay $0x1  }
0x5fc: {  	[tilespmem:v22+s20+$0x0] =	vst.idx.msk $0xffff, v20  }
0x5fd: {  	[tilespmem:v24+s20+$0x0] =	vst.idx.msk $0xffff, v21  }
0x5fe: {  	s1 =	sadd.s32 $0xFFFFFFF5, s26;
	v20 =	vld.idx.msk [tilespmem:v26+s16+$0x0], $0xffff  }
0x5ff: {  	v22 =	vadd.s32 v9, v23;
	v24 =	vmov s1;
	v21 =	vld.idx.msk [tilespmem:v25+s16+$0x0], $0xffff  }
0x600: {  	v23 =	vadd.s32 v10, v23;
	v25 =	vshll.u32 v24, $0x5;
	v24 =	vand.u32 $0x1F0, v24  }
0x601: {  	v26 =	vor.u32 v0, v25  }
0x602: {  	v25 =	vor.u32 v3, v25;
	_ =	sdelay $0x1  }
0x603: {  	[tilespmem:v22+s20+$0x0] =	vst.idx.msk $0xffff, v20  }
0x604: {  	[tilespmem:v23+s20+$0x0] =	vst.idx.msk $0xffff, v21  }
0x605: {  	s1 =	sadd.s32 $0xFFFFFFF6, s26;
	v20 =	vld.idx.msk [tilespmem:v26+s16+$0x0], $0xffff  }
0x606: {  	v22 =	vadd.s32 v11, v24;
	v23 =	vmov s1;
	v21 =	vld.idx.msk [tilespmem:v25+s16+$0x0], $0xffff  }
0x607: {  	v24 =	vadd.s32 v12, v24;
	v25 =	vshll.u32 v23, $0x5;
	v23 =	vand.u32 $0x1F0, v23  }
0x608: {  	v26 =	vor.u32 v0, v25  }
0x609: {  	v25 =	vor.u32 v3, v25;
	_ =	sdelay $0x1  }
0x60a: {  	[tilespmem:v22+s20+$0x0] =	vst.idx.msk $0xffff, v20  }
0x60b: {  	[tilespmem:v24+s20+$0x0] =	vst.idx.msk $0xffff, v21  }
0x60c: {  	s1 =	sadd.s32 $0xFFFFFFF7, s26;
	v20 =	vld.idx.msk [tilespmem:v26+s16+$0x0], $0xffff  }
0x60d: {  	v22 =	vadd.s32 v13, v23;
	v24 =	vmov s1;
	v21 =	vld.idx.msk [tilespmem:v25+s16+$0x0], $0xffff  }
0x60e: {  	v23 =	vadd.s32 v14, v23;
	v25 =	vshll.u32 v24, $0x5;
	v24 =	vand.u32 $0x1F0, v24  }
0x60f: {  	v26 =	vor.u32 v0, v25  }
0x610: {  	v25 =	vor.u32 v3, v25;
	_ =	sdelay $0x1  }
0x611: {  	[tilespmem:v22+s20+$0x0] =	vst.idx.msk $0xffff, v20  }
0x612: {  	[tilespmem:v23+s20+$0x0] =	vst.idx.msk $0xffff, v21  }
0x613: {  	s1 =	sadd.s32 $0xFFFFFFF8, s26;
	v20 =	vld.idx.msk [tilespmem:v26+s16+$0x0], $0xffff  }
0x614: {  	v22 =	vadd.s32 v15, v24;
	v23 =	vmov s1;
	v21 =	vld.idx.msk [tilespmem:v25+s16+$0x0], $0xffff  }
0x615: {  	v24 =	vadd.s32 v16, v24;
	v25 =	vshll.u32 v23, $0x5;
	v23 =	vand.u32 $0x1F0, v23  }
0x616: {  	v26 =	vor.u32 v0, v25  }
0x617: {  	v25 =	vor.u32 v3, v25;
	_ =	sdelay $0x1  }
0x618: {  	[tilespmem:v22+s20+$0x0] =	vst.idx.msk $0xffff, v20  }
0x619: {  	[tilespmem:v24+s20+$0x0] =	vst.idx.msk $0xffff, v21  }
0x61a: {  	s1 =	sadd.s32 $0xFFFFFFF9, s26;
	v20 =	vld.idx.msk [tilespmem:v26+s16+$0x0], $0xffff  }
0x61b: {  	v22 =	vadd.s32 v17, v23;
	v24 =	vmov s1;
	v21 =	vld.idx.msk [tilespmem:v25+s16+$0x0], $0xffff  }
0x61c: {  	v23 =	vadd.s32 v18, v23;
	v24 =	vshll.u32 v24, $0x5  }
0x61d: {  	v25 =	vor.u32 v0, v24  }
0x61e: {  	v24 =	vor.u32 v3, v24;
	_ =	sdelay $0x1  }
0x61f: {  	[tilespmem:v22+s20+$0x0] =	vst.idx.msk $0xffff, v20  }
0x620: {  	[tilespmem:v23+s20+$0x0] =	vst.idx.msk $0xffff, v21  }
0x621: {  	s13 =	sadd.s32 $0xFFFFFFFA, s26;
	v20 =	vld.idx.msk [tilespmem:v25+s16+$0x0], $0xffff  }
0x622: {  	v22 =	vadd.s32 s1, v1;
	v23 =	vmov s13;
	v21 =	vld.idx.msk [tilespmem:v24+s16+$0x0], $0xffff  }
0x623: {  	v25 =	vshll.u32 v23, $0x5;
	v24 =	vadd.s32 s1, v4  }
0x624: {  	v26 =	vor.u32 v0, v25  }
0x625: {  	v25 =	vor.u32 v3, v25;
	_ =	sdelay $0x1  }
0x626: {  	[tilespmem:v22+s20+$0x0] =	vst.idx.msk $0xffff, v20  }
0x627: {  	[tilespmem:v24+s20+$0x0] =	vst.idx.msk $0xffff, v21  }
0x628: {  	s1 =	sadd.s32 $0xFFFFFFFB, s26;
	v21 =	vand.u32 $0x1F8, v23;
	v20 =	vld.idx.msk [tilespmem:v26+s16+$0x0], $0xffff  }
0x629: {  	v24 =	vmov s1;
	v23 =	vadd.s32 v5, v21;
	v22 =	vld.idx.msk [tilespmem:v25+s16+$0x0], $0xffff  }
0x62a: {  	v21 =	vadd.s32 v6, v21;
	v25 =	vshll.u32 v24, $0x5;
	v24 =	vand.u32 $0x1F8, v24  }
0x62b: {  	v26 =	vor.u32 v0, v25  }
0x62c: {  	v25 =	vor.u32 v3, v25;
	_ =	sdelay $0x1  }
0x62d: {  	[tilespmem:v23+s20+$0x0] =	vst.idx.msk $0xffff, v20  }
0x62e: {  	[tilespmem:v21+s20+$0x0] =	vst.idx.msk $0xffff, v22  }
0x62f: {  	s1 =	sadd.s32 $0xFFFFFFFC, s26;
	v20 =	vld.idx.msk [tilespmem:v26+s16+$0x0], $0xffff  }
0x630: {  	v23 =	vmov s1;
	v22 =	vadd.s32 v7, v24;
	v21 =	vld.idx.msk [tilespmem:v25+s16+$0x0], $0xffff  }
0x631: {  	v24 =	vadd.s32 v8, v24;
	v25 =	vshll.u32 v23, $0x5;
	v23 =	vand.u32 $0x1F8, v23  }
0x632: {  	v26 =	vor.u32 v0, v25  }
0x633: {  	v25 =	vor.u32 v3, v25;
	_ =	sdelay $0x1  }
0x634: {  	[tilespmem:v22+s20+$0x0] =	vst.idx.msk $0xffff, v20  }
0x635: {  	[tilespmem:v24+s20+$0x0] =	vst.idx.msk $0xffff, v21  }
0x636: {  	s1 =	sadd.s32 $0xFFFFFFFD, s26;
	v20 =	vld.idx.msk [tilespmem:v26+s16+$0x0], $0xffff  }
0x637: {  	v22 =	vadd.s32 v9, v23;
	v24 =	vmov s1;
	v21 =	vld.idx.msk [tilespmem:v25+s16+$0x0], $0xffff  }
0x638: {  	v23 =	vadd.s32 v10, v23;
	v25 =	vshll.u32 v24, $0x5;
	v24 =	vand.u32 $0x1F8, v24  }
0x639: {  	v26 =	vor.u32 v0, v25  }
0x63a: {  	v25 =	vor.u32 v3, v25;
	_ =	sdelay $0x1  }
0x63b: {  	[tilespmem:v22+s20+$0x0] =	vst.idx.msk $0xffff, v20  }
0x63c: {  	[tilespmem:v23+s20+$0x0] =	vst.idx.msk $0xffff, v21  }
0x63d: {  	s1 =	sadd.s32 $0xFFFFFFFE, s26;
	v20 =	vld.idx.msk [tilespmem:v26+s16+$0x0], $0xffff  }
0x63e: {  	v22 =	vadd.s32 v11, v24;
	v23 =	vmov s1;
	v21 =	vld.idx.msk [tilespmem:v25+s16+$0x0], $0xffff  }
0x63f: {  	v24 =	vadd.s32 v12, v24;
	v25 =	vshll.u32 v23, $0x5;
	v23 =	vand.u32 $0x1F8, v23  }
0x640: {  	v26 =	vor.u32 v0, v25  }
0x641: {  	v25 =	vor.u32 v3, v25;
	_ =	sdelay $0x1  }
0x642: {  	[tilespmem:v22+s20+$0x0] =	vst.idx.msk $0xffff, v20  }
0x643: {  	[tilespmem:v24+s20+$0x0] =	vst.idx.msk $0xffff, v21  }
0x644: {  	s1 =	sadd.s32 $0xFFFFFFFF, s26;
	v20 =	vld.idx.msk [tilespmem:v26+s16+$0x0], $0xffff  }
0x645: {  	v22 =	vadd.s32 v13, v23;
	v24 =	vmov s1;
	v21 =	vld.idx.msk [tilespmem:v25+s16+$0x0], $0xffff  }
0x646: {  	v23 =	vadd.s32 v14, v23;
	v25 =	vshll.u32 v24, $0x5;
	v24 =	vand.u32 $0x1F8, v24  }
0x647: {  	v26 =	vor.u32 v0, v25  }
0x648: {  	v25 =	vor.u32 v3, v25;
	_ =	sdelay $0x1  }
0x649: {  	[tilespmem:v22+s20+$0x0] =	vst.idx.msk $0xffff, v20  }
0x64a: {  	[tilespmem:v23+s20+$0x0] =	vst.idx.msk $0xffff, v21  }
0x64b: {  	v20 =	vld.idx.msk [tilespmem:v26+s16+$0x0], $0xffff  }
0x64c: {  	v22 =	vadd.s32 v15, v24;
	v23 =	vmov s26;
	s26 =	smov.u32 s0;
	v21 =	vld.idx.msk [tilespmem:v25+s16+$0x0], $0xffff  }
0x64d: {  	v24 =	vadd.s32 v16, v24;
	v25 =	vshll.u32 v23, $0x5;
	v23 =	vand.u32 $0x1F8, v23  }
0x64e: {  	v26 =	vor.u32 v0, v25  }
0x64f: {  	v25 =	vor.u32 v3, v25;
	_ =	sdelay $0x1  }
0x650: {  	[tilespmem:v22+s20+$0x0] =	vst.idx.msk $0xffff, v20  }
0x651: {  	[tilespmem:v24+s20+$0x0] =	vst.idx.msk $0xffff, v21  }
0x652: {  	s1 =	sadd.s32 $0xFFFFFFF1, s26;
	v24 =	vld.idx.msk [tilespmem:v26+s16+$0x0], $0xffff  }
0x653: {  	v21 =	vmov s1;
	v20 =	vld.idx.msk [tilespmem:v25+s16+$0x0], $0xffff;
	v25 =	vadd.s32 v17, v23  }
.Ltmp15:
0x654: {  	v21 =	vshll.u32 v21, $0x5;
	v23 =	vadd.s32 v18, v23;
	(pc) =	sbr.rel @p0 .LBB2_32-.Ltmp15, $2  }
0x655: {  	v22 =	vor.u32 v0, v21;
	v21 =	vor.u32 v3, v21;
	_ =	sdelay $0x2  }
0x656: {  	[tilespmem:v25+s20+$0x0] =	vst.idx.msk $0xffff, v24  }
0x657: {  	_ =	sdelay $0x3  }
0x658: {  	[tilespmem:v23+s20+$0x0] =	vst.idx.msk $0xffff, v20;
	s0 =	sadd.s32 $0xFFFFFFF2, s26  }
0x659: {  	v35 =	vadd.s32 s1, v1;
	v20 =	vld.idx.msk [tilespmem:v22+s16+$0x0], $0xffff;
	v36 =	vmov s0  }
0x65a: {  	v24 =	vadd.s32 s1, v4;
	v21 =	vld.idx.msk [tilespmem:v21+s16+$0x0], $0xffff;
	v25 =	vshll.u32 v36, $0x5  }
0x65b: {  	v26 =	vor.u32 v0, v25  }
0x65c: {  	v25 =	vor.u32 v3, v25;
	_ =	sdelay $0x1  }
0x65d: {  	[tilespmem:v35+s20+$0x0] =	vst.idx.msk $0xffff, v20  }
0x65e: {  	s30 =	sadd.s32 $0xFFFFFFF3, s26;
	v20 =	vand.u32 $0x1F0, v36;
	[tilespmem:v24+s20+$0x0] =	vst.idx.msk $0xffff, v21  }
0x65f: {  	v38 =	vmov s30;
	v37 =	vadd.s32 v5, v20;
	v21 =	vld.idx.msk [tilespmem:v26+s16+$0x0], $0xffff  }
0x660: {  	v39 =	vshll.u32 v38, $0x5;
	v20 =	vadd.s32 v6, v20;
	v24 =	vld.idx.msk [tilespmem:v25+s16+$0x0], $0xffff  }
0x661: {  	v40 =	vor.u32 v0, v39  }
0x662: {  	v25 =	vor.u32 v3, v39;
	_ =	sdelay $0x1  }
0x663: {  	[tilespmem:v37+s20+$0x0] =	vst.idx.msk $0xffff, v21  }
0x664: {  	s31 =	sadd.s32 $0xFFFFFFF4, s26;
	v41 =	vand.u32 $0x1F0, v38;
	[tilespmem:v20+s20+$0x0] =	vst.idx.msk $0xffff, v24  }
0x665: {  	v43 =	vmov s31;
	v42 =	vadd.s32 v7, v41;
	v20 =	vld.idx.msk [tilespmem:v40+s16+$0x0], $0xffff  }
0x666: {  	v44 =	vshll.u32 v43, $0x5;
	v21 =	vadd.s32 v8, v41;
	v24 =	vld.idx.msk [tilespmem:v25+s16+$0x0], $0xffff  }
0x667: {  	v45 =	vor.u32 v0, v44  }
0x668: {  	v25 =	vor.u32 v3, v44;
	_ =	sdelay $0x1  }
0x669: {  	[tilespmem:v42+s20+$0x0] =	vst.idx.msk $0xffff, v20  }
0x66a: {  	s1 =	sadd.s32 $0xFFFFFFF5, s26;
	v20 =	vand.u32 $0x1F0, v43;
	[tilespmem:v21+s20+$0x0] =	vst.idx.msk $0xffff, v24  }
0x66b: {  	v47 =	vmov s1;
	v46 =	vadd.s32 v9, v20;
	v21 =	vld.idx.msk [tilespmem:v45+s16+$0x0], $0xffff  }
0x66c: {  	v48 =	vshll.u32 v47, $0x5;
	v20 =	vadd.s32 v10, v20;
	v24 =	vld.idx.msk [tilespmem:v25+s16+$0x0], $0xffff  }
0x66d: {  	v49 =	vor.u32 v0, v48  }
0x66e: {  	v25 =	vor.u32 v3, v48;
	_ =	sdelay $0x1  }
0x66f: {  	[tilespmem:v46+s20+$0x0] =	vst.idx.msk $0xffff, v21  }
0x670: {  	s13 =	sadd.s32 $0xFFFFFFF6, s26;
	v50 =	vand.u32 $0x1F0, v47;
	[tilespmem:v20+s20+$0x0] =	vst.idx.msk $0xffff, v24  }
0x671: {  	v52 =	vmov s13;
	v51 =	vadd.s32 v11, v50;
	v20 =	vld.idx.msk [tilespmem:v49+s16+$0x0], $0xffff  }
0x672: {  	v53 =	vshll.u32 v52, $0x5;
	v21 =	vadd.s32 v12, v50;
	v24 =	vld.idx.msk [tilespmem:v25+s16+$0x0], $0xffff  }
0x673: {  	v54 =	vor.u32 v0, v53  }
0x674: {  	v25 =	vor.u32 v3, v53;
	_ =	sdelay $0x1  }
0x675: {  	[tilespmem:v51+s20+$0x0] =	vst.idx.msk $0xffff, v20  }
0x676: {  	s28 =	sadd.s32 $0xFFFFFFF7, s26;
	v20 =	vand.u32 $0x1F0, v52;
	[tilespmem:v21+s20+$0x0] =	vst.idx.msk $0xffff, v24  }
0x677: {  	v56 =	vmov s28;
	v55 =	vadd.s32 v13, v20;
	v21 =	vld.idx.msk [tilespmem:v54+s16+$0x0], $0xffff  }
0x678: {  	v57 =	vshll.u32 v56, $0x5;
	v20 =	vadd.s32 v14, v20;
	v24 =	vld.idx.msk [tilespmem:v25+s16+$0x0], $0xffff  }
0x679: {  	v58 =	vor.u32 v0, v57  }
0x67a: {  	v25 =	vor.u32 v3, v57;
	_ =	sdelay $0x1  }
0x67b: {  	[tilespmem:v55+s20+$0x0] =	vst.idx.msk $0xffff, v21  }
0x67c: {  	s29 =	sadd.s32 $0xFFFFFFF8, s26;
	v59 =	vand.u32 $0x1F0, v56;
	[tilespmem:v20+s20+$0x0] =	vst.idx.msk $0xffff, v24  }
0x67d: {  	v61 =	vmov s29;
	v60 =	vadd.s32 v15, v59;
	v20 =	vld.idx.msk [tilespmem:v58+s16+$0x0], $0xffff  }
0x67e: {  	v62 =	vshll.u32 v61, $0x5;
	v21 =	vadd.s32 v16, v59;
	v24 =	vld.idx.msk [tilespmem:v25+s16+$0x0], $0xffff  }
0x67f: {  	v63 =	vor.u32 v0, v62  }
0x680: {  	v25 =	vor.u32 v3, v62;
	_ =	sdelay $0x1  }
0x681: {  	[tilespmem:v60+s20+$0x0] =	vst.idx.msk $0xffff, v20  }
0x682: {  	s30 =	sadd.s32 $0xFFFFFFF9, s26;
	v20 =	vand.u32 $0x1F0, v61;
	[tilespmem:v21+s20+$0x0] =	vst.idx.msk $0xffff, v24  }
0x683: {  	v29 =	vmov s30;
	v28 =	vadd.s32 v17, v20;
	v21 =	vld.idx.msk [tilespmem:v63+s16+$0x0], $0xffff  }
0x684: {  	v23 =	vshll.u32 v29, $0x5;
	v20 =	vadd.s32 v18, v20;
	v24 =	vld.idx.msk [tilespmem:v25+s16+$0x0], $0xffff  }
0x685: {  	v30 =	vor.u32 v0, v23  }
0x686: {  	v23 =	vor.u32 v3, v23;
	_ =	sdelay $0x1  }
0x687: {  	[tilespmem:v28+s20+$0x0] =	vst.idx.msk $0xffff, v21  }
0x688: {  	s31 =	sadd.s32 $0xFFFFFFFA, s26;
	[tilespmem:v20+s20+$0x0] =	vst.idx.msk $0xffff, v24  }
0x689: {  	v31 =	vadd.s32 s30, v1;
	v32 =	vmov s31;
	v20 =	vld.idx.msk [tilespmem:v30+s16+$0x0], $0xffff  }
0x68a: {  	v33 =	vadd.s32 s30, v4;
	v34 =	vshll.u32 v32, $0x5;
	v23 =	vld.idx.msk [tilespmem:v23+s16+$0x0], $0xffff  }
0x68b: {  	v35 =	vor.u32 v0, v34  }
0x68c: {  	v25 =	vor.u32 v3, v34;
	_ =	sdelay $0x1  }
0x68d: {  	[tilespmem:v31+s20+$0x0] =	vst.idx.msk $0xffff, v20  }
0x68e: {  	s13 =	sadd.s32 $0xFFFFFFFB, s26;
	v20 =	vand.u32 $0x1F8, v32;
	[tilespmem:v33+s20+$0x0] =	vst.idx.msk $0xffff, v23  }
0x68f: {  	v36 =	vmov s13;
	v22 =	vadd.s32 v5, v20;
	v21 =	vld.idx.msk [tilespmem:v35+s16+$0x0], $0xffff  }
0x690: {  	v37 =	vshll.u32 v36, $0x5;
	v20 =	vadd.s32 v6, v20;
	v24 =	vld.idx.msk [tilespmem:v25+s16+$0x0], $0xffff  }
0x691: {  	v38 =	vor.u32 v0, v37  }
0x692: {  	v25 =	vor.u32 v3, v37;
	_ =	sdelay $0x1  }
0x693: {  	[tilespmem:v22+s20+$0x0] =	vst.idx.msk $0xffff, v21  }
0x694: {  	s28 =	sadd.s32 $0xFFFFFFFC, s26;
	v39 =	vand.u32 $0x1F8, v36;
	[tilespmem:v20+s20+$0x0] =	vst.idx.msk $0xffff, v24  }
0x695: {  	v41 =	vmov s28;
	v40 =	vadd.s32 v7, v39;
	v20 =	vld.idx.msk [tilespmem:v38+s16+$0x0], $0xffff  }
0x696: {  	v42 =	vshll.u32 v41, $0x5;
	v21 =	vadd.s32 v8, v39;
	v24 =	vld.idx.msk [tilespmem:v25+s16+$0x0], $0xffff  }
0x697: {  	v43 =	vor.u32 v0, v42  }
0x698: {  	v25 =	vor.u32 v3, v42;
	_ =	sdelay $0x1  }
0x699: {  	[tilespmem:v40+s20+$0x0] =	vst.idx.msk $0xffff, v20  }
0x69a: {  	s29 =	sadd.s32 $0xFFFFFFFD, s26;
	v20 =	vand.u32 $0x1F8, v41;
	[tilespmem:v21+s20+$0x0] =	vst.idx.msk $0xffff, v24  }
0x69b: {  	v45 =	vmov s29;
	v44 =	vadd.s32 v9, v20;
	v21 =	vld.idx.msk [tilespmem:v43+s16+$0x0], $0xffff  }
0x69c: {  	v46 =	vshll.u32 v45, $0x5;
	v20 =	vadd.s32 v10, v20;
	v24 =	vld.idx.msk [tilespmem:v25+s16+$0x0], $0xffff  }
0x69d: {  	v47 =	vor.u32 v0, v46  }
0x69e: {  	v25 =	vor.u32 v3, v46;
	_ =	sdelay $0x1  }
0x69f: {  	[tilespmem:v44+s20+$0x0] =	vst.idx.msk $0xffff, v21  }
0x6a0: {  	s30 =	sadd.s32 $0xFFFFFFFE, s26;
	v48 =	vand.u32 $0x1F8, v45;
	[tilespmem:v20+s20+$0x0] =	vst.idx.msk $0xffff, v24  }
0x6a1: {  	v50 =	vmov s30;
	v49 =	vadd.s32 v11, v48;
	v20 =	vld.idx.msk [tilespmem:v47+s16+$0x0], $0xffff  }
0x6a2: {  	v51 =	vshll.u32 v50, $0x5;
	v21 =	vadd.s32 v12, v48;
	v24 =	vld.idx.msk [tilespmem:v25+s16+$0x0], $0xffff  }
0x6a3: {  	v52 =	vor.u32 v0, v51  }
0x6a4: {  	v25 =	vor.u32 v3, v51;
	_ =	sdelay $0x1  }
0x6a5: {  	[tilespmem:v49+s20+$0x0] =	vst.idx.msk $0xffff, v20  }
0x6a6: {  	s31 =	sadd.s32 $0xFFFFFFFF, s26;
	v20 =	vand.u32 $0x1F8, v50;
	[tilespmem:v21+s20+$0x0] =	vst.idx.msk $0xffff, v24  }
0x6a7: {  	v54 =	vmov s31;
	v53 =	vadd.s32 v13, v20;
	v21 =	vld.idx.msk [tilespmem:v52+s16+$0x0], $0xffff  }
0x6a8: {  	v55 =	vshll.u32 v54, $0x5;
	v20 =	vadd.s32 v14, v20;
	v24 =	vld.idx.msk [tilespmem:v25+s16+$0x0], $0xffff  }
0x6a9: {  	v56 =	vor.u32 v0, v55  }
0x6aa: {  	v25 =	vor.u32 v3, v55;
	_ =	sdelay $0x1  }
0x6ab: {  	[tilespmem:v53+s20+$0x0] =	vst.idx.msk $0xffff, v21  }
0x6ac: {  	v57 =	vand.u32 $0x1F8, v54;
	[tilespmem:v20+s20+$0x0] =	vst.idx.msk $0xffff, v24  }
0x6ad: {  	v59 =	vmov s26;
	v58 =	vadd.s32 v15, v57;
	v20 =	vld.idx.msk [tilespmem:v56+s16+$0x0], $0xffff  }
0x6ae: {  	v60 =	vshll.u32 v59, $0x5;
	v21 =	vadd.s32 v16, v57;
	v24 =	vld.idx.msk [tilespmem:v25+s16+$0x0], $0xffff  }
0x6af: {  	v61 =	vor.u32 v0, v60  }
0x6b0: {  	v25 =	vor.u32 v3, v60;
	_ =	sdelay $0x1  }
0x6b1: {  	[tilespmem:v58+s20+$0x0] =	vst.idx.msk $0xffff, v20  }
0x6b2: {  	v20 =	vand.u32 $0x1F8, v59;
	[tilespmem:v21+s20+$0x0] =	vst.idx.msk $0xffff, v24  }
0x6b3: {  	v62 =	vadd.s32 v17, v20;
	v21 =	vld.idx.msk [tilespmem:v61+s16+$0x0], $0xffff  }
0x6b4: {  	v20 =	vadd.s32 v18, v20;
	v63 =	vld.idx.msk [tilespmem:v25+s16+$0x0], $0xffff;
	_ =	sdelay $0x3  }
0x6b5: {  	s0 =	simm.s32 $0xE800;
	[tilespmem:v62+s20+$0x0] =	vst.idx.msk $0xffff, v21  }
0x6b6: {  	s1 =	simm.s32 $0x800;
	s13 =	sadd.s32 $0x0, s9;
	s26 =	simm.s32 $0xEA10;
	[tilespmem:v20+s20+$0x0] =	vst.idx.msk $0xffff, v63  }
.LBB2_34:
0x6b7: {  	[hbm4b:s13+s2] =	stream.linear.scatter [tilespmem:s0], [sflag:$0x4], $0x200, $0x38;
	[tilespmem:$0x16C00] =	vst v63  }
0x6b8: {  	s13 =	smov.u32 s1;
	s0 =	smov.u32 s26;
	p0 =	sne.s32 s1, $0xF800  }
.Ltmp16:
0x6b9: {  	s1 =	sadd.s32 $0x800, s1;
	(pc) =	sbr.rel @p0 .LBB2_34-.Ltmp16, $2  }
0x6ba: {  	_ =	sdelay $0x2  }
0x6bb: {  	s26 =	sadd.s32 $0x210, s26;
	s13 =	sadd.s32 s13, s9  }
0x6bc: {  	s1 =	simm.s32 $0x0  }
0x6bd: {  	[hbm4b:s13+s2] =	stream.linear.scatter [tilespmem:s0], [sflag:$0x4], $0x200, $0x38;
	v20 =	vmov s1;
	[tilespmem:$0x16C00] =	vst v63  }
0x6be: {  	_ =	swait.ge [sflag:s21], $0x4000;
	v20 =	vshll.u32 v20, $0x5  }
0x6bf: {  	[sflag:s21] =	ssyncset.done $0x0;
	v21 =	vor.u32 v0, v20  }
0x6c0: {  	[sflag:s21] =	ssyncadd.s32 $0xFFFFC000;
	v20 =	vor.u32 v3, v20  }
0x6c1: {  	_ =	swait.ge [sflag:s24], $0x4000  }
0x6c2: {  	[sflag:s24] =	ssyncset.done $0x0  }
0x6c3: {  	s29 =	simm.s32 $0x1;
	[sflag:s24] =	ssyncadd.s32 $0xFFFFC000  }
0x6c4: {  	v22 =	vadd.s32 s1, v1;
	v23 =	vmov s29;
	v21 =	vld.idx.msk [tilespmem:v21+s19+$0x0], $0xffff  }
0x6c5: {  	v24 =	vadd.s32 s1, v4;
	v25 =	vshll.u32 v23, $0x5;
	v20 =	vld.idx.msk [tilespmem:v20+s19+$0x0], $0xffff  }
0x6c6: {  	v26 =	vor.u32 v0, v25  }
0x6c7: {  	v25 =	vor.u32 v3, v25;
	_ =	sdelay $0x1  }
0x6c8: {  	[tilespmem:v22+s22+$0x0] =	vst.idx.msk $0xffff, v21  }
0x6c9: {  	s30 =	simm.s32 $0x2;
	v21 =	vand.u32 $0x1F0, v23;
	[tilespmem:v24+s22+$0x0] =	vst.idx.msk $0xffff, v20  }
0x6ca: {  	v23 =	vmov s30;
	v22 =	vadd.s32 v5, v21;
	v20 =	vld.idx.msk [tilespmem:v26+s19+$0x0], $0xffff  }
0x6cb: {  	v21 =	vadd.s32 v6, v21;
	v35 =	vshll.u32 v23, $0x5;
	v24 =	vld.idx.msk [tilespmem:v25+s19+$0x0], $0xffff  }
0x6cc: {  	v36 =	vor.u32 v0, v35  }
0x6cd: {  	v25 =	vor.u32 v3, v35;
	_ =	sdelay $0x1  }
0x6ce: {  	[tilespmem:v22+s22+$0x0] =	vst.idx.msk $0xffff, v20  }
0x6cf: {  	s31 =	simm.s32 $0x3;
	v20 =	vand.u32 $0x1F0, v23;
	[tilespmem:v21+s22+$0x0] =	vst.idx.msk $0xffff, v24  }
0x6d0: {  	v23 =	vmov s31;
	v22 =	vadd.s32 v7, v20;
	v21 =	vld.idx.msk [tilespmem:v36+s19+$0x0], $0xffff  }
0x6d1: {  	v20 =	vadd.s32 v8, v20;
	v37 =	vshll.u32 v23, $0x5;
	v24 =	vld.idx.msk [tilespmem:v25+s19+$0x0], $0xffff  }
0x6d2: {  	v38 =	vor.u32 v0, v37  }
0x6d3: {  	v25 =	vor.u32 v3, v37;
	_ =	sdelay $0x1  }
0x6d4: {  	[tilespmem:v22+s22+$0x0] =	vst.idx.msk $0xffff, v21  }
0x6d5: {  	s1 =	simm.s32 $0x4;
	v21 =	vand.u32 $0x1F0, v23;
	[tilespmem:v20+s22+$0x0] =	vst.idx.msk $0xffff, v24  }
0x6d6: {  	v23 =	vmov s1;
	v22 =	vadd.s32 v9, v21;
	v20 =	vld.idx.msk [tilespmem:v38+s19+$0x0], $0xffff  }
0x6d7: {  	v21 =	vadd.s32 v10, v21;
	v39 =	vshll.u32 v23, $0x5;
	v24 =	vld.idx.msk [tilespmem:v25+s19+$0x0], $0xffff  }
0x6d8: {  	v40 =	vor.u32 v0, v39  }
0x6d9: {  	v25 =	vor.u32 v3, v39;
	_ =	sdelay $0x1  }
0x6da: {  	[tilespmem:v22+s22+$0x0] =	vst.idx.msk $0xffff, v20  }
0x6db: {  	s13 =	simm.s32 $0x5;
	v20 =	vand.u32 $0x1F0, v23;
	[tilespmem:v21+s22+$0x0] =	vst.idx.msk $0xffff, v24  }
0x6dc: {  	v23 =	vmov s13;
	v22 =	vadd.s32 v11, v20;
	v21 =	vld.idx.msk [tilespmem:v40+s19+$0x0], $0xffff  }
0x6dd: {  	v20 =	vadd.s32 v12, v20;
	v41 =	vshll.u32 v23, $0x5;
	v24 =	vld.idx.msk [tilespmem:v25+s19+$0x0], $0xffff  }
0x6de: {  	v42 =	vor.u32 v0, v41  }
0x6df: {  	v25 =	vor.u32 v3, v41;
	_ =	sdelay $0x1  }
0x6e0: {  	[tilespmem:v22+s22+$0x0] =	vst.idx.msk $0xffff, v21  }
0x6e1: {  	s26 =	simm.s32 $0x6;
	v21 =	vand.u32 $0x1F0, v23;
	[tilespmem:v20+s22+$0x0] =	vst.idx.msk $0xffff, v24  }
0x6e2: {  	v23 =	vmov s26;
	v22 =	vadd.s32 v13, v21;
	v20 =	vld.idx.msk [tilespmem:v42+s19+$0x0], $0xffff  }
0x6e3: {  	v21 =	vadd.s32 v14, v21;
	v43 =	vshll.u32 v23, $0x5;
	v24 =	vld.idx.msk [tilespmem:v25+s19+$0x0], $0xffff  }
0x6e4: {  	v44 =	vor.u32 v0, v43  }
0x6e5: {  	v25 =	vor.u32 v3, v43;
	_ =	sdelay $0x1  }
0x6e6: {  	[tilespmem:v22+s22+$0x0] =	vst.idx.msk $0xffff, v20  }
0x6e7: {  	s29 =	simm.s32 $0x7;
	v20 =	vand.u32 $0x1F0, v23;
	[tilespmem:v21+s22+$0x0] =	vst.idx.msk $0xffff, v24  }
0x6e8: {  	v23 =	vmov s29;
	v22 =	vadd.s32 v15, v20;
	v21 =	vld.idx.msk [tilespmem:v44+s19+$0x0], $0xffff  }
0x6e9: {  	v20 =	vadd.s32 v16, v20;
	v45 =	vshll.u32 v23, $0x5;
	v24 =	vld.idx.msk [tilespmem:v25+s19+$0x0], $0xffff  }
0x6ea: {  	v46 =	vor.u32 v0, v45  }
0x6eb: {  	v25 =	vor.u32 v3, v45;
	_ =	sdelay $0x1  }
0x6ec: {  	[tilespmem:v22+s22+$0x0] =	vst.idx.msk $0xffff, v21  }
0x6ed: {  	s30 =	simm.s32 $0x8;
	v21 =	vand.u32 $0x1F0, v23;
	[tilespmem:v20+s22+$0x0] =	vst.idx.msk $0xffff, v24  }
0x6ee: {  	v23 =	vmov s30;
	v22 =	vadd.s32 v17, v21;
	v20 =	vld.idx.msk [tilespmem:v46+s19+$0x0], $0xffff  }
0x6ef: {  	v21 =	vadd.s32 v18, v21;
	v23 =	vshll.u32 v23, $0x5;
	v24 =	vld.idx.msk [tilespmem:v25+s19+$0x0], $0xffff  }
0x6f0: {  	v47 =	vor.u32 v0, v23  }
0x6f1: {  	v23 =	vor.u32 v3, v23;
	_ =	sdelay $0x1  }
0x6f2: {  	[tilespmem:v22+s22+$0x0] =	vst.idx.msk $0xffff, v20  }
0x6f3: {  	s31 =	simm.s32 $0x9;
	[tilespmem:v21+s22+$0x0] =	vst.idx.msk $0xffff, v24  }
0x6f4: {  	v22 =	vmov s31;
	v21 =	vadd.s32 s30, v1;
	v20 =	vld.idx.msk [tilespmem:v47+s19+$0x0], $0xffff  }
0x6f5: {  	v48 =	vadd.s32 s30, v4;
	v49 =	vshll.u32 v22, $0x5;
	v23 =	vld.idx.msk [tilespmem:v23+s19+$0x0], $0xffff  }
0x6f6: {  	v50 =	vor.u32 v0, v49  }
0x6f7: {  	v25 =	vor.u32 v3, v49;
	_ =	sdelay $0x1  }
0x6f8: {  	[tilespmem:v21+s22+$0x0] =	vst.idx.msk $0xffff, v20  }
0x6f9: {  	s1 =	simm.s32 $0xA;
	v20 =	vand.u32 $0x1F8, v22;
	[tilespmem:v48+s22+$0x0] =	vst.idx.msk $0xffff, v23  }
0x6fa: {  	v22 =	vadd.s32 v5, v20;
	v23 =	vmov s1;
	v21 =	vld.idx.msk [tilespmem:v50+s19+$0x0], $0xffff  }
0x6fb: {  	v20 =	vadd.s32 v6, v20;
	v24 =	vld.idx.msk [tilespmem:v25+s19+$0x0], $0xffff;
	v51 =	vshll.u32 v23, $0x5  }
0x6fc: {  	v52 =	vor.u32 v0, v51  }
0x6fd: {  	v25 =	vor.u32 v3, v51;
	_ =	sdelay $0x1  }
0x6fe: {  	[tilespmem:v22+s22+$0x0] =	vst.idx.msk $0xffff, v21  }
0x6ff: {  	s13 =	simm.s32 $0xB;
	v21 =	vand.u32 $0x1F8, v23;
	[tilespmem:v20+s22+$0x0] =	vst.idx.msk $0xffff, v24  }
0x700: {  	v23 =	vmov s13;
	v22 =	vadd.s32 v7, v21;
	v20 =	vld.idx.msk [tilespmem:v52+s19+$0x0], $0xffff  }
0x701: {  	v21 =	vadd.s32 v8, v21;
	v53 =	vshll.u32 v23, $0x5;
	v24 =	vld.idx.msk [tilespmem:v25+s19+$0x0], $0xffff  }
0x702: {  	v54 =	vor.u32 v0, v53  }
0x703: {  	v25 =	vor.u32 v3, v53;
	_ =	sdelay $0x1  }
0x704: {  	[tilespmem:v22+s22+$0x0] =	vst.idx.msk $0xffff, v20  }
0x705: {  	s26 =	simm.s32 $0xC;
	v20 =	vand.u32 $0x1F8, v23;
	[tilespmem:v21+s22+$0x0] =	vst.idx.msk $0xffff, v24  }
0x706: {  	v23 =	vmov s26;
	v22 =	vadd.s32 v9, v20;
	v21 =	vld.idx.msk [tilespmem:v54+s19+$0x0], $0xffff  }
0x707: {  	v20 =	vadd.s32 v10, v20;
	v55 =	vshll.u32 v23, $0x5;
	v24 =	vld.idx.msk [tilespmem:v25+s19+$0x0], $0xffff  }
0x708: {  	v56 =	vor.u32 v0, v55  }
0x709: {  	v25 =	vor.u32 v3, v55;
	_ =	sdelay $0x1  }
0x70a: {  	[tilespmem:v22+s22+$0x0] =	vst.idx.msk $0xffff, v21  }
0x70b: {  	s29 =	simm.s32 $0xD;
	v21 =	vand.u32 $0x1F8, v23;
	[tilespmem:v20+s22+$0x0] =	vst.idx.msk $0xffff, v24  }
0x70c: {  	v23 =	vmov s29;
	v22 =	vadd.s32 v11, v21;
	v20 =	vld.idx.msk [tilespmem:v56+s19+$0x0], $0xffff  }
0x70d: {  	v21 =	vadd.s32 v12, v21;
	v57 =	vshll.u32 v23, $0x5;
	v24 =	vld.idx.msk [tilespmem:v25+s19+$0x0], $0xffff  }
0x70e: {  	v58 =	vor.u32 v0, v57  }
0x70f: {  	v25 =	vor.u32 v3, v57;
	_ =	sdelay $0x1  }
0x710: {  	[tilespmem:v22+s22+$0x0] =	vst.idx.msk $0xffff, v20  }
0x711: {  	s30 =	simm.s32 $0xE;
	v20 =	vand.u32 $0x1F8, v23;
	[tilespmem:v21+s22+$0x0] =	vst.idx.msk $0xffff, v24  }
0x712: {  	v23 =	vmov s30;
	v22 =	vadd.s32 v13, v20;
	v21 =	vld.idx.msk [tilespmem:v58+s19+$0x0], $0xffff  }
0x713: {  	v20 =	vadd.s32 v14, v20;
	v59 =	vshll.u32 v23, $0x5;
	v24 =	vld.idx.msk [tilespmem:v25+s19+$0x0], $0xffff  }
0x714: {  	v60 =	vor.u32 v0, v59;
	_ =	sdelay $0x2  }
0x715: {  	v25 =	vor.u32 v3, v59;
	[tilespmem:v22+s22+$0x0] =	vst.idx.msk $0xffff, v21  }
0x716: {  	v21 =	vand.u32 $0x1F8, v23;
	[tilespmem:v20+s22+$0x0] =	vst.idx.msk $0xffff, v24  }
0x717: {  	v22 =	vadd.s32 v15, v21;
	v20 =	vld.idx.msk [tilespmem:v60+s19+$0x0], $0xffff  }
0x718: {  	s31 =	simm.s32 $0xF  }
0x719: {  	v23 =	vmov s31  }
0x71a: {  	v21 =	vadd.s32 v16, v21;
	v61 =	vshll.u32 v23, $0x5;
	v24 =	vld.idx.msk [tilespmem:v25+s19+$0x0], $0xffff  }
0x71b: {  	v62 =	vor.u32 v0, v61  }
0x71c: {  	[tilespmem:v22+s22+$0x0] =	vst.idx.msk $0xffff, v20;
	v20 =	vor.u32 v3, v61;
	_ =	sdelay $0x2  }
0x71d: {  	s1 =	simm.s32 $0x10;
	v22 =	vand.u32 $0x1F8, v23;
	[tilespmem:v21+s22+$0x0] =	vst.idx.msk $0xffff, v24  }
0x71e: {  	v63 =	vadd.s32 v17, v22;
	v21 =	vmov s1;
	v24 =	vld.idx.msk [tilespmem:v62+s19+$0x0], $0xffff  }
0x71f: {  	v23 =	vadd.s32 v18, v22;
	v21 =	vshll.u32 v21, $0x5;
	v20 =	vld.idx.msk [tilespmem:v20+s19+$0x0], $0xffff  }
0x720: {  	v22 =	vor.u32 v0, v21  }
0x721: {  	v21 =	vor.u32 v3, v21;
	_ =	sdelay $0x1  }
0x722: {  	s28 =	simm.s32 $0x2F;
	s26 =	simm.s32 $0x1F;
	[tilespmem:v63+s22+$0x0] =	vst.idx.msk $0xffff, v24  }
.LBB2_36:
0x723: {  	p0 =	sne.s32 s28, $0x1FF;
	[tilespmem:v23+s22+$0x0] =	vst.idx.msk $0xffff, v20;
	s0 =	smov.u32 s28;
	s28 =	sadd.s32 $0x10, s28  }
0x724: {  	s13 =	sadd.s32 $0xFFFFFFF2, s26;
	v20 =	vld.idx.msk [tilespmem:v22+s19+$0x0], $0xffff  }
0x725: {  	v22 =	vadd.s32 s1, v1;
	v23 =	vmov s13;
	v21 =	vld.idx.msk [tilespmem:v21+s19+$0x0], $0xffff  }
0x726: {  	v24 =	vadd.s32 s1, v4;
	v25 =	vshll.u32 v23, $0x5;
	v23 =	vand.u32 $0x1F0, v23  }
0x727: {  	v26 =	vor.u32 v0, v25  }
0x728: {  	v25 =	vor.u32 v3, v25;
	_ =	sdelay $0x1  }
0x729: {  	[tilespmem:v22+s22+$0x0] =	vst.idx.msk $0xffff, v20  }
0x72a: {  	[tilespmem:v24+s22+$0x0] =	vst.idx.msk $0xffff, v21  }
0x72b: {  	s1 =	sadd.s32 $0xFFFFFFF3, s26;
	v20 =	vld.idx.msk [tilespmem:v26+s19+$0x0], $0xffff  }
0x72c: {  	v22 =	vadd.s32 v5, v23;
	v24 =	vmov s1;
	v21 =	vld.idx.msk [tilespmem:v25+s19+$0x0], $0xffff  }
0x72d: {  	v23 =	vadd.s32 v6, v23;
	v25 =	vshll.u32 v24, $0x5;
	v24 =	vand.u32 $0x1F0, v24  }
0x72e: {  	v26 =	vor.u32 v0, v25  }
0x72f: {  	v25 =	vor.u32 v3, v25;
	_ =	sdelay $0x1  }
0x730: {  	[tilespmem:v22+s22+$0x0] =	vst.idx.msk $0xffff, v20  }
0x731: {  	[tilespmem:v23+s22+$0x0] =	vst.idx.msk $0xffff, v21  }
0x732: {  	s1 =	sadd.s32 $0xFFFFFFF4, s26;
	v20 =	vld.idx.msk [tilespmem:v26+s19+$0x0], $0xffff  }
0x733: {  	v22 =	vadd.s32 v7, v24;
	v23 =	vmov s1;
	v21 =	vld.idx.msk [tilespmem:v25+s19+$0x0], $0xffff  }
0x734: {  	v24 =	vadd.s32 v8, v24;
	v25 =	vshll.u32 v23, $0x5;
	v23 =	vand.u32 $0x1F0, v23  }
0x735: {  	v26 =	vor.u32 v0, v25  }
0x736: {  	v25 =	vor.u32 v3, v25;
	_ =	sdelay $0x1  }
0x737: {  	[tilespmem:v22+s22+$0x0] =	vst.idx.msk $0xffff, v20  }
0x738: {  	[tilespmem:v24+s22+$0x0] =	vst.idx.msk $0xffff, v21  }
0x739: {  	s1 =	sadd.s32 $0xFFFFFFF5, s26;
	v20 =	vld.idx.msk [tilespmem:v26+s19+$0x0], $0xffff  }
0x73a: {  	v22 =	vadd.s32 v9, v23;
	v24 =	vmov s1;
	v21 =	vld.idx.msk [tilespmem:v25+s19+$0x0], $0xffff  }
0x73b: {  	v23 =	vadd.s32 v10, v23;
	v25 =	vshll.u32 v24, $0x5;
	v24 =	vand.u32 $0x1F0, v24  }
0x73c: {  	v26 =	vor.u32 v0, v25  }
0x73d: {  	v25 =	vor.u32 v3, v25;
	_ =	sdelay $0x1  }
0x73e: {  	[tilespmem:v22+s22+$0x0] =	vst.idx.msk $0xffff, v20  }
0x73f: {  	[tilespmem:v23+s22+$0x0] =	vst.idx.msk $0xffff, v21  }
0x740: {  	s1 =	sadd.s32 $0xFFFFFFF6, s26;
	v20 =	vld.idx.msk [tilespmem:v26+s19+$0x0], $0xffff  }
0x741: {  	v22 =	vadd.s32 v11, v24;
	v23 =	vmov s1;
	v21 =	vld.idx.msk [tilespmem:v25+s19+$0x0], $0xffff  }
0x742: {  	v24 =	vadd.s32 v12, v24;
	v25 =	vshll.u32 v23, $0x5;
	v23 =	vand.u32 $0x1F0, v23  }
0x743: {  	v26 =	vor.u32 v0, v25  }
0x744: {  	v25 =	vor.u32 v3, v25;
	_ =	sdelay $0x1  }
0x745: {  	[tilespmem:v22+s22+$0x0] =	vst.idx.msk $0xffff, v20  }
0x746: {  	[tilespmem:v24+s22+$0x0] =	vst.idx.msk $0xffff, v21  }
0x747: {  	s1 =	sadd.s32 $0xFFFFFFF7, s26;
	v20 =	vld.idx.msk [tilespmem:v26+s19+$0x0], $0xffff  }
0x748: {  	v22 =	vadd.s32 v13, v23;
	v24 =	vmov s1;
	v21 =	vld.idx.msk [tilespmem:v25+s19+$0x0], $0xffff  }
0x749: {  	v23 =	vadd.s32 v14, v23;
	v25 =	vshll.u32 v24, $0x5;
	v24 =	vand.u32 $0x1F0, v24  }
0x74a: {  	v26 =	vor.u32 v0, v25  }
0x74b: {  	v25 =	vor.u32 v3, v25;
	_ =	sdelay $0x1  }
0x74c: {  	[tilespmem:v22+s22+$0x0] =	vst.idx.msk $0xffff, v20  }
0x74d: {  	[tilespmem:v23+s22+$0x0] =	vst.idx.msk $0xffff, v21  }
0x74e: {  	s1 =	sadd.s32 $0xFFFFFFF8, s26;
	v20 =	vld.idx.msk [tilespmem:v26+s19+$0x0], $0xffff  }
0x74f: {  	v22 =	vadd.s32 v15, v24;
	v23 =	vmov s1;
	v21 =	vld.idx.msk [tilespmem:v25+s19+$0x0], $0xffff  }
0x750: {  	v24 =	vadd.s32 v16, v24;
	v25 =	vshll.u32 v23, $0x5;
	v23 =	vand.u32 $0x1F0, v23  }
0x751: {  	v26 =	vor.u32 v0, v25  }
0x752: {  	v25 =	vor.u32 v3, v25;
	_ =	sdelay $0x1  }
0x753: {  	[tilespmem:v22+s22+$0x0] =	vst.idx.msk $0xffff, v20  }
0x754: {  	[tilespmem:v24+s22+$0x0] =	vst.idx.msk $0xffff, v21  }
0x755: {  	s1 =	sadd.s32 $0xFFFFFFF9, s26;
	v20 =	vld.idx.msk [tilespmem:v26+s19+$0x0], $0xffff  }
0x756: {  	v22 =	vadd.s32 v17, v23;
	v24 =	vmov s1;
	v21 =	vld.idx.msk [tilespmem:v25+s19+$0x0], $0xffff  }
0x757: {  	v23 =	vadd.s32 v18, v23;
	v24 =	vshll.u32 v24, $0x5  }
0x758: {  	v25 =	vor.u32 v0, v24  }
0x759: {  	v24 =	vor.u32 v3, v24;
	_ =	sdelay $0x1  }
0x75a: {  	[tilespmem:v22+s22+$0x0] =	vst.idx.msk $0xffff, v20  }
0x75b: {  	[tilespmem:v23+s22+$0x0] =	vst.idx.msk $0xffff, v21  }
0x75c: {  	s13 =	sadd.s32 $0xFFFFFFFA, s26;
	v20 =	vld.idx.msk [tilespmem:v25+s19+$0x0], $0xffff  }
0x75d: {  	v22 =	vadd.s32 s1, v1;
	v23 =	vmov s13;
	v21 =	vld.idx.msk [tilespmem:v24+s19+$0x0], $0xffff  }
0x75e: {  	v25 =	vshll.u32 v23, $0x5;
	v24 =	vadd.s32 s1, v4  }
0x75f: {  	v26 =	vor.u32 v0, v25  }
0x760: {  	v25 =	vor.u32 v3, v25;
	_ =	sdelay $0x1  }
0x761: {  	[tilespmem:v22+s22+$0x0] =	vst.idx.msk $0xffff, v20  }
0x762: {  	[tilespmem:v24+s22+$0x0] =	vst.idx.msk $0xffff, v21  }
0x763: {  	s1 =	sadd.s32 $0xFFFFFFFB, s26;
	v21 =	vand.u32 $0x1F8, v23;
	v20 =	vld.idx.msk [tilespmem:v26+s19+$0x0], $0xffff  }
0x764: {  	v24 =	vmov s1;
	v23 =	vadd.s32 v5, v21;
	v22 =	vld.idx.msk [tilespmem:v25+s19+$0x0], $0xffff  }
0x765: {  	v21 =	vadd.s32 v6, v21;
	v25 =	vshll.u32 v24, $0x5;
	v24 =	vand.u32 $0x1F8, v24  }
0x766: {  	v26 =	vor.u32 v0, v25  }
0x767: {  	v25 =	vor.u32 v3, v25;
	_ =	sdelay $0x1  }
0x768: {  	[tilespmem:v23+s22+$0x0] =	vst.idx.msk $0xffff, v20  }
0x769: {  	[tilespmem:v21+s22+$0x0] =	vst.idx.msk $0xffff, v22  }
0x76a: {  	s1 =	sadd.s32 $0xFFFFFFFC, s26;
	v20 =	vld.idx.msk [tilespmem:v26+s19+$0x0], $0xffff  }
0x76b: {  	v23 =	vmov s1;
	v22 =	vadd.s32 v7, v24;
	v21 =	vld.idx.msk [tilespmem:v25+s19+$0x0], $0xffff  }
0x76c: {  	v24 =	vadd.s32 v8, v24;
	v25 =	vshll.u32 v23, $0x5;
	v23 =	vand.u32 $0x1F8, v23  }
0x76d: {  	v26 =	vor.u32 v0, v25  }
0x76e: {  	v25 =	vor.u32 v3, v25;
	_ =	sdelay $0x1  }
0x76f: {  	[tilespmem:v22+s22+$0x0] =	vst.idx.msk $0xffff, v20  }
0x770: {  	[tilespmem:v24+s22+$0x0] =	vst.idx.msk $0xffff, v21  }
0x771: {  	s1 =	sadd.s32 $0xFFFFFFFD, s26;
	v20 =	vld.idx.msk [tilespmem:v26+s19+$0x0], $0xffff  }
0x772: {  	v22 =	vadd.s32 v9, v23;
	v24 =	vmov s1;
	v21 =	vld.idx.msk [tilespmem:v25+s19+$0x0], $0xffff  }
0x773: {  	v23 =	vadd.s32 v10, v23;
	v25 =	vshll.u32 v24, $0x5;
	v24 =	vand.u32 $0x1F8, v24  }
0x774: {  	v26 =	vor.u32 v0, v25  }
0x775: {  	v25 =	vor.u32 v3, v25;
	_ =	sdelay $0x1  }
0x776: {  	[tilespmem:v22+s22+$0x0] =	vst.idx.msk $0xffff, v20  }
0x777: {  	[tilespmem:v23+s22+$0x0] =	vst.idx.msk $0xffff, v21  }
0x778: {  	s1 =	sadd.s32 $0xFFFFFFFE, s26;
	v20 =	vld.idx.msk [tilespmem:v26+s19+$0x0], $0xffff  }
0x779: {  	v22 =	vadd.s32 v11, v24;
	v23 =	vmov s1;
	v21 =	vld.idx.msk [tilespmem:v25+s19+$0x0], $0xffff  }
0x77a: {  	v24 =	vadd.s32 v12, v24;
	v25 =	vshll.u32 v23, $0x5;
	v23 =	vand.u32 $0x1F8, v23  }
0x77b: {  	v26 =	vor.u32 v0, v25  }
0x77c: {  	v25 =	vor.u32 v3, v25;
	_ =	sdelay $0x1  }
0x77d: {  	[tilespmem:v22+s22+$0x0] =	vst.idx.msk $0xffff, v20  }
0x77e: {  	[tilespmem:v24+s22+$0x0] =	vst.idx.msk $0xffff, v21  }
0x77f: {  	s1 =	sadd.s32 $0xFFFFFFFF, s26;
	v20 =	vld.idx.msk [tilespmem:v26+s19+$0x0], $0xffff  }
0x780: {  	v22 =	vadd.s32 v13, v23;
	v24 =	vmov s1;
	v21 =	vld.idx.msk [tilespmem:v25+s19+$0x0], $0xffff  }
0x781: {  	v23 =	vadd.s32 v14, v23;
	v25 =	vshll.u32 v24, $0x5;
	v24 =	vand.u32 $0x1F8, v24  }
0x782: {  	v26 =	vor.u32 v0, v25  }
0x783: {  	v25 =	vor.u32 v3, v25;
	_ =	sdelay $0x1  }
0x784: {  	[tilespmem:v22+s22+$0x0] =	vst.idx.msk $0xffff, v20  }
0x785: {  	[tilespmem:v23+s22+$0x0] =	vst.idx.msk $0xffff, v21  }
0x786: {  	v20 =	vld.idx.msk [tilespmem:v26+s19+$0x0], $0xffff  }
0x787: {  	v22 =	vadd.s32 v15, v24;
	v23 =	vmov s26;
	s26 =	smov.u32 s0;
	v21 =	vld.idx.msk [tilespmem:v25+s19+$0x0], $0xffff  }
0x788: {  	v24 =	vadd.s32 v16, v24;
	v25 =	vshll.u32 v23, $0x5;
	v23 =	vand.u32 $0x1F8, v23  }
0x789: {  	v26 =	vor.u32 v0, v25  }
0x78a: {  	v25 =	vor.u32 v3, v25;
	_ =	sdelay $0x1  }
0x78b: {  	[tilespmem:v22+s22+$0x0] =	vst.idx.msk $0xffff, v20  }
0x78c: {  	[tilespmem:v24+s22+$0x0] =	vst.idx.msk $0xffff, v21  }
0x78d: {  	s1 =	sadd.s32 $0xFFFFFFF1, s26;
	v24 =	vld.idx.msk [tilespmem:v26+s19+$0x0], $0xffff  }
0x78e: {  	v21 =	vmov s1;
	v20 =	vld.idx.msk [tilespmem:v25+s19+$0x0], $0xffff;
	v25 =	vadd.s32 v17, v23  }
.Ltmp17:
0x78f: {  	v21 =	vshll.u32 v21, $0x5;
	v23 =	vadd.s32 v18, v23;
	(pc) =	sbr.rel @p0 .LBB2_36-.Ltmp17, $2  }
0x790: {  	v22 =	vor.u32 v0, v21;
	v21 =	vor.u32 v3, v21;
	_ =	sdelay $0x2  }
0x791: {  	[tilespmem:v25+s22+$0x0] =	vst.idx.msk $0xffff, v24  }
0x792: {  	_ =	sdelay $0x3  }
0x793: {  	[tilespmem:v23+s22+$0x0] =	vst.idx.msk $0xffff, v20;
	s0 =	sadd.s32 $0xFFFFFFF2, s26  }
0x794: {  	v35 =	vadd.s32 s1, v1;
	v20 =	vld.idx.msk [tilespmem:v22+s19+$0x0], $0xffff;
	v36 =	vmov s0  }
0x795: {  	v24 =	vadd.s32 s1, v4;
	v21 =	vld.idx.msk [tilespmem:v21+s19+$0x0], $0xffff;
	v25 =	vshll.u32 v36, $0x5  }
0x796: {  	v26 =	vor.u32 v0, v25  }
0x797: {  	v25 =	vor.u32 v3, v25;
	_ =	sdelay $0x1  }
0x798: {  	[tilespmem:v35+s22+$0x0] =	vst.idx.msk $0xffff, v20  }
0x799: {  	s30 =	sadd.s32 $0xFFFFFFF3, s26;
	v20 =	vand.u32 $0x1F0, v36;
	[tilespmem:v24+s22+$0x0] =	vst.idx.msk $0xffff, v21  }
0x79a: {  	v38 =	vmov s30;
	v37 =	vadd.s32 v5, v20;
	v21 =	vld.idx.msk [tilespmem:v26+s19+$0x0], $0xffff  }
0x79b: {  	v39 =	vshll.u32 v38, $0x5;
	v20 =	vadd.s32 v6, v20;
	v24 =	vld.idx.msk [tilespmem:v25+s19+$0x0], $0xffff  }
0x79c: {  	v40 =	vor.u32 v0, v39  }
0x79d: {  	v25 =	vor.u32 v3, v39;
	_ =	sdelay $0x1  }
0x79e: {  	[tilespmem:v37+s22+$0x0] =	vst.idx.msk $0xffff, v21  }
0x79f: {  	s31 =	sadd.s32 $0xFFFFFFF4, s26;
	v41 =	vand.u32 $0x1F0, v38;
	[tilespmem:v20+s22+$0x0] =	vst.idx.msk $0xffff, v24  }
0x7a0: {  	v43 =	vmov s31;
	v42 =	vadd.s32 v7, v41;
	v20 =	vld.idx.msk [tilespmem:v40+s19+$0x0], $0xffff  }
0x7a1: {  	v44 =	vshll.u32 v43, $0x5;
	v21 =	vadd.s32 v8, v41;
	v24 =	vld.idx.msk [tilespmem:v25+s19+$0x0], $0xffff  }
0x7a2: {  	v45 =	vor.u32 v0, v44  }
0x7a3: {  	v25 =	vor.u32 v3, v44;
	_ =	sdelay $0x1  }
0x7a4: {  	[tilespmem:v42+s22+$0x0] =	vst.idx.msk $0xffff, v20  }
0x7a5: {  	s1 =	sadd.s32 $0xFFFFFFF5, s26;
	v20 =	vand.u32 $0x1F0, v43;
	[tilespmem:v21+s22+$0x0] =	vst.idx.msk $0xffff, v24  }
0x7a6: {  	v47 =	vmov s1;
	v46 =	vadd.s32 v9, v20;
	v21 =	vld.idx.msk [tilespmem:v45+s19+$0x0], $0xffff  }
0x7a7: {  	v48 =	vshll.u32 v47, $0x5;
	v20 =	vadd.s32 v10, v20;
	v24 =	vld.idx.msk [tilespmem:v25+s19+$0x0], $0xffff  }
0x7a8: {  	v49 =	vor.u32 v0, v48  }
0x7a9: {  	v25 =	vor.u32 v3, v48;
	_ =	sdelay $0x1  }
0x7aa: {  	[tilespmem:v46+s22+$0x0] =	vst.idx.msk $0xffff, v21  }
0x7ab: {  	s13 =	sadd.s32 $0xFFFFFFF6, s26;
	v50 =	vand.u32 $0x1F0, v47;
	[tilespmem:v20+s22+$0x0] =	vst.idx.msk $0xffff, v24  }
0x7ac: {  	v52 =	vmov s13;
	v51 =	vadd.s32 v11, v50;
	v20 =	vld.idx.msk [tilespmem:v49+s19+$0x0], $0xffff  }
0x7ad: {  	v53 =	vshll.u32 v52, $0x5;
	v21 =	vadd.s32 v12, v50;
	v24 =	vld.idx.msk [tilespmem:v25+s19+$0x0], $0xffff  }
0x7ae: {  	v54 =	vor.u32 v0, v53  }
0x7af: {  	v25 =	vor.u32 v3, v53;
	_ =	sdelay $0x1  }
0x7b0: {  	[tilespmem:v51+s22+$0x0] =	vst.idx.msk $0xffff, v20  }
0x7b1: {  	s28 =	sadd.s32 $0xFFFFFFF7, s26;
	v20 =	vand.u32 $0x1F0, v52;
	[tilespmem:v21+s22+$0x0] =	vst.idx.msk $0xffff, v24  }
0x7b2: {  	v56 =	vmov s28;
	v55 =	vadd.s32 v13, v20;
	v21 =	vld.idx.msk [tilespmem:v54+s19+$0x0], $0xffff  }
0x7b3: {  	v57 =	vshll.u32 v56, $0x5;
	v20 =	vadd.s32 v14, v20;
	v24 =	vld.idx.msk [tilespmem:v25+s19+$0x0], $0xffff  }
0x7b4: {  	v58 =	vor.u32 v0, v57  }
0x7b5: {  	v25 =	vor.u32 v3, v57;
	_ =	sdelay $0x1  }
0x7b6: {  	[tilespmem:v55+s22+$0x0] =	vst.idx.msk $0xffff, v21  }
0x7b7: {  	s29 =	sadd.s32 $0xFFFFFFF8, s26;
	v59 =	vand.u32 $0x1F0, v56;
	[tilespmem:v20+s22+$0x0] =	vst.idx.msk $0xffff, v24  }
0x7b8: {  	v61 =	vmov s29;
	v60 =	vadd.s32 v15, v59;
	v20 =	vld.idx.msk [tilespmem:v58+s19+$0x0], $0xffff  }
0x7b9: {  	v62 =	vshll.u32 v61, $0x5;
	v21 =	vadd.s32 v16, v59;
	v24 =	vld.idx.msk [tilespmem:v25+s19+$0x0], $0xffff  }
0x7ba: {  	v63 =	vor.u32 v0, v62  }
0x7bb: {  	v25 =	vor.u32 v3, v62;
	_ =	sdelay $0x1  }
0x7bc: {  	[tilespmem:v60+s22+$0x0] =	vst.idx.msk $0xffff, v20  }
0x7bd: {  	s30 =	sadd.s32 $0xFFFFFFF9, s26;
	v20 =	vand.u32 $0x1F0, v61;
	[tilespmem:v21+s22+$0x0] =	vst.idx.msk $0xffff, v24  }
0x7be: {  	v29 =	vmov s30;
	v28 =	vadd.s32 v17, v20;
	v21 =	vld.idx.msk [tilespmem:v63+s19+$0x0], $0xffff  }
0x7bf: {  	v23 =	vshll.u32 v29, $0x5;
	v20 =	vadd.s32 v18, v20;
	v24 =	vld.idx.msk [tilespmem:v25+s19+$0x0], $0xffff  }
0x7c0: {  	v30 =	vor.u32 v0, v23  }
0x7c1: {  	v23 =	vor.u32 v3, v23;
	_ =	sdelay $0x1  }
0x7c2: {  	[tilespmem:v28+s22+$0x0] =	vst.idx.msk $0xffff, v21  }
0x7c3: {  	s31 =	sadd.s32 $0xFFFFFFFA, s26;
	[tilespmem:v20+s22+$0x0] =	vst.idx.msk $0xffff, v24  }
0x7c4: {  	v31 =	vadd.s32 s30, v1;
	v32 =	vmov s31;
	v20 =	vld.idx.msk [tilespmem:v30+s19+$0x0], $0xffff  }
0x7c5: {  	v33 =	vadd.s32 s30, v4;
	v34 =	vshll.u32 v32, $0x5;
	v23 =	vld.idx.msk [tilespmem:v23+s19+$0x0], $0xffff  }
0x7c6: {  	v35 =	vor.u32 v0, v34  }
0x7c7: {  	v25 =	vor.u32 v3, v34;
	_ =	sdelay $0x1  }
0x7c8: {  	[tilespmem:v31+s22+$0x0] =	vst.idx.msk $0xffff, v20  }
0x7c9: {  	s13 =	sadd.s32 $0xFFFFFFFB, s26;
	v20 =	vand.u32 $0x1F8, v32;
	[tilespmem:v33+s22+$0x0] =	vst.idx.msk $0xffff, v23  }
0x7ca: {  	v36 =	vmov s13;
	v22 =	vadd.s32 v5, v20;
	v21 =	vld.idx.msk [tilespmem:v35+s19+$0x0], $0xffff  }
0x7cb: {  	v37 =	vshll.u32 v36, $0x5;
	v20 =	vadd.s32 v6, v20;
	v24 =	vld.idx.msk [tilespmem:v25+s19+$0x0], $0xffff  }
0x7cc: {  	v38 =	vor.u32 v0, v37  }
0x7cd: {  	v25 =	vor.u32 v3, v37;
	_ =	sdelay $0x1  }
0x7ce: {  	[tilespmem:v22+s22+$0x0] =	vst.idx.msk $0xffff, v21  }
0x7cf: {  	s28 =	sadd.s32 $0xFFFFFFFC, s26;
	v39 =	vand.u32 $0x1F8, v36;
	[tilespmem:v20+s22+$0x0] =	vst.idx.msk $0xffff, v24  }
0x7d0: {  	v41 =	vmov s28;
	v40 =	vadd.s32 v7, v39;
	v20 =	vld.idx.msk [tilespmem:v38+s19+$0x0], $0xffff  }
0x7d1: {  	v42 =	vshll.u32 v41, $0x5;
	v21 =	vadd.s32 v8, v39;
	v24 =	vld.idx.msk [tilespmem:v25+s19+$0x0], $0xffff  }
0x7d2: {  	v43 =	vor.u32 v0, v42  }
0x7d3: {  	v25 =	vor.u32 v3, v42;
	_ =	sdelay $0x1  }
0x7d4: {  	[tilespmem:v40+s22+$0x0] =	vst.idx.msk $0xffff, v20  }
0x7d5: {  	s29 =	sadd.s32 $0xFFFFFFFD, s26;
	v20 =	vand.u32 $0x1F8, v41;
	[tilespmem:v21+s22+$0x0] =	vst.idx.msk $0xffff, v24  }
0x7d6: {  	v45 =	vmov s29;
	v44 =	vadd.s32 v9, v20;
	v21 =	vld.idx.msk [tilespmem:v43+s19+$0x0], $0xffff  }
0x7d7: {  	v46 =	vshll.u32 v45, $0x5;
	v20 =	vadd.s32 v10, v20;
	v24 =	vld.idx.msk [tilespmem:v25+s19+$0x0], $0xffff  }
0x7d8: {  	v47 =	vor.u32 v0, v46  }
0x7d9: {  	v25 =	vor.u32 v3, v46;
	_ =	sdelay $0x1  }
0x7da: {  	[tilespmem:v44+s22+$0x0] =	vst.idx.msk $0xffff, v21  }
0x7db: {  	s30 =	sadd.s32 $0xFFFFFFFE, s26;
	v48 =	vand.u32 $0x1F8, v45;
	[tilespmem:v20+s22+$0x0] =	vst.idx.msk $0xffff, v24  }
0x7dc: {  	v50 =	vmov s30;
	v49 =	vadd.s32 v11, v48;
	v20 =	vld.idx.msk [tilespmem:v47+s19+$0x0], $0xffff  }
0x7dd: {  	v51 =	vshll.u32 v50, $0x5;
	v21 =	vadd.s32 v12, v48;
	v24 =	vld.idx.msk [tilespmem:v25+s19+$0x0], $0xffff  }
0x7de: {  	v52 =	vor.u32 v0, v51  }
0x7df: {  	v25 =	vor.u32 v3, v51;
	_ =	sdelay $0x1  }
0x7e0: {  	[tilespmem:v49+s22+$0x0] =	vst.idx.msk $0xffff, v20  }
0x7e1: {  	s31 =	sadd.s32 $0xFFFFFFFF, s26;
	v20 =	vand.u32 $0x1F8, v50;
	[tilespmem:v21+s22+$0x0] =	vst.idx.msk $0xffff, v24  }
0x7e2: {  	v54 =	vmov s31;
	v53 =	vadd.s32 v13, v20;
	v21 =	vld.idx.msk [tilespmem:v52+s19+$0x0], $0xffff  }
0x7e3: {  	v55 =	vshll.u32 v54, $0x5;
	v20 =	vadd.s32 v14, v20;
	v24 =	vld.idx.msk [tilespmem:v25+s19+$0x0], $0xffff  }
0x7e4: {  	v56 =	vor.u32 v0, v55  }
0x7e5: {  	v25 =	vor.u32 v3, v55;
	_ =	sdelay $0x1  }
0x7e6: {  	[tilespmem:v53+s22+$0x0] =	vst.idx.msk $0xffff, v21  }
0x7e7: {  	v57 =	vand.u32 $0x1F8, v54;
	[tilespmem:v20+s22+$0x0] =	vst.idx.msk $0xffff, v24  }
0x7e8: {  	v59 =	vmov s26;
	v58 =	vadd.s32 v15, v57;
	v20 =	vld.idx.msk [tilespmem:v56+s19+$0x0], $0xffff  }
0x7e9: {  	v60 =	vshll.u32 v59, $0x5;
	v21 =	vadd.s32 v16, v57;
	v24 =	vld.idx.msk [tilespmem:v25+s19+$0x0], $0xffff  }
0x7ea: {  	v61 =	vor.u32 v0, v60  }
0x7eb: {  	v25 =	vor.u32 v3, v60;
	_ =	sdelay $0x1  }
0x7ec: {  	[tilespmem:v58+s22+$0x0] =	vst.idx.msk $0xffff, v20  }
0x7ed: {  	v20 =	vand.u32 $0x1F8, v59;
	[tilespmem:v21+s22+$0x0] =	vst.idx.msk $0xffff, v24  }
0x7ee: {  	v62 =	vadd.s32 v17, v20;
	v21 =	vld.idx.msk [tilespmem:v61+s19+$0x0], $0xffff  }
0x7ef: {  	v20 =	vadd.s32 v18, v20;
	v63 =	vld.idx.msk [tilespmem:v25+s19+$0x0], $0xffff;
	_ =	sdelay $0x3  }
0x7f0: {  	s0 =	simm.s32 $0x12A00;
	[tilespmem:v62+s22+$0x0] =	vst.idx.msk $0xffff, v21  }
0x7f1: {  	s1 =	simm.s32 $0x800;
	s13 =	sadd.s32 $0x0, s10;
	s26 =	simm.s32 $0x12C10;
	[tilespmem:v20+s22+$0x0] =	vst.idx.msk $0xffff, v63  }
.LBB2_38:
0x7f2: {  	[hbm4b:s13+s2] =	stream.linear.scatter [tilespmem:s0], [sflag:$0x5], $0x200, $0x38;
	[tilespmem:$0x16C00] =	vst v63  }
0x7f3: {  	s13 =	smov.u32 s1;
	s0 =	smov.u32 s26;
	p0 =	sne.s32 s1, $0xF800  }
.Ltmp18:
0x7f4: {  	s1 =	sadd.s32 $0x800, s1;
	(pc) =	sbr.rel @p0 .LBB2_38-.Ltmp18, $2  }
0x7f5: {  	_ =	sdelay $0x2  }
0x7f6: {  	s26 =	sadd.s32 $0x210, s26;
	s13 =	sadd.s32 s13, s10  }
0x7f7: {  	[hbm4b:s13+s2] =	stream.linear.scatter [tilespmem:s0], [sflag:$0x5], $0x200, $0x38;
	[tilespmem:$0x16C00] =	vst v63  }
0x7f8: {  	s25 =	sadd.s32 $0x1, s25  }
0x7f9: {  	_ =	swait.ge [sflag:s23], $0x4000;
	p0 =	sne.s32 s25, s11  }
.Ltmp19:
0x7fa: {  	[sflag:s23] =	ssyncset.done $0x0;
	(pc) =	sbr.rel @p0 .LBB2_1-.Ltmp19, $4  }
0x7fb: {  	[sflag:s23] =	ssyncadd.s32 $0xFFFFC000  }
0x7fc: {  	_ =	swait.ge [sflag:s24], $0x4000  }
0x7fd: {  	[sflag:s24] =	ssyncset.done $0x0  }
0x7fe: {  	[sflag:s24] =	ssyncadd.s32 $0xFFFFC000  }
0x7ff: {  	_ =	sfence.sel $0x180000  }
0x800: {  	[bflag:$0x0] =	sbarrier.arrive $0xFFFF  }
0x801: {  	_ =	strace $0x90000047  }
0x802: {  	s0 =	stileid.u32;
	[bflag:$0x2] =	sbarrier.arrive $0xFFFF  }
0x803: {  	p0 =	sne.s32 s0, $0x0;
	s0 =	rddreg [dreg:$0x2]  }
0x804: {  	s0 =	sadd.s32 @!p0 $0x100000, s0  }
0x805: {  	[sflag:s0] =	ssyncadd.tile.s32 @!p0 $0x1;
	_ =	shalt  }
.Lfunc_end2:
_tile_overlayer_lowered:
.L_overlay_start_2:
0x806: {  	(tag) =	ssettag $0x2  }
0x807: {  	s0 =	rddreg [dreg:$0x0];
	s2 =	stileid.u32  }
0x808: {  	s1 =	rddreg [dreg:$0x1];
	p0 =	sne.s32 s2, $0x0  }
0x809: {  	s3 =	rddreg [dreg:$0x2];
	[bflag:$0x3] =	sbarrier.arrive $0xFFFF;
	s2 =	simm.s32 @!p0 $0x1C06  }
0x80a: {  	[timem:s3], [sflag:s2] =	dma.local @!p0 [hbm:s0], s1  }
0x80b: {  	s0 =	simm.s32 @!p0 $0x6  }
0x80c: {  	_ =	swait.ge @!p0 [sflag:s0], s1  }
0x80d: {  	s1 =	ssub.s32 @!p0 $0x0, s1;
	[sflag:s0] =	ssyncset.done @!p0 $0x0  }
0x80e: {  	[sflag:s0] =	ssyncadd.s32 @!p0 s1  }
0x80f: {  	[bflag:$0x3] =	sbarrier.arrive $0xFFFF  }
0x810: {  	_ =	shalt  }

</sc_bundles>
